<compile_context>
chip_gen: v7x
topology: tpu7x:2x2x1
jax: 0.10.2.dev20260603
libtpu: 0.0.44.dev20260713+nightly
codegen_flags: <defaults>
</compile_context>

<pallas_src>
import functools

import jax
import jax.numpy as jnp
from jax import lax
from jax.experimental import pallas as pl
from jax.experimental.pallas import tpu as pltpu
from jax.experimental.pallas import tpu_sc as plsc

_N = 10000
_E = 320000
_IN = 128
_ED = 20
_NH = 32
_FF = 32
_LAYERS = 3

_NW = 32
_PW = _E // _NW
_CH = 1024
_NCHUNK = -(-_PW // _CH)
_PWP = _NCHUNK * _CH
_EP = _NW * _PWP
_NP = 10016
_RPS = _NP // 16
_F32 = jnp.float32



def _dot(a, b):
    return jnp.dot(a, b, preferred_element_type=_F32)


def _node_pre_body(x_ref, w0, b0, w1, b1, lw, lb, meta_ref, res_ref):
    x = x_ref[...]
    h = jnp.maximum(_dot(x, w0[...]) + b0[...], 0.0)
    res = _dot(h, w1[...]) + b1[...]
    res_ref[...] = res
    meta_ref[...] = _dot(x, lw[...]) + lb[...] + res


def _edge_pre_body(x_ref, w0, b0, w1, b1, lw, lb, meta_ref):
    x = x_ref[...]
    h = jnp.maximum(_dot(x, w0[...]) + b0[...], 0.0)
    res = _dot(h, w1[...]) + b1[...]
    meta_ref[...] = _dot(x, lw[...]) + lb[...] + res


def _edge_layer_body(g_ref, me_ref, w0a, w0b, b0, w1, b1, h_ref):
    t = _dot(g_ref[...], w0a[...]) + _dot(me_ref[...], w0b[...]) + b0[...]
    t = jnp.maximum(t, 0.0)
    h_ref[...] = _dot(t, w1[...]) + b1[...]


def _node_layer_body(x_ref, part_ref, cnt_ref, res_ref, w0, b0, w1, b1, out_ref):
    nr = _N // 4
    agg = part_ref[0, :nr] + part_ref[1, :nr]
    cnt = cnt_ref[0, :nr] + cnt_ref[1, :nr]
    agg = agg / jnp.maximum(cnt, 1.0)
    out = jnp.maximum(x_ref[...] + agg, 0.0)
    h = jnp.maximum(_dot(out, w0[...]) + b0[...], 0.0)
    out_ref[...] = out + _dot(h, w1[...]) + b1[...] + res_ref[...]


def _full_spec(shape):
    return pl.BlockSpec(shape, lambda i: (0,) * len(shape))



_MESH = plsc.VectorSubcoreMesh(core_axis_name="c", subcore_axis_name="s")
_SC_PARAMS = pltpu.CompilerParams(use_tc_tiling_on_sc=False)


@functools.partial(
    pl.kernel,
    mesh=_MESH,
    out_type=jax.ShapeDtypeStruct((_EP, _NH), _F32),
    compiler_params=_SC_PARAMS,
    scratch_types=[
        pltpu.VMEM((8, 128), jnp.int32),
        pltpu.VMEM((_CH, _NH), _F32),
        pltpu.SemaphoreType.DMA,
    ],
)
def _sc_gather(table_hbm, idx_hbm, out_hbm, idx_v, rows_v, sem):
    c = lax.axis_index("c")
    s = lax.axis_index("s")
    wid = s * 2 + c

    def body(t, carry):
        base = wid * _PWP + t * _CH
        row0 = wid * (_PWP // 128) + t * 8
        pltpu.sync_copy(idx_hbm.at[pl.ds(row0, 8)], idx_v)
        descs = [
            pltpu.async_copy(
                table_hbm.at[idx_v.at[j]],
                rows_v.at[pl.ds(j * 128, 128)],
                sem,
            )
            for j in range(8)
        ]
        for d in descs:
            d.wait()
        pltpu.sync_copy(rows_v, out_hbm.at[pl.ds(base, _CH)])
        return carry

    lax.fori_loop(0, _NCHUNK, body, 0)


@functools.partial(
    pl.kernel,
    mesh=_MESH,
    out_type=jax.ShapeDtypeStruct((2, _NP, _NH), _F32),
    compiler_params=_SC_PARAMS,
    scratch_types=[
        pltpu.VMEM((8, 128), jnp.int32),
        pltpu.VMEM((_CH, _NH), _F32),
        pltpu.VMEM_SHARED((_NP, _NH), _F32),
        pltpu.SemaphoreType.DMA,
    ],
)
def _sc_scatter(vals_hbm, idx_hbm, zeros_hbm, out_hbm, idx_v, rows_v, acc_sh, sem):
    c = lax.axis_index("c")
    s = lax.axis_index("s")
    wid = s * 2 + c

    pltpu.sync_copy(zeros_hbm, acc_sh.at[pl.ds(s * _RPS, _RPS)])
    plsc.subcore_barrier()

    def body(t, carry):
        base = wid * _PWP + t * _CH
        row0 = wid * (_PWP // 128) + t * 8
        pltpu.sync_copy(idx_hbm.at[pl.ds(row0, 8)], idx_v)
        pltpu.sync_copy(vals_hbm.at[pl.ds(base, _CH)], rows_v)
        for j in range(8):
            pltpu.sync_copy(
                rows_v.at[pl.ds(j * 128, 128)],
                acc_sh.at[idx_v.at[j]],
                add=True,
            )
        return carry

    lax.fori_loop(0, _NCHUNK, body, 0)
    plsc.subcore_barrier()
    pltpu.sync_copy(
        acc_sh.at[pl.ds(s * _RPS, _RPS)],
        out_hbm.at[c, pl.ds(s * _RPS, _RPS)],
    )


@functools.partial(
    pl.kernel,
    mesh=_MESH,
    out_type=jax.ShapeDtypeStruct((2, _NP, _NH), _F32),
    compiler_params=_SC_PARAMS,
    scratch_types=[
        pltpu.VMEM((8, 128), jnp.int32),
        pltpu.VMEM((128, _NH), _F32),
        pltpu.VMEM_SHARED((_NP, _NH), _F32),
        pltpu.SemaphoreType.DMA,
    ],
)
def _sc_counts(idx_hbm, zeros_hbm, ones_hbm, out_hbm, idx_v, ones_v, acc_sh, sem):
    c = lax.axis_index("c")
    s = lax.axis_index("s")
    wid = s * 2 + c

    pltpu.sync_copy(ones_hbm, ones_v)
    pltpu.sync_copy(zeros_hbm, acc_sh.at[pl.ds(s * _RPS, _RPS)])
    plsc.subcore_barrier()

    def body(t, carry):
        row0 = wid * (_PWP // 128) + t * 8
        pltpu.sync_copy(idx_hbm.at[pl.ds(row0, 8)], idx_v)
        for j in range(8):
            pltpu.sync_copy(ones_v, acc_sh.at[idx_v.at[j]], add=True)
        return carry

    lax.fori_loop(0, _NCHUNK, body, 0)
    plsc.subcore_barrier()
    pltpu.sync_copy(
        acc_sh.at[pl.ds(s * _RPS, _RPS)],
        out_hbm.at[c, pl.ds(s * _RPS, _RPS)],
    )



def kernel(node_feature, edge_index, edge_feature, params):
    p = params
    src = edge_index[0]
    dst = edge_index[1]
    pad = _PWP - _PW
    src_p = jnp.pad(src.reshape(_NW, _PW), ((0, 0), (0, pad)))
    dst_p = jnp.pad(dst.reshape(_NW, _PW), ((0, 0), (0, pad)), constant_values=_N)
    src2d = src_p.reshape(_EP // 128, 128)
    dst2d = dst_p.reshape(_EP // 128, 128)
    ef4 = jnp.pad(
        edge_feature.reshape(_NW, _PW, _ED), ((0, 0), (0, pad), (0, 12))
    ).reshape(_EP // 4, 128)

    zeros_sub = jnp.zeros((_RPS, _NH), _F32)
    ones128 = jnp.ones((128, _NH), _F32)

    eye4 = jnp.eye(4, dtype=_F32)

    def bd(w):
        return jnp.kron(eye4, w)

    def bt(b):
        return jnp.tile(b, 4).reshape(1, 4 * b.shape[0])

    nf4 = node_feature.reshape(_N // 4, 4 * _IN)
    nblk = _N // 4
    meta_node4, node_res4 = pl.pallas_call(
        _node_pre_body,
        grid=(1,),
        in_specs=[
            pl.BlockSpec((nblk, 4 * _IN), lambda i: (i, 0)),
            _full_spec((4 * _IN, 4 * _FF)),
            _full_spec((1, 4 * _FF)),
            _full_spec((4 * _FF, 4 * _NH)),
            _full_spec((1, 4 * _NH)),
            _full_spec((4 * _IN, 4 * _NH)),
            _full_spec((1, 4 * _NH)),
        ],
        out_specs=[
            pl.BlockSpec((nblk, 4 * _NH), lambda i: (i, 0)),
            pl.BlockSpec((nblk, 4 * _NH), lambda i: (i, 0)),
        ],
        out_shape=[
            jax.ShapeDtypeStruct((_N // 4, 4 * _NH), _F32),
            jax.ShapeDtypeStruct((_N // 4, 4 * _NH), _F32),
        ],
    )(
        nf4,
        bd(p["node_ff_w0"]), bt(p["node_ff_b0"]),
        bd(p["node_ff_w1"]), bt(p["node_ff_b1"]),
        bd(p["node_lin_w"]), bt(p["node_lin_b"]),
    )

    eblk, egrid = 4096, _EP // 4 // 4096
    ew0 = jnp.pad(p["edge_ff_w0"], ((0, 12), (0, 0)))
    elw = jnp.pad(p["edge_lin_w"], ((0, 12), (0, 0)))
    meta_edge4 = pl.pallas_call(
        _edge_pre_body,
        grid=(egrid,),
        in_specs=[
            pl.BlockSpec((eblk, 128), lambda i: (i, 0)),
            _full_spec((128, 4 * _FF)),
            _full_spec((1, 4 * _FF)),
            _full_spec((4 * _FF, 4 * _NH)),
            _full_spec((1, 4 * _NH)),
            _full_spec((128, 4 * _NH)),
            _full_spec((1, 4 * _NH)),
        ],
        out_specs=pl.BlockSpec((eblk, 4 * _NH), lambda i: (i, 0)),
        out_shape=jax.ShapeDtypeStruct((_EP // 4, 4 * _NH), _F32),
    )(
        ef4,
        bd(ew0), bt(p["edge_ff_b0"]),
        bd(p["edge_ff_w1"]), bt(p["edge_ff_b1"]),
        bd(elw), bt(p["edge_lin_b"]),
    )

    cnt_part = _sc_counts(dst2d, zeros_sub, ones128)
    cnt4 = cnt_part.reshape(2, _NP // 4, 4 * _NH)

    x4 = meta_node4
    for l in range(_LAYERS):
        g = _sc_gather(x4.reshape(_N, _NH), src2d)
        h4 = pl.pallas_call(
            _edge_layer_body,
            grid=(egrid,),
            in_specs=[
                pl.BlockSpec((eblk, 4 * _NH), lambda i: (i, 0)),
                pl.BlockSpec((eblk, 4 * _NH), lambda i: (i, 0)),
                _full_spec((4 * _NH, 4 * _FF)),
                _full_spec((4 * _NH, 4 * _FF)),
                _full_spec((1, 4 * _FF)),
                _full_spec((4 * _FF, 4 * _NH)),
                _full_spec((1, 4 * _NH)),
            ],
            out_specs=pl.BlockSpec((eblk, 4 * _NH), lambda i: (i, 0)),
            out_shape=jax.ShapeDtypeStruct((_EP // 4, 4 * _NH), _F32),
        )(
            g.reshape(_EP // 4, 4 * _NH), meta_edge4,
            bd(p[f"gc{l}_msg_w0"][:_NH]), bd(p[f"gc{l}_msg_w0"][_NH:]),
            bt(p[f"gc{l}_msg_b0"]),
            bd(p[f"gc{l}_msg_w1"]), bt(p[f"gc{l}_msg_b1"]),
        )
        part = _sc_scatter(h4.reshape(_EP, _NH), dst2d, zeros_sub)
        x4 = pl.pallas_call(
            _node_layer_body,
            grid=(1,),
            in_specs=[
                pl.BlockSpec((_N // 4, 4 * _NH), lambda i: (0, 0)),
                pl.BlockSpec((2, _NP // 4, 4 * _NH), lambda i: (0, 0, 0)),
                pl.BlockSpec((2, _NP // 4, 4 * _NH), lambda i: (0, 0, 0)),
                pl.BlockSpec((_N // 4, 4 * _NH), lambda i: (0, 0)),
                _full_spec((4 * _NH, 4 * _FF)),
                _full_spec((1, 4 * _FF)),
                _full_spec((4 * _FF, 4 * _NH)),
                _full_spec((1, 4 * _NH)),
            ],
            out_specs=pl.BlockSpec((_N // 4, 4 * _NH), lambda i: (0, 0)),
            out_shape=jax.ShapeDtypeStruct((_N // 4, 4 * _NH), _F32),
        )(
            x4, part.reshape(2, _NP // 4, 4 * _NH), cnt4, node_res4,
            bd(p[f"gc{l}_res_w0"]), bt(p[f"gc{l}_res_b0"]),
            bd(p[f"gc{l}_res_w1"]), bt(p[f"gc{l}_res_b1"]),
        )
    return x4.reshape(_N, _NH)

# --- scband reference (transcript-rebuilt; emitter-appended) ---
"""Pipeline reference for scband-gnn-72086731096317 (READ-ONLY COPY).

The authoritative reference and input builder live on the scoring server;
editing this copy changes nothing except your own understanding.
"""

import jax, jax.numpy as jnp
import numpy as np

N = 10000
E = 320000
IN_DIM = 128
EDGE_DIM = 20
NH = 32
FF = 32
N_LAYERS = 3


def _init(key, i, shape):
    return jax.random.normal(jax.random.fold_in(key, i), shape, dtype=jnp.float32) * 0.1


def setup_inputs(seed: int = 0) -> dict:
    key = jax.random.key(seed)
    node_feature = jax.random.normal(jax.random.fold_in(key, 1), (N, IN_DIM), dtype=jnp.float32)
    edge_index = jax.random.randint(jax.random.fold_in(key, 2), (2, E), 0, N, dtype=jnp.int32)
    edge_feature = jax.random.normal(jax.random.fold_in(key, 3), (E, EDGE_DIM), dtype=jnp.float32)
    p = {}
    i = 10
    # node_ff: mlp(IN_DIM -> FF -> NH), node_linear: Linear(IN_DIM, NH)
    p['node_ff_w0'] = _init(key, i, (IN_DIM, FF)); i += 1
    p['node_ff_b0'] = jnp.zeros((FF,), jnp.float32)
    p['node_ff_w1'] = _init(key, i, (FF, NH)); i += 1
    p['node_ff_b1'] = jnp.zeros((NH,), jnp.float32)
    p['node_lin_w'] = _init(key, i, (IN_DIM, NH)); i += 1
    p['node_lin_b'] = jnp.zeros((NH,), jnp.float32)
    # edge_ff: mlp(20 -> FF -> NH), edge_linear: Linear(20, NH)
    p['edge_ff_w0'] = _init(key, i, (EDGE_DIM, FF)); i += 1
    p['edge_ff_b0'] = jnp.zeros((FF,), jnp.float32)
    p['edge_ff_w1'] = _init(key, i, (FF, NH)); i += 1
    p['edge_ff_b1'] = jnp.zeros((NH,), jnp.float32)
    p['edge_lin_w'] = _init(key, i, (EDGE_DIM, NH)); i += 1
    p['edge_lin_b'] = jnp.zeros((NH,), jnp.float32)
    # GeneralConv layers: message mlp(2*NH -> FF -> NH) + residual mlp(NH -> FF -> NH)
    for l in range(N_LAYERS):
        p[f'gc{l}_msg_w0'] = _init(key, i, (2 * NH, FF)); i += 1
        p[f'gc{l}_msg_b0'] = jnp.zeros((FF,), jnp.float32)
        p[f'gc{l}_msg_w1'] = _init(key, i, (FF, NH)); i += 1
        p[f'gc{l}_msg_b1'] = jnp.zeros((NH,), jnp.float32)
        p[f'gc{l}_res_w0'] = _init(key, i, (NH, FF)); i += 1
        p[f'gc{l}_res_b0'] = jnp.zeros((FF,), jnp.float32)
        p[f'gc{l}_res_w1'] = _init(key, i, (FF, NH)); i += 1
        p[f'gc{l}_res_b1'] = jnp.zeros((NH,), jnp.float32)
    return {'node_feature': node_feature, 'edge_index': edge_index, 'edge_feature': edge_feature, 'params': p}


def _mlp(x, w0, b0, w1, b1):
    h = jax.nn.relu(x @ w0 + b0)
    return h @ w1 + b1


def _general_conv(x, edge_index, edge_attr, p, l):
    src = edge_index[0]
    dst = edge_index[1]
    m_in = jnp.concatenate([x[src], edge_attr], axis=1)
    msg = _mlp(m_in, p[f'gc{l}_msg_w0'], p[f'gc{l}_msg_b0'], p[f'gc{l}_msg_w1'], p[f'gc{l}_msg_b1'])
    agg = jax.ops.segment_sum(msg, dst, num_segments=N)
    cnt = jax.ops.segment_sum(jnp.ones((msg.shape[0], 1), jnp.float32), dst, num_segments=N)
    agg = agg / jnp.maximum(cnt, 1.0)
    out = jax.nn.relu(x + agg)
    res = _mlp(out, p[f'gc{l}_res_w0'], p[f'gc{l}_res_b0'], p[f'gc{l}_res_w1'], p[f'gc{l}_res_b1'])
    return out + res


def reference(node_feature, edge_index, edge_feature, params):
    # dropout is identity in eval mode
    node_res = _mlp(node_feature, params['node_ff_w0'], params['node_ff_b0'], params['node_ff_w1'], params['node_ff_b1'])
    node_skip = node_feature @ params['node_lin_w'] + params['node_lin_b']
    meta_node = node_skip + node_res
    edge_res = _mlp(edge_feature, params['edge_ff_w0'], params['edge_ff_b0'], params['edge_ff_w1'], params['edge_ff_b1'])
    edge_skip = edge_feature @ params['edge_lin_w'] + params['edge_lin_b']
    meta_edge = edge_skip + edge_res
    for l in range(N_LAYERS):
        meta_node = _general_conv(meta_node, edge_index, meta_edge, params, l)
        meta_node = node_res + meta_node
    return meta_node

if __name__ == "__main__":
    import jax
    _d = setup_inputs()
    print(jax.jit(kernel)(*tuple(_d.values())))

</pallas_src>

<mosaic_0001>
#map = affine_map<(d0, d1) -> (0, 0)>
module attributes {stable_mosaic.version = 14 : i64} {
  func.func @_sc_gather(%arg0: i32, %arg1: i32, %arg2: memref<10000x32xf32, #tpu.memory_space<hbm>>, %arg3: memref<2560x128xi32, #tpu.memory_space<hbm>>, %arg4: memref<327680x32xf32, #tpu.memory_space<hbm>>, %arg5: memref<8x128xi32, #tpu.memory_space<vmem>>, %arg6: memref<1024x32xf32, #tpu.memory_space<vmem>>, %arg7: memref<!tpu.dma_semaphore, #tpu.memory_space<semaphore_mem>>) attributes {dimension_semantics = [#tpu.dimension_semantics<core_parallel>, #tpu.dimension_semantics<subcore_parallel>], iteration_bounds = array<i64: 2, 16>, scalar_prefetch = 0 : i64, scratch_operands = 3 : i64, tpu.core_type = #tpu.core_type<sc_vector_subcore>, window_params = [{transform_indices = #map}, {transform_indices = #map}, {transform_indices = #map}]} {
    %mul3A = arith.constant 2 : i32
    %mul3A_0 = arith.muli %arg1, %mul3A : i32
    %add3A = arith.addi %mul3A_0, %arg0 : i32
    %scan3A = arith.constant 0 : i32
    %scan3A_1 = arith.constant 0 : i32
    %scan3A_2 = arith.constant 10 : i32
    %scan3A_3 = arith.addi %scan3A_1, %scan3A_2 : i32
    %scan3A_4 = arith.constant 1 : i32
    scf.for %scan3A_6 = %scan3A_1 to %scan3A_3 step %scan3A_4  : i32 {
      %mul3A_7 = arith.constant 10240 : i32
      %mul3A_8 = arith.muli %add3A, %mul3A_7 : i32
      %mul3A_9 = arith.constant 1024 : i32
      %mul3A_10 = arith.muli %scan3A_6, %mul3A_9 : i32
      %add3A_11 = arith.addi %mul3A_8, %mul3A_10 : i32
      %mul3A_12 = arith.constant 80 : i32
      %mul3A_13 = arith.muli %add3A, %mul3A_12 : i32
      %mul3A_14 = arith.constant 8 : i32
      %mul3A_15 = arith.muli %scan3A_6, %mul3A_14 : i32
      %add3A_16 = arith.addi %mul3A_13, %mul3A_15 : i32
      "tpu.region"() ({
        %run_scoped3A = tpu.sem_alloc : memref<!tpu.dma_semaphore, #tpu.memory_space<semaphore_mem>>
        %dma_start3A_175 = arith.constant 0 : i32
        %dma_start3A_176 = tpu.memref_slice %arg3[%add3A_16, %dma_start3A_175] : memref<2560x128xi32, #tpu.memory_space<hbm>> -> memref<8x128xi32, #tpu.memory_space<hbm>>
        %dma_start3A_177 = arith.constant 0 : i32
        %dma_start3A_178 = tpu.memref_slice %arg3[%add3A_16, %dma_start3A_177] : memref<2560x128xi32, #tpu.memory_space<hbm>> -> memref<8x128xi32, #tpu.memory_space<hbm>>
        tpu.enqueue_dma source(%dma_start3A_178 : memref<8x128xi32, #tpu.memory_space<hbm>>) target(%arg5 : memref<8x128xi32, #tpu.memory_space<vmem>>) target_semaphore(%run_scoped3A : memref<!tpu.dma_semaphore, #tpu.memory_space<semaphore_mem>>)
        %dma_wait3A_179 = arith.constant 0 : i32
        %dma_wait3A_180 = tpu.memref_slice %arg3[%add3A_16, %dma_wait3A_179] : memref<2560x128xi32, #tpu.memory_space<hbm>> -> memref<8x128xi32, #tpu.memory_space<hbm>>
        %dma_wait3A_181 = arith.constant 0 : i32
        %dma_wait3A_182 = tpu.memref_slice %arg3[%add3A_16, %dma_wait3A_181] : memref<2560x128xi32, #tpu.memory_space<hbm>> -> memref<8x128xi32, #tpu.memory_space<hbm>>
        tpu.wait_dma2 semaphore(%run_scoped3A : memref<!tpu.dma_semaphore, #tpu.memory_space<semaphore_mem>>) src(%dma_wait3A_182 : memref<8x128xi32, #tpu.memory_space<hbm>>) dst(%arg5 : memref<8x128xi32, #tpu.memory_space<vmem>>)
        tpu.yield
      }) : () -> ()
      %dma_start3A = arith.constant 0 : i32
      %dma_start3A_17 = arith.constant 0 : i32
      %dma_start3A_18 = arith.constant 0 : i32
      %dma_start3A_19 = tpu.memref_slice %arg6[%dma_start3A_17, %dma_start3A_18] : memref<1024x32xf32, #tpu.memory_space<vmem>> -> memref<128x32xf32, #tpu.memory_space<vmem>>
      %dma_start3A_20 = arith.constant 0 : i32
      %dma_start3A_21 = tpu.memref_slice %arg5[%dma_start3A, %dma_start3A_20] : memref<8x128xi32, #tpu.memory_space<vmem>> -> memref<1x128xi32, #tpu.memory_space<vmem>>
      %dma_start3A_22 = tpu.memref_squeeze %dma_start3A_21 : memref<1x128xi32, #tpu.memory_space<vmem>> -> memref<128xi32, #tpu.memory_space<vmem>>
      %dma_start3A_23 = arith.constant 0 : i32
      %dma_start3A_24 = arith.constant 0 : i32
      %dma_start3A_25 = tpu.memref_slice %arg2[%dma_start3A_23, %dma_start3A_24] : memref<10000x32xf32, #tpu.memory_space<hbm>> -> memref<10000x32xf32, #tpu.memory_space<hbm>>
      tpu.enqueue_indirect_dma source(%dma_start3A_25 : memref<10000x32xf32, #tpu.memory_space<hbm>>) target(%dma_start3A_19 : memref<128x32xf32, #tpu.memory_space<vmem>>) offsets(%dma_start3A_22 : memref<128xi32, #tpu.memory_space<vmem>>) semaphore(%arg7 : memref<!tpu.dma_semaphore, #tpu.memory_space<semaphore_mem>>)
      %dma_start3A_26 = arith.constant 1 : i32
      %dma_start3A_27 = arith.constant 128 : i32
      %dma_start3A_28 = arith.constant 0 : i32
      %dma_start3A_29 = tpu.memref_slice %arg6[%dma_start3A_27, %dma_start3A_28] : memref<1024x32xf32, #tpu.memory_space<vmem>> -> memref<128x32xf32, #tpu.memory_space<vmem>>
      %dma_start3A_30 = arith.constant 0 : i32
      %dma_start3A_31 = tpu.memref_slice %arg5[%dma_start3A_26, %dma_start3A_30] : memref<8x128xi32, #tpu.memory_space<vmem>> -> memref<1x128xi32, #tpu.memory_space<vmem>>
      %dma_start3A_32 = tpu.memref_squeeze %dma_start3A_31 : memref<1x128xi32, #tpu.memory_space<vmem>> -> memref<128xi32, #tpu.memory_space<vmem>>
      %dma_start3A_33 = arith.constant 0 : i32
      %dma_start3A_34 = arith.constant 0 : i32
      %dma_start3A_35 = tpu.memref_slice %arg2[%dma_start3A_33, %dma_start3A_34] : memref<10000x32xf32, #tpu.memory_space<hbm>> -> memref<10000x32xf32, #tpu.memory_space<hbm>>
      tpu.enqueue_indirect_dma source(%dma_start3A_35 : memref<10000x32xf32, #tpu.memory_space<hbm>>) target(%dma_start3A_29 : memref<128x32xf32, #tpu.memory_space<vmem>>) offsets(%dma_start3A_32 : memref<128xi32, #tpu.memory_space<vmem>>) semaphore(%arg7 : memref<!tpu.dma_semaphore, #tpu.memory_space<semaphore_mem>>)
      %dma_start3A_36 = arith.constant 2 : i32
      %dma_start3A_37 = arith.constant 256 : i32
      %dma_start3A_38 = arith.constant 0 : i32
      %dma_start3A_39 = tpu.memref_slice %arg6[%dma_start3A_37, %dma_start3A_38] : memref<1024x32xf32, #tpu.memory_space<vmem>> -> memref<128x32xf32, #tpu.memory_space<vmem>>
      %dma_start3A_40 = arith.constant 0 : i32
      %dma_start3A_41 = tpu.memref_slice %arg5[%dma_start3A_36, %dma_start3A_40] : memref<8x128xi32, #tpu.memory_space<vmem>> -> memref<1x128xi32, #tpu.memory_space<vmem>>
      %dma_start3A_42 = tpu.memref_squeeze %dma_start3A_41 : memref<1x128xi32, #tpu.memory_space<vmem>> -> memref<128xi32, #tpu.memory_space<vmem>>
      %dma_start3A_43 = arith.constant 0 : i32
      %dma_start3A_44 = arith.constant 0 : i32
      %dma_start3A_45 = tpu.memref_slice %arg2[%dma_start3A_43, %dma_start3A_44] : memref<10000x32xf32, #tpu.memory_space<hbm>> -> memref<10000x32xf32, #tpu.memory_space<hbm>>
      tpu.enqueue_indirect_dma source(%dma_start3A_45 : memref<10000x32xf32, #tpu.memory_space<hbm>>) target(%dma_start3A_39 : memref<128x32xf32, #tpu.memory_space<vmem>>) offsets(%dma_start3A_42 : memref<128xi32, #tpu.memory_space<vmem>>) semaphore(%arg7 : memref<!tpu.dma_semaphore, #tpu.memory_space<semaphore_mem>>)
      %dma_start3A_46 = arith.constant 3 : i32
      %dma_start3A_47 = arith.constant 384 : i32
      %dma_start3A_48 = arith.constant 0 : i32
      %dma_start3A_49 = tpu.memref_slice %arg6[%dma_start3A_47, %dma_start3A_48] : memref<1024x32xf32, #tpu.memory_space<vmem>> -> memref<128x32xf32, #tpu.memory_space<vmem>>
      %dma_start3A_50 = arith.constant 0 : i32
      %dma_start3A_51 = tpu.memref_slice %arg5[%dma_start3A_46, %dma_start3A_50] : memref<8x128xi32, #tpu.memory_space<vmem>> -> memref<1x128xi32, #tpu.memory_space<vmem>>
      %dma_start3A_52 = tpu.memref_squeeze %dma_start3A_51 : memref<1x128xi32, #tpu.memory_space<vmem>> -> memref<128xi32, #tpu.memory_space<vmem>>
      %dma_start3A_53 = arith.constant 0 : i32
      %dma_start3A_54 = arith.constant 0 : i32
      %dma_start3A_55 = tpu.memref_slice %arg2[%dma_start3A_53, %dma_start3A_54] : memref<10000x32xf32, #tpu.memory_space<hbm>> -> memref<10000x32xf32, #tpu.memory_space<hbm>>
      tpu.enqueue_indirect_dma source(%dma_start3A_55 : memref<10000x32xf32, #tpu.memory_space<hbm>>) target(%dma_start3A_49 : memref<128x32xf32, #tpu.memory_space<vmem>>) offsets(%dma_start3A_52 : memref<128xi32, #tpu.memory_space<vmem>>) semaphore(%arg7 : memref<!tpu.dma_semaphore, #tpu.memory_space<semaphore_mem>>)
      %dma_start3A_56 = arith.constant 4 : i32
      %dma_start3A_57 = arith.constant 512 : i32
      %dma_start3A_58 = arith.constant 0 : i32
      %dma_start3A_59 = tpu.memref_slice %arg6[%dma_start3A_57, %dma_start3A_58] : memref<1024x32xf32, #tpu.memory_space<vmem>> -> memref<128x32xf32, #tpu.memory_space<vmem>>
      %dma_start3A_60 = arith.constant 0 : i32
      %dma_start3A_61 = tpu.memref_slice %arg5[%dma_start3A_56, %dma_start3A_60] : memref<8x128xi32, #tpu.memory_space<vmem>> -> memref<1x128xi32, #tpu.memory_space<vmem>>
      %dma_start3A_62 = tpu.memref_squeeze %dma_start3A_61 : memref<1x128xi32, #tpu.memory_space<vmem>> -> memref<128xi32, #tpu.memory_space<vmem>>
      %dma_start3A_63 = arith.constant 0 : i32
      %dma_start3A_64 = arith.constant 0 : i32
      %dma_start3A_65 = tpu.memref_slice %arg2[%dma_start3A_63, %dma_start3A_64] : memref<10000x32xf32, #tpu.memory_space<hbm>> -> memref<10000x32xf32, #tpu.memory_space<hbm>>
      tpu.enqueue_indirect_dma source(%dma_start3A_65 : memref<10000x32xf32, #tpu.memory_space<hbm>>) target(%dma_start3A_59 : memref<128x32xf32, #tpu.memory_space<vmem>>) offsets(%dma_start3A_62 : memref<128xi32, #tpu.memory_space<vmem>>) semaphore(%arg7 : memref<!tpu.dma_semaphore, #tpu.memory_space<semaphore_mem>>)
      %dma_start3A_66 = arith.constant 5 : i32
      %dma_start3A_67 = arith.constant 640 : i32
      %dma_start3A_68 = arith.constant 0 : i32
      %dma_start3A_69 = tpu.memref_slice %arg6[%dma_start3A_67, %dma_start3A_68] : memref<1024x32xf32, #tpu.memory_space<vmem>> -> memref<128x32xf32, #tpu.memory_space<vmem>>
      %dma_start3A_70 = arith.constant 0 : i32
      %dma_start3A_71 = tpu.memref_slice %arg5[%dma_start3A_66, %dma_start3A_70] : memref<8x128xi32, #tpu.memory_space<vmem>> -> memref<1x128xi32, #tpu.memory_space<vmem>>
      %dma_start3A_72 = tpu.memref_squeeze %dma_start3A_71 : memref<1x128xi32, #tpu.memory_space<vmem>> -> memref<128xi32, #tpu.memory_space<vmem>>
      %dma_start3A_73 = arith.constant 0 : i32
      %dma_start3A_74 = arith.constant 0 : i32
      %dma_start3A_75 = tpu.memref_slice %arg2[%dma_start3A_73, %dma_start3A_74] : memref<10000x32xf32, #tpu.memory_space<hbm>> -> memref<10000x32xf32, #tpu.memory_space<hbm>>
      tpu.enqueue_indirect_dma source(%dma_start3A_75 : memref<10000x32xf32, #tpu.memory_space<hbm>>) target(%dma_start3A_69 : memref<128x32xf32, #tpu.memory_space<vmem>>) offsets(%dma_start3A_72 : memref<128xi32, #tpu.memory_space<vmem>>) semaphore(%arg7 : memref<!tpu.dma_semaphore, #tpu.memory_space<semaphore_mem>>)
      %dma_start3A_76 = arith.constant 6 : i32
      %dma_start3A_77 = arith.constant 768 : i32
      %dma_start3A_78 = arith.constant 0 : i32
      %dma_start3A_79 = tpu.memref_slice %arg6[%dma_start3A_77, %dma_start3A_78] : memref<1024x32xf32, #tpu.memory_space<vmem>> -> memref<128x32xf32, #tpu.memory_space<vmem>>
      %dma_start3A_80 = arith.constant 0 : i32
      %dma_start3A_81 = tpu.memref_slice %arg5[%dma_start3A_76, %dma_start3A_80] : memref<8x128xi32, #tpu.memory_space<vmem>> -> memref<1x128xi32, #tpu.memory_space<vmem>>
      %dma_start3A_82 = tpu.memref_squeeze %dma_start3A_81 : memref<1x128xi32, #tpu.memory_space<vmem>> -> memref<128xi32, #tpu.memory_space<vmem>>
      %dma_start3A_83 = arith.constant 0 : i32
      %dma_start3A_84 = arith.constant 0 : i32
      %dma_start3A_85 = tpu.memref_slice %arg2[%dma_start3A_83, %dma_start3A_84] : memref<10000x32xf32, #tpu.memory_space<hbm>> -> memref<10000x32xf32, #tpu.memory_space<hbm>>
      tpu.enqueue_indirect_dma source(%dma_start3A_85 : memref<10000x32xf32, #tpu.memory_space<hbm>>) target(%dma_start3A_79 : memref<128x32xf32, #tpu.memory_space<vmem>>) offsets(%dma_start3A_82 : memref<128xi32, #tpu.memory_space<vmem>>) semaphore(%arg7 : memref<!tpu.dma_semaphore, #tpu.memory_space<semaphore_mem>>)
      %dma_start3A_86 = arith.constant 7 : i32
      %dma_start3A_87 = arith.constant 896 : i32
      %dma_start3A_88 = arith.constant 0 : i32
      %dma_start3A_89 = tpu.memref_slice %arg6[%dma_start3A_87, %dma_start3A_88] : memref<1024x32xf32, #tpu.memory_space<vmem>> -> memref<128x32xf32, #tpu.memory_space<vmem>>
      %dma_start3A_90 = arith.constant 0 : i32
      %dma_start3A_91 = tpu.memref_slice %arg5[%dma_start3A_86, %dma_start3A_90] : memref<8x128xi32, #tpu.memory_space<vmem>> -> memref<1x128xi32, #tpu.memory_space<vmem>>
      %dma_start3A_92 = tpu.memref_squeeze %dma_start3A_91 : memref<1x128xi32, #tpu.memory_space<vmem>> -> memref<128xi32, #tpu.memory_space<vmem>>
      %dma_start3A_93 = arith.constant 0 : i32
      %dma_start3A_94 = arith.constant 0 : i32
      %dma_start3A_95 = tpu.memref_slice %arg2[%dma_start3A_93, %dma_start3A_94] : memref<10000x32xf32, #tpu.memory_space<hbm>> -> memref<10000x32xf32, #tpu.memory_space<hbm>>
      tpu.enqueue_indirect_dma source(%dma_start3A_95 : memref<10000x32xf32, #tpu.memory_space<hbm>>) target(%dma_start3A_89 : memref<128x32xf32, #tpu.memory_space<vmem>>) offsets(%dma_start3A_92 : memref<128xi32, #tpu.memory_space<vmem>>) semaphore(%arg7 : memref<!tpu.dma_semaphore, #tpu.memory_space<semaphore_mem>>)
      %dma_wait3A = arith.constant 0 : i32
      %dma_wait3A_96 = arith.constant 0 : i32
      %dma_wait3A_97 = arith.constant 0 : i32
      %dma_wait3A_98 = tpu.memref_slice %arg6[%dma_wait3A_96, %dma_wait3A_97] : memref<1024x32xf32, #tpu.memory_space<vmem>> -> memref<128x32xf32, #tpu.memory_space<vmem>>
      %dma_wait3A_99 = arith.constant 0 : i32
      %dma_wait3A_100 = tpu.memref_slice %arg5[%dma_wait3A, %dma_wait3A_99] : memref<8x128xi32, #tpu.memory_space<vmem>> -> memref<1x128xi32, #tpu.memory_space<vmem>>
      %dma_wait3A_101 = tpu.memref_squeeze %dma_wait3A_100 : memref<1x128xi32, #tpu.memory_space<vmem>> -> memref<128xi32, #tpu.memory_space<vmem>>
      %dma_wait3A_102 = arith.constant 0 : i32
      %dma_wait3A_103 = arith.constant 0 : i32
      %dma_wait3A_104 = tpu.memref_slice %arg2[%dma_wait3A_102, %dma_wait3A_103] : memref<10000x32xf32, #tpu.memory_space<hbm>> -> memref<10000x32xf32, #tpu.memory_space<hbm>>
      tpu.wait_indirect_dma semaphore(%arg7 : memref<!tpu.dma_semaphore, #tpu.memory_space<semaphore_mem>>) src(%dma_wait3A_104 : memref<10000x32xf32, #tpu.memory_space<hbm>>) dst(%dma_wait3A_98 : memref<128x32xf32, #tpu.memory_space<vmem>>)
      %dma_wait3A_105 = arith.constant 1 : i32
      %dma_wait3A_106 = arith.constant 128 : i32
      %dma_wait3A_107 = arith.constant 0 : i32
      %dma_wait3A_108 = tpu.memref_slice %arg6[%dma_wait3A_106, %dma_wait3A_107] : memref<1024x32xf32, #tpu.memory_space<vmem>> -> memref<128x32xf32, #tpu.memory_space<vmem>>
      %dma_wait3A_109 = arith.constant 0 : i32
      %dma_wait3A_110 = tpu.memref_slice %arg5[%dma_wait3A_105, %dma_wait3A_109] : memref<8x128xi32, #tpu.memory_space<vmem>> -> memref<1x128xi32, #tpu.memory_space<vmem>>
      %dma_wait3A_111 = tpu.memref_squeeze %dma_wait3A_110 : memref<1x128xi32, #tpu.memory_space<vmem>> -> memref<128xi32, #tpu.memory_space<vmem>>
      %dma_wait3A_112 = arith.constant 0 : i32
      %dma_wait3A_113 = arith.constant 0 : i32
      %dma_wait3A_114 = tpu.memref_slice %arg2[%dma_wait3A_112, %dma_wait3A_113] : memref<10000x32xf32, #tpu.memory_space<hbm>> -> memref<10000x32xf32, #tpu.memory_space<hbm>>
      tpu.wait_indirect_dma semaphore(%arg7 : memref<!tpu.dma_semaphore, #tpu.memory_space<semaphore_mem>>) src(%dma_wait3A_114 : memref<10000x32xf32, #tpu.memory_space<hbm>>) dst(%dma_wait3A_108 : memref<128x32xf32, #tpu.memory_space<vmem>>)
      %dma_wait3A_115 = arith.constant 2 : i32
      %dma_wait3A_116 = arith.constant 256 : i32
      %dma_wait3A_117 = arith.constant 0 : i32
      %dma_wait3A_118 = tpu.memref_slice %arg6[%dma_wait3A_116, %dma_wait3A_117] : memref<1024x32xf32, #tpu.memory_space<vmem>> -> memref<128x32xf32, #tpu.memory_space<vmem>>
      %dma_wait3A_119 = arith.constant 0 : i32
      %dma_wait3A_120 = tpu.memref_slice %arg5[%dma_wait3A_115, %dma_wait3A_119] : memref<8x128xi32, #tpu.memory_space<vmem>> -> memref<1x128xi32, #tpu.memory_space<vmem>>
      %dma_wait3A_121 = tpu.memref_squeeze %dma_wait3A_120 : memref<1x128xi32, #tpu.memory_space<vmem>> -> memref<128xi32, #tpu.memory_space<vmem>>
      %dma_wait3A_122 = arith.constant 0 : i32
      %dma_wait3A_123 = arith.constant 0 : i32
      %dma_wait3A_124 = tpu.memref_slice %arg2[%dma_wait3A_122, %dma_wait3A_123] : memref<10000x32xf32, #tpu.memory_space<hbm>> -> memref<10000x32xf32, #tpu.memory_space<hbm>>
      tpu.wait_indirect_dma semaphore(%arg7 : memref<!tpu.dma_semaphore, #tpu.memory_space<semaphore_mem>>) src(%dma_wait3A_124 : memref<10000x32xf32, #tpu.memory_space<hbm>>) dst(%dma_wait3A_118 : memref<128x32xf32, #tpu.memory_space<vmem>>)
      %dma_wait3A_125 = arith.constant 3 : i32
      %dma_wait3A_126 = arith.constant 384 : i32
      %dma_wait3A_127 = arith.constant 0 : i32
      %dma_wait3A_128 = tpu.memref_slice %arg6[%dma_wait3A_126, %dma_wait3A_127] : memref<1024x32xf32, #tpu.memory_space<vmem>> -> memref<128x32xf32, #tpu.memory_space<vmem>>
      %dma_wait3A_129 = arith.constant 0 : i32
      %dma_wait3A_130 = tpu.memref_slice %arg5[%dma_wait3A_125, %dma_wait3A_129] : memref<8x128xi32, #tpu.memory_space<vmem>> -> memref<1x128xi32, #tpu.memory_space<vmem>>
      %dma_wait3A_131 = tpu.memref_squeeze %dma_wait3A_130 : memref<1x128xi32, #tpu.memory_space<vmem>> -> memref<128xi32, #tpu.memory_space<vmem>>
      %dma_wait3A_132 = arith.constant 0 : i32
      %dma_wait3A_133 = arith.constant 0 : i32
      %dma_wait3A_134 = tpu.memref_slice %arg2[%dma_wait3A_132, %dma_wait3A_133] : memref<10000x32xf32, #tpu.memory_space<hbm>> -> memref<10000x32xf32, #tpu.memory_space<hbm>>
      tpu.wait_indirect_dma semaphore(%arg7 : memref<!tpu.dma_semaphore, #tpu.memory_space<semaphore_mem>>) src(%dma_wait3A_134 : memref<10000x32xf32, #tpu.memory_space<hbm>>) dst(%dma_wait3A_128 : memref<128x32xf32, #tpu.memory_space<vmem>>)
      %dma_wait3A_135 = arith.constant 4 : i32
      %dma_wait3A_136 = arith.constant 512 : i32
      %dma_wait3A_137 = arith.constant 0 : i32
      %dma_wait3A_138 = tpu.memref_slice %arg6[%dma_wait3A_136, %dma_wait3A_137] : memref<1024x32xf32, #tpu.memory_space<vmem>> -> memref<128x32xf32, #tpu.memory_space<vmem>>
      %dma_wait3A_139 = arith.constant 0 : i32
      %dma_wait3A_140 = tpu.memref_slice %arg5[%dma_wait3A_135, %dma_wait3A_139] : memref<8x128xi32, #tpu.memory_space<vmem>> -> memref<1x128xi32, #tpu.memory_space<vmem>>
      %dma_wait3A_141 = tpu.memref_squeeze %dma_wait3A_140 : memref<1x128xi32, #tpu.memory_space<vmem>> -> memref<128xi32, #tpu.memory_space<vmem>>
      %dma_wait3A_142 = arith.constant 0 : i32
      %dma_wait3A_143 = arith.constant 0 : i32
      %dma_wait3A_144 = tpu.memref_slice %arg2[%dma_wait3A_142, %dma_wait3A_143] : memref<10000x32xf32, #tpu.memory_space<hbm>> -> memref<10000x32xf32, #tpu.memory_space<hbm>>
      tpu.wait_indirect_dma semaphore(%arg7 : memref<!tpu.dma_semaphore, #tpu.memory_space<semaphore_mem>>) src(%dma_wait3A_144 : memref<10000x32xf32, #tpu.memory_space<hbm>>) dst(%dma_wait3A_138 : memref<128x32xf32, #tpu.memory_space<vmem>>)
      %dma_wait3A_145 = arith.constant 5 : i32
      %dma_wait3A_146 = arith.constant 640 : i32
      %dma_wait3A_147 = arith.constant 0 : i32
      %dma_wait3A_148 = tpu.memref_slice %arg6[%dma_wait3A_146, %dma_wait3A_147] : memref<1024x32xf32, #tpu.memory_space<vmem>> -> memref<128x32xf32, #tpu.memory_space<vmem>>
      %dma_wait3A_149 = arith.constant 0 : i32
      %dma_wait3A_150 = tpu.memref_slice %arg5[%dma_wait3A_145, %dma_wait3A_149] : memref<8x128xi32, #tpu.memory_space<vmem>> -> memref<1x128xi32, #tpu.memory_space<vmem>>
      %dma_wait3A_151 = tpu.memref_squeeze %dma_wait3A_150 : memref<1x128xi32, #tpu.memory_space<vmem>> -> memref<128xi32, #tpu.memory_space<vmem>>
      %dma_wait3A_152 = arith.constant 0 : i32
      %dma_wait3A_153 = arith.constant 0 : i32
      %dma_wait3A_154 = tpu.memref_slice %arg2[%dma_wait3A_152, %dma_wait3A_153] : memref<10000x32xf32, #tpu.memory_space<hbm>> -> memref<10000x32xf32, #tpu.memory_space<hbm>>
      tpu.wait_indirect_dma semaphore(%arg7 : memref<!tpu.dma_semaphore, #tpu.memory_space<semaphore_mem>>) src(%dma_wait3A_154 : memref<10000x32xf32, #tpu.memory_space<hbm>>) dst(%dma_wait3A_148 : memref<128x32xf32, #tpu.memory_space<vmem>>)
      %dma_wait3A_155 = arith.constant 6 : i32
      %dma_wait3A_156 = arith.constant 768 : i32
      %dma_wait3A_157 = arith.constant 0 : i32
      %dma_wait3A_158 = tpu.memref_slice %arg6[%dma_wait3A_156, %dma_wait3A_157] : memref<1024x32xf32, #tpu.memory_space<vmem>> -> memref<128x32xf32, #tpu.memory_space<vmem>>
      %dma_wait3A_159 = arith.constant 0 : i32
      %dma_wait3A_160 = tpu.memref_slice %arg5[%dma_wait3A_155, %dma_wait3A_159] : memref<8x128xi32, #tpu.memory_space<vmem>> -> memref<1x128xi32, #tpu.memory_space<vmem>>
      %dma_wait3A_161 = tpu.memref_squeeze %dma_wait3A_160 : memref<1x128xi32, #tpu.memory_space<vmem>> -> memref<128xi32, #tpu.memory_space<vmem>>
      %dma_wait3A_162 = arith.constant 0 : i32
      %dma_wait3A_163 = arith.constant 0 : i32
      %dma_wait3A_164 = tpu.memref_slice %arg2[%dma_wait3A_162, %dma_wait3A_163] : memref<10000x32xf32, #tpu.memory_space<hbm>> -> memref<10000x32xf32, #tpu.memory_space<hbm>>
      tpu.wait_indirect_dma semaphore(%arg7 : memref<!tpu.dma_semaphore, #tpu.memory_space<semaphore_mem>>) src(%dma_wait3A_164 : memref<10000x32xf32, #tpu.memory_space<hbm>>) dst(%dma_wait3A_158 : memref<128x32xf32, #tpu.memory_space<vmem>>)
      %dma_wait3A_165 = arith.constant 7 : i32
      %dma_wait3A_166 = arith.constant 896 : i32
      %dma_wait3A_167 = arith.constant 0 : i32
      %dma_wait3A_168 = tpu.memref_slice %arg6[%dma_wait3A_166, %dma_wait3A_167] : memref<1024x32xf32, #tpu.memory_space<vmem>> -> memref<128x32xf32, #tpu.memory_space<vmem>>
      %dma_wait3A_169 = arith.constant 0 : i32
      %dma_wait3A_170 = tpu.memref_slice %arg5[%dma_wait3A_165, %dma_wait3A_169] : memref<8x128xi32, #tpu.memory_space<vmem>> -> memref<1x128xi32, #tpu.memory_space<vmem>>
      %dma_wait3A_171 = tpu.memref_squeeze %dma_wait3A_170 : memref<1x128xi32, #tpu.memory_space<vmem>> -> memref<128xi32, #tpu.memory_space<vmem>>
      %dma_wait3A_172 = arith.constant 0 : i32
      %dma_wait3A_173 = arith.constant 0 : i32
      %dma_wait3A_174 = tpu.memref_slice %arg2[%dma_wait3A_172, %dma_wait3A_173] : memref<10000x32xf32, #tpu.memory_space<hbm>> -> memref<10000x32xf32, #tpu.memory_space<hbm>>
      tpu.wait_indirect_dma semaphore(%arg7 : memref<!tpu.dma_semaphore, #tpu.memory_space<semaphore_mem>>) src(%dma_wait3A_174 : memref<10000x32xf32, #tpu.memory_space<hbm>>) dst(%dma_wait3A_168 : memref<128x32xf32, #tpu.memory_space<vmem>>)
      "tpu.region"() ({
        %run_scoped3A = tpu.sem_alloc : memref<!tpu.dma_semaphore, #tpu.memory_space<semaphore_mem>>
        %dma_start3A_175 = arith.constant 0 : i32
        %dma_start3A_176 = tpu.memref_slice %arg4[%add3A_11, %dma_start3A_175] : memref<327680x32xf32, #tpu.memory_space<hbm>> -> memref<1024x32xf32, #tpu.memory_space<hbm>>
        %dma_start3A_177 = arith.constant 0 : i32
        %dma_start3A_178 = tpu.memref_slice %arg4[%add3A_11, %dma_start3A_177] : memref<327680x32xf32, #tpu.memory_space<hbm>> -> memref<1024x32xf32, #tpu.memory_space<hbm>>
        tpu.enqueue_dma source(%arg6 : memref<1024x32xf32, #tpu.memory_space<vmem>>) target(%dma_start3A_178 : memref<1024x32xf32, #tpu.memory_space<hbm>>) target_semaphore(%run_scoped3A : memref<!tpu.dma_semaphore, #tpu.memory_space<semaphore_mem>>)
        %dma_wait3A_179 = arith.constant 0 : i32
        %dma_wait3A_180 = tpu.memref_slice %arg4[%add3A_11, %dma_wait3A_179] : memref<327680x32xf32, #tpu.memory_space<hbm>> -> memref<1024x32xf32, #tpu.memory_space<hbm>>
        %dma_wait3A_181 = arith.constant 0 : i32
        %dma_wait3A_182 = tpu.memref_slice %arg4[%add3A_11, %dma_wait3A_181] : memref<327680x32xf32, #tpu.memory_space<hbm>> -> memref<1024x32xf32, #tpu.memory_space<hbm>>
        tpu.wait_dma2 semaphore(%run_scoped3A : memref<!tpu.dma_semaphore, #tpu.memory_space<semaphore_mem>>) src(%arg6 : memref<1024x32xf32, #tpu.memory_space<vmem>>) dst(%dma_wait3A_182 : memref<1024x32xf32, #tpu.memory_space<hbm>>)
        tpu.yield
      }) : () -> ()
    }
    %scan3A_5 = arith.constant 10 : i32
    return
  }
}

#map = affine_map<(d0, d1) -> (0, 0)>
module attributes {stable_mosaic.version = 14 : i64} {
  func.func @_sc_gather(%arg0: i32, %arg1: i32, %arg2: memref<10000x32xf32, #tpu.memory_space<hbm>>, %arg3: memref<2560x128xi32, #tpu.memory_space<hbm>>, %arg4: memref<327680x32xf32, #tpu.memory_space<hbm>>, %arg5: memref<8x128xi32, #tpu.memory_space<vmem>>, %arg6: memref<1024x32xf32, #tpu.memory_space<vmem>>, %arg7: memref<!tpu.dma_semaphore, #tpu.memory_space<semaphore_mem>>) attributes {dimension_semantics = [#tpu.dimension_semantics<core_parallel>, #tpu.dimension_semantics<subcore_parallel>], iteration_bounds = array<i64: 2, 16>, scalar_prefetch = 0 : i64, scratch_operands = 3 : i64, tpu.core_type = #tpu.core_type<sc_vector_subcore>, window_params = [{transform_indices = #map}, {transform_indices = #map}, {transform_indices = #map}]} {
    %mul3A = arith.constant 2 : i32
    %mul3A_0 = arith.muli %arg1, %mul3A : i32
    %add3A = arith.addi %mul3A_0, %arg0 : i32
    %scan3A = arith.constant 0 : i32
    %scan3A_1 = arith.constant 0 : i32
    %scan3A_2 = arith.constant 10 : i32
    %scan3A_3 = arith.addi %scan3A_1, %scan3A_2 : i32
    %scan3A_4 = arith.constant 1 : i32
    scf.for %scan3A_6 = %scan3A_1 to %scan3A_3 step %scan3A_4  : i32 {
      %mul3A_7 = arith.constant 10240 : i32
      %mul3A_8 = arith.muli %add3A, %mul3A_7 : i32
      %mul3A_9 = arith.constant 1024 : i32
      %mul3A_10 = arith.muli %scan3A_6, %mul3A_9 : i32
      %add3A_11 = arith.addi %mul3A_8, %mul3A_10 : i32
      %mul3A_12 = arith.constant 80 : i32
      %mul3A_13 = arith.muli %add3A, %mul3A_12 : i32
      %mul3A_14 = arith.constant 8 : i32
      %mul3A_15 = arith.muli %scan3A_6, %mul3A_14 : i32
      %add3A_16 = arith.addi %mul3A_13, %mul3A_15 : i32
      "tpu.region"() ({
        %run_scoped3A = tpu.sem_alloc : memref<!tpu.dma_semaphore, #tpu.memory_space<semaphore_mem>>
        %dma_start3A_175 = arith.constant 0 : i32
        %dma_start3A_176 = tpu.memref_slice %arg3[%add3A_16, %dma_start3A_175] : memref<2560x128xi32, #tpu.memory_space<hbm>> -> memref<8x128xi32, #tpu.memory_space<hbm>>
        %dma_start3A_177 = arith.constant 0 : i32
        %dma_start3A_178 = tpu.memref_slice %arg3[%add3A_16, %dma_start3A_177] : memref<2560x128xi32, #tpu.memory_space<hbm>> -> memref<8x128xi32, #tpu.memory_space<hbm>>
        tpu.enqueue_dma source(%dma_start3A_178 : memref<8x128xi32, #tpu.memory_space<hbm>>) target(%arg5 : memref<8x128xi32, #tpu.memory_space<vmem>>) target_semaphore(%run_scoped3A : memref<!tpu.dma_semaphore, #tpu.memory_space<semaphore_mem>>)
        %dma_wait3A_179 = arith.constant 0 : i32
        %dma_wait3A_180 = tpu.memref_slice %arg3[%add3A_16, %dma_wait3A_179] : memref<2560x128xi32, #tpu.memory_space<hbm>> -> memref<8x128xi32, #tpu.memory_space<hbm>>
        %dma_wait3A_181 = arith.constant 0 : i32
        %dma_wait3A_182 = tpu.memref_slice %arg3[%add3A_16, %dma_wait3A_181] : memref<2560x128xi32, #tpu.memory_space<hbm>> -> memref<8x128xi32, #tpu.memory_space<hbm>>
        tpu.wait_dma2 semaphore(%run_scoped3A : memref<!tpu.dma_semaphore, #tpu.memory_space<semaphore_mem>>) src(%dma_wait3A_182 : memref<8x128xi32, #tpu.memory_space<hbm>>) dst(%arg5 : memref<8x128xi32, #tpu.memory_space<vmem>>)
        tpu.yield
      }) : () -> ()
      %dma_start3A = arith.constant 0 : i32
      %dma_start3A_17 = arith.constant 0 : i32
      %dma_start3A_18 = arith.constant 0 : i32
      %dma_start3A_19 = tpu.memref_slice %arg6[%dma_start3A_17, %dma_start3A_18] : memref<1024x32xf32, #tpu.memory_space<vmem>> -> memref<128x32xf32, #tpu.memory_space<vmem>>
      %dma_start3A_20 = arith.constant 0 : i32
      %dma_start3A_21 = tpu.memref_slice %arg5[%dma_start3A, %dma_start3A_20] : memref<8x128xi32, #tpu.memory_space<vmem>> -> memref<1x128xi32, #tpu.memory_space<vmem>>
      %dma_start3A_22 = tpu.memref_squeeze %dma_start3A_21 : memref<1x128xi32, #tpu.memory_space<vmem>> -> memref<128xi32, #tpu.memory_space<vmem>>
      %dma_start3A_23 = arith.constant 0 : i32
      %dma_start3A_24 = arith.constant 0 : i32
      %dma_start3A_25 = tpu.memref_slice %arg2[%dma_start3A_23, %dma_start3A_24] : memref<10000x32xf32, #tpu.memory_space<hbm>> -> memref<10000x32xf32, #tpu.memory_space<hbm>>
      tpu.enqueue_indirect_dma source(%dma_start3A_25 : memref<10000x32xf32, #tpu.memory_space<hbm>>) target(%dma_start3A_19 : memref<128x32xf32, #tpu.memory_space<vmem>>) offsets(%dma_start3A_22 : memref<128xi32, #tpu.memory_space<vmem>>) semaphore(%arg7 : memref<!tpu.dma_semaphore, #tpu.memory_space<semaphore_mem>>)
      %dma_start3A_26 = arith.constant 1 : i32
      %dma_start3A_27 = arith.constant 128 : i32
      %dma_start3A_28 = arith.constant 0 : i32
      %dma_start3A_29 = tpu.memref_slice %arg6[%dma_start3A_27, %dma_start3A_28] : memref<1024x32xf32, #tpu.memory_space<vmem>> -> memref<128x32xf32, #tpu.memory_space<vmem>>
      %dma_start3A_30 = arith.constant 0 : i32
      %dma_start3A_31 = tpu.memref_slice %arg5[%dma_start3A_26, %dma_start3A_30] : memref<8x128xi32, #tpu.memory_space<vmem>> -> memref<1x128xi32, #tpu.memory_space<vmem>>
      %dma_start3A_32 = tpu.memref_squeeze %dma_start3A_31 : memref<1x128xi32, #tpu.memory_space<vmem>> -> memref<128xi32, #tpu.memory_space<vmem>>
      %dma_start3A_33 = arith.constant 0 : i32
      %dma_start3A_34 = arith.constant 0 : i32
      %dma_start3A_35 = tpu.memref_slice %arg2[%dma_start3A_33, %dma_start3A_34] : memref<10000x32xf32, #tpu.memory_space<hbm>> -> memref<10000x32xf32, #tpu.memory_space<hbm>>
      tpu.enqueue_indirect_dma source(%dma_start3A_35 : memref<10000x32xf32, #tpu.memory_space<hbm>>) target(%dma_start3A_29 : memref<128x32xf32, #tpu.memory_space<vmem>>) offsets(%dma_start3A_32 : memref<128xi32, #tpu.memory_space<vmem>>) semaphore(%arg7 : memref<!tpu.dma_semaphore, #tpu.memory_space<semaphore_mem>>)
      %dma_start3A_36 = arith.constant 2 : i32
      %dma_start3A_37 = arith.constant 256 : i32
      %dma_start3A_38 = arith.constant 0 : i32
      %dma_start3A_39 = tpu.memref_slice %arg6[%dma_start3A_37, %dma_start3A_38] : memref<1024x32xf32, #tpu.memory_space<vmem>> -> memref<128x32xf32, #tpu.memory_space<vmem>>
      %dma_start3A_40 = arith.constant 0 : i32
      %dma_start3A_41 = tpu.memref_slice %arg5[%dma_start3A_36, %dma_start3A_40] : memref<8x128xi32, #tpu.memory_space<vmem>> -> memref<1x128xi32, #tpu.memory_space<vmem>>
      %dma_start3A_42 = tpu.memref_squeeze %dma_start3A_41 : memref<1x128xi32, #tpu.memory_space<vmem>> -> memref<128xi32, #tpu.memory_space<vmem>>
      %dma_start3A_43 = arith.constant 0 : i32
      %dma_start3A_44 = arith.constant 0 : i32
      %dma_start3A_45 = tpu.memref_slice %arg2[%dma_start3A_43, %dma_start3A_44] : memref<10000x32xf32, #tpu.memory_space<hbm>> -> memref<10000x32xf32, #tpu.memory_space<hbm>>
      tpu.enqueue_indirect_dma source(%dma_start3A_45 : memref<10000x32xf32, #tpu.memory_space<hbm>>) target(%dma_start3A_39 : memref<128x32xf32, #tpu.memory_space<vmem>>) offsets(%dma_start3A_42 : memref<128xi32, #tpu.memory_space<vmem>>) semaphore(%arg7 : memref<!tpu.dma_semaphore, #tpu.memory_space<semaphore_mem>>)
      %dma_start3A_46 = arith.constant 3 : i32
      %dma_start3A_47 = arith.constant 384 : i32
      %dma_start3A_48 = arith.constant 0 : i32
      %dma_start3A_49 = tpu.memref_slice %arg6[%dma_start3A_47, %dma_start3A_48] : memref<1024x32xf32, #tpu.memory_space<vmem>> -> memref<128x32xf32, #tpu.memory_space<vmem>>
      %dma_start3A_50 = arith.constant 0 : i32
      %dma_start3A_51 = tpu.memref_slice %arg5[%dma_start3A_46, %dma_start3A_50] : memref<8x128xi32, #tpu.memory_space<vmem>> -> memref<1x128xi32, #tpu.memory_space<vmem>>
      %dma_start3A_52 = tpu.memref_squeeze %dma_start3A_51 : memref<1x128xi32, #tpu.memory_space<vmem>> -> memref<128xi32, #tpu.memory_space<vmem>>
      %dma_start3A_53 = arith.constant 0 : i32
      %dma_start3A_54 = arith.constant 0 : i32
      %dma_start3A_55 = tpu.memref_slice %arg2[%dma_start3A_53, %dma_start3A_54] : memref<10000x32xf32, #tpu.memory_space<hbm>> -> memref<10000x32xf32, #tpu.memory_space<hbm>>
      tpu.enqueue_indirect_dma source(%dma_start3A_55 : memref<10000x32xf32, #tpu.memory_space<hbm>>) target(%dma_start3A_49 : memref<128x32xf32, #tpu.memory_space<vmem>>) offsets(%dma_start3A_52 : memref<128xi32, #tpu.memory_space<vmem>>) semaphore(%arg7 : memref<!tpu.dma_semaphore, #tpu.memory_space<semaphore_mem>>)
      %dma_start3A_56 = arith.constant 4 : i32
      %dma_start3A_57 = arith.constant 512 : i32
      %dma_start3A_58 = arith.constant 0 : i32
      %dma_start3A_59 = tpu.memref_slice %arg6[%dma_start3A_57, %dma_start3A_58] : memref<1024x32xf32, #tpu.memory_space<vmem>> -> memref<128x32xf32, #tpu.memory_space<vmem>>
      %dma_start3A_60 = arith.constant 0 : i32
      %dma_start3A_61 = tpu.memref_slice %arg5[%dma_start3A_56, %dma_start3A_60] : memref<8x128xi32, #tpu.memory_space<vmem>> -> memref<1x128xi32, #tpu.memory_space<vmem>>
      %dma_start3A_62 = tpu.memref_squeeze %dma_start3A_61 : memref<1x128xi32, #tpu.memory_space<vmem>> -> memref<128xi32, #tpu.memory_space<vmem>>
      %dma_start3A_63 = arith.constant 0 : i32
      %dma_start3A_64 = arith.constant 0 : i32
      %dma_start3A_65 = tpu.memref_slice %arg2[%dma_start3A_63, %dma_start3A_64] : memref<10000x32xf32, #tpu.memory_space<hbm>> -> memref<10000x32xf32, #tpu.memory_space<hbm>>
      tpu.enqueue_indirect_dma source(%dma_start3A_65 : memref<10000x32xf32, #tpu.memory_space<hbm>>) target(%dma_start3A_59 : memref<128x32xf32, #tpu.memory_space<vmem>>) offsets(%dma_start3A_62 : memref<128xi32, #tpu.memory_space<vmem>>) semaphore(%arg7 : memref<!tpu.dma_semaphore, #tpu.memory_space<semaphore_mem>>)
      %dma_start3A_66 = arith.constant 5 : i32
      %dma_start3A_67 = arith.constant 640 : i32
      %dma_start3A_68 = arith.constant 0 : i32
      %dma_start3A_69 = tpu.memref_slice %arg6[%dma_start3A_67, %dma_start3A_68] : memref<1024x32xf32, #tpu.memory_space<vmem>> -> memref<128x32xf32, #tpu.memory_space<vmem>>
      %dma_start3A_70 = arith.constant 0 : i32
      %dma_start3A_71 = tpu.memref_slice %arg5[%dma_start3A_66, %dma_start3A_70] : memref<8x128xi32, #tpu.memory_space<vmem>> -> memref<1x128xi32, #tpu.memory_space<vmem>>
      %dma_start3A_72 = tpu.memref_squeeze %dma_start3A_71 : memref<1x128xi32, #tpu.memory_space<vmem>> -> memref<128xi32, #tpu.memory_space<vmem>>
      %dma_start3A_73 = arith.constant 0 : i32
      %dma_start3A_74 = arith.constant 0 : i32
      %dma_start3A_75 = tpu.memref_slice %arg2[%dma_start3A_73, %dma_start3A_74] : memref<10000x32xf32, #tpu.memory_space<hbm>> -> memref<10000x32xf32, #tpu.memory_space<hbm>>
      tpu.enqueue_indirect_dma source(%dma_start3A_75 : memref<10000x32xf32, #tpu.memory_space<hbm>>) target(%dma_start3A_69 : memref<128x32xf32, #tpu.memory_space<vmem>>) offsets(%dma_start3A_72 : memref<128xi32, #tpu.memory_space<vmem>>) semaphore(%arg7 : memref<!tpu.dma_semaphore, #tpu.memory_space<semaphore_mem>>)
      %dma_start3A_76 = arith.constant 6 : i32
      %dma_start3A_77 = arith.constant 768 : i32
      %dma_start3A_78 = arith.constant 0 : i32
      %dma_start3A_79 = tpu.memref_slice %arg6[%dma_start3A_77, %dma_start3A_78] : memref<1024x32xf32, #tpu.memory_space<vmem>> -> memref<128x32xf32, #tpu.memory_space<vmem>>
      %dma_start3A_80 = arith.constant 0 : i32
      %dma_start3A_81 = tpu.memref_slice %arg5[%dma_start3A_76, %dma_start3A_80] : memref<8x128xi32, #tpu.memory_space<vmem>> -> memref<1x128xi32, #tpu.memory_space<vmem>>
      %dma_start3A_82 = tpu.memref_squeeze %dma_start3A_81 : memref<1x128xi32, #tpu.memory_space<vmem>> -> memref<128xi32, #tpu.memory_space<vmem>>
      %dma_start3A_83 = arith.constant 0 : i32
      %dma_start3A_84 = arith.constant 0 : i32
      %dma_start3A_85 = tpu.memref_slice %arg2[%dma_start3A_83, %dma_start3A_84] : memref<10000x32xf32, #tpu.memory_space<hbm>> -> memref<10000x32xf32, #tpu.memory_space<hbm>>
      tpu.enqueue_indirect_dma source(%dma_start3A_85 : memref<10000x32xf32, #tpu.memory_space<hbm>>) target(%dma_start3A_79 : memref<128x32xf32, #tpu.memory_space<vmem>>) offsets(%dma_start3A_82 : memref<128xi32, #tpu.memory_space<vmem>>) semaphore(%arg7 : memref<!tpu.dma_semaphore, #tpu.memory_space<semaphore_mem>>)
      %dma_start3A_86 = arith.constant 7 : i32
      %dma_start3A_87 = arith.constant 896 : i32
      %dma_start3A_88 = arith.constant 0 : i32
      %dma_start3A_89 = tpu.memref_slice %arg6[%dma_start3A_87, %dma_start3A_88] : memref<1024x32xf32, #tpu.memory_space<vmem>> -> memref<128x32xf32, #tpu.memory_space<vmem>>
      %dma_start3A_90 = arith.constant 0 : i32
      %dma_start3A_91 = tpu.memref_slice %arg5[%dma_start3A_86, %dma_start3A_90] : memref<8x128xi32, #tpu.memory_space<vmem>> -> memref<1x128xi32, #tpu.memory_space<vmem>>
      %dma_start3A_92 = tpu.memref_squeeze %dma_start3A_91 : memref<1x128xi32, #tpu.memory_space<vmem>> -> memref<128xi32, #tpu.memory_space<vmem>>
      %dma_start3A_93 = arith.constant 0 : i32
      %dma_start3A_94 = arith.constant 0 : i32
      %dma_start3A_95 = tpu.memref_slice %arg2[%dma_start3A_93, %dma_start3A_94] : memref<10000x32xf32, #tpu.memory_space<hbm>> -> memref<10000x32xf32, #tpu.memory_space<hbm>>
      tpu.enqueue_indirect_dma source(%dma_start3A_95 : memref<10000x32xf32, #tpu.memory_space<hbm>>) target(%dma_start3A_89 : memref<128x32xf32, #tpu.memory_space<vmem>>) offsets(%dma_start3A_92 : memref<128xi32, #tpu.memory_space<vmem>>) semaphore(%arg7 : memref<!tpu.dma_semaphore, #tpu.memory_space<semaphore_mem>>)
      %dma_wait3A = arith.constant 0 : i32
      %dma_wait3A_96 = arith.constant 0 : i32
      %dma_wait3A_97 = arith.constant 0 : i32
      %dma_wait3A_98 = tpu.memref_slice %arg6[%dma_wait3A_96, %dma_wait3A_97] : memref<1024x32xf32, #tpu.memory_space<vmem>> -> memref<128x32xf32, #tpu.memory_space<vmem>>
      %dma_wait3A_99 = arith.constant 0 : i32
      %dma_wait3A_100 = tpu.memref_slice %arg5[%dma_wait3A, %dma_wait3A_99] : memref<8x128xi32, #tpu.memory_space<vmem>> -> memref<1x128xi32, #tpu.memory_space<vmem>>
      %dma_wait3A_101 = tpu.memref_squeeze %dma_wait3A_100 : memref<1x128xi32, #tpu.memory_space<vmem>> -> memref<128xi32, #tpu.memory_space<vmem>>
      %dma_wait3A_102 = arith.constant 0 : i32
      %dma_wait3A_103 = arith.constant 0 : i32
      %dma_wait3A_104 = tpu.memref_slice %arg2[%dma_wait3A_102, %dma_wait3A_103] : memref<10000x32xf32, #tpu.memory_space<hbm>> -> memref<10000x32xf32, #tpu.memory_space<hbm>>
      tpu.wait_indirect_dma semaphore(%arg7 : memref<!tpu.dma_semaphore, #tpu.memory_space<semaphore_mem>>) src(%dma_wait3A_104 : memref<10000x32xf32, #tpu.memory_space<hbm>>) dst(%dma_wait3A_98 : memref<128x32xf32, #tpu.memory_space<vmem>>)
      %dma_wait3A_105 = arith.constant 1 : i32
      %dma_wait3A_106 = arith.constant 128 : i32
      %dma_wait3A_107 = arith.constant 0 : i32
      %dma_wait3A_108 = tpu.memref_slice %arg6[%dma_wait3A_106, %dma_wait3A_107] : memref<1024x32xf32, #tpu.memory_space<vmem>> -> memref<128x32xf32, #tpu.memory_space<vmem>>
      %dma_wait3A_109 = arith.constant 0 : i32
      %dma_wait3A_110 = tpu.memref_slice %arg5[%dma_wait3A_105, %dma_wait3A_109] : memref<8x128xi32, #tpu.memory_space<vmem>> -> memref<1x128xi32, #tpu.memory_space<vmem>>
      %dma_wait3A_111 = tpu.memref_squeeze %dma_wait3A_110 : memref<1x128xi32, #tpu.memory_space<vmem>> -> memref<128xi32, #tpu.memory_space<vmem>>
      %dma_wait3A_112 = arith.constant 0 : i32
      %dma_wait3A_113 = arith.constant 0 : i32
      %dma_wait3A_114 = tpu.memref_slice %arg2[%dma_wait3A_112, %dma_wait3A_113] : memref<10000x32xf32, #tpu.memory_space<hbm>> -> memref<10000x32xf32, #tpu.memory_space<hbm>>
      tpu.wait_indirect_dma semaphore(%arg7 : memref<!tpu.dma_semaphore, #tpu.memory_space<semaphore_mem>>) src(%dma_wait3A_114 : memref<10000x32xf32, #tpu.memory_space<hbm>>) dst(%dma_wait3A_108 : memref<128x32xf32, #tpu.memory_space<vmem>>)
      %dma_wait3A_115 = arith.constant 2 : i32
      %dma_wait3A_116 = arith.constant 256 : i32
      %dma_wait3A_117 = arith.constant 0 : i32
      %dma_wait3A_118 = tpu.memref_slice %arg6[%dma_wait3A_116, %dma_wait3A_117] : memref<1024x32xf32, #tpu.memory_space<vmem>> -> memref<128x32xf32, #tpu.memory_space<vmem>>
      %dma_wait3A_119 = arith.constant 0 : i32
      %dma_wait3A_120 = tpu.memref_slice %arg5[%dma_wait3A_115, %dma_wait3A_119] : memref<8x128xi32, #tpu.memory_space<vmem>> -> memref<1x128xi32, #tpu.memory_space<vmem>>
      %dma_wait3A_121 = tpu.memref_squeeze %dma_wait3A_120 : memref<1x128xi32, #tpu.memory_space<vmem>> -> memref<128xi32, #tpu.memory_space<vmem>>
      %dma_wait3A_122 = arith.constant 0 : i32
      %dma_wait3A_123 = arith.constant 0 : i32
      %dma_wait3A_124 = tpu.memref_slice %arg2[%dma_wait3A_122, %dma_wait3A_123] : memref<10000x32xf32, #tpu.memory_space<hbm>> -> memref<10000x32xf32, #tpu.memory_space<hbm>>
      tpu.wait_indirect_dma semaphore(%arg7 : memref<!tpu.dma_semaphore, #tpu.memory_space<semaphore_mem>>) src(%dma_wait3A_124 : memref<10000x32xf32, #tpu.memory_space<hbm>>) dst(%dma_wait3A_118 : memref<128x32xf32, #tpu.memory_space<vmem>>)
      %dma_wait3A_125 = arith.constant 3 : i32
      %dma_wait3A_126 = arith.constant 384 : i32
      %dma_wait3A_127 = arith.constant 0 : i32
      %dma_wait3A_128 = tpu.memref_slice %arg6[%dma_wait3A_126, %dma_wait3A_127] : memref<1024x32xf32, #tpu.memory_space<vmem>> -> memref<128x32xf32, #tpu.memory_space<vmem>>
      %dma_wait3A_129 = arith.constant 0 : i32
      %dma_wait3A_130 = tpu.memref_slice %arg5[%dma_wait3A_125, %dma_wait3A_129] : memref<8x128xi32, #tpu.memory_space<vmem>> -> memref<1x128xi32, #tpu.memory_space<vmem>>
      %dma_wait3A_131 = tpu.memref_squeeze %dma_wait3A_130 : memref<1x128xi32, #tpu.memory_space<vmem>> -> memref<128xi32, #tpu.memory_space<vmem>>
      %dma_wait3A_132 = arith.constant 0 : i32
      %dma_wait3A_133 = arith.constant 0 : i32
      %dma_wait3A_134 = tpu.memref_slice %arg2[%dma_wait3A_132, %dma_wait3A_133] : memref<10000x32xf32, #tpu.memory_space<hbm>> -> memref<10000x32xf32, #tpu.memory_space<hbm>>
      tpu.wait_indirect_dma semaphore(%arg7 : memref<!tpu.dma_semaphore, #tpu.memory_space<semaphore_mem>>) src(%dma_wait3A_134 : memref<10000x32xf32, #tpu.memory_space<hbm>>) dst(%dma_wait3A_128 : memref<128x32xf32, #tpu.memory_space<vmem>>)
      %dma_wait3A_135 = arith.constant 4 : i32
      %dma_wait3A_136 = arith.constant 512 : i32
      %dma_wait3A_137 = arith.constant 0 : i32
      %dma_wait3A_138 = tpu.memref_slice %arg6[%dma_wait3A_136, %dma_wait3A_137] : memref<1024x32xf32, #tpu.memory_space<vmem>> -> memref<128x32xf32, #tpu.memory_space<vmem>>
      %dma_wait3A_139 = arith.constant 0 : i32
      %dma_wait3A_140 = tpu.memref_slice %arg5[%dma_wait3A_135, %dma_wait3A_139] : memref<8x128xi32, #tpu.memory_space<vmem>> -> memref<1x128xi32, #tpu.memory_space<vmem>>
      %dma_wait3A_141 = tpu.memref_squeeze %dma_wait3A_140 : memref<1x128xi32, #tpu.memory_space<vmem>> -> memref<128xi32, #tpu.memory_space<vmem>>
      %dma_wait3A_142 = arith.constant 0 : i32
      %dma_wait3A_143 = arith.constant 0 : i32
      %dma_wait3A_144 = tpu.memref_slice %arg2[%dma_wait3A_142, %dma_wait3A_143] : memref<10000x32xf32, #tpu.memory_space<hbm>> -> memref<10000x32xf32, #tpu.memory_space<hbm>>
      tpu.wait_indirect_dma semaphore(%arg7 : memref<!tpu.dma_semaphore, #tpu.memory_space<semaphore_mem>>) src(%dma_wait3A_144 : memref<10000x32xf32, #tpu.memory_space<hbm>>) dst(%dma_wait3A_138 : memref<128x32xf32, #tpu.memory_space<vmem>>)
      %dma_wait3A_145 = arith.constant 5 : i32
      %dma_wait3A_146 = arith.constant 640 : i32
      %dma_wait3A_147 = arith.constant 0 : i32
      %dma_wait3A_148 = tpu.memref_slice %arg6[%dma_wait3A_146, %dma_wait3A_147] : memref<1024x32xf32, #tpu.memory_space<vmem>> -> memref<128x32xf32, #tpu.memory_space<vmem>>
      %dma_wait3A_149 = arith.constant 0 : i32
      %dma_wait3A_150 = tpu.memref_slice %arg5[%dma_wait3A_145, %dma_wait3A_149] : memref<8x128xi32, #tpu.memory_space<vmem>> -> memref<1x128xi32, #tpu.memory_space<vmem>>
      %dma_wait3A_151 = tpu.memref_squeeze %dma_wait3A_150 : memref<1x128xi32, #tpu.memory_space<vmem>> -> memref<128xi32, #tpu.memory_space<vmem>>
      %dma_wait3A_152 = arith.constant 0 : i32
      %dma_wait3A_153 = arith.constant 0 : i32
      %dma_wait3A_154 = tpu.memref_slice %arg2[%dma_wait3A_152, %dma_wait3A_153] : memref<10000x32xf32, #tpu.memory_space<hbm>> -> memref<10000x32xf32, #tpu.memory_space<hbm>>
      tpu.wait_indirect_dma semaphore(%arg7 : memref<!tpu.dma_semaphore, #tpu.memory_space<semaphore_mem>>) src(%dma_wait3A_154 : memref<10000x32xf32, #tpu.memory_space<hbm>>) dst(%dma_wait3A_148 : memref<128x32xf32, #tpu.memory_space<vmem>>)
      %dma_wait3A_155 = arith.constant 6 : i32
      %dma_wait3A_156 = arith.constant 768 : i32
      %dma_wait3A_157 = arith.constant 0 : i32
      %dma_wait3A_158 = tpu.memref_slice %arg6[%dma_wait3A_156, %dma_wait3A_157] : memref<1024x32xf32, #tpu.memory_space<vmem>> -> memref<128x32xf32, #tpu.memory_space<vmem>>
      %dma_wait3A_159 = arith.constant 0 : i32
      %dma_wait3A_160 = tpu.memref_slice %arg5[%dma_wait3A_155, %dma_wait3A_159] : memref<8x128xi32, #tpu.memory_space<vmem>> -> memref<1x128xi32, #tpu.memory_space<vmem>>
      %dma_wait3A_161 = tpu.memref_squeeze %dma_wait3A_160 : memref<1x128xi32, #tpu.memory_space<vmem>> -> memref<128xi32, #tpu.memory_space<vmem>>
      %dma_wait3A_162 = arith.constant 0 : i32
      %dma_wait3A_163 = arith.constant 0 : i32
      %dma_wait3A_164 = tpu.memref_slice %arg2[%dma_wait3A_162, %dma_wait3A_163] : memref<10000x32xf32, #tpu.memory_space<hbm>> -> memref<10000x32xf32, #tpu.memory_space<hbm>>
      tpu.wait_indirect_dma semaphore(%arg7 : memref<!tpu.dma_semaphore, #tpu.memory_space<semaphore_mem>>) src(%dma_wait3A_164 : memref<10000x32xf32, #tpu.memory_space<hbm>>) dst(%dma_wait3A_158 : memref<128x32xf32, #tpu.memory_space<vmem>>)
      %dma_wait3A_165 = arith.constant 7 : i32
      %dma_wait3A_166 = arith.constant 896 : i32
      %dma_wait3A_167 = arith.constant 0 : i32
      %dma_wait3A_168 = tpu.memref_slice %arg6[%dma_wait3A_166, %dma_wait3A_167] : memref<1024x32xf32, #tpu.memory_space<vmem>> -> memref<128x32xf32, #tpu.memory_space<vmem>>
      %dma_wait3A_169 = arith.constant 0 : i32
      %dma_wait3A_170 = tpu.memref_slice %arg5[%dma_wait3A_165, %dma_wait3A_169] : memref<8x128xi32, #tpu.memory_space<vmem>> -> memref<1x128xi32, #tpu.memory_space<vmem>>
      %dma_wait3A_171 = tpu.memref_squeeze %dma_wait3A_170 : memref<1x128xi32, #tpu.memory_space<vmem>> -> memref<128xi32, #tpu.memory_space<vmem>>
      %dma_wait3A_172 = arith.constant 0 : i32
      %dma_wait3A_173 = arith.constant 0 : i32
      %dma_wait3A_174 = tpu.memref_slice %arg2[%dma_wait3A_172, %dma_wait3A_173] : memref<10000x32xf32, #tpu.memory_space<hbm>> -> memref<10000x32xf32, #tpu.memory_space<hbm>>
      tpu.wait_indirect_dma semaphore(%arg7 : memref<!tpu.dma_semaphore, #tpu.memory_space<semaphore_mem>>) src(%dma_wait3A_174 : memref<10000x32xf32, #tpu.memory_space<hbm>>) dst(%dma_wait3A_168 : memref<128x32xf32, #tpu.memory_space<vmem>>)
      "tpu.region"() ({
        %run_scoped3A = tpu.sem_alloc : memref<!tpu.dma_semaphore, #tpu.memory_space<semaphore_mem>>
        %dma_start3A_175 = arith.constant 0 : i32
        %dma_start3A_176 = tpu.memref_slice %arg4[%add3A_11, %dma_start3A_175] : memref<327680x32xf32, #tpu.memory_space<hbm>> -> memref<1024x32xf32, #tpu.memory_space<hbm>>
        %dma_start3A_177 = arith.constant 0 : i32
        %dma_start3A_178 = tpu.memref_slice %arg4[%add3A_11, %dma_start3A_177] : memref<327680x32xf32, #tpu.memory_space<hbm>> -> memref<1024x32xf32, #tpu.memory_space<hbm>>
        tpu.enqueue_dma source(%arg6 : memref<1024x32xf32, #tpu.memory_space<vmem>>) target(%dma_start3A_178 : memref<1024x32xf32, #tpu.memory_space<hbm>>) target_semaphore(%run_scoped3A : memref<!tpu.dma_semaphore, #tpu.memory_space<semaphore_mem>>)
        %dma_wait3A_179 = arith.constant 0 : i32
        %dma_wait3A_180 = tpu.memref_slice %arg4[%add3A_11, %dma_wait3A_179] : memref<327680x32xf32, #tpu.memory_space<hbm>> -> memref<1024x32xf32, #tpu.memory_space<hbm>>
        %dma_wait3A_181 = arith.constant 0 : i32
        %dma_wait3A_182 = tpu.memref_slice %arg4[%add3A_11, %dma_wait3A_181] : memref<327680x32xf32, #tpu.memory_space<hbm>> -> memref<1024x32xf32, #tpu.memory_space<hbm>>
        tpu.wait_dma2 semaphore(%run_scoped3A : memref<!tpu.dma_semaphore, #tpu.memory_space<semaphore_mem>>) src(%arg6 : memref<1024x32xf32, #tpu.memory_space<vmem>>) dst(%dma_wait3A_182 : memref<1024x32xf32, #tpu.memory_space<hbm>>)
        tpu.yield
      }) : () -> ()
    }
    %scan3A_5 = arith.constant 10 : i32
    return
  }
}

#map = affine_map<(d0, d1) -> (0, 0)>
#map1 = affine_map<(d0, d1) -> (0, 0, 0)>
module attributes {stable_mosaic.version = 14 : i64} {
  func.func @_sc_scatter(%arg0: i32, %arg1: i32, %arg2: memref<327680x32xf32, #tpu.memory_space<hbm>>, %arg3: memref<2560x128xi32, #tpu.memory_space<hbm>>, %arg4: memref<626x32xf32, #tpu.memory_space<hbm>>, %arg5: memref<2x10016x32xf32, #tpu.memory_space<hbm>>, %arg6: memref<8x128xi32, #tpu.memory_space<vmem>>, %arg7: memref<1024x32xf32, #tpu.memory_space<vmem>>, %arg8: memref<10016x32xf32, #tpu.memory_space<vmem_shared>>, %arg9: memref<!tpu.dma_semaphore, #tpu.memory_space<semaphore_mem>>) attributes {dimension_semantics = [#tpu.dimension_semantics<core_parallel>, #tpu.dimension_semantics<subcore_parallel>], iteration_bounds = array<i64: 2, 16>, scalar_prefetch = 0 : i64, scratch_operands = 4 : i64, tpu.core_type = #tpu.core_type<sc_vector_subcore>, window_params = [{transform_indices = #map}, {transform_indices = #map}, {transform_indices = #map}, {transform_indices = #map1}]} {
    %mul3A = arith.constant 2 : i32
    %mul3A_0 = arith.muli %arg1, %mul3A : i32
    %add3A = arith.addi %mul3A_0, %arg0 : i32
    %mul3A_1 = arith.constant 626 : i32
    %mul3A_2 = arith.muli %arg1, %mul3A_1 : i32
    "tpu.region"() ({
      %run_scoped3A = tpu.sem_alloc : memref<!tpu.dma_semaphore, #tpu.memory_space<semaphore_mem>>
      %dma_start3A = arith.constant 0 : i32
      %dma_start3A_13 = tpu.memref_slice %arg8[%mul3A_2, %dma_start3A] : memref<10016x32xf32, #tpu.memory_space<vmem_shared>> -> memref<626x32xf32, #tpu.memory_space<vmem_shared>>
      tpu.enqueue_dma source(%arg4 : memref<626x32xf32, #tpu.memory_space<hbm>>) target(%dma_start3A_13 : memref<626x32xf32, #tpu.memory_space<vmem_shared>>) target_semaphore(%run_scoped3A : memref<!tpu.dma_semaphore, #tpu.memory_space<semaphore_mem>>)
      %dma_wait3A = arith.constant 0 : i32
      %dma_wait3A_14 = tpu.memref_slice %arg8[%mul3A_2, %dma_wait3A] : memref<10016x32xf32, #tpu.memory_space<vmem_shared>> -> memref<626x32xf32, #tpu.memory_space<vmem_shared>>
      tpu.wait_dma2 semaphore(%run_scoped3A : memref<!tpu.dma_semaphore, #tpu.memory_space<semaphore_mem>>) src(%arg4 : memref<626x32xf32, #tpu.memory_space<hbm>>) dst(%dma_wait3A_14 : memref<626x32xf32, #tpu.memory_space<vmem_shared>>)
      tpu.yield
    }) : () -> ()
    %barrier3A = arith.constant 0 : index
    tpu.barrier barrier_id(%barrier3A)
    %scan3A = arith.constant 0 : i32
    %scan3A_3 = arith.constant 0 : i32
    %scan3A_4 = arith.constant 10 : i32
    %scan3A_5 = arith.addi %scan3A_3, %scan3A_4 : i32
    %scan3A_6 = arith.constant 1 : i32
    scf.for %scan3A_13 = %scan3A_3 to %scan3A_5 step %scan3A_6  : i32 {
      %mul3A_14 = arith.constant 10240 : i32
      %mul3A_15 = arith.muli %add3A, %mul3A_14 : i32
      %mul3A_16 = arith.constant 1024 : i32
      %mul3A_17 = arith.muli %scan3A_13, %mul3A_16 : i32
      %add3A_18 = arith.addi %mul3A_15, %mul3A_17 : i32
      %mul3A_19 = arith.constant 80 : i32
      %mul3A_20 = arith.muli %add3A, %mul3A_19 : i32
      %mul3A_21 = arith.constant 8 : i32
      %mul3A_22 = arith.muli %scan3A_13, %mul3A_21 : i32
      %add3A_23 = arith.addi %mul3A_20, %mul3A_22 : i32
      "tpu.region"() ({
        %run_scoped3A_31 = tpu.sem_alloc : memref<!tpu.dma_semaphore, #tpu.memory_space<semaphore_mem>>
        %dma_start3A = arith.constant 0 : i32
        %dma_start3A_32 = tpu.memref_slice %arg3[%add3A_23, %dma_start3A] : memref<2560x128xi32, #tpu.memory_space<hbm>> -> memref<8x128xi32, #tpu.memory_space<hbm>>
        %dma_start3A_33 = arith.constant 0 : i32
        %dma_start3A_34 = tpu.memref_slice %arg3[%add3A_23, %dma_start3A_33] : memref<2560x128xi32, #tpu.memory_space<hbm>> -> memref<8x128xi32, #tpu.memory_space<hbm>>
        tpu.enqueue_dma source(%dma_start3A_34 : memref<8x128xi32, #tpu.memory_space<hbm>>) target(%arg6 : memref<8x128xi32, #tpu.memory_space<vmem>>) target_semaphore(%run_scoped3A_31 : memref<!tpu.dma_semaphore, #tpu.memory_space<semaphore_mem>>)
        %dma_wait3A = arith.constant 0 : i32
        %dma_wait3A_35 = tpu.memref_slice %arg3[%add3A_23, %dma_wait3A] : memref<2560x128xi32, #tpu.memory_space<hbm>> -> memref<8x128xi32, #tpu.memory_space<hbm>>
        %dma_wait3A_36 = arith.constant 0 : i32
        %dma_wait3A_37 = tpu.memref_slice %arg3[%add3A_23, %dma_wait3A_36] : memref<2560x128xi32, #tpu.memory_space<hbm>> -> memref<8x128xi32, #tpu.memory_space<hbm>>
        tpu.wait_dma2 semaphore(%run_scoped3A_31 : memref<!tpu.dma_semaphore, #tpu.memory_space<semaphore_mem>>) src(%dma_wait3A_37 : memref<8x128xi32, #tpu.memory_space<hbm>>) dst(%arg6 : memref<8x128xi32, #tpu.memory_space<vmem>>)
        tpu.yield
      }) : () -> ()
      "tpu.region"() ({
        %run_scoped3A_31 = tpu.sem_alloc : memref<!tpu.dma_semaphore, #tpu.memory_space<semaphore_mem>>
        %dma_start3A = arith.constant 0 : i32
        %dma_start3A_32 = tpu.memref_slice %arg2[%add3A_18, %dma_start3A] : memref<327680x32xf32, #tpu.memory_space<hbm>> -> memref<1024x32xf32, #tpu.memory_space<hbm>>
        %dma_start3A_33 = arith.constant 0 : i32
        %dma_start3A_34 = tpu.memref_slice %arg2[%add3A_18, %dma_start3A_33] : memref<327680x32xf32, #tpu.memory_space<hbm>> -> memref<1024x32xf32, #tpu.memory_space<hbm>>
        tpu.enqueue_dma source(%dma_start3A_34 : memref<1024x32xf32, #tpu.memory_space<hbm>>) target(%arg7 : memref<1024x32xf32, #tpu.memory_space<vmem>>) target_semaphore(%run_scoped3A_31 : memref<!tpu.dma_semaphore, #tpu.memory_space<semaphore_mem>>)
        %dma_wait3A = arith.constant 0 : i32
        %dma_wait3A_35 = tpu.memref_slice %arg2[%add3A_18, %dma_wait3A] : memref<327680x32xf32, #tpu.memory_space<hbm>> -> memref<1024x32xf32, #tpu.memory_space<hbm>>
        %dma_wait3A_36 = arith.constant 0 : i32
        %dma_wait3A_37 = tpu.memref_slice %arg2[%add3A_18, %dma_wait3A_36] : memref<327680x32xf32, #tpu.memory_space<hbm>> -> memref<1024x32xf32, #tpu.memory_space<hbm>>
        tpu.wait_dma2 semaphore(%run_scoped3A_31 : memref<!tpu.dma_semaphore, #tpu.memory_space<semaphore_mem>>) src(%dma_wait3A_37 : memref<1024x32xf32, #tpu.memory_space<hbm>>) dst(%arg7 : memref<1024x32xf32, #tpu.memory_space<vmem>>)
        tpu.yield
      }) : () -> ()
      %run_scoped3A = arith.constant 0 : i32
      "tpu.region"() ({
        %run_scoped3A_31 = tpu.sem_alloc : memref<!tpu.dma_semaphore, #tpu.memory_space<semaphore_mem>>
        %dma_start3A = arith.constant 0 : i32
        %dma_start3A_32 = arith.constant 0 : i32
        %dma_start3A_33 = tpu.memref_slice %arg7[%dma_start3A, %dma_start3A_32] : memref<1024x32xf32, #tpu.memory_space<vmem>> -> memref<128x32xf32, #tpu.memory_space<vmem>>
        %dma_start3A_34 = arith.constant 0 : i32
        %dma_start3A_35 = tpu.memref_slice %arg6[%run_scoped3A, %dma_start3A_34] : memref<8x128xi32, #tpu.memory_space<vmem>> -> memref<1x128xi32, #tpu.memory_space<vmem>>
        %dma_start3A_36 = tpu.memref_squeeze %dma_start3A_35 : memref<1x128xi32, #tpu.memory_space<vmem>> -> memref<128xi32, #tpu.memory_space<vmem>>
        %dma_start3A_37 = arith.constant 0 : i32
        %dma_start3A_38 = arith.constant 0 : i32
        %dma_start3A_39 = tpu.memref_slice %arg8[%dma_start3A_37, %dma_start3A_38] : memref<10016x32xf32, #tpu.memory_space<vmem_shared>> -> memref<10016x32xf32, #tpu.memory_space<vmem_shared>>
        tpu.enqueue_indirect_dma source(%dma_start3A_33 : memref<128x32xf32, #tpu.memory_space<vmem>>) target(%dma_start3A_39 : memref<10016x32xf32, #tpu.memory_space<vmem_shared>>) offsets(%dma_start3A_36 : memref<128xi32, #tpu.memory_space<vmem>>) semaphore(%run_scoped3A_31 : memref<!tpu.dma_semaphore, #tpu.memory_space<semaphore_mem>>) {add = true}
        %dma_wait3A = arith.constant 0 : i32
        %dma_wait3A_40 = arith.constant 0 : i32
        %dma_wait3A_41 = tpu.memref_slice %arg7[%dma_wait3A, %dma_wait3A_40] : memref<1024x32xf32, #tpu.memory_space<vmem>> -> memref<128x32xf32, #tpu.memory_space<vmem>>
        %dma_wait3A_42 = arith.constant 0 : i32
        %dma_wait3A_43 = tpu.memref_slice %arg6[%run_scoped3A, %dma_wait3A_42] : memref<8x128xi32, #tpu.memory_space<vmem>> -> memref<1x128xi32, #tpu.memory_space<vmem>>
        %dma_wait3A_44 = tpu.memref_squeeze %dma_wait3A_43 : memref<1x128xi32, #tpu.memory_space<vmem>> -> memref<128xi32, #tpu.memory_space<vmem>>
        %dma_wait3A_45 = arith.constant 0 : i32
        %dma_wait3A_46 = arith.constant 0 : i32
        %dma_wait3A_47 = tpu.memref_slice %arg8[%dma_wait3A_45, %dma_wait3A_46] : memref<10016x32xf32, #tpu.memory_space<vmem_shared>> -> memref<10016x32xf32, #tpu.memory_space<vmem_shared>>
        tpu.wait_indirect_dma semaphore(%run_scoped3A_31 : memref<!tpu.dma_semaphore, #tpu.memory_space<semaphore_mem>>) src(%dma_wait3A_41 : memref<128x32xf32, #tpu.memory_space<vmem>>) dst(%dma_wait3A_47 : memref<10016x32xf32, #tpu.memory_space<vmem_shared>>)
        tpu.yield
      }) : () -> ()
      %run_scoped3A_24 = arith.constant 1 : i32
      "tpu.region"() ({
        %run_scoped3A_31 = tpu.sem_alloc : memref<!tpu.dma_semaphore, #tpu.memory_space<semaphore_mem>>
        %dma_start3A = arith.constant 128 : i32
        %dma_start3A_32 = arith.constant 0 : i32
        %dma_start3A_33 = tpu.memref_slice %arg7[%dma_start3A, %dma_start3A_32] : memref<1024x32xf32, #tpu.memory_space<vmem>> -> memref<128x32xf32, #tpu.memory_space<vmem>>
        %dma_start3A_34 = arith.constant 0 : i32
        %dma_start3A_35 = tpu.memref_slice %arg6[%run_scoped3A_24, %dma_start3A_34] : memref<8x128xi32, #tpu.memory_space<vmem>> -> memref<1x128xi32, #tpu.memory_space<vmem>>
        %dma_start3A_36 = tpu.memref_squeeze %dma_start3A_35 : memref<1x128xi32, #tpu.memory_space<vmem>> -> memref<128xi32, #tpu.memory_space<vmem>>
        %dma_start3A_37 = arith.constant 0 : i32
        %dma_start3A_38 = arith.constant 0 : i32
        %dma_start3A_39 = tpu.memref_slice %arg8[%dma_start3A_37, %dma_start3A_38] : memref<10016x32xf32, #tpu.memory_space<vmem_shared>> -> memref<10016x32xf32, #tpu.memory_space<vmem_shared>>
        tpu.enqueue_indirect_dma source(%dma_start3A_33 : memref<128x32xf32, #tpu.memory_space<vmem>>) target(%dma_start3A_39 : memref<10016x32xf32, #tpu.memory_space<vmem_shared>>) offsets(%dma_start3A_36 : memref<128xi32, #tpu.memory_space<vmem>>) semaphore(%run_scoped3A_31 : memref<!tpu.dma_semaphore, #tpu.memory_space<semaphore_mem>>) {add = true}
        %dma_wait3A = arith.constant 128 : i32
        %dma_wait3A_40 = arith.constant 0 : i32
        %dma_wait3A_41 = tpu.memref_slice %arg7[%dma_wait3A, %dma_wait3A_40] : memref<1024x32xf32, #tpu.memory_space<vmem>> -> memref<128x32xf32, #tpu.memory_space<vmem>>
        %dma_wait3A_42 = arith.constant 0 : i32
        %dma_wait3A_43 = tpu.memref_slice %arg6[%run_scoped3A_24, %dma_wait3A_42] : memref<8x128xi32, #tpu.memory_space<vmem>> -> memref<1x128xi32, #tpu.memory_space<vmem>>
        %dma_wait3A_44 = tpu.memref_squeeze %dma_wait3A_43 : memref<1x128xi32, #tpu.memory_space<vmem>> -> memref<128xi32, #tpu.memory_space<vmem>>
        %dma_wait3A_45 = arith.constant 0 : i32
        %dma_wait3A_46 = arith.constant 0 : i32
        %dma_wait3A_47 = tpu.memref_slice %arg8[%dma_wait3A_45, %dma_wait3A_46] : memref<10016x32xf32, #tpu.memory_space<vmem_shared>> -> memref<10016x32xf32, #tpu.memory_space<vmem_shared>>
        tpu.wait_indirect_dma semaphore(%run_scoped3A_31 : memref<!tpu.dma_semaphore, #tpu.memory_space<semaphore_mem>>) src(%dma_wait3A_41 : memref<128x32xf32, #tpu.memory_space<vmem>>) dst(%dma_wait3A_47 : memref<10016x32xf32, #tpu.memory_space<vmem_shared>>)
        tpu.yield
      }) : () -> ()
      %run_scoped3A_25 = arith.constant 2 : i32
      "tpu.region"() ({
        %run_scoped3A_31 = tpu.sem_alloc : memref<!tpu.dma_semaphore, #tpu.memory_space<semaphore_mem>>
        %dma_start3A = arith.constant 256 : i32
        %dma_start3A_32 = arith.constant 0 : i32
        %dma_start3A_33 = tpu.memref_slice %arg7[%dma_start3A, %dma_start3A_32] : memref<1024x32xf32, #tpu.memory_space<vmem>> -> memref<128x32xf32, #tpu.memory_space<vmem>>
        %dma_start3A_34 = arith.constant 0 : i32
        %dma_start3A_35 = tpu.memref_slice %arg6[%run_scoped3A_25, %dma_start3A_34] : memref<8x128xi32, #tpu.memory_space<vmem>> -> memref<1x128xi32, #tpu.memory_space<vmem>>
        %dma_start3A_36 = tpu.memref_squeeze %dma_start3A_35 : memref<1x128xi32, #tpu.memory_space<vmem>> -> memref<128xi32, #tpu.memory_space<vmem>>
        %dma_start3A_37 = arith.constant 0 : i32
        %dma_start3A_38 = arith.constant 0 : i32
        %dma_start3A_39 = tpu.memref_slice %arg8[%dma_start3A_37, %dma_start3A_38] : memref<10016x32xf32, #tpu.memory_space<vmem_shared>> -> memref<10016x32xf32, #tpu.memory_space<vmem_shared>>
        tpu.enqueue_indirect_dma source(%dma_start3A_33 : memref<128x32xf32, #tpu.memory_space<vmem>>) target(%dma_start3A_39 : memref<10016x32xf32, #tpu.memory_space<vmem_shared>>) offsets(%dma_start3A_36 : memref<128xi32, #tpu.memory_space<vmem>>) semaphore(%run_scoped3A_31 : memref<!tpu.dma_semaphore, #tpu.memory_space<semaphore_mem>>) {add = true}
        %dma_wait3A = arith.constant 256 : i32
        %dma_wait3A_40 = arith.constant 0 : i32
        %dma_wait3A_41 = tpu.memref_slice %arg7[%dma_wait3A, %dma_wait3A_40] : memref<1024x32xf32, #tpu.memory_space<vmem>> -> memref<128x32xf32, #tpu.memory_space<vmem>>
        %dma_wait3A_42 = arith.constant 0 : i32
        %dma_wait3A_43 = tpu.memref_slice %arg6[%run_scoped3A_25, %dma_wait3A_42] : memref<8x128xi32, #tpu.memory_space<vmem>> -> memref<1x128xi32, #tpu.memory_space<vmem>>
        %dma_wait3A_44 = tpu.memref_squeeze %dma_wait3A_43 : memref<1x128xi32, #tpu.memory_space<vmem>> -> memref<128xi32, #tpu.memory_space<vmem>>
        %dma_wait3A_45 = arith.constant 0 : i32
        %dma_wait3A_46 = arith.constant 0 : i32
        %dma_wait3A_47 = tpu.memref_slice %arg8[%dma_wait3A_45, %dma_wait3A_46] : memref<10016x32xf32, #tpu.memory_space<vmem_shared>> -> memref<10016x32xf32, #tpu.memory_space<vmem_shared>>
        tpu.wait_indirect_dma semaphore(%run_scoped3A_31 : memref<!tpu.dma_semaphore, #tpu.memory_space<semaphore_mem>>) src(%dma_wait3A_41 : memref<128x32xf32, #tpu.memory_space<vmem>>) dst(%dma_wait3A_47 : memref<10016x32xf32, #tpu.memory_space<vmem_shared>>)
        tpu.yield
      }) : () -> ()
      %run_scoped3A_26 = arith.constant 3 : i32
      "tpu.region"() ({
        %run_scoped3A_31 = tpu.sem_alloc : memref<!tpu.dma_semaphore, #tpu.memory_space<semaphore_mem>>
        %dma_start3A = arith.constant 384 : i32
        %dma_start3A_32 = arith.constant 0 : i32
        %dma_start3A_33 = tpu.memref_slice %arg7[%dma_start3A, %dma_start3A_32] : memref<1024x32xf32, #tpu.memory_space<vmem>> -> memref<128x32xf32, #tpu.memory_space<vmem>>
        %dma_start3A_34 = arith.constant 0 : i32
        %dma_start3A_35 = tpu.memref_slice %arg6[%run_scoped3A_26, %dma_start3A_34] : memref<8x128xi32, #tpu.memory_space<vmem>> -> memref<1x128xi32, #tpu.memory_space<vmem>>
        %dma_start3A_36 = tpu.memref_squeeze %dma_start3A_35 : memref<1x128xi32, #tpu.memory_space<vmem>> -> memref<128xi32, #tpu.memory_space<vmem>>
        %dma_start3A_37 = arith.constant 0 : i32
        %dma_start3A_38 = arith.constant 0 : i32
        %dma_start3A_39 = tpu.memref_slice %arg8[%dma_start3A_37, %dma_start3A_38] : memref<10016x32xf32, #tpu.memory_space<vmem_shared>> -> memref<10016x32xf32, #tpu.memory_space<vmem_shared>>
        tpu.enqueue_indirect_dma source(%dma_start3A_33 : memref<128x32xf32, #tpu.memory_space<vmem>>) target(%dma_start3A_39 : memref<10016x32xf32, #tpu.memory_space<vmem_shared>>) offsets(%dma_start3A_36 : memref<128xi32, #tpu.memory_space<vmem>>) semaphore(%run_scoped3A_31 : memref<!tpu.dma_semaphore, #tpu.memory_space<semaphore_mem>>) {add = true}
        %dma_wait3A = arith.constant 384 : i32
        %dma_wait3A_40 = arith.constant 0 : i32
        %dma_wait3A_41 = tpu.memref_slice %arg7[%dma_wait3A, %dma_wait3A_40] : memref<1024x32xf32, #tpu.memory_space<vmem>> -> memref<128x32xf32, #tpu.memory_space<vmem>>
        %dma_wait3A_42 = arith.constant 0 : i32
        %dma_wait3A_43 = tpu.memref_slice %arg6[%run_scoped3A_26, %dma_wait3A_42] : memref<8x128xi32, #tpu.memory_space<vmem>> -> memref<1x128xi32, #tpu.memory_space<vmem>>
        %dma_wait3A_44 = tpu.memref_squeeze %dma_wait3A_43 : memref<1x128xi32, #tpu.memory_space<vmem>> -> memref<128xi32, #tpu.memory_space<vmem>>
        %dma_wait3A_45 = arith.constant 0 : i32
        %dma_wait3A_46 = arith.constant 0 : i32
        %dma_wait3A_47 = tpu.memref_slice %arg8[%dma_wait3A_45, %dma_wait3A_46] : memref<10016x32xf32, #tpu.memory_space<vmem_shared>> -> memref<10016x32xf32, #tpu.memory_space<vmem_shared>>
        tpu.wait_indirect_dma semaphore(%run_scoped3A_31 : memref<!tpu.dma_semaphore, #tpu.memory_space<semaphore_mem>>) src(%dma_wait3A_41 : memref<128x32xf32, #tpu.memory_space<vmem>>) dst(%dma_wait3A_47 : memref<10016x32xf32, #tpu.memory_space<vmem_shared>>)
        tpu.yield
      }) : () -> ()
      %run_scoped3A_27 = arith.constant 4 : i32
      "tpu.region"() ({
        %run_scoped3A_31 = tpu.sem_alloc : memref<!tpu.dma_semaphore, #tpu.memory_space<semaphore_mem>>
        %dma_start3A = arith.constant 512 : i32
        %dma_start3A_32 = arith.constant 0 : i32
        %dma_start3A_33 = tpu.memref_slice %arg7[%dma_start3A, %dma_start3A_32] : memref<1024x32xf32, #tpu.memory_space<vmem>> -> memref<128x32xf32, #tpu.memory_space<vmem>>
        %dma_start3A_34 = arith.constant 0 : i32
        %dma_start3A_35 = tpu.memref_slice %arg6[%run_scoped3A_27, %dma_start3A_34] : memref<8x128xi32, #tpu.memory_space<vmem>> -> memref<1x128xi32, #tpu.memory_space<vmem>>
        %dma_start3A_36 = tpu.memref_squeeze %dma_start3A_35 : memref<1x128xi32, #tpu.memory_space<vmem>> -> memref<128xi32, #tpu.memory_space<vmem>>
        %dma_start3A_37 = arith.constant 0 : i32
        %dma_start3A_38 = arith.constant 0 : i32
        %dma_start3A_39 = tpu.memref_slice %arg8[%dma_start3A_37, %dma_start3A_38] : memref<10016x32xf32, #tpu.memory_space<vmem_shared>> -> memref<10016x32xf32, #tpu.memory_space<vmem_shared>>
        tpu.enqueue_indirect_dma source(%dma_start3A_33 : memref<128x32xf32, #tpu.memory_space<vmem>>) target(%dma_start3A_39 : memref<10016x32xf32, #tpu.memory_space<vmem_shared>>) offsets(%dma_start3A_36 : memref<128xi32, #tpu.memory_space<vmem>>) semaphore(%run_scoped3A_31 : memref<!tpu.dma_semaphore, #tpu.memory_space<semaphore_mem>>) {add = true}
        %dma_wait3A = arith.constant 512 : i32
        %dma_wait3A_40 = arith.constant 0 : i32
        %dma_wait3A_41 = tpu.memref_slice %arg7[%dma_wait3A, %dma_wait3A_40] : memref<1024x32xf32, #tpu.memory_space<vmem>> -> memref<128x32xf32, #tpu.memory_space<vmem>>
        %dma_wait3A_42 = arith.constant 0 : i32
        %dma_wait3A_43 = tpu.memref_slice %arg6[%run_scoped3A_27, %dma_wait3A_42] : memref<8x128xi32, #tpu.memory_space<vmem>> -> memref<1x128xi32, #tpu.memory_space<vmem>>
        %dma_wait3A_44 = tpu.memref_squeeze %dma_wait3A_43 : memref<1x128xi32, #tpu.memory_space<vmem>> -> memref<128xi32, #tpu.memory_space<vmem>>
        %dma_wait3A_45 = arith.constant 0 : i32
        %dma_wait3A_46 = arith.constant 0 : i32
        %dma_wait3A_47 = tpu.memref_slice %arg8[%dma_wait3A_45, %dma_wait3A_46] : memref<10016x32xf32, #tpu.memory_space<vmem_shared>> -> memref<10016x32xf32, #tpu.memory_space<vmem_shared>>
        tpu.wait_indirect_dma semaphore(%run_scoped3A_31 : memref<!tpu.dma_semaphore, #tpu.memory_space<semaphore_mem>>) src(%dma_wait3A_41 : memref<128x32xf32, #tpu.memory_space<vmem>>) dst(%dma_wait3A_47 : memref<10016x32xf32, #tpu.memory_space<vmem_shared>>)
        tpu.yield
      }) : () -> ()
      %run_scoped3A_28 = arith.constant 5 : i32
      "tpu.region"() ({
        %run_scoped3A_31 = tpu.sem_alloc : memref<!tpu.dma_semaphore, #tpu.memory_space<semaphore_mem>>
        %dma_start3A = arith.constant 640 : i32
        %dma_start3A_32 = arith.constant 0 : i32
        %dma_start3A_33 = tpu.memref_slice %arg7[%dma_start3A, %dma_start3A_32] : memref<1024x32xf32, #tpu.memory_space<vmem>> -> memref<128x32xf32, #tpu.memory_space<vmem>>
        %dma_start3A_34 = arith.constant 0 : i32
        %dma_start3A_35 = tpu.memref_slice %arg6[%run_scoped3A_28, %dma_start3A_34] : memref<8x128xi32, #tpu.memory_space<vmem>> -> memref<1x128xi32, #tpu.memory_space<vmem>>
        %dma_start3A_36 = tpu.memref_squeeze %dma_start3A_35 : memref<1x128xi32, #tpu.memory_space<vmem>> -> memref<128xi32, #tpu.memory_space<vmem>>
        %dma_start3A_37 = arith.constant 0 : i32
        %dma_start3A_38 = arith.constant 0 : i32
        %dma_start3A_39 = tpu.memref_slice %arg8[%dma_start3A_37, %dma_start3A_38] : memref<10016x32xf32, #tpu.memory_space<vmem_shared>> -> memref<10016x32xf32, #tpu.memory_space<vmem_shared>>
        tpu.enqueue_indirect_dma source(%dma_start3A_33 : memref<128x32xf32, #tpu.memory_space<vmem>>) target(%dma_start3A_39 : memref<10016x32xf32, #tpu.memory_space<vmem_shared>>) offsets(%dma_start3A_36 : memref<128xi32, #tpu.memory_space<vmem>>) semaphore(%run_scoped3A_31 : memref<!tpu.dma_semaphore, #tpu.memory_space<semaphore_mem>>) {add = true}
        %dma_wait3A = arith.constant 640 : i32
        %dma_wait3A_40 = arith.constant 0 : i32
        %dma_wait3A_41 = tpu.memref_slice %arg7[%dma_wait3A, %dma_wait3A_40] : memref<1024x32xf32, #tpu.memory_space<vmem>> -> memref<128x32xf32, #tpu.memory_space<vmem>>
        %dma_wait3A_42 = arith.constant 0 : i32
        %dma_wait3A_43 = tpu.memref_slice %arg6[%run_scoped3A_28, %dma_wait3A_42] : memref<8x128xi32, #tpu.memory_space<vmem>> -> memref<1x128xi32, #tpu.memory_space<vmem>>
        %dma_wait3A_44 = tpu.memref_squeeze %dma_wait3A_43 : memref<1x128xi32, #tpu.memory_space<vmem>> -> memref<128xi32, #tpu.memory_space<vmem>>
        %dma_wait3A_45 = arith.constant 0 : i32
        %dma_wait3A_46 = arith.constant 0 : i32
        %dma_wait3A_47 = tpu.memref_slice %arg8[%dma_wait3A_45, %dma_wait3A_46] : memref<10016x32xf32, #tpu.memory_space<vmem_shared>> -> memref<10016x32xf32, #tpu.memory_space<vmem_shared>>
        tpu.wait_indirect_dma semaphore(%run_scoped3A_31 : memref<!tpu.dma_semaphore, #tpu.memory_space<semaphore_mem>>) src(%dma_wait3A_41 : memref<128x32xf32, #tpu.memory_space<vmem>>) dst(%dma_wait3A_47 : memref<10016x32xf32, #tpu.memory_space<vmem_shared>>)
        tpu.yield
      }) : () -> ()
      %run_scoped3A_29 = arith.constant 6 : i32
      "tpu.region"() ({
        %run_scoped3A_31 = tpu.sem_alloc : memref<!tpu.dma_semaphore, #tpu.memory_space<semaphore_mem>>
        %dma_start3A = arith.constant 768 : i32
        %dma_start3A_32 = arith.constant 0 : i32
        %dma_start3A_33 = tpu.memref_slice %arg7[%dma_start3A, %dma_start3A_32] : memref<1024x32xf32, #tpu.memory_space<vmem>> -> memref<128x32xf32, #tpu.memory_space<vmem>>
        %dma_start3A_34 = arith.constant 0 : i32
        %dma_start3A_35 = tpu.memref_slice %arg6[%run_scoped3A_29, %dma_start3A_34] : memref<8x128xi32, #tpu.memory_space<vmem>> -> memref<1x128xi32, #tpu.memory_space<vmem>>
        %dma_start3A_36 = tpu.memref_squeeze %dma_start3A_35 : memref<1x128xi32, #tpu.memory_space<vmem>> -> memref<128xi32, #tpu.memory_space<vmem>>
        %dma_start3A_37 = arith.constant 0 : i32
        %dma_start3A_38 = arith.constant 0 : i32
        %dma_start3A_39 = tpu.memref_slice %arg8[%dma_start3A_37, %dma_start3A_38] : memref<10016x32xf32, #tpu.memory_space<vmem_shared>> -> memref<10016x32xf32, #tpu.memory_space<vmem_shared>>
        tpu.enqueue_indirect_dma source(%dma_start3A_33 : memref<128x32xf32, #tpu.memory_space<vmem>>) target(%dma_start3A_39 : memref<10016x32xf32, #tpu.memory_space<vmem_shared>>) offsets(%dma_start3A_36 : memref<128xi32, #tpu.memory_space<vmem>>) semaphore(%run_scoped3A_31 : memref<!tpu.dma_semaphore, #tpu.memory_space<semaphore_mem>>) {add = true}
        %dma_wait3A = arith.constant 768 : i32
        %dma_wait3A_40 = arith.constant 0 : i32
        %dma_wait3A_41 = tpu.memref_slice %arg7[%dma_wait3A, %dma_wait3A_40] : memref<1024x32xf32, #tpu.memory_space<vmem>> -> memref<128x32xf32, #tpu.memory_space<vmem>>
        %dma_wait3A_42 = arith.constant 0 : i32
        %dma_wait3A_43 = tpu.memref_slice %arg6[%run_scoped3A_29, %dma_wait3A_42] : memref<8x128xi32, #tpu.memory_space<vmem>> -> memref<1x128xi32, #tpu.memory_space<vmem>>
        %dma_wait3A_44 = tpu.memref_squeeze %dma_wait3A_43 : memref<1x128xi32, #tpu.memory_space<vmem>> -> memref<128xi32, #tpu.memory_space<vmem>>
        %dma_wait3A_45 = arith.constant 0 : i32
        %dma_wait3A_46 = arith.constant 0 : i32
        %dma_wait3A_47 = tpu.memref_slice %arg8[%dma_wait3A_45, %dma_wait3A_46] : memref<10016x32xf32, #tpu.memory_space<vmem_shared>> -> memref<10016x32xf32, #tpu.memory_space<vmem_shared>>
        tpu.wait_indirect_dma semaphore(%run_scoped3A_31 : memref<!tpu.dma_semaphore, #tpu.memory_space<semaphore_mem>>) src(%dma_wait3A_41 : memref<128x32xf32, #tpu.memory_space<vmem>>) dst(%dma_wait3A_47 : memref<10016x32xf32, #tpu.memory_space<vmem_shared>>)
        tpu.yield
      }) : () -> ()
      %run_scoped3A_30 = arith.constant 7 : i32
      "tpu.region"() ({
        %run_scoped3A_31 = tpu.sem_alloc : memref<!tpu.dma_semaphore, #tpu.memory_space<semaphore_mem>>
        %dma_start3A = arith.constant 896 : i32
        %dma_start3A_32 = arith.constant 0 : i32
        %dma_start3A_33 = tpu.memref_slice %arg7[%dma_start3A, %dma_start3A_32] : memref<1024x32xf32, #tpu.memory_space<vmem>> -> memref<128x32xf32, #tpu.memory_space<vmem>>
        %dma_start3A_34 = arith.constant 0 : i32
        %dma_start3A_35 = tpu.memref_slice %arg6[%run_scoped3A_30, %dma_start3A_34] : memref<8x128xi32, #tpu.memory_space<vmem>> -> memref<1x128xi32, #tpu.memory_space<vmem>>
        %dma_start3A_36 = tpu.memref_squeeze %dma_start3A_35 : memref<1x128xi32, #tpu.memory_space<vmem>> -> memref<128xi32, #tpu.memory_space<vmem>>
        %dma_start3A_37 = arith.constant 0 : i32
        %dma_start3A_38 = arith.constant 0 : i32
        %dma_start3A_39 = tpu.memref_slice %arg8[%dma_start3A_37, %dma_start3A_38] : memref<10016x32xf32, #tpu.memory_space<vmem_shared>> -> memref<10016x32xf32, #tpu.memory_space<vmem_shared>>
        tpu.enqueue_indirect_dma source(%dma_start3A_33 : memref<128x32xf32, #tpu.memory_space<vmem>>) target(%dma_start3A_39 : memref<10016x32xf32, #tpu.memory_space<vmem_shared>>) offsets(%dma_start3A_36 : memref<128xi32, #tpu.memory_space<vmem>>) semaphore(%run_scoped3A_31 : memref<!tpu.dma_semaphore, #tpu.memory_space<semaphore_mem>>) {add = true}
        %dma_wait3A = arith.constant 896 : i32
        %dma_wait3A_40 = arith.constant 0 : i32
        %dma_wait3A_41 = tpu.memref_slice %arg7[%dma_wait3A, %dma_wait3A_40] : memref<1024x32xf32, #tpu.memory_space<vmem>> -> memref<128x32xf32, #tpu.memory_space<vmem>>
        %dma_wait3A_42 = arith.constant 0 : i32
        %dma_wait3A_43 = tpu.memref_slice %arg6[%run_scoped3A_30, %dma_wait3A_42] : memref<8x128xi32, #tpu.memory_space<vmem>> -> memref<1x128xi32, #tpu.memory_space<vmem>>
        %dma_wait3A_44 = tpu.memref_squeeze %dma_wait3A_43 : memref<1x128xi32, #tpu.memory_space<vmem>> -> memref<128xi32, #tpu.memory_space<vmem>>
        %dma_wait3A_45 = arith.constant 0 : i32
        %dma_wait3A_46 = arith.constant 0 : i32
        %dma_wait3A_47 = tpu.memref_slice %arg8[%dma_wait3A_45, %dma_wait3A_46] : memref<10016x32xf32, #tpu.memory_space<vmem_shared>> -> memref<10016x32xf32, #tpu.memory_space<vmem_shared>>
        tpu.wait_indirect_dma semaphore(%run_scoped3A_31 : memref<!tpu.dma_semaphore, #tpu.memory_space<semaphore_mem>>) src(%dma_wait3A_41 : memref<128x32xf32, #tpu.memory_space<vmem>>) dst(%dma_wait3A_47 : memref<10016x32xf32, #tpu.memory_space<vmem_shared>>)
        tpu.yield
      }) : () -> ()
    }
    %scan3A_7 = arith.constant 10 : i32
    %barrier3A_8 = arith.constant 0 : index
    tpu.barrier barrier_id(%barrier3A_8)
    %mul3A_9 = arith.constant 626 : i32
    %mul3A_10 = arith.muli %arg1, %mul3A_9 : i32
    %mul3A_11 = arith.constant 626 : i32
    %mul3A_12 = arith.muli %arg1, %mul3A_11 : i32
    "tpu.region"() ({
      %run_scoped3A = tpu.sem_alloc : memref<!tpu.dma_semaphore, #tpu.memory_space<semaphore_mem>>
      %dma_start3A = arith.constant 0 : i32
      %dma_start3A_13 = tpu.memref_slice %arg5[%arg0, %mul3A_12, %dma_start3A] : memref<2x10016x32xf32, #tpu.memory_space<hbm>> -> memref<1x626x32xf32, #tpu.memory_space<hbm>>
      %dma_start3A_14 = tpu.memref_squeeze %dma_start3A_13 : memref<1x626x32xf32, #tpu.memory_space<hbm>> -> memref<626x32xf32, #tpu.memory_space<hbm>>
      %dma_start3A_15 = arith.constant 0 : i32
      %dma_start3A_16 = tpu.memref_slice %arg8[%mul3A_10, %dma_start3A_15] : memref<10016x32xf32, #tpu.memory_space<vmem_shared>> -> memref<626x32xf32, #tpu.memory_space<vmem_shared>>
      tpu.enqueue_dma source(%dma_start3A_16 : memref<626x32xf32, #tpu.memory_space<vmem_shared>>) target(%dma_start3A_14 : memref<626x32xf32, #tpu.memory_space<hbm>>) target_semaphore(%run_scoped3A : memref<!tpu.dma_semaphore, #tpu.memory_space<semaphore_mem>>)
      %dma_wait3A = arith.constant 0 : i32
      %dma_wait3A_17 = tpu.memref_slice %arg5[%arg0, %mul3A_12, %dma_wait3A] : memref<2x10016x32xf32, #tpu.memory_space<hbm>> -> memref<1x626x32xf32, #tpu.memory_space<hbm>>
      %dma_wait3A_18 = tpu.memref_squeeze %dma_wait3A_17 : memref<1x626x32xf32, #tpu.memory_space<hbm>> -> memref<626x32xf32, #tpu.memory_space<hbm>>
      %dma_wait3A_19 = arith.constant 0 : i32
      %dma_wait3A_20 = tpu.memref_slice %arg8[%mul3A_10, %dma_wait3A_19] : memref<10016x32xf32, #tpu.memory_space<vmem_shared>> -> memref<626x32xf32, #tpu.memory_space<vmem_shared>>
      tpu.wait_dma2 semaphore(%run_scoped3A : memref<!tpu.dma_semaphore, #tpu.memory_space<semaphore_mem>>) src(%dma_wait3A_20 : memref<626x32xf32, #tpu.memory_space<vmem_shared>>) dst(%dma_wait3A_18 : memref<626x32xf32, #tpu.memory_space<hbm>>)
      tpu.yield
    }) : () -> ()
    return
  }
}

#map = affine_map<(d0, d1) -> (0, 0)>
#map1 = affine_map<(d0, d1) -> (0, 0, 0)>
module attributes {stable_mosaic.version = 14 : i64} {
  func.func @_sc_counts(%arg0: i32, %arg1: i32, %arg2: memref<2560x128xi32, #tpu.memory_space<hbm>>, %arg3: memref<626x32xf32, #tpu.memory_space<hbm>>, %arg4: memref<128x32xf32, #tpu.memory_space<hbm>>, %arg5: memref<2x10016x32xf32, #tpu.memory_space<hbm>>, %arg6: memref<8x128xi32, #tpu.memory_space<vmem>>, %arg7: memref<128x32xf32, #tpu.memory_space<vmem>>, %arg8: memref<10016x32xf32, #tpu.memory_space<vmem_shared>>, %arg9: memref<!tpu.dma_semaphore, #tpu.memory_space<semaphore_mem>>) attributes {dimension_semantics = [#tpu.dimension_semantics<core_parallel>, #tpu.dimension_semantics<subcore_parallel>], iteration_bounds = array<i64: 2, 16>, scalar_prefetch = 0 : i64, scratch_operands = 4 : i64, tpu.core_type = #tpu.core_type<sc_vector_subcore>, window_params = [{transform_indices = #map}, {transform_indices = #map}, {transform_indices = #map}, {transform_indices = #map1}]} {
    %mul3A = arith.constant 2 : i32
    %mul3A_0 = arith.muli %arg1, %mul3A : i32
    %add3A = arith.addi %mul3A_0, %arg0 : i32
    "tpu.region"() ({
      %run_scoped3A = tpu.sem_alloc : memref<!tpu.dma_semaphore, #tpu.memory_space<semaphore_mem>>
      tpu.enqueue_dma source(%arg4 : memref<128x32xf32, #tpu.memory_space<hbm>>) target(%arg7 : memref<128x32xf32, #tpu.memory_space<vmem>>) target_semaphore(%run_scoped3A : memref<!tpu.dma_semaphore, #tpu.memory_space<semaphore_mem>>)
      tpu.wait_dma2 semaphore(%run_scoped3A : memref<!tpu.dma_semaphore, #tpu.memory_space<semaphore_mem>>) src(%arg4 : memref<128x32xf32, #tpu.memory_space<hbm>>) dst(%arg7 : memref<128x32xf32, #tpu.memory_space<vmem>>)
      tpu.yield
    }) : () -> ()
    %mul3A_1 = arith.constant 626 : i32
    %mul3A_2 = arith.muli %arg1, %mul3A_1 : i32
    "tpu.region"() ({
      %run_scoped3A = tpu.sem_alloc : memref<!tpu.dma_semaphore, #tpu.memory_space<semaphore_mem>>
      %dma_start3A = arith.constant 0 : i32
      %dma_start3A_13 = tpu.memref_slice %arg8[%mul3A_2, %dma_start3A] : memref<10016x32xf32, #tpu.memory_space<vmem_shared>> -> memref<626x32xf32, #tpu.memory_space<vmem_shared>>
      tpu.enqueue_dma source(%arg3 : memref<626x32xf32, #tpu.memory_space<hbm>>) target(%dma_start3A_13 : memref<626x32xf32, #tpu.memory_space<vmem_shared>>) target_semaphore(%run_scoped3A : memref<!tpu.dma_semaphore, #tpu.memory_space<semaphore_mem>>)
      %dma_wait3A = arith.constant 0 : i32
      %dma_wait3A_14 = tpu.memref_slice %arg8[%mul3A_2, %dma_wait3A] : memref<10016x32xf32, #tpu.memory_space<vmem_shared>> -> memref<626x32xf32, #tpu.memory_space<vmem_shared>>
      tpu.wait_dma2 semaphore(%run_scoped3A : memref<!tpu.dma_semaphore, #tpu.memory_space<semaphore_mem>>) src(%arg3 : memref<626x32xf32, #tpu.memory_space<hbm>>) dst(%dma_wait3A_14 : memref<626x32xf32, #tpu.memory_space<vmem_shared>>)
      tpu.yield
    }) : () -> ()
    %barrier3A = arith.constant 0 : index
    tpu.barrier barrier_id(%barrier3A)
    %scan3A = arith.constant 0 : i32
    %scan3A_3 = arith.constant 0 : i32
    %scan3A_4 = arith.constant 10 : i32
    %scan3A_5 = arith.addi %scan3A_3, %scan3A_4 : i32
    %scan3A_6 = arith.constant 1 : i32
    scf.for %scan3A_13 = %scan3A_3 to %scan3A_5 step %scan3A_6  : i32 {
      %mul3A_14 = arith.constant 80 : i32
      %mul3A_15 = arith.muli %add3A, %mul3A_14 : i32
      %mul3A_16 = arith.constant 8 : i32
      %mul3A_17 = arith.muli %scan3A_13, %mul3A_16 : i32
      %add3A_18 = arith.addi %mul3A_15, %mul3A_17 : i32
      "tpu.region"() ({
        %run_scoped3A_26 = tpu.sem_alloc : memref<!tpu.dma_semaphore, #tpu.memory_space<semaphore_mem>>
        %dma_start3A = arith.constant 0 : i32
        %dma_start3A_27 = tpu.memref_slice %arg2[%add3A_18, %dma_start3A] : memref<2560x128xi32, #tpu.memory_space<hbm>> -> memref<8x128xi32, #tpu.memory_space<hbm>>
        %dma_start3A_28 = arith.constant 0 : i32
        %dma_start3A_29 = tpu.memref_slice %arg2[%add3A_18, %dma_start3A_28] : memref<2560x128xi32, #tpu.memory_space<hbm>> -> memref<8x128xi32, #tpu.memory_space<hbm>>
        tpu.enqueue_dma source(%dma_start3A_29 : memref<8x128xi32, #tpu.memory_space<hbm>>) target(%arg6 : memref<8x128xi32, #tpu.memory_space<vmem>>) target_semaphore(%run_scoped3A_26 : memref<!tpu.dma_semaphore, #tpu.memory_space<semaphore_mem>>)
        %dma_wait3A = arith.constant 0 : i32
        %dma_wait3A_30 = tpu.memref_slice %arg2[%add3A_18, %dma_wait3A] : memref<2560x128xi32, #tpu.memory_space<hbm>> -> memref<8x128xi32, #tpu.memory_space<hbm>>
        %dma_wait3A_31 = arith.constant 0 : i32
        %dma_wait3A_32 = tpu.memref_slice %arg2[%add3A_18, %dma_wait3A_31] : memref<2560x128xi32, #tpu.memory_space<hbm>> -> memref<8x128xi32, #tpu.memory_space<hbm>>
        tpu.wait_dma2 semaphore(%run_scoped3A_26 : memref<!tpu.dma_semaphore, #tpu.memory_space<semaphore_mem>>) src(%dma_wait3A_32 : memref<8x128xi32, #tpu.memory_space<hbm>>) dst(%arg6 : memref<8x128xi32, #tpu.memory_space<vmem>>)
        tpu.yield
      }) : () -> ()
      %run_scoped3A = arith.constant 0 : i32
      "tpu.region"() ({
        %run_scoped3A_26 = tpu.sem_alloc : memref<!tpu.dma_semaphore, #tpu.memory_space<semaphore_mem>>
        %dma_start3A = arith.constant 0 : i32
        %dma_start3A_27 = tpu.memref_slice %arg6[%run_scoped3A, %dma_start3A] : memref<8x128xi32, #tpu.memory_space<vmem>> -> memref<1x128xi32, #tpu.memory_space<vmem>>
        %dma_start3A_28 = tpu.memref_squeeze %dma_start3A_27 : memref<1x128xi32, #tpu.memory_space<vmem>> -> memref<128xi32, #tpu.memory_space<vmem>>
        %dma_start3A_29 = arith.constant 0 : i32
        %dma_start3A_30 = arith.constant 0 : i32
        %dma_start3A_31 = tpu.memref_slice %arg8[%dma_start3A_29, %dma_start3A_30] : memref<10016x32xf32, #tpu.memory_space<vmem_shared>> -> memref<10016x32xf32, #tpu.memory_space<vmem_shared>>
        tpu.enqueue_indirect_dma source(%arg7 : memref<128x32xf32, #tpu.memory_space<vmem>>) target(%dma_start3A_31 : memref<10016x32xf32, #tpu.memory_space<vmem_shared>>) offsets(%dma_start3A_28 : memref<128xi32, #tpu.memory_space<vmem>>) semaphore(%run_scoped3A_26 : memref<!tpu.dma_semaphore, #tpu.memory_space<semaphore_mem>>) {add = true}
        %dma_wait3A = arith.constant 0 : i32
        %dma_wait3A_32 = tpu.memref_slice %arg6[%run_scoped3A, %dma_wait3A] : memref<8x128xi32, #tpu.memory_space<vmem>> -> memref<1x128xi32, #tpu.memory_space<vmem>>
        %dma_wait3A_33 = tpu.memref_squeeze %dma_wait3A_32 : memref<1x128xi32, #tpu.memory_space<vmem>> -> memref<128xi32, #tpu.memory_space<vmem>>
        %dma_wait3A_34 = arith.constant 0 : i32
        %dma_wait3A_35 = arith.constant 0 : i32
        %dma_wait3A_36 = tpu.memref_slice %arg8[%dma_wait3A_34, %dma_wait3A_35] : memref<10016x32xf32, #tpu.memory_space<vmem_shared>> -> memref<10016x32xf32, #tpu.memory_space<vmem_shared>>
        tpu.wait_indirect_dma semaphore(%run_scoped3A_26 : memref<!tpu.dma_semaphore, #tpu.memory_space<semaphore_mem>>) src(%arg7 : memref<128x32xf32, #tpu.memory_space<vmem>>) dst(%dma_wait3A_36 : memref<10016x32xf32, #tpu.memory_space<vmem_shared>>)
        tpu.yield
      }) : () -> ()
      %run_scoped3A_19 = arith.constant 1 : i32
      "tpu.region"() ({
        %run_scoped3A_26 = tpu.sem_alloc : memref<!tpu.dma_semaphore, #tpu.memory_space<semaphore_mem>>
        %dma_start3A = arith.constant 0 : i32
        %dma_start3A_27 = tpu.memref_slice %arg6[%run_scoped3A_19, %dma_start3A] : memref<8x128xi32, #tpu.memory_space<vmem>> -> memref<1x128xi32, #tpu.memory_space<vmem>>
        %dma_start3A_28 = tpu.memref_squeeze %dma_start3A_27 : memref<1x128xi32, #tpu.memory_space<vmem>> -> memref<128xi32, #tpu.memory_space<vmem>>
        %dma_start3A_29 = arith.constant 0 : i32
        %dma_start3A_30 = arith.constant 0 : i32
        %dma_start3A_31 = tpu.memref_slice %arg8[%dma_start3A_29, %dma_start3A_30] : memref<10016x32xf32, #tpu.memory_space<vmem_shared>> -> memref<10016x32xf32, #tpu.memory_space<vmem_shared>>
        tpu.enqueue_indirect_dma source(%arg7 : memref<128x32xf32, #tpu.memory_space<vmem>>) target(%dma_start3A_31 : memref<10016x32xf32, #tpu.memory_space<vmem_shared>>) offsets(%dma_start3A_28 : memref<128xi32, #tpu.memory_space<vmem>>) semaphore(%run_scoped3A_26 : memref<!tpu.dma_semaphore, #tpu.memory_space<semaphore_mem>>) {add = true}
        %dma_wait3A = arith.constant 0 : i32
        %dma_wait3A_32 = tpu.memref_slice %arg6[%run_scoped3A_19, %dma_wait3A] : memref<8x128xi32, #tpu.memory_space<vmem>> -> memref<1x128xi32, #tpu.memory_space<vmem>>
        %dma_wait3A_33 = tpu.memref_squeeze %dma_wait3A_32 : memref<1x128xi32, #tpu.memory_space<vmem>> -> memref<128xi32, #tpu.memory_space<vmem>>
        %dma_wait3A_34 = arith.constant 0 : i32
        %dma_wait3A_35 = arith.constant 0 : i32
        %dma_wait3A_36 = tpu.memref_slice %arg8[%dma_wait3A_34, %dma_wait3A_35] : memref<10016x32xf32, #tpu.memory_space<vmem_shared>> -> memref<10016x32xf32, #tpu.memory_space<vmem_shared>>
        tpu.wait_indirect_dma semaphore(%run_scoped3A_26 : memref<!tpu.dma_semaphore, #tpu.memory_space<semaphore_mem>>) src(%arg7 : memref<128x32xf32, #tpu.memory_space<vmem>>) dst(%dma_wait3A_36 : memref<10016x32xf32, #tpu.memory_space<vmem_shared>>)
        tpu.yield
      }) : () -> ()
      %run_scoped3A_20 = arith.constant 2 : i32
      "tpu.region"() ({
        %run_scoped3A_26 = tpu.sem_alloc : memref<!tpu.dma_semaphore, #tpu.memory_space<semaphore_mem>>
        %dma_start3A = arith.constant 0 : i32
        %dma_start3A_27 = tpu.memref_slice %arg6[%run_scoped3A_20, %dma_start3A] : memref<8x128xi32, #tpu.memory_space<vmem>> -> memref<1x128xi32, #tpu.memory_space<vmem>>
        %dma_start3A_28 = tpu.memref_squeeze %dma_start3A_27 : memref<1x128xi32, #tpu.memory_space<vmem>> -> memref<128xi32, #tpu.memory_space<vmem>>
        %dma_start3A_29 = arith.constant 0 : i32
        %dma_start3A_30 = arith.constant 0 : i32
        %dma_start3A_31 = tpu.memref_slice %arg8[%dma_start3A_29, %dma_start3A_30] : memref<10016x32xf32, #tpu.memory_space<vmem_shared>> -> memref<10016x32xf32, #tpu.memory_space<vmem_shared>>
        tpu.enqueue_indirect_dma source(%arg7 : memref<128x32xf32, #tpu.memory_space<vmem>>) target(%dma_start3A_31 : memref<10016x32xf32, #tpu.memory_space<vmem_shared>>) offsets(%dma_start3A_28 : memref<128xi32, #tpu.memory_space<vmem>>) semaphore(%run_scoped3A_26 : memref<!tpu.dma_semaphore, #tpu.memory_space<semaphore_mem>>) {add = true}
        %dma_wait3A = arith.constant 0 : i32
        %dma_wait3A_32 = tpu.memref_slice %arg6[%run_scoped3A_20, %dma_wait3A] : memref<8x128xi32, #tpu.memory_space<vmem>> -> memref<1x128xi32, #tpu.memory_space<vmem>>
        %dma_wait3A_33 = tpu.memref_squeeze %dma_wait3A_32 : memref<1x128xi32, #tpu.memory_space<vmem>> -> memref<128xi32, #tpu.memory_space<vmem>>
        %dma_wait3A_34 = arith.constant 0 : i32
        %dma_wait3A_35 = arith.constant 0 : i32
        %dma_wait3A_36 = tpu.memref_slice %arg8[%dma_wait3A_34, %dma_wait3A_35] : memref<10016x32xf32, #tpu.memory_space<vmem_shared>> -> memref<10016x32xf32, #tpu.memory_space<vmem_shared>>
        tpu.wait_indirect_dma semaphore(%run_scoped3A_26 : memref<!tpu.dma_semaphore, #tpu.memory_space<semaphore_mem>>) src(%arg7 : memref<128x32xf32, #tpu.memory_space<vmem>>) dst(%dma_wait3A_36 : memref<10016x32xf32, #tpu.memory_space<vmem_shared>>)
        tpu.yield
      }) : () -> ()
      %run_scoped3A_21 = arith.constant 3 : i32
      "tpu.region"() ({
        %run_scoped3A_26 = tpu.sem_alloc : memref<!tpu.dma_semaphore, #tpu.memory_space<semaphore_mem>>
        %dma_start3A = arith.constant 0 : i32
        %dma_start3A_27 = tpu.memref_slice %arg6[%run_scoped3A_21, %dma_start3A] : memref<8x128xi32, #tpu.memory_space<vmem>> -> memref<1x128xi32, #tpu.memory_space<vmem>>
        %dma_start3A_28 = tpu.memref_squeeze %dma_start3A_27 : memref<1x128xi32, #tpu.memory_space<vmem>> -> memref<128xi32, #tpu.memory_space<vmem>>
        %dma_start3A_29 = arith.constant 0 : i32
        %dma_start3A_30 = arith.constant 0 : i32
        %dma_start3A_31 = tpu.memref_slice %arg8[%dma_start3A_29, %dma_start3A_30] : memref<10016x32xf32, #tpu.memory_space<vmem_shared>> -> memref<10016x32xf32, #tpu.memory_space<vmem_shared>>
        tpu.enqueue_indirect_dma source(%arg7 : memref<128x32xf32, #tpu.memory_space<vmem>>) target(%dma_start3A_31 : memref<10016x32xf32, #tpu.memory_space<vmem_shared>>) offsets(%dma_start3A_28 : memref<128xi32, #tpu.memory_space<vmem>>) semaphore(%run_scoped3A_26 : memref<!tpu.dma_semaphore, #tpu.memory_space<semaphore_mem>>) {add = true}
        %dma_wait3A = arith.constant 0 : i32
        %dma_wait3A_32 = tpu.memref_slice %arg6[%run_scoped3A_21, %dma_wait3A] : memref<8x128xi32, #tpu.memory_space<vmem>> -> memref<1x128xi32, #tpu.memory_space<vmem>>
        %dma_wait3A_33 = tpu.memref_squeeze %dma_wait3A_32 : memref<1x128xi32, #tpu.memory_space<vmem>> -> memref<128xi32, #tpu.memory_space<vmem>>
        %dma_wait3A_34 = arith.constant 0 : i32
        %dma_wait3A_35 = arith.constant 0 : i32
        %dma_wait3A_36 = tpu.memref_slice %arg8[%dma_wait3A_34, %dma_wait3A_35] : memref<10016x32xf32, #tpu.memory_space<vmem_shared>> -> memref<10016x32xf32, #tpu.memory_space<vmem_shared>>
        tpu.wait_indirect_dma semaphore(%run_scoped3A_26 : memref<!tpu.dma_semaphore, #tpu.memory_space<semaphore_mem>>) src(%arg7 : memref<128x32xf32, #tpu.memory_space<vmem>>) dst(%dma_wait3A_36 : memref<10016x32xf32, #tpu.memory_space<vmem_shared>>)
        tpu.yield
      }) : () -> ()
      %run_scoped3A_22 = arith.constant 4 : i32
      "tpu.region"() ({
        %run_scoped3A_26 = tpu.sem_alloc : memref<!tpu.dma_semaphore, #tpu.memory_space<semaphore_mem>>
        %dma_start3A = arith.constant 0 : i32
        %dma_start3A_27 = tpu.memref_slice %arg6[%run_scoped3A_22, %dma_start3A] : memref<8x128xi32, #tpu.memory_space<vmem>> -> memref<1x128xi32, #tpu.memory_space<vmem>>
        %dma_start3A_28 = tpu.memref_squeeze %dma_start3A_27 : memref<1x128xi32, #tpu.memory_space<vmem>> -> memref<128xi32, #tpu.memory_space<vmem>>
        %dma_start3A_29 = arith.constant 0 : i32
        %dma_start3A_30 = arith.constant 0 : i32
        %dma_start3A_31 = tpu.memref_slice %arg8[%dma_start3A_29, %dma_start3A_30] : memref<10016x32xf32, #tpu.memory_space<vmem_shared>> -> memref<10016x32xf32, #tpu.memory_space<vmem_shared>>
        tpu.enqueue_indirect_dma source(%arg7 : memref<128x32xf32, #tpu.memory_space<vmem>>) target(%dma_start3A_31 : memref<10016x32xf32, #tpu.memory_space<vmem_shared>>) offsets(%dma_start3A_28 : memref<128xi32, #tpu.memory_space<vmem>>) semaphore(%run_scoped3A_26 : memref<!tpu.dma_semaphore, #tpu.memory_space<semaphore_mem>>) {add = true}
        %dma_wait3A = arith.constant 0 : i32
        %dma_wait3A_32 = tpu.memref_slice %arg6[%run_scoped3A_22, %dma_wait3A] : memref<8x128xi32, #tpu.memory_space<vmem>> -> memref<1x128xi32, #tpu.memory_space<vmem>>
        %dma_wait3A_33 = tpu.memref_squeeze %dma_wait3A_32 : memref<1x128xi32, #tpu.memory_space<vmem>> -> memref<128xi32, #tpu.memory_space<vmem>>
        %dma_wait3A_34 = arith.constant 0 : i32
        %dma_wait3A_35 = arith.constant 0 : i32
        %dma_wait3A_36 = tpu.memref_slice %arg8[%dma_wait3A_34, %dma_wait3A_35] : memref<10016x32xf32, #tpu.memory_space<vmem_shared>> -> memref<10016x32xf32, #tpu.memory_space<vmem_shared>>
        tpu.wait_indirect_dma semaphore(%run_scoped3A_26 : memref<!tpu.dma_semaphore, #tpu.memory_space<semaphore_mem>>) src(%arg7 : memref<128x32xf32, #tpu.memory_space<vmem>>) dst(%dma_wait3A_36 : memref<10016x32xf32, #tpu.memory_space<vmem_shared>>)
        tpu.yield
      }) : () -> ()
      %run_scoped3A_23 = arith.constant 5 : i32
      "tpu.region"() ({
        %run_scoped3A_26 = tpu.sem_alloc : memref<!tpu.dma_semaphore, #tpu.memory_space<semaphore_mem>>
        %dma_start3A = arith.constant 0 : i32
        %dma_start3A_27 = tpu.memref_slice %arg6[%run_scoped3A_23, %dma_start3A] : memref<8x128xi32, #tpu.memory_space<vmem>> -> memref<1x128xi32, #tpu.memory_space<vmem>>
        %dma_start3A_28 = tpu.memref_squeeze %dma_start3A_27 : memref<1x128xi32, #tpu.memory_space<vmem>> -> memref<128xi32, #tpu.memory_space<vmem>>
        %dma_start3A_29 = arith.constant 0 : i32
        %dma_start3A_30 = arith.constant 0 : i32
        %dma_start3A_31 = tpu.memref_slice %arg8[%dma_start3A_29, %dma_start3A_30] : memref<10016x32xf32, #tpu.memory_space<vmem_shared>> -> memref<10016x32xf32, #tpu.memory_space<vmem_shared>>
        tpu.enqueue_indirect_dma source(%arg7 : memref<128x32xf32, #tpu.memory_space<vmem>>) target(%dma_start3A_31 : memref<10016x32xf32, #tpu.memory_space<vmem_shared>>) offsets(%dma_start3A_28 : memref<128xi32, #tpu.memory_space<vmem>>) semaphore(%run_scoped3A_26 : memref<!tpu.dma_semaphore, #tpu.memory_space<semaphore_mem>>) {add = true}
        %dma_wait3A = arith.constant 0 : i32
        %dma_wait3A_32 = tpu.memref_slice %arg6[%run_scoped3A_23, %dma_wait3A] : memref<8x128xi32, #tpu.memory_space<vmem>> -> memref<1x128xi32, #tpu.memory_space<vmem>>
        %dma_wait3A_33 = tpu.memref_squeeze %dma_wait3A_32 : memref<1x128xi32, #tpu.memory_space<vmem>> -> memref<128xi32, #tpu.memory_space<vmem>>
        %dma_wait3A_34 = arith.constant 0 : i32
        %dma_wait3A_35 = arith.constant 0 : i32
        %dma_wait3A_36 = tpu.memref_slice %arg8[%dma_wait3A_34, %dma_wait3A_35] : memref<10016x32xf32, #tpu.memory_space<vmem_shared>> -> memref<10016x32xf32, #tpu.memory_space<vmem_shared>>
        tpu.wait_indirect_dma semaphore(%run_scoped3A_26 : memref<!tpu.dma_semaphore, #tpu.memory_space<semaphore_mem>>) src(%arg7 : memref<128x32xf32, #tpu.memory_space<vmem>>) dst(%dma_wait3A_36 : memref<10016x32xf32, #tpu.memory_space<vmem_shared>>)
        tpu.yield
      }) : () -> ()
      %run_scoped3A_24 = arith.constant 6 : i32
      "tpu.region"() ({
        %run_scoped3A_26 = tpu.sem_alloc : memref<!tpu.dma_semaphore, #tpu.memory_space<semaphore_mem>>
        %dma_start3A = arith.constant 0 : i32
        %dma_start3A_27 = tpu.memref_slice %arg6[%run_scoped3A_24, %dma_start3A] : memref<8x128xi32, #tpu.memory_space<vmem>> -> memref<1x128xi32, #tpu.memory_space<vmem>>
        %dma_start3A_28 = tpu.memref_squeeze %dma_start3A_27 : memref<1x128xi32, #tpu.memory_space<vmem>> -> memref<128xi32, #tpu.memory_space<vmem>>
        %dma_start3A_29 = arith.constant 0 : i32
        %dma_start3A_30 = arith.constant 0 : i32
        %dma_start3A_31 = tpu.memref_slice %arg8[%dma_start3A_29, %dma_start3A_30] : memref<10016x32xf32, #tpu.memory_space<vmem_shared>> -> memref<10016x32xf32, #tpu.memory_space<vmem_shared>>
        tpu.enqueue_indirect_dma source(%arg7 : memref<128x32xf32, #tpu.memory_space<vmem>>) target(%dma_start3A_31 : memref<10016x32xf32, #tpu.memory_space<vmem_shared>>) offsets(%dma_start3A_28 : memref<128xi32, #tpu.memory_space<vmem>>) semaphore(%run_scoped3A_26 : memref<!tpu.dma_semaphore, #tpu.memory_space<semaphore_mem>>) {add = true}
        %dma_wait3A = arith.constant 0 : i32
        %dma_wait3A_32 = tpu.memref_slice %arg6[%run_scoped3A_24, %dma_wait3A] : memref<8x128xi32, #tpu.memory_space<vmem>> -> memref<1x128xi32, #tpu.memory_space<vmem>>
        %dma_wait3A_33 = tpu.memref_squeeze %dma_wait3A_32 : memref<1x128xi32, #tpu.memory_space<vmem>> -> memref<128xi32, #tpu.memory_space<vmem>>
        %dma_wait3A_34 = arith.constant 0 : i32
        %dma_wait3A_35 = arith.constant 0 : i32
        %dma_wait3A_36 = tpu.memref_slice %arg8[%dma_wait3A_34, %dma_wait3A_35] : memref<10016x32xf32, #tpu.memory_space<vmem_shared>> -> memref<10016x32xf32, #tpu.memory_space<vmem_shared>>
        tpu.wait_indirect_dma semaphore(%run_scoped3A_26 : memref<!tpu.dma_semaphore, #tpu.memory_space<semaphore_mem>>) src(%arg7 : memref<128x32xf32, #tpu.memory_space<vmem>>) dst(%dma_wait3A_36 : memref<10016x32xf32, #tpu.memory_space<vmem_shared>>)
        tpu.yield
      }) : () -> ()
      %run_scoped3A_25 = arith.constant 7 : i32
      "tpu.region"() ({
        %run_scoped3A_26 = tpu.sem_alloc : memref<!tpu.dma_semaphore, #tpu.memory_space<semaphore_mem>>
        %dma_start3A = arith.constant 0 : i32
        %dma_start3A_27 = tpu.memref_slice %arg6[%run_scoped3A_25, %dma_start3A] : memref<8x128xi32, #tpu.memory_space<vmem>> -> memref<1x128xi32, #tpu.memory_space<vmem>>
        %dma_start3A_28 = tpu.memref_squeeze %dma_start3A_27 : memref<1x128xi32, #tpu.memory_space<vmem>> -> memref<128xi32, #tpu.memory_space<vmem>>
        %dma_start3A_29 = arith.constant 0 : i32
        %dma_start3A_30 = arith.constant 0 : i32
        %dma_start3A_31 = tpu.memref_slice %arg8[%dma_start3A_29, %dma_start3A_30] : memref<10016x32xf32, #tpu.memory_space<vmem_shared>> -> memref<10016x32xf32, #tpu.memory_space<vmem_shared>>
        tpu.enqueue_indirect_dma source(%arg7 : memref<128x32xf32, #tpu.memory_space<vmem>>) target(%dma_start3A_31 : memref<10016x32xf32, #tpu.memory_space<vmem_shared>>) offsets(%dma_start3A_28 : memref<128xi32, #tpu.memory_space<vmem>>) semaphore(%run_scoped3A_26 : memref<!tpu.dma_semaphore, #tpu.memory_space<semaphore_mem>>) {add = true}
        %dma_wait3A = arith.constant 0 : i32
        %dma_wait3A_32 = tpu.memref_slice %arg6[%run_scoped3A_25, %dma_wait3A] : memref<8x128xi32, #tpu.memory_space<vmem>> -> memref<1x128xi32, #tpu.memory_space<vmem>>
        %dma_wait3A_33 = tpu.memref_squeeze %dma_wait3A_32 : memref<1x128xi32, #tpu.memory_space<vmem>> -> memref<128xi32, #tpu.memory_space<vmem>>
        %dma_wait3A_34 = arith.constant 0 : i32
        %dma_wait3A_35 = arith.constant 0 : i32
        %dma_wait3A_36 = tpu.memref_slice %arg8[%dma_wait3A_34, %dma_wait3A_35] : memref<10016x32xf32, #tpu.memory_space<vmem_shared>> -> memref<10016x32xf32, #tpu.memory_space<vmem_shared>>
        tpu.wait_indirect_dma semaphore(%run_scoped3A_26 : memref<!tpu.dma_semaphore, #tpu.memory_space<semaphore_mem>>) src(%arg7 : memref<128x32xf32, #tpu.memory_space<vmem>>) dst(%dma_wait3A_36 : memref<10016x32xf32, #tpu.memory_space<vmem_shared>>)
        tpu.yield
      }) : () -> ()
    }
    %scan3A_7 = arith.constant 10 : i32
    %barrier3A_8 = arith.constant 0 : index
    tpu.barrier barrier_id(%barrier3A_8)
    %mul3A_9 = arith.constant 626 : i32
    %mul3A_10 = arith.muli %arg1, %mul3A_9 : i32
    %mul3A_11 = arith.constant 626 : i32
    %mul3A_12 = arith.muli %arg1, %mul3A_11 : i32
    "tpu.region"() ({
      %run_scoped3A = tpu.sem_alloc : memref<!tpu.dma_semaphore, #tpu.memory_space<semaphore_mem>>
      %dma_start3A = arith.constant 0 : i32
      %dma_start3A_13 = tpu.memref_slice %arg5[%arg0, %mul3A_12, %dma_start3A] : memref<2x10016x32xf32, #tpu.memory_space<hbm>> -> memref<1x626x32xf32, #tpu.memory_space<hbm>>
      %dma_start3A_14 = tpu.memref_squeeze %dma_start3A_13 : memref<1x626x32xf32, #tpu.memory_space<hbm>> -> memref<626x32xf32, #tpu.memory_space<hbm>>
      %dma_start3A_15 = arith.constant 0 : i32
      %dma_start3A_16 = tpu.memref_slice %arg8[%mul3A_10, %dma_start3A_15] : memref<10016x32xf32, #tpu.memory_space<vmem_shared>> -> memref<626x32xf32, #tpu.memory_space<vmem_shared>>
      tpu.enqueue_dma source(%dma_start3A_16 : memref<626x32xf32, #tpu.memory_space<vmem_shared>>) target(%dma_start3A_14 : memref<626x32xf32, #tpu.memory_space<hbm>>) target_semaphore(%run_scoped3A : memref<!tpu.dma_semaphore, #tpu.memory_space<semaphore_mem>>)
      %dma_wait3A = arith.constant 0 : i32
      %dma_wait3A_17 = tpu.memref_slice %arg5[%arg0, %mul3A_12, %dma_wait3A] : memref<2x10016x32xf32, #tpu.memory_space<hbm>> -> memref<1x626x32xf32, #tpu.memory_space<hbm>>
      %dma_wait3A_18 = tpu.memref_squeeze %dma_wait3A_17 : memref<1x626x32xf32, #tpu.memory_space<hbm>> -> memref<626x32xf32, #tpu.memory_space<hbm>>
      %dma_wait3A_19 = arith.constant 0 : i32
      %dma_wait3A_20 = tpu.memref_slice %arg8[%mul3A_10, %dma_wait3A_19] : memref<10016x32xf32, #tpu.memory_space<vmem_shared>> -> memref<626x32xf32, #tpu.memory_space<vmem_shared>>
      tpu.wait_dma2 semaphore(%run_scoped3A : memref<!tpu.dma_semaphore, #tpu.memory_space<semaphore_mem>>) src(%dma_wait3A_20 : memref<626x32xf32, #tpu.memory_space<vmem_shared>>) dst(%dma_wait3A_18 : memref<626x32xf32, #tpu.memory_space<hbm>>)
      tpu.yield
    }) : () -> ()
    return
  }
}

#map = affine_map<(d0, d1) -> (0, 0)>
#map1 = affine_map<(d0, d1) -> (0, 0, 0)>
module attributes {stable_mosaic.version = 14 : i64} {
  func.func @_sc_scatter(%arg0: i32, %arg1: i32, %arg2: memref<327680x32xf32, #tpu.memory_space<hbm>>, %arg3: memref<2560x128xi32, #tpu.memory_space<hbm>>, %arg4: memref<626x32xf32, #tpu.memory_space<hbm>>, %arg5: memref<2x10016x32xf32, #tpu.memory_space<hbm>>, %arg6: memref<8x128xi32, #tpu.memory_space<vmem>>, %arg7: memref<1024x32xf32, #tpu.memory_space<vmem>>, %arg8: memref<10016x32xf32, #tpu.memory_space<vmem_shared>>, %arg9: memref<!tpu.dma_semaphore, #tpu.memory_space<semaphore_mem>>) attributes {dimension_semantics = [#tpu.dimension_semantics<core_parallel>, #tpu.dimension_semantics<subcore_parallel>], iteration_bounds = array<i64: 2, 16>, scalar_prefetch = 0 : i64, scratch_operands = 4 : i64, tpu.core_type = #tpu.core_type<sc_vector_subcore>, window_params = [{transform_indices = #map}, {transform_indices = #map}, {transform_indices = #map}, {transform_indices = #map1}]} {
    %mul3A = arith.constant 2 : i32
    %mul3A_0 = arith.muli %arg1, %mul3A : i32
    %add3A = arith.addi %mul3A_0, %arg0 : i32
    %mul3A_1 = arith.constant 626 : i32
    %mul3A_2 = arith.muli %arg1, %mul3A_1 : i32
    "tpu.region"() ({
      %run_scoped3A = tpu.sem_alloc : memref<!tpu.dma_semaphore, #tpu.memory_space<semaphore_mem>>
      %dma_start3A = arith.constant 0 : i32
      %dma_start3A_13 = tpu.memref_slice %arg8[%mul3A_2, %dma_start3A] : memref<10016x32xf32, #tpu.memory_space<vmem_shared>> -> memref<626x32xf32, #tpu.memory_space<vmem_shared>>
      tpu.enqueue_dma source(%arg4 : memref<626x32xf32, #tpu.memory_space<hbm>>) target(%dma_start3A_13 : memref<626x32xf32, #tpu.memory_space<vmem_shared>>) target_semaphore(%run_scoped3A : memref<!tpu.dma_semaphore, #tpu.memory_space<semaphore_mem>>)
      %dma_wait3A = arith.constant 0 : i32
      %dma_wait3A_14 = tpu.memref_slice %arg8[%mul3A_2, %dma_wait3A] : memref<10016x32xf32, #tpu.memory_space<vmem_shared>> -> memref<626x32xf32, #tpu.memory_space<vmem_shared>>
      tpu.wait_dma2 semaphore(%run_scoped3A : memref<!tpu.dma_semaphore, #tpu.memory_space<semaphore_mem>>) src(%arg4 : memref<626x32xf32, #tpu.memory_space<hbm>>) dst(%dma_wait3A_14 : memref<626x32xf32, #tpu.memory_space<vmem_shared>>)
      tpu.yield
    }) : () -> ()
    %barrier3A = arith.constant 0 : index
    tpu.barrier barrier_id(%barrier3A)
    %scan3A = arith.constant 0 : i32
    %scan3A_3 = arith.constant 0 : i32
    %scan3A_4 = arith.constant 10 : i32
    %scan3A_5 = arith.addi %scan3A_3, %scan3A_4 : i32
    %scan3A_6 = arith.constant 1 : i32
    scf.for %scan3A_13 = %scan3A_3 to %scan3A_5 step %scan3A_6  : i32 {
      %mul3A_14 = arith.constant 10240 : i32
      %mul3A_15 = arith.muli %add3A, %mul3A_14 : i32
      %mul3A_16 = arith.constant 1024 : i32
      %mul3A_17 = arith.muli %scan3A_13, %mul3A_16 : i32
      %add3A_18 = arith.addi %mul3A_15, %mul3A_17 : i32
      %mul3A_19 = arith.constant 80 : i32
      %mul3A_20 = arith.muli %add3A, %mul3A_19 : i32
      %mul3A_21 = arith.constant 8 : i32
      %mul3A_22 = arith.muli %scan3A_13, %mul3A_21 : i32
      %add3A_23 = arith.addi %mul3A_20, %mul3A_22 : i32
      "tpu.region"() ({
        %run_scoped3A_31 = tpu.sem_alloc : memref<!tpu.dma_semaphore, #tpu.memory_space<semaphore_mem>>
        %dma_start3A = arith.constant 0 : i32
        %dma_start3A_32 = tpu.memref_slice %arg3[%add3A_23, %dma_start3A] : memref<2560x128xi32, #tpu.memory_space<hbm>> -> memref<8x128xi32, #tpu.memory_space<hbm>>
        %dma_start3A_33 = arith.constant 0 : i32
        %dma_start3A_34 = tpu.memref_slice %arg3[%add3A_23, %dma_start3A_33] : memref<2560x128xi32, #tpu.memory_space<hbm>> -> memref<8x128xi32, #tpu.memory_space<hbm>>
        tpu.enqueue_dma source(%dma_start3A_34 : memref<8x128xi32, #tpu.memory_space<hbm>>) target(%arg6 : memref<8x128xi32, #tpu.memory_space<vmem>>) target_semaphore(%run_scoped3A_31 : memref<!tpu.dma_semaphore, #tpu.memory_space<semaphore_mem>>)
        %dma_wait3A = arith.constant 0 : i32
        %dma_wait3A_35 = tpu.memref_slice %arg3[%add3A_23, %dma_wait3A] : memref<2560x128xi32, #tpu.memory_space<hbm>> -> memref<8x128xi32, #tpu.memory_space<hbm>>
        %dma_wait3A_36 = arith.constant 0 : i32
        %dma_wait3A_37 = tpu.memref_slice %arg3[%add3A_23, %dma_wait3A_36] : memref<2560x128xi32, #tpu.memory_space<hbm>> -> memref<8x128xi32, #tpu.memory_space<hbm>>
        tpu.wait_dma2 semaphore(%run_scoped3A_31 : memref<!tpu.dma_semaphore, #tpu.memory_space<semaphore_mem>>) src(%dma_wait3A_37 : memref<8x128xi32, #tpu.memory_space<hbm>>) dst(%arg6 : memref<8x128xi32, #tpu.memory_space<vmem>>)
        tpu.yield
      }) : () -> ()
      "tpu.region"() ({
        %run_scoped3A_31 = tpu.sem_alloc : memref<!tpu.dma_semaphore, #tpu.memory_space<semaphore_mem>>
        %dma_start3A = arith.constant 0 : i32
        %dma_start3A_32 = tpu.memref_slice %arg2[%add3A_18, %dma_start3A] : memref<327680x32xf32, #tpu.memory_space<hbm>> -> memref<1024x32xf32, #tpu.memory_space<hbm>>
        %dma_start3A_33 = arith.constant 0 : i32
        %dma_start3A_34 = tpu.memref_slice %arg2[%add3A_18, %dma_start3A_33] : memref<327680x32xf32, #tpu.memory_space<hbm>> -> memref<1024x32xf32, #tpu.memory_space<hbm>>
        tpu.enqueue_dma source(%dma_start3A_34 : memref<1024x32xf32, #tpu.memory_space<hbm>>) target(%arg7 : memref<1024x32xf32, #tpu.memory_space<vmem>>) target_semaphore(%run_scoped3A_31 : memref<!tpu.dma_semaphore, #tpu.memory_space<semaphore_mem>>)
        %dma_wait3A = arith.constant 0 : i32
        %dma_wait3A_35 = tpu.memref_slice %arg2[%add3A_18, %dma_wait3A] : memref<327680x32xf32, #tpu.memory_space<hbm>> -> memref<1024x32xf32, #tpu.memory_space<hbm>>
        %dma_wait3A_36 = arith.constant 0 : i32
        %dma_wait3A_37 = tpu.memref_slice %arg2[%add3A_18, %dma_wait3A_36] : memref<327680x32xf32, #tpu.memory_space<hbm>> -> memref<1024x32xf32, #tpu.memory_space<hbm>>
        tpu.wait_dma2 semaphore(%run_scoped3A_31 : memref<!tpu.dma_semaphore, #tpu.memory_space<semaphore_mem>>) src(%dma_wait3A_37 : memref<1024x32xf32, #tpu.memory_space<hbm>>) dst(%arg7 : memref<1024x32xf32, #tpu.memory_space<vmem>>)
        tpu.yield
      }) : () -> ()
      %run_scoped3A = arith.constant 0 : i32
      "tpu.region"() ({
        %run_scoped3A_31 = tpu.sem_alloc : memref<!tpu.dma_semaphore, #tpu.memory_space<semaphore_mem>>
        %dma_start3A = arith.constant 0 : i32
        %dma_start3A_32 = arith.constant 0 : i32
        %dma_start3A_33 = tpu.memref_slice %arg7[%dma_start3A, %dma_start3A_32] : memref<1024x32xf32, #tpu.memory_space<vmem>> -> memref<128x32xf32, #tpu.memory_space<vmem>>
        %dma_start3A_34 = arith.constant 0 : i32
        %dma_start3A_35 = tpu.memref_slice %arg6[%run_scoped3A, %dma_start3A_34] : memref<8x128xi32, #tpu.memory_space<vmem>> -> memref<1x128xi32, #tpu.memory_space<vmem>>
        %dma_start3A_36 = tpu.memref_squeeze %dma_start3A_35 : memref<1x128xi32, #tpu.memory_space<vmem>> -> memref<128xi32, #tpu.memory_space<vmem>>
        %dma_start3A_37 = arith.constant 0 : i32
        %dma_start3A_38 = arith.constant 0 : i32
        %dma_start3A_39 = tpu.memref_slice %arg8[%dma_start3A_37, %dma_start3A_38] : memref<10016x32xf32, #tpu.memory_space<vmem_shared>> -> memref<10016x32xf32, #tpu.memory_space<vmem_shared>>
        tpu.enqueue_indirect_dma source(%dma_start3A_33 : memref<128x32xf32, #tpu.memory_space<vmem>>) target(%dma_start3A_39 : memref<10016x32xf32, #tpu.memory_space<vmem_shared>>) offsets(%dma_start3A_36 : memref<128xi32, #tpu.memory_space<vmem>>) semaphore(%run_scoped3A_31 : memref<!tpu.dma_semaphore, #tpu.memory_space<semaphore_mem>>) {add = true}
        %dma_wait3A = arith.constant 0 : i32
        %dma_wait3A_40 = arith.constant 0 : i32
        %dma_wait3A_41 = tpu.memref_slice %arg7[%dma_wait3A, %dma_wait3A_40] : memref<1024x32xf32, #tpu.memory_space<vmem>> -> memref<128x32xf32, #tpu.memory_space<vmem>>
        %dma_wait3A_42 = arith.constant 0 : i32
        %dma_wait3A_43 = tpu.memref_slice %arg6[%run_scoped3A, %dma_wait3A_42] : memref<8x128xi32, #tpu.memory_space<vmem>> -> memref<1x128xi32, #tpu.memory_space<vmem>>
        %dma_wait3A_44 = tpu.memref_squeeze %dma_wait3A_43 : memref<1x128xi32, #tpu.memory_space<vmem>> -> memref<128xi32, #tpu.memory_space<vmem>>
        %dma_wait3A_45 = arith.constant 0 : i32
        %dma_wait3A_46 = arith.constant 0 : i32
        %dma_wait3A_47 = tpu.memref_slice %arg8[%dma_wait3A_45, %dma_wait3A_46] : memref<10016x32xf32, #tpu.memory_space<vmem_shared>> -> memref<10016x32xf32, #tpu.memory_space<vmem_shared>>
        tpu.wait_indirect_dma semaphore(%run_scoped3A_31 : memref<!tpu.dma_semaphore, #tpu.memory_space<semaphore_mem>>) src(%dma_wait3A_41 : memref<128x32xf32, #tpu.memory_space<vmem>>) dst(%dma_wait3A_47 : memref<10016x32xf32, #tpu.memory_space<vmem_shared>>)
        tpu.yield
      }) : () -> ()
      %run_scoped3A_24 = arith.constant 1 : i32
      "tpu.region"() ({
        %run_scoped3A_31 = tpu.sem_alloc : memref<!tpu.dma_semaphore, #tpu.memory_space<semaphore_mem>>
        %dma_start3A = arith.constant 128 : i32
        %dma_start3A_32 = arith.constant 0 : i32
        %dma_start3A_33 = tpu.memref_slice %arg7[%dma_start3A, %dma_start3A_32] : memref<1024x32xf32, #tpu.memory_space<vmem>> -> memref<128x32xf32, #tpu.memory_space<vmem>>
        %dma_start3A_34 = arith.constant 0 : i32
        %dma_start3A_35 = tpu.memref_slice %arg6[%run_scoped3A_24, %dma_start3A_34] : memref<8x128xi32, #tpu.memory_space<vmem>> -> memref<1x128xi32, #tpu.memory_space<vmem>>
        %dma_start3A_36 = tpu.memref_squeeze %dma_start3A_35 : memref<1x128xi32, #tpu.memory_space<vmem>> -> memref<128xi32, #tpu.memory_space<vmem>>
        %dma_start3A_37 = arith.constant 0 : i32
        %dma_start3A_38 = arith.constant 0 : i32
        %dma_start3A_39 = tpu.memref_slice %arg8[%dma_start3A_37, %dma_start3A_38] : memref<10016x32xf32, #tpu.memory_space<vmem_shared>> -> memref<10016x32xf32, #tpu.memory_space<vmem_shared>>
        tpu.enqueue_indirect_dma source(%dma_start3A_33 : memref<128x32xf32, #tpu.memory_space<vmem>>) target(%dma_start3A_39 : memref<10016x32xf32, #tpu.memory_space<vmem_shared>>) offsets(%dma_start3A_36 : memref<128xi32, #tpu.memory_space<vmem>>) semaphore(%run_scoped3A_31 : memref<!tpu.dma_semaphore, #tpu.memory_space<semaphore_mem>>) {add = true}
        %dma_wait3A = arith.constant 128 : i32
        %dma_wait3A_40 = arith.constant 0 : i32
        %dma_wait3A_41 = tpu.memref_slice %arg7[%dma_wait3A, %dma_wait3A_40] : memref<1024x32xf32, #tpu.memory_space<vmem>> -> memref<128x32xf32, #tpu.memory_space<vmem>>
        %dma_wait3A_42 = arith.constant 0 : i32
        %dma_wait3A_43 = tpu.memref_slice %arg6[%run_scoped3A_24, %dma_wait3A_42] : memref<8x128xi32, #tpu.memory_space<vmem>> -> memref<1x128xi32, #tpu.memory_space<vmem>>
        %dma_wait3A_44 = tpu.memref_squeeze %dma_wait3A_43 : memref<1x128xi32, #tpu.memory_space<vmem>> -> memref<128xi32, #tpu.memory_space<vmem>>
        %dma_wait3A_45 = arith.constant 0 : i32
        %dma_wait3A_46 = arith.constant 0 : i32
        %dma_wait3A_47 = tpu.memref_slice %arg8[%dma_wait3A_45, %dma_wait3A_46] : memref<10016x32xf32, #tpu.memory_space<vmem_shared>> -> memref<10016x32xf32, #tpu.memory_space<vmem_shared>>
        tpu.wait_indirect_dma semaphore(%run_scoped3A_31 : memref<!tpu.dma_semaphore, #tpu.memory_space<semaphore_mem>>) src(%dma_wait3A_41 : memref<128x32xf32, #tpu.memory_space<vmem>>) dst(%dma_wait3A_47 : memref<10016x32xf32, #tpu.memory_space<vmem_shared>>)
        tpu.yield
      }) : () -> ()
      %run_scoped3A_25 = arith.constant 2 : i32
      "tpu.region"() ({
        %run_scoped3A_31 = tpu.sem_alloc : memref<!tpu.dma_semaphore, #tpu.memory_space<semaphore_mem>>
        %dma_start3A = arith.constant 256 : i32
        %dma_start3A_32 = arith.constant 0 : i32
        %dma_start3A_33 = tpu.memref_slice %arg7[%dma_start3A, %dma_start3A_32] : memref<1024x32xf32, #tpu.memory_space<vmem>> -> memref<128x32xf32, #tpu.memory_space<vmem>>
        %dma_start3A_34 = arith.constant 0 : i32
        %dma_start3A_35 = tpu.memref_slice %arg6[%run_scoped3A_25, %dma_start3A_34] : memref<8x128xi32, #tpu.memory_space<vmem>> -> memref<1x128xi32, #tpu.memory_space<vmem>>
        %dma_start3A_36 = tpu.memref_squeeze %dma_start3A_35 : memref<1x128xi32, #tpu.memory_space<vmem>> -> memref<128xi32, #tpu.memory_space<vmem>>
        %dma_start3A_37 = arith.constant 0 : i32
        %dma_start3A_38 = arith.constant 0 : i32
        %dma_start3A_39 = tpu.memref_slice %arg8[%dma_start3A_37, %dma_start3A_38] : memref<10016x32xf32, #tpu.memory_space<vmem_shared>> -> memref<10016x32xf32, #tpu.memory_space<vmem_shared>>
        tpu.enqueue_indirect_dma source(%dma_start3A_33 : memref<128x32xf32, #tpu.memory_space<vmem>>) target(%dma_start3A_39 : memref<10016x32xf32, #tpu.memory_space<vmem_shared>>) offsets(%dma_start3A_36 : memref<128xi32, #tpu.memory_space<vmem>>) semaphore(%run_scoped3A_31 : memref<!tpu.dma_semaphore, #tpu.memory_space<semaphore_mem>>) {add = true}
        %dma_wait3A = arith.constant 256 : i32
        %dma_wait3A_40 = arith.constant 0 : i32
        %dma_wait3A_41 = tpu.memref_slice %arg7[%dma_wait3A, %dma_wait3A_40] : memref<1024x32xf32, #tpu.memory_space<vmem>> -> memref<128x32xf32, #tpu.memory_space<vmem>>
        %dma_wait3A_42 = arith.constant 0 : i32
        %dma_wait3A_43 = tpu.memref_slice %arg6[%run_scoped3A_25, %dma_wait3A_42] : memref<8x128xi32, #tpu.memory_space<vmem>> -> memref<1x128xi32, #tpu.memory_space<vmem>>
        %dma_wait3A_44 = tpu.memref_squeeze %dma_wait3A_43 : memref<1x128xi32, #tpu.memory_space<vmem>> -> memref<128xi32, #tpu.memory_space<vmem>>
        %dma_wait3A_45 = arith.constant 0 : i32
        %dma_wait3A_46 = arith.constant 0 : i32
        %dma_wait3A_47 = tpu.memref_slice %arg8[%dma_wait3A_45, %dma_wait3A_46] : memref<10016x32xf32, #tpu.memory_space<vmem_shared>> -> memref<10016x32xf32, #tpu.memory_space<vmem_shared>>
        tpu.wait_indirect_dma semaphore(%run_scoped3A_31 : memref<!tpu.dma_semaphore, #tpu.memory_space<semaphore_mem>>) src(%dma_wait3A_41 : memref<128x32xf32, #tpu.memory_space<vmem>>) dst(%dma_wait3A_47 : memref<10016x32xf32, #tpu.memory_space<vmem_shared>>)
        tpu.yield
      }) : () -> ()
      %run_scoped3A_26 = arith.constant 3 : i32
      "tpu.region"() ({
        %run_scoped3A_31 = tpu.sem_alloc : memref<!tpu.dma_semaphore, #tpu.memory_space<semaphore_mem>>
        %dma_start3A = arith.constant 384 : i32
        %dma_start3A_32 = arith.constant 0 : i32
        %dma_start3A_33 = tpu.memref_slice %arg7[%dma_start3A, %dma_start3A_32] : memref<1024x32xf32, #tpu.memory_space<vmem>> -> memref<128x32xf32, #tpu.memory_space<vmem>>
        %dma_start3A_34 = arith.constant 0 : i32
        %dma_start3A_35 = tpu.memref_slice %arg6[%run_scoped3A_26, %dma_start3A_34] : memref<8x128xi32, #tpu.memory_space<vmem>> -> memref<1x128xi32, #tpu.memory_space<vmem>>
        %dma_start3A_36 = tpu.memref_squeeze %dma_start3A_35 : memref<1x128xi32, #tpu.memory_space<vmem>> -> memref<128xi32, #tpu.memory_space<vmem>>
        %dma_start3A_37 = arith.constant 0 : i32
        %dma_start3A_38 = arith.constant 0 : i32
        %dma_start3A_39 = tpu.memref_slice %arg8[%dma_start3A_37, %dma_start3A_38] : memref<10016x32xf32, #tpu.memory_space<vmem_shared>> -> memref<10016x32xf32, #tpu.memory_space<vmem_shared>>
        tpu.enqueue_indirect_dma source(%dma_start3A_33 : memref<128x32xf32, #tpu.memory_space<vmem>>) target(%dma_start3A_39 : memref<10016x32xf32, #tpu.memory_space<vmem_shared>>) offsets(%dma_start3A_36 : memref<128xi32, #tpu.memory_space<vmem>>) semaphore(%run_scoped3A_31 : memref<!tpu.dma_semaphore, #tpu.memory_space<semaphore_mem>>) {add = true}
        %dma_wait3A = arith.constant 384 : i32
        %dma_wait3A_40 = arith.constant 0 : i32
        %dma_wait3A_41 = tpu.memref_slice %arg7[%dma_wait3A, %dma_wait3A_40] : memref<1024x32xf32, #tpu.memory_space<vmem>> -> memref<128x32xf32, #tpu.memory_space<vmem>>
        %dma_wait3A_42 = arith.constant 0 : i32
        %dma_wait3A_43 = tpu.memref_slice %arg6[%run_scoped3A_26, %dma_wait3A_42] : memref<8x128xi32, #tpu.memory_space<vmem>> -> memref<1x128xi32, #tpu.memory_space<vmem>>
        %dma_wait3A_44 = tpu.memref_squeeze %dma_wait3A_43 : memref<1x128xi32, #tpu.memory_space<vmem>> -> memref<128xi32, #tpu.memory_space<vmem>>
        %dma_wait3A_45 = arith.constant 0 : i32
        %dma_wait3A_46 = arith.constant 0 : i32
        %dma_wait3A_47 = tpu.memref_slice %arg8[%dma_wait3A_45, %dma_wait3A_46] : memref<10016x32xf32, #tpu.memory_space<vmem_shared>> -> memref<10016x32xf32, #tpu.memory_space<vmem_shared>>
        tpu.wait_indirect_dma semaphore(%run_scoped3A_31 : memref<!tpu.dma_semaphore, #tpu.memory_space<semaphore_mem>>) src(%dma_wait3A_41 : memref<128x32xf32, #tpu.memory_space<vmem>>) dst(%dma_wait3A_47 : memref<10016x32xf32, #tpu.memory_space<vmem_shared>>)
        tpu.yield
      }) : () -> ()
      %run_scoped3A_27 = arith.constant 4 : i32
      "tpu.region"() ({
        %run_scoped3A_31 = tpu.sem_alloc : memref<!tpu.dma_semaphore, #tpu.memory_space<semaphore_mem>>
        %dma_start3A = arith.constant 512 : i32
        %dma_start3A_32 = arith.constant 0 : i32
        %dma_start3A_33 = tpu.memref_slice %arg7[%dma_start3A, %dma_start3A_32] : memref<1024x32xf32, #tpu.memory_space<vmem>> -> memref<128x32xf32, #tpu.memory_space<vmem>>
        %dma_start3A_34 = arith.constant 0 : i32
        %dma_start3A_35 = tpu.memref_slice %arg6[%run_scoped3A_27, %dma_start3A_34] : memref<8x128xi32, #tpu.memory_space<vmem>> -> memref<1x128xi32, #tpu.memory_space<vmem>>
        %dma_start3A_36 = tpu.memref_squeeze %dma_start3A_35 : memref<1x128xi32, #tpu.memory_space<vmem>> -> memref<128xi32, #tpu.memory_space<vmem>>
        %dma_start3A_37 = arith.constant 0 : i32
        %dma_start3A_38 = arith.constant 0 : i32
        %dma_start3A_39 = tpu.memref_slice %arg8[%dma_start3A_37, %dma_start3A_38] : memref<10016x32xf32, #tpu.memory_space<vmem_shared>> -> memref<10016x32xf32, #tpu.memory_space<vmem_shared>>
        tpu.enqueue_indirect_dma source(%dma_start3A_33 : memref<128x32xf32, #tpu.memory_space<vmem>>) target(%dma_start3A_39 : memref<10016x32xf32, #tpu.memory_space<vmem_shared>>) offsets(%dma_start3A_36 : memref<128xi32, #tpu.memory_space<vmem>>) semaphore(%run_scoped3A_31 : memref<!tpu.dma_semaphore, #tpu.memory_space<semaphore_mem>>) {add = true}
        %dma_wait3A = arith.constant 512 : i32
        %dma_wait3A_40 = arith.constant 0 : i32
        %dma_wait3A_41 = tpu.memref_slice %arg7[%dma_wait3A, %dma_wait3A_40] : memref<1024x32xf32, #tpu.memory_space<vmem>> -> memref<128x32xf32, #tpu.memory_space<vmem>>
        %dma_wait3A_42 = arith.constant 0 : i32
        %dma_wait3A_43 = tpu.memref_slice %arg6[%run_scoped3A_27, %dma_wait3A_42] : memref<8x128xi32, #tpu.memory_space<vmem>> -> memref<1x128xi32, #tpu.memory_space<vmem>>
        %dma_wait3A_44 = tpu.memref_squeeze %dma_wait3A_43 : memref<1x128xi32, #tpu.memory_space<vmem>> -> memref<128xi32, #tpu.memory_space<vmem>>
        %dma_wait3A_45 = arith.constant 0 : i32
        %dma_wait3A_46 = arith.constant 0 : i32
        %dma_wait3A_47 = tpu.memref_slice %arg8[%dma_wait3A_45, %dma_wait3A_46] : memref<10016x32xf32, #tpu.memory_space<vmem_shared>> -> memref<10016x32xf32, #tpu.memory_space<vmem_shared>>
        tpu.wait_indirect_dma semaphore(%run_scoped3A_31 : memref<!tpu.dma_semaphore, #tpu.memory_space<semaphore_mem>>) src(%dma_wait3A_41 : memref<128x32xf32, #tpu.memory_space<vmem>>) dst(%dma_wait3A_47 : memref<10016x32xf32, #tpu.memory_space<vmem_shared>>)
        tpu.yield
      }) : () -> ()
      %run_scoped3A_28 = arith.constant 5 : i32
      "tpu.region"() ({
        %run_scoped3A_31 = tpu.sem_alloc : memref<!tpu.dma_semaphore, #tpu.memory_space<semaphore_mem>>
        %dma_start3A = arith.constant 640 : i32
        %dma_start3A_32 = arith.constant 0 : i32
        %dma_start3A_33 = tpu.memref_slice %arg7[%dma_start3A, %dma_start3A_32] : memref<1024x32xf32, #tpu.memory_space<vmem>> -> memref<128x32xf32, #tpu.memory_space<vmem>>
        %dma_start3A_34 = arith.constant 0 : i32
        %dma_start3A_35 = tpu.memref_slice %arg6[%run_scoped3A_28, %dma_start3A_34] : memref<8x128xi32, #tpu.memory_space<vmem>> -> memref<1x128xi32, #tpu.memory_space<vmem>>
        %dma_start3A_36 = tpu.memref_squeeze %dma_start3A_35 : memref<1x128xi32, #tpu.memory_space<vmem>> -> memref<128xi32, #tpu.memory_space<vmem>>
        %dma_start3A_37 = arith.constant 0 : i32
        %dma_start3A_38 = arith.constant 0 : i32
        %dma_start3A_39 = tpu.memref_slice %arg8[%dma_start3A_37, %dma_start3A_38] : memref<10016x32xf32, #tpu.memory_space<vmem_shared>> -> memref<10016x32xf32, #tpu.memory_space<vmem_shared>>
        tpu.enqueue_indirect_dma source(%dma_start3A_33 : memref<128x32xf32, #tpu.memory_space<vmem>>) target(%dma_start3A_39 : memref<10016x32xf32, #tpu.memory_space<vmem_shared>>) offsets(%dma_start3A_36 : memref<128xi32, #tpu.memory_space<vmem>>) semaphore(%run_scoped3A_31 : memref<!tpu.dma_semaphore, #tpu.memory_space<semaphore_mem>>) {add = true}
        %dma_wait3A = arith.constant 640 : i32
        %dma_wait3A_40 = arith.constant 0 : i32
        %dma_wait3A_41 = tpu.memref_slice %arg7[%dma_wait3A, %dma_wait3A_40] : memref<1024x32xf32, #tpu.memory_space<vmem>> -> memref<128x32xf32, #tpu.memory_space<vmem>>
        %dma_wait3A_42 = arith.constant 0 : i32
        %dma_wait3A_43 = tpu.memref_slice %arg6[%run_scoped3A_28, %dma_wait3A_42] : memref<8x128xi32, #tpu.memory_space<vmem>> -> memref<1x128xi32, #tpu.memory_space<vmem>>
        %dma_wait3A_44 = tpu.memref_squeeze %dma_wait3A_43 : memref<1x128xi32, #tpu.memory_space<vmem>> -> memref<128xi32, #tpu.memory_space<vmem>>
        %dma_wait3A_45 = arith.constant 0 : i32
        %dma_wait3A_46 = arith.constant 0 : i32
        %dma_wait3A_47 = tpu.memref_slice %arg8[%dma_wait3A_45, %dma_wait3A_46] : memref<10016x32xf32, #tpu.memory_space<vmem_shared>> -> memref<10016x32xf32, #tpu.memory_space<vmem_shared>>
        tpu.wait_indirect_dma semaphore(%run_scoped3A_31 : memref<!tpu.dma_semaphore, #tpu.memory_space<semaphore_mem>>) src(%dma_wait3A_41 : memref<128x32xf32, #tpu.memory_space<vmem>>) dst(%dma_wait3A_47 : memref<10016x32xf32, #tpu.memory_space<vmem_shared>>)
        tpu.yield
      }) : () -> ()
      %run_scoped3A_29 = arith.constant 6 : i32
      "tpu.region"() ({
        %run_scoped3A_31 = tpu.sem_alloc : memref<!tpu.dma_semaphore, #tpu.memory_space<semaphore_mem>>
        %dma_start3A = arith.constant 768 : i32
        %dma_start3A_32 = arith.constant 0 : i32
        %dma_start3A_33 = tpu.memref_slice %arg7[%dma_start3A, %dma_start3A_32] : memref<1024x32xf32, #tpu.memory_space<vmem>> -> memref<128x32xf32, #tpu.memory_space<vmem>>
        %dma_start3A_34 = arith.constant 0 : i32
        %dma_start3A_35 = tpu.memref_slice %arg6[%run_scoped3A_29, %dma_start3A_34] : memref<8x128xi32, #tpu.memory_space<vmem>> -> memref<1x128xi32, #tpu.memory_space<vmem>>
        %dma_start3A_36 = tpu.memref_squeeze %dma_start3A_35 : memref<1x128xi32, #tpu.memory_space<vmem>> -> memref<128xi32, #tpu.memory_space<vmem>>
        %dma_start3A_37 = arith.constant 0 : i32
        %dma_start3A_38 = arith.constant 0 : i32
        %dma_start3A_39 = tpu.memref_slice %arg8[%dma_start3A_37, %dma_start3A_38] : memref<10016x32xf32, #tpu.memory_space<vmem_shared>> -> memref<10016x32xf32, #tpu.memory_space<vmem_shared>>
        tpu.enqueue_indirect_dma source(%dma_start3A_33 : memref<128x32xf32, #tpu.memory_space<vmem>>) target(%dma_start3A_39 : memref<10016x32xf32, #tpu.memory_space<vmem_shared>>) offsets(%dma_start3A_36 : memref<128xi32, #tpu.memory_space<vmem>>) semaphore(%run_scoped3A_31 : memref<!tpu.dma_semaphore, #tpu.memory_space<semaphore_mem>>) {add = true}
        %dma_wait3A = arith.constant 768 : i32
        %dma_wait3A_40 = arith.constant 0 : i32
        %dma_wait3A_41 = tpu.memref_slice %arg7[%dma_wait3A, %dma_wait3A_40] : memref<1024x32xf32, #tpu.memory_space<vmem>> -> memref<128x32xf32, #tpu.memory_space<vmem>>
        %dma_wait3A_42 = arith.constant 0 : i32
        %dma_wait3A_43 = tpu.memref_slice %arg6[%run_scoped3A_29, %dma_wait3A_42] : memref<8x128xi32, #tpu.memory_space<vmem>> -> memref<1x128xi32, #tpu.memory_space<vmem>>
        %dma_wait3A_44 = tpu.memref_squeeze %dma_wait3A_43 : memref<1x128xi32, #tpu.memory_space<vmem>> -> memref<128xi32, #tpu.memory_space<vmem>>
        %dma_wait3A_45 = arith.constant 0 : i32
        %dma_wait3A_46 = arith.constant 0 : i32
        %dma_wait3A_47 = tpu.memref_slice %arg8[%dma_wait3A_45, %dma_wait3A_46] : memref<10016x32xf32, #tpu.memory_space<vmem_shared>> -> memref<10016x32xf32, #tpu.memory_space<vmem_shared>>
        tpu.wait_indirect_dma semaphore(%run_scoped3A_31 : memref<!tpu.dma_semaphore, #tpu.memory_space<semaphore_mem>>) src(%dma_wait3A_41 : memref<128x32xf32, #tpu.memory_space<vmem>>) dst(%dma_wait3A_47 : memref<10016x32xf32, #tpu.memory_space<vmem_shared>>)
        tpu.yield
      }) : () -> ()
      %run_scoped3A_30 = arith.constant 7 : i32
      "tpu.region"() ({
        %run_scoped3A_31 = tpu.sem_alloc : memref<!tpu.dma_semaphore, #tpu.memory_space<semaphore_mem>>
        %dma_start3A = arith.constant 896 : i32
        %dma_start3A_32 = arith.constant 0 : i32
        %dma_start3A_33 = tpu.memref_slice %arg7[%dma_start3A, %dma_start3A_32] : memref<1024x32xf32, #tpu.memory_space<vmem>> -> memref<128x32xf32, #tpu.memory_space<vmem>>
        %dma_start3A_34 = arith.constant 0 : i32
        %dma_start3A_35 = tpu.memref_slice %arg6[%run_scoped3A_30, %dma_start3A_34] : memref<8x128xi32, #tpu.memory_space<vmem>> -> memref<1x128xi32, #tpu.memory_space<vmem>>
        %dma_start3A_36 = tpu.memref_squeeze %dma_start3A_35 : memref<1x128xi32, #tpu.memory_space<vmem>> -> memref<128xi32, #tpu.memory_space<vmem>>
        %dma_start3A_37 = arith.constant 0 : i32
        %dma_start3A_38 = arith.constant 0 : i32
        %dma_start3A_39 = tpu.memref_slice %arg8[%dma_start3A_37, %dma_start3A_38] : memref<10016x32xf32, #tpu.memory_space<vmem_shared>> -> memref<10016x32xf32, #tpu.memory_space<vmem_shared>>
        tpu.enqueue_indirect_dma source(%dma_start3A_33 : memref<128x32xf32, #tpu.memory_space<vmem>>) target(%dma_start3A_39 : memref<10016x32xf32, #tpu.memory_space<vmem_shared>>) offsets(%dma_start3A_36 : memref<128xi32, #tpu.memory_space<vmem>>) semaphore(%run_scoped3A_31 : memref<!tpu.dma_semaphore, #tpu.memory_space<semaphore_mem>>) {add = true}
        %dma_wait3A = arith.constant 896 : i32
        %dma_wait3A_40 = arith.constant 0 : i32
        %dma_wait3A_41 = tpu.memref_slice %arg7[%dma_wait3A, %dma_wait3A_40] : memref<1024x32xf32, #tpu.memory_space<vmem>> -> memref<128x32xf32, #tpu.memory_space<vmem>>
        %dma_wait3A_42 = arith.constant 0 : i32
        %dma_wait3A_43 = tpu.memref_slice %arg6[%run_scoped3A_30, %dma_wait3A_42] : memref<8x128xi32, #tpu.memory_space<vmem>> -> memref<1x128xi32, #tpu.memory_space<vmem>>
        %dma_wait3A_44 = tpu.memref_squeeze %dma_wait3A_43 : memref<1x128xi32, #tpu.memory_space<vmem>> -> memref<128xi32, #tpu.memory_space<vmem>>
        %dma_wait3A_45 = arith.constant 0 : i32
        %dma_wait3A_46 = arith.constant 0 : i32
        %dma_wait3A_47 = tpu.memref_slice %arg8[%dma_wait3A_45, %dma_wait3A_46] : memref<10016x32xf32, #tpu.memory_space<vmem_shared>> -> memref<10016x32xf32, #tpu.memory_space<vmem_shared>>
        tpu.wait_indirect_dma semaphore(%run_scoped3A_31 : memref<!tpu.dma_semaphore, #tpu.memory_space<semaphore_mem>>) src(%dma_wait3A_41 : memref<128x32xf32, #tpu.memory_space<vmem>>) dst(%dma_wait3A_47 : memref<10016x32xf32, #tpu.memory_space<vmem_shared>>)
        tpu.yield
      }) : () -> ()
    }
    %scan3A_7 = arith.constant 10 : i32
    %barrier3A_8 = arith.constant 0 : index
    tpu.barrier barrier_id(%barrier3A_8)
    %mul3A_9 = arith.constant 626 : i32
    %mul3A_10 = arith.muli %arg1, %mul3A_9 : i32
    %mul3A_11 = arith.constant 626 : i32
    %mul3A_12 = arith.muli %arg1, %mul3A_11 : i32
    "tpu.region"() ({
      %run_scoped3A = tpu.sem_alloc : memref<!tpu.dma_semaphore, #tpu.memory_space<semaphore_mem>>
      %dma_start3A = arith.constant 0 : i32
      %dma_start3A_13 = tpu.memref_slice %arg5[%arg0, %mul3A_12, %dma_start3A] : memref<2x10016x32xf32, #tpu.memory_space<hbm>> -> memref<1x626x32xf32, #tpu.memory_space<hbm>>
      %dma_start3A_14 = tpu.memref_squeeze %dma_start3A_13 : memref<1x626x32xf32, #tpu.memory_space<hbm>> -> memref<626x32xf32, #tpu.memory_space<hbm>>
      %dma_start3A_15 = arith.constant 0 : i32
      %dma_start3A_16 = tpu.memref_slice %arg8[%mul3A_10, %dma_start3A_15] : memref<10016x32xf32, #tpu.memory_space<vmem_shared>> -> memref<626x32xf32, #tpu.memory_space<vmem_shared>>
      tpu.enqueue_dma source(%dma_start3A_16 : memref<626x32xf32, #tpu.memory_space<vmem_shared>>) target(%dma_start3A_14 : memref<626x32xf32, #tpu.memory_space<hbm>>) target_semaphore(%run_scoped3A : memref<!tpu.dma_semaphore, #tpu.memory_space<semaphore_mem>>)
      %dma_wait3A = arith.constant 0 : i32
      %dma_wait3A_17 = tpu.memref_slice %arg5[%arg0, %mul3A_12, %dma_wait3A] : memref<2x10016x32xf32, #tpu.memory_space<hbm>> -> memref<1x626x32xf32, #tpu.memory_space<hbm>>
      %dma_wait3A_18 = tpu.memref_squeeze %dma_wait3A_17 : memref<1x626x32xf32, #tpu.memory_space<hbm>> -> memref<626x32xf32, #tpu.memory_space<hbm>>
      %dma_wait3A_19 = arith.constant 0 : i32
      %dma_wait3A_20 = tpu.memref_slice %arg8[%mul3A_10, %dma_wait3A_19] : memref<10016x32xf32, #tpu.memory_space<vmem_shared>> -> memref<626x32xf32, #tpu.memory_space<vmem_shared>>
      tpu.wait_dma2 semaphore(%run_scoped3A : memref<!tpu.dma_semaphore, #tpu.memory_space<semaphore_mem>>) src(%dma_wait3A_20 : memref<626x32xf32, #tpu.memory_space<vmem_shared>>) dst(%dma_wait3A_18 : memref<626x32xf32, #tpu.memory_space<hbm>>)
      tpu.yield
    }) : () -> ()
    return
  }
}

#map = affine_map<(d0, d1) -> (0, 0)>
module attributes {stable_mosaic.version = 14 : i64} {
  func.func @_sc_gather(%arg0: i32, %arg1: i32, %arg2: memref<10000x32xf32, #tpu.memory_space<hbm>>, %arg3: memref<2560x128xi32, #tpu.memory_space<hbm>>, %arg4: memref<327680x32xf32, #tpu.memory_space<hbm>>, %arg5: memref<8x128xi32, #tpu.memory_space<vmem>>, %arg6: memref<1024x32xf32, #tpu.memory_space<vmem>>, %arg7: memref<!tpu.dma_semaphore, #tpu.memory_space<semaphore_mem>>) attributes {dimension_semantics = [#tpu.dimension_semantics<core_parallel>, #tpu.dimension_semantics<subcore_parallel>], iteration_bounds = array<i64: 2, 16>, scalar_prefetch = 0 : i64, scratch_operands = 3 : i64, tpu.core_type = #tpu.core_type<sc_vector_subcore>, window_params = [{transform_indices = #map}, {transform_indices = #map}, {transform_indices = #map}]} {
    %mul3A = arith.constant 2 : i32
    %mul3A_0 = arith.muli %arg1, %mul3A : i32
    %add3A = arith.addi %mul3A_0, %arg0 : i32
    %scan3A = arith.constant 0 : i32
    %scan3A_1 = arith.constant 0 : i32
    %scan3A_2 = arith.constant 10 : i32
    %scan3A_3 = arith.addi %scan3A_1, %scan3A_2 : i32
    %scan3A_4 = arith.constant 1 : i32
    scf.for %scan3A_6 = %scan3A_1 to %scan3A_3 step %scan3A_4  : i32 {
      %mul3A_7 = arith.constant 10240 : i32
      %mul3A_8 = arith.muli %add3A, %mul3A_7 : i32
      %mul3A_9 = arith.constant 1024 : i32
      %mul3A_10 = arith.muli %scan3A_6, %mul3A_9 : i32
      %add3A_11 = arith.addi %mul3A_8, %mul3A_10 : i32
      %mul3A_12 = arith.constant 80 : i32
      %mul3A_13 = arith.muli %add3A, %mul3A_12 : i32
      %mul3A_14 = arith.constant 8 : i32
      %mul3A_15 = arith.muli %scan3A_6, %mul3A_14 : i32
      %add3A_16 = arith.addi %mul3A_13, %mul3A_15 : i32
      "tpu.region"() ({
        %run_scoped3A = tpu.sem_alloc : memref<!tpu.dma_semaphore, #tpu.memory_space<semaphore_mem>>
        %dma_start3A_175 = arith.constant 0 : i32
        %dma_start3A_176 = tpu.memref_slice %arg3[%add3A_16, %dma_start3A_175] : memref<2560x128xi32, #tpu.memory_space<hbm>> -> memref<8x128xi32, #tpu.memory_space<hbm>>
        %dma_start3A_177 = arith.constant 0 : i32
        %dma_start3A_178 = tpu.memref_slice %arg3[%add3A_16, %dma_start3A_177] : memref<2560x128xi32, #tpu.memory_space<hbm>> -> memref<8x128xi32, #tpu.memory_space<hbm>>
        tpu.enqueue_dma source(%dma_start3A_178 : memref<8x128xi32, #tpu.memory_space<hbm>>) target(%arg5 : memref<8x128xi32, #tpu.memory_space<vmem>>) target_semaphore(%run_scoped3A : memref<!tpu.dma_semaphore, #tpu.memory_space<semaphore_mem>>)
        %dma_wait3A_179 = arith.constant 0 : i32
        %dma_wait3A_180 = tpu.memref_slice %arg3[%add3A_16, %dma_wait3A_179] : memref<2560x128xi32, #tpu.memory_space<hbm>> -> memref<8x128xi32, #tpu.memory_space<hbm>>
        %dma_wait3A_181 = arith.constant 0 : i32
        %dma_wait3A_182 = tpu.memref_slice %arg3[%add3A_16, %dma_wait3A_181] : memref<2560x128xi32, #tpu.memory_space<hbm>> -> memref<8x128xi32, #tpu.memory_space<hbm>>
        tpu.wait_dma2 semaphore(%run_scoped3A : memref<!tpu.dma_semaphore, #tpu.memory_space<semaphore_mem>>) src(%dma_wait3A_182 : memref<8x128xi32, #tpu.memory_space<hbm>>) dst(%arg5 : memref<8x128xi32, #tpu.memory_space<vmem>>)
        tpu.yield
      }) : () -> ()
      %dma_start3A = arith.constant 0 : i32
      %dma_start3A_17 = arith.constant 0 : i32
      %dma_start3A_18 = arith.constant 0 : i32
      %dma_start3A_19 = tpu.memref_slice %arg6[%dma_start3A_17, %dma_start3A_18] : memref<1024x32xf32, #tpu.memory_space<vmem>> -> memref<128x32xf32, #tpu.memory_space<vmem>>
      %dma_start3A_20 = arith.constant 0 : i32
      %dma_start3A_21 = tpu.memref_slice %arg5[%dma_start3A, %dma_start3A_20] : memref<8x128xi32, #tpu.memory_space<vmem>> -> memref<1x128xi32, #tpu.memory_space<vmem>>
      %dma_start3A_22 = tpu.memref_squeeze %dma_start3A_21 : memref<1x128xi32, #tpu.memory_space<vmem>> -> memref<128xi32, #tpu.memory_space<vmem>>
      %dma_start3A_23 = arith.constant 0 : i32
      %dma_start3A_24 = arith.constant 0 : i32
      %dma_start3A_25 = tpu.memref_slice %arg2[%dma_start3A_23, %dma_start3A_24] : memref<10000x32xf32, #tpu.memory_space<hbm>> -> memref<10000x32xf32, #tpu.memory_space<hbm>>
      tpu.enqueue_indirect_dma source(%dma_start3A_25 : memref<10000x32xf32, #tpu.memory_space<hbm>>) target(%dma_start3A_19 : memref<128x32xf32, #tpu.memory_space<vmem>>) offsets(%dma_start3A_22 : memref<128xi32, #tpu.memory_space<vmem>>) semaphore(%arg7 : memref<!tpu.dma_semaphore, #tpu.memory_space<semaphore_mem>>)
      %dma_start3A_26 = arith.constant 1 : i32
      %dma_start3A_27 = arith.constant 128 : i32
      %dma_start3A_28 = arith.constant 0 : i32
      %dma_start3A_29 = tpu.memref_slice %arg6[%dma_start3A_27, %dma_start3A_28] : memref<1024x32xf32, #tpu.memory_space<vmem>> -> memref<128x32xf32, #tpu.memory_space<vmem>>
      %dma_start3A_30 = arith.constant 0 : i32
      %dma_start3A_31 = tpu.memref_slice %arg5[%dma_start3A_26, %dma_start3A_30] : memref<8x128xi32, #tpu.memory_space<vmem>> -> memref<1x128xi32, #tpu.memory_space<vmem>>
      %dma_start3A_32 = tpu.memref_squeeze %dma_start3A_31 : memref<1x128xi32, #tpu.memory_space<vmem>> -> memref<128xi32, #tpu.memory_space<vmem>>
      %dma_start3A_33 = arith.constant 0 : i32
      %dma_start3A_34 = arith.constant 0 : i32
      %dma_start3A_35 = tpu.memref_slice %arg2[%dma_start3A_33, %dma_start3A_34] : memref<10000x32xf32, #tpu.memory_space<hbm>> -> memref<10000x32xf32, #tpu.memory_space<hbm>>
      tpu.enqueue_indirect_dma source(%dma_start3A_35 : memref<10000x32xf32, #tpu.memory_space<hbm>>) target(%dma_start3A_29 : memref<128x32xf32, #tpu.memory_space<vmem>>) offsets(%dma_start3A_32 : memref<128xi32, #tpu.memory_space<vmem>>) semaphore(%arg7 : memref<!tpu.dma_semaphore, #tpu.memory_space<semaphore_mem>>)
      %dma_start3A_36 = arith.constant 2 : i32
      %dma_start3A_37 = arith.constant 256 : i32
      %dma_start3A_38 = arith.constant 0 : i32
      %dma_start3A_39 = tpu.memref_slice %arg6[%dma_start3A_37, %dma_start3A_38] : memref<1024x32xf32, #tpu.memory_space<vmem>> -> memref<128x32xf32, #tpu.memory_space<vmem>>
      %dma_start3A_40 = arith.constant 0 : i32
      %dma_start3A_41 = tpu.memref_slice %arg5[%dma_start3A_36, %dma_start3A_40] : memref<8x128xi32, #tpu.memory_space<vmem>> -> memref<1x128xi32, #tpu.memory_space<vmem>>
      %dma_start3A_42 = tpu.memref_squeeze %dma_start3A_41 : memref<1x128xi32, #tpu.memory_space<vmem>> -> memref<128xi32, #tpu.memory_space<vmem>>
      %dma_start3A_43 = arith.constant 0 : i32
      %dma_start3A_44 = arith.constant 0 : i32
      %dma_start3A_45 = tpu.memref_slice %arg2[%dma_start3A_43, %dma_start3A_44] : memref<10000x32xf32, #tpu.memory_space<hbm>> -> memref<10000x32xf32, #tpu.memory_space<hbm>>
      tpu.enqueue_indirect_dma source(%dma_start3A_45 : memref<10000x32xf32, #tpu.memory_space<hbm>>) target(%dma_start3A_39 : memref<128x32xf32, #tpu.memory_space<vmem>>) offsets(%dma_start3A_42 : memref<128xi32, #tpu.memory_space<vmem>>) semaphore(%arg7 : memref<!tpu.dma_semaphore, #tpu.memory_space<semaphore_mem>>)
      %dma_start3A_46 = arith.constant 3 : i32
      %dma_start3A_47 = arith.constant 384 : i32
      %dma_start3A_48 = arith.constant 0 : i32
      %dma_start3A_49 = tpu.memref_slice %arg6[%dma_start3A_47, %dma_start3A_48] : memref<1024x32xf32, #tpu.memory_space<vmem>> -> memref<128x32xf32, #tpu.memory_space<vmem>>
      %dma_start3A_50 = arith.constant 0 : i32
      %dma_start3A_51 = tpu.memref_slice %arg5[%dma_start3A_46, %dma_start3A_50] : memref<8x128xi32, #tpu.memory_space<vmem>> -> memref<1x128xi32, #tpu.memory_space<vmem>>
      %dma_start3A_52 = tpu.memref_squeeze %dma_start3A_51 : memref<1x128xi32, #tpu.memory_space<vmem>> -> memref<128xi32, #tpu.memory_space<vmem>>
      %dma_start3A_53 = arith.constant 0 : i32
      %dma_start3A_54 = arith.constant 0 : i32
      %dma_start3A_55 = tpu.memref_slice %arg2[%dma_start3A_53, %dma_start3A_54] : memref<10000x32xf32, #tpu.memory_space<hbm>> -> memref<10000x32xf32, #tpu.memory_space<hbm>>
      tpu.enqueue_indirect_dma source(%dma_start3A_55 : memref<10000x32xf32, #tpu.memory_space<hbm>>) target(%dma_start3A_49 : memref<128x32xf32, #tpu.memory_space<vmem>>) offsets(%dma_start3A_52 : memref<128xi32, #tpu.memory_space<vmem>>) semaphore(%arg7 : memref<!tpu.dma_semaphore, #tpu.memory_space<semaphore_mem>>)
      %dma_start3A_56 = arith.constant 4 : i32
      %dma_start3A_57 = arith.constant 512 : i32
      %dma_start3A_58 = arith.constant 0 : i32
      %dma_start3A_59 = tpu.memref_slice %arg6[%dma_start3A_57, %dma_start3A_58] : memref<1024x32xf32, #tpu.memory_space<vmem>> -> memref<128x32xf32, #tpu.memory_space<vmem>>
      %dma_start3A_60 = arith.constant 0 : i32
      %dma_start3A_61 = tpu.memref_slice %arg5[%dma_start3A_56, %dma_start3A_60] : memref<8x128xi32, #tpu.memory_space<vmem>> -> memref<1x128xi32, #tpu.memory_space<vmem>>
      %dma_start3A_62 = tpu.memref_squeeze %dma_start3A_61 : memref<1x128xi32, #tpu.memory_space<vmem>> -> memref<128xi32, #tpu.memory_space<vmem>>
      %dma_start3A_63 = arith.constant 0 : i32
      %dma_start3A_64 = arith.constant 0 : i32
      %dma_start3A_65 = tpu.memref_slice %arg2[%dma_start3A_63, %dma_start3A_64] : memref<10000x32xf32, #tpu.memory_space<hbm>> -> memref<10000x32xf32, #tpu.memory_space<hbm>>
      tpu.enqueue_indirect_dma source(%dma_start3A_65 : memref<10000x32xf32, #tpu.memory_space<hbm>>) target(%dma_start3A_59 : memref<128x32xf32, #tpu.memory_space<vmem>>) offsets(%dma_start3A_62 : memref<128xi32, #tpu.memory_space<vmem>>) semaphore(%arg7 : memref<!tpu.dma_semaphore, #tpu.memory_space<semaphore_mem>>)
      %dma_start3A_66 = arith.constant 5 : i32
      %dma_start3A_67 = arith.constant 640 : i32
      %dma_start3A_68 = arith.constant 0 : i32
      %dma_start3A_69 = tpu.memref_slice %arg6[%dma_start3A_67, %dma_start3A_68] : memref<1024x32xf32, #tpu.memory_space<vmem>> -> memref<128x32xf32, #tpu.memory_space<vmem>>
      %dma_start3A_70 = arith.constant 0 : i32
      %dma_start3A_71 = tpu.memref_slice %arg5[%dma_start3A_66, %dma_start3A_70] : memref<8x128xi32, #tpu.memory_space<vmem>> -> memref<1x128xi32, #tpu.memory_space<vmem>>
      %dma_start3A_72 = tpu.memref_squeeze %dma_start3A_71 : memref<1x128xi32, #tpu.memory_space<vmem>> -> memref<128xi32, #tpu.memory_space<vmem>>
      %dma_start3A_73 = arith.constant 0 : i32
      %dma_start3A_74 = arith.constant 0 : i32
      %dma_start3A_75 = tpu.memref_slice %arg2[%dma_start3A_73, %dma_start3A_74] : memref<10000x32xf32, #tpu.memory_space<hbm>> -> memref<10000x32xf32, #tpu.memory_space<hbm>>
      tpu.enqueue_indirect_dma source(%dma_start3A_75 : memref<10000x32xf32, #tpu.memory_space<hbm>>) target(%dma_start3A_69 : memref<128x32xf32, #tpu.memory_space<vmem>>) offsets(%dma_start3A_72 : memref<128xi32, #tpu.memory_space<vmem>>) semaphore(%arg7 : memref<!tpu.dma_semaphore, #tpu.memory_space<semaphore_mem>>)
      %dma_start3A_76 = arith.constant 6 : i32
      %dma_start3A_77 = arith.constant 768 : i32
      %dma_start3A_78 = arith.constant 0 : i32
      %dma_start3A_79 = tpu.memref_slice %arg6[%dma_start3A_77, %dma_start3A_78] : memref<1024x32xf32, #tpu.memory_space<vmem>> -> memref<128x32xf32, #tpu.memory_space<vmem>>
      %dma_start3A_80 = arith.constant 0 : i32
      %dma_start3A_81 = tpu.memref_slice %arg5[%dma_start3A_76, %dma_start3A_80] : memref<8x128xi32, #tpu.memory_space<vmem>> -> memref<1x128xi32, #tpu.memory_space<vmem>>
      %dma_start3A_82 = tpu.memref_squeeze %dma_start3A_81 : memref<1x128xi32, #tpu.memory_space<vmem>> -> memref<128xi32, #tpu.memory_space<vmem>>
      %dma_start3A_83 = arith.constant 0 : i32
      %dma_start3A_84 = arith.constant 0 : i32
      %dma_start3A_85 = tpu.memref_slice %arg2[%dma_start3A_83, %dma_start3A_84] : memref<10000x32xf32, #tpu.memory_space<hbm>> -> memref<10000x32xf32, #tpu.memory_space<hbm>>
      tpu.enqueue_indirect_dma source(%dma_start3A_85 : memref<10000x32xf32, #tpu.memory_space<hbm>>) target(%dma_start3A_79 : memref<128x32xf32, #tpu.memory_space<vmem>>) offsets(%dma_start3A_82 : memref<128xi32, #tpu.memory_space<vmem>>) semaphore(%arg7 : memref<!tpu.dma_semaphore, #tpu.memory_space<semaphore_mem>>)
      %dma_start3A_86 = arith.constant 7 : i32
      %dma_start3A_87 = arith.constant 896 : i32
      %dma_start3A_88 = arith.constant 0 : i32
      %dma_start3A_89 = tpu.memref_slice %arg6[%dma_start3A_87, %dma_start3A_88] : memref<1024x32xf32, #tpu.memory_space<vmem>> -> memref<128x32xf32, #tpu.memory_space<vmem>>
      %dma_start3A_90 = arith.constant 0 : i32
      %dma_start3A_91 = tpu.memref_slice %arg5[%dma_start3A_86, %dma_start3A_90] : memref<8x128xi32, #tpu.memory_space<vmem>> -> memref<1x128xi32, #tpu.memory_space<vmem>>
      %dma_start3A_92 = tpu.memref_squeeze %dma_start3A_91 : memref<1x128xi32, #tpu.memory_space<vmem>> -> memref<128xi32, #tpu.memory_space<vmem>>
      %dma_start3A_93 = arith.constant 0 : i32
      %dma_start3A_94 = arith.constant 0 : i32
      %dma_start3A_95 = tpu.memref_slice %arg2[%dma_start3A_93, %dma_start3A_94] : memref<10000x32xf32, #tpu.memory_space<hbm>> -> memref<10000x32xf32, #tpu.memory_space<hbm>>
      tpu.enqueue_indirect_dma source(%dma_start3A_95 : memref<10000x32xf32, #tpu.memory_space<hbm>>) target(%dma_start3A_89 : memref<128x32xf32, #tpu.memory_space<vmem>>) offsets(%dma_start3A_92 : memref<128xi32, #tpu.memory_space<vmem>>) semaphore(%arg7 : memref<!tpu.dma_semaphore, #tpu.memory_space<semaphore_mem>>)
      %dma_wait3A = arith.constant 0 : i32
      %dma_wait3A_96 = arith.constant 0 : i32
      %dma_wait3A_97 = arith.constant 0 : i32
      %dma_wait3A_98 = tpu.memref_slice %arg6[%dma_wait3A_96, %dma_wait3A_97] : memref<1024x32xf32, #tpu.memory_space<vmem>> -> memref<128x32xf32, #tpu.memory_space<vmem>>
      %dma_wait3A_99 = arith.constant 0 : i32
      %dma_wait3A_100 = tpu.memref_slice %arg5[%dma_wait3A, %dma_wait3A_99] : memref<8x128xi32, #tpu.memory_space<vmem>> -> memref<1x128xi32, #tpu.memory_space<vmem>>
      %dma_wait3A_101 = tpu.memref_squeeze %dma_wait3A_100 : memref<1x128xi32, #tpu.memory_space<vmem>> -> memref<128xi32, #tpu.memory_space<vmem>>
      %dma_wait3A_102 = arith.constant 0 : i32
      %dma_wait3A_103 = arith.constant 0 : i32
      %dma_wait3A_104 = tpu.memref_slice %arg2[%dma_wait3A_102, %dma_wait3A_103] : memref<10000x32xf32, #tpu.memory_space<hbm>> -> memref<10000x32xf32, #tpu.memory_space<hbm>>
      tpu.wait_indirect_dma semaphore(%arg7 : memref<!tpu.dma_semaphore, #tpu.memory_space<semaphore_mem>>) src(%dma_wait3A_104 : memref<10000x32xf32, #tpu.memory_space<hbm>>) dst(%dma_wait3A_98 : memref<128x32xf32, #tpu.memory_space<vmem>>)
      %dma_wait3A_105 = arith.constant 1 : i32
      %dma_wait3A_106 = arith.constant 128 : i32
      %dma_wait3A_107 = arith.constant 0 : i32
      %dma_wait3A_108 = tpu.memref_slice %arg6[%dma_wait3A_106, %dma_wait3A_107] : memref<1024x32xf32, #tpu.memory_space<vmem>> -> memref<128x32xf32, #tpu.memory_space<vmem>>
      %dma_wait3A_109 = arith.constant 0 : i32
      %dma_wait3A_110 = tpu.memref_slice %arg5[%dma_wait3A_105, %dma_wait3A_109] : memref<8x128xi32, #tpu.memory_space<vmem>> -> memref<1x128xi32, #tpu.memory_space<vmem>>
      %dma_wait3A_111 = tpu.memref_squeeze %dma_wait3A_110 : memref<1x128xi32, #tpu.memory_space<vmem>> -> memref<128xi32, #tpu.memory_space<vmem>>
      %dma_wait3A_112 = arith.constant 0 : i32
      %dma_wait3A_113 = arith.constant 0 : i32
      %dma_wait3A_114 = tpu.memref_slice %arg2[%dma_wait3A_112, %dma_wait3A_113] : memref<10000x32xf32, #tpu.memory_space<hbm>> -> memref<10000x32xf32, #tpu.memory_space<hbm>>
      tpu.wait_indirect_dma semaphore(%arg7 : memref<!tpu.dma_semaphore, #tpu.memory_space<semaphore_mem>>) src(%dma_wait3A_114 : memref<10000x32xf32, #tpu.memory_space<hbm>>) dst(%dma_wait3A_108 : memref<128x32xf32, #tpu.memory_space<vmem>>)
      %dma_wait3A_115 = arith.constant 2 : i32
      %dma_wait3A_116 = arith.constant 256 : i32
      %dma_wait3A_117 = arith.constant 0 : i32
      %dma_wait3A_118 = tpu.memref_slice %arg6[%dma_wait3A_116, %dma_wait3A_117] : memref<1024x32xf32, #tpu.memory_space<vmem>> -> memref<128x32xf32, #tpu.memory_space<vmem>>
      %dma_wait3A_119 = arith.constant 0 : i32
      %dma_wait3A_120 = tpu.memref_slice %arg5[%dma_wait3A_115, %dma_wait3A_119] : memref<8x128xi32, #tpu.memory_space<vmem>> -> memref<1x128xi32, #tpu.memory_space<vmem>>
      %dma_wait3A_121 = tpu.memref_squeeze %dma_wait3A_120 : memref<1x128xi32, #tpu.memory_space<vmem>> -> memref<128xi32, #tpu.memory_space<vmem>>
      %dma_wait3A_122 = arith.constant 0 : i32
      %dma_wait3A_123 = arith.constant 0 : i32
      %dma_wait3A_124 = tpu.memref_slice %arg2[%dma_wait3A_122, %dma_wait3A_123] : memref<10000x32xf32, #tpu.memory_space<hbm>> -> memref<10000x32xf32, #tpu.memory_space<hbm>>
      tpu.wait_indirect_dma semaphore(%arg7 : memref<!tpu.dma_semaphore, #tpu.memory_space<semaphore_mem>>) src(%dma_wait3A_124 : memref<10000x32xf32, #tpu.memory_space<hbm>>) dst(%dma_wait3A_118 : memref<128x32xf32, #tpu.memory_space<vmem>>)
      %dma_wait3A_125 = arith.constant 3 : i32
      %dma_wait3A_126 = arith.constant 384 : i32
      %dma_wait3A_127 = arith.constant 0 : i32
      %dma_wait3A_128 = tpu.memref_slice %arg6[%dma_wait3A_126, %dma_wait3A_127] : memref<1024x32xf32, #tpu.memory_space<vmem>> -> memref<128x32xf32, #tpu.memory_space<vmem>>
      %dma_wait3A_129 = arith.constant 0 : i32
      %dma_wait3A_130 = tpu.memref_slice %arg5[%dma_wait3A_125, %dma_wait3A_129] : memref<8x128xi32, #tpu.memory_space<vmem>> -> memref<1x128xi32, #tpu.memory_space<vmem>>
      %dma_wait3A_131 = tpu.memref_squeeze %dma_wait3A_130 : memref<1x128xi32, #tpu.memory_space<vmem>> -> memref<128xi32, #tpu.memory_space<vmem>>
      %dma_wait3A_132 = arith.constant 0 : i32
      %dma_wait3A_133 = arith.constant 0 : i32
      %dma_wait3A_134 = tpu.memref_slice %arg2[%dma_wait3A_132, %dma_wait3A_133] : memref<10000x32xf32, #tpu.memory_space<hbm>> -> memref<10000x32xf32, #tpu.memory_space<hbm>>
      tpu.wait_indirect_dma semaphore(%arg7 : memref<!tpu.dma_semaphore, #tpu.memory_space<semaphore_mem>>) src(%dma_wait3A_134 : memref<10000x32xf32, #tpu.memory_space<hbm>>) dst(%dma_wait3A_128 : memref<128x32xf32, #tpu.memory_space<vmem>>)
      %dma_wait3A_135 = arith.constant 4 : i32
      %dma_wait3A_136 = arith.constant 512 : i32
      %dma_wait3A_137 = arith.constant 0 : i32
      %dma_wait3A_138 = tpu.memref_slice %arg6[%dma_wait3A_136, %dma_wait3A_137] : memref<1024x32xf32, #tpu.memory_space<vmem>> -> memref<128x32xf32, #tpu.memory_space<vmem>>
      %dma_wait3A_139 = arith.constant 0 : i32
      %dma_wait3A_140 = tpu.memref_slice %arg5[%dma_wait3A_135, %dma_wait3A_139] : memref<8x128xi32, #tpu.memory_space<vmem>> -> memref<1x128xi32, #tpu.memory_space<vmem>>
      %dma_wait3A_141 = tpu.memref_squeeze %dma_wait3A_140 : memref<1x128xi32, #tpu.memory_space<vmem>> -> memref<128xi32, #tpu.memory_space<vmem>>
      %dma_wait3A_142 = arith.constant 0 : i32
      %dma_wait3A_143 = arith.constant 0 : i32
      %dma_wait3A_144 = tpu.memref_slice %arg2[%dma_wait3A_142, %dma_wait3A_143] : memref<10000x32xf32, #tpu.memory_space<hbm>> -> memref<10000x32xf32, #tpu.memory_space<hbm>>
      tpu.wait_indirect_dma semaphore(%arg7 : memref<!tpu.dma_semaphore, #tpu.memory_space<semaphore_mem>>) src(%dma_wait3A_144 : memref<10000x32xf32, #tpu.memory_space<hbm>>) dst(%dma_wait3A_138 : memref<128x32xf32, #tpu.memory_space<vmem>>)
      %dma_wait3A_145 = arith.constant 5 : i32
      %dma_wait3A_146 = arith.constant 640 : i32
      %dma_wait3A_147 = arith.constant 0 : i32
      %dma_wait3A_148 = tpu.memref_slice %arg6[%dma_wait3A_146, %dma_wait3A_147] : memref<1024x32xf32, #tpu.memory_space<vmem>> -> memref<128x32xf32, #tpu.memory_space<vmem>>
      %dma_wait3A_149 = arith.constant 0 : i32
      %dma_wait3A_150 = tpu.memref_slice %arg5[%dma_wait3A_145, %dma_wait3A_149] : memref<8x128xi32, #tpu.memory_space<vmem>> -> memref<1x128xi32, #tpu.memory_space<vmem>>
      %dma_wait3A_151 = tpu.memref_squeeze %dma_wait3A_150 : memref<1x128xi32, #tpu.memory_space<vmem>> -> memref<128xi32, #tpu.memory_space<vmem>>
      %dma_wait3A_152 = arith.constant 0 : i32
      %dma_wait3A_153 = arith.constant 0 : i32
      %dma_wait3A_154 = tpu.memref_slice %arg2[%dma_wait3A_152, %dma_wait3A_153] : memref<10000x32xf32, #tpu.memory_space<hbm>> -> memref<10000x32xf32, #tpu.memory_space<hbm>>
      tpu.wait_indirect_dma semaphore(%arg7 : memref<!tpu.dma_semaphore, #tpu.memory_space<semaphore_mem>>) src(%dma_wait3A_154 : memref<10000x32xf32, #tpu.memory_space<hbm>>) dst(%dma_wait3A_148 : memref<128x32xf32, #tpu.memory_space<vmem>>)
      %dma_wait3A_155 = arith.constant 6 : i32
      %dma_wait3A_156 = arith.constant 768 : i32
      %dma_wait3A_157 = arith.constant 0 : i32
      %dma_wait3A_158 = tpu.memref_slice %arg6[%dma_wait3A_156, %dma_wait3A_157] : memref<1024x32xf32, #tpu.memory_space<vmem>> -> memref<128x32xf32, #tpu.memory_space<vmem>>
      %dma_wait3A_159 = arith.constant 0 : i32
      %dma_wait3A_160 = tpu.memref_slice %arg5[%dma_wait3A_155, %dma_wait3A_159] : memref<8x128xi32, #tpu.memory_space<vmem>> -> memref<1x128xi32, #tpu.memory_space<vmem>>
      %dma_wait3A_161 = tpu.memref_squeeze %dma_wait3A_160 : memref<1x128xi32, #tpu.memory_space<vmem>> -> memref<128xi32, #tpu.memory_space<vmem>>
      %dma_wait3A_162 = arith.constant 0 : i32
      %dma_wait3A_163 = arith.constant 0 : i32
      %dma_wait3A_164 = tpu.memref_slice %arg2[%dma_wait3A_162, %dma_wait3A_163] : memref<10000x32xf32, #tpu.memory_space<hbm>> -> memref<10000x32xf32, #tpu.memory_space<hbm>>
      tpu.wait_indirect_dma semaphore(%arg7 : memref<!tpu.dma_semaphore, #tpu.memory_space<semaphore_mem>>) src(%dma_wait3A_164 : memref<10000x32xf32, #tpu.memory_space<hbm>>) dst(%dma_wait3A_158 : memref<128x32xf32, #tpu.memory_space<vmem>>)
      %dma_wait3A_165 = arith.constant 7 : i32
      %dma_wait3A_166 = arith.constant 896 : i32
      %dma_wait3A_167 = arith.constant 0 : i32
      %dma_wait3A_168 = tpu.memref_slice %arg6[%dma_wait3A_166, %dma_wait3A_167] : memref<1024x32xf32, #tpu.memory_space<vmem>> -> memref<128x32xf32, #tpu.memory_space<vmem>>
      %dma_wait3A_169 = arith.constant 0 : i32
      %dma_wait3A_170 = tpu.memref_slice %arg5[%dma_wait3A_165, %dma_wait3A_169] : memref<8x128xi32, #tpu.memory_space<vmem>> -> memref<1x128xi32, #tpu.memory_space<vmem>>
      %dma_wait3A_171 = tpu.memref_squeeze %dma_wait3A_170 : memref<1x128xi32, #tpu.memory_space<vmem>> -> memref<128xi32, #tpu.memory_space<vmem>>
      %dma_wait3A_172 = arith.constant 0 : i32
      %dma_wait3A_173 = arith.constant 0 : i32
      %dma_wait3A_174 = tpu.memref_slice %arg2[%dma_wait3A_172, %dma_wait3A_173] : memref<10000x32xf32, #tpu.memory_space<hbm>> -> memref<10000x32xf32, #tpu.memory_space<hbm>>
      tpu.wait_indirect_dma semaphore(%arg7 : memref<!tpu.dma_semaphore, #tpu.memory_space<semaphore_mem>>) src(%dma_wait3A_174 : memref<10000x32xf32, #tpu.memory_space<hbm>>) dst(%dma_wait3A_168 : memref<128x32xf32, #tpu.memory_space<vmem>>)
      "tpu.region"() ({
        %run_scoped3A = tpu.sem_alloc : memref<!tpu.dma_semaphore, #tpu.memory_space<semaphore_mem>>
        %dma_start3A_175 = arith.constant 0 : i32
        %dma_start3A_176 = tpu.memref_slice %arg4[%add3A_11, %dma_start3A_175] : memref<327680x32xf32, #tpu.memory_space<hbm>> -> memref<1024x32xf32, #tpu.memory_space<hbm>>
        %dma_start3A_177 = arith.constant 0 : i32
        %dma_start3A_178 = tpu.memref_slice %arg4[%add3A_11, %dma_start3A_177] : memref<327680x32xf32, #tpu.memory_space<hbm>> -> memref<1024x32xf32, #tpu.memory_space<hbm>>
        tpu.enqueue_dma source(%arg6 : memref<1024x32xf32, #tpu.memory_space<vmem>>) target(%dma_start3A_178 : memref<1024x32xf32, #tpu.memory_space<hbm>>) target_semaphore(%run_scoped3A : memref<!tpu.dma_semaphore, #tpu.memory_space<semaphore_mem>>)
        %dma_wait3A_179 = arith.constant 0 : i32
        %dma_wait3A_180 = tpu.memref_slice %arg4[%add3A_11, %dma_wait3A_179] : memref<327680x32xf32, #tpu.memory_space<hbm>> -> memref<1024x32xf32, #tpu.memory_space<hbm>>
        %dma_wait3A_181 = arith.constant 0 : i32
        %dma_wait3A_182 = tpu.memref_slice %arg4[%add3A_11, %dma_wait3A_181] : memref<327680x32xf32, #tpu.memory_space<hbm>> -> memref<1024x32xf32, #tpu.memory_space<hbm>>
        tpu.wait_dma2 semaphore(%run_scoped3A : memref<!tpu.dma_semaphore, #tpu.memory_space<semaphore_mem>>) src(%arg6 : memref<1024x32xf32, #tpu.memory_space<vmem>>) dst(%dma_wait3A_182 : memref<1024x32xf32, #tpu.memory_space<hbm>>)
        tpu.yield
      }) : () -> ()
    }
    %scan3A_5 = arith.constant 10 : i32
    return
  }
}

#map = affine_map<(d0, d1) -> (0, 0)>
#map1 = affine_map<(d0, d1) -> (0, 0, 0)>
module attributes {stable_mosaic.version = 14 : i64} {
  func.func @_sc_scatter(%arg0: i32, %arg1: i32, %arg2: memref<327680x32xf32, #tpu.memory_space<hbm>>, %arg3: memref<2560x128xi32, #tpu.memory_space<hbm>>, %arg4: memref<626x32xf32, #tpu.memory_space<hbm>>, %arg5: memref<2x10016x32xf32, #tpu.memory_space<hbm>>, %arg6: memref<8x128xi32, #tpu.memory_space<vmem>>, %arg7: memref<1024x32xf32, #tpu.memory_space<vmem>>, %arg8: memref<10016x32xf32, #tpu.memory_space<vmem_shared>>, %arg9: memref<!tpu.dma_semaphore, #tpu.memory_space<semaphore_mem>>) attributes {dimension_semantics = [#tpu.dimension_semantics<core_parallel>, #tpu.dimension_semantics<subcore_parallel>], iteration_bounds = array<i64: 2, 16>, scalar_prefetch = 0 : i64, scratch_operands = 4 : i64, tpu.core_type = #tpu.core_type<sc_vector_subcore>, window_params = [{transform_indices = #map}, {transform_indices = #map}, {transform_indices = #map}, {transform_indices = #map1}]} {
    %mul3A = arith.constant 2 : i32
    %mul3A_0 = arith.muli %arg1, %mul3A : i32
    %add3A = arith.addi %mul3A_0, %arg0 : i32
    %mul3A_1 = arith.constant 626 : i32
    %mul3A_2 = arith.muli %arg1, %mul3A_1 : i32
    "tpu.region"() ({
      %run_scoped3A = tpu.sem_alloc : memref<!tpu.dma_semaphore, #tpu.memory_space<semaphore_mem>>
      %dma_start3A = arith.constant 0 : i32
      %dma_start3A_13 = tpu.memref_slice %arg8[%mul3A_2, %dma_start3A] : memref<10016x32xf32, #tpu.memory_space<vmem_shared>> -> memref<626x32xf32, #tpu.memory_space<vmem_shared>>
      tpu.enqueue_dma source(%arg4 : memref<626x32xf32, #tpu.memory_space<hbm>>) target(%dma_start3A_13 : memref<626x32xf32, #tpu.memory_space<vmem_shared>>) target_semaphore(%run_scoped3A : memref<!tpu.dma_semaphore, #tpu.memory_space<semaphore_mem>>)
      %dma_wait3A = arith.constant 0 : i32
      %dma_wait3A_14 = tpu.memref_slice %arg8[%mul3A_2, %dma_wait3A] : memref<10016x32xf32, #tpu.memory_space<vmem_shared>> -> memref<626x32xf32, #tpu.memory_space<vmem_shared>>
      tpu.wait_dma2 semaphore(%run_scoped3A : memref<!tpu.dma_semaphore, #tpu.memory_space<semaphore_mem>>) src(%arg4 : memref<626x32xf32, #tpu.memory_space<hbm>>) dst(%dma_wait3A_14 : memref<626x32xf32, #tpu.memory_space<vmem_shared>>)
      tpu.yield
    }) : () -> ()
    %barrier3A = arith.constant 0 : index
    tpu.barrier barrier_id(%barrier3A)
    %scan3A = arith.constant 0 : i32
    %scan3A_3 = arith.constant 0 : i32
    %scan3A_4 = arith.constant 10 : i32
    %scan3A_5 = arith.addi %scan3A_3, %scan3A_4 : i32
    %scan3A_6 = arith.constant 1 : i32
    scf.for %scan3A_13 = %scan3A_3 to %scan3A_5 step %scan3A_6  : i32 {
      %mul3A_14 = arith.constant 10240 : i32
      %mul3A_15 = arith.muli %add3A, %mul3A_14 : i32
      %mul3A_16 = arith.constant 1024 : i32
      %mul3A_17 = arith.muli %scan3A_13, %mul3A_16 : i32
      %add3A_18 = arith.addi %mul3A_15, %mul3A_17 : i32
      %mul3A_19 = arith.constant 80 : i32
      %mul3A_20 = arith.muli %add3A, %mul3A_19 : i32
      %mul3A_21 = arith.constant 8 : i32
      %mul3A_22 = arith.muli %scan3A_13, %mul3A_21 : i32
      %add3A_23 = arith.addi %mul3A_20, %mul3A_22 : i32
      "tpu.region"() ({
        %run_scoped3A_31 = tpu.sem_alloc : memref<!tpu.dma_semaphore, #tpu.memory_space<semaphore_mem>>
        %dma_start3A = arith.constant 0 : i32
        %dma_start3A_32 = tpu.memref_slice %arg3[%add3A_23, %dma_start3A] : memref<2560x128xi32, #tpu.memory_space<hbm>> -> memref<8x128xi32, #tpu.memory_space<hbm>>
        %dma_start3A_33 = arith.constant 0 : i32
        %dma_start3A_34 = tpu.memref_slice %arg3[%add3A_23, %dma_start3A_33] : memref<2560x128xi32, #tpu.memory_space<hbm>> -> memref<8x128xi32, #tpu.memory_space<hbm>>
        tpu.enqueue_dma source(%dma_start3A_34 : memref<8x128xi32, #tpu.memory_space<hbm>>) target(%arg6 : memref<8x128xi32, #tpu.memory_space<vmem>>) target_semaphore(%run_scoped3A_31 : memref<!tpu.dma_semaphore, #tpu.memory_space<semaphore_mem>>)
        %dma_wait3A = arith.constant 0 : i32
        %dma_wait3A_35 = tpu.memref_slice %arg3[%add3A_23, %dma_wait3A] : memref<2560x128xi32, #tpu.memory_space<hbm>> -> memref<8x128xi32, #tpu.memory_space<hbm>>
        %dma_wait3A_36 = arith.constant 0 : i32
        %dma_wait3A_37 = tpu.memref_slice %arg3[%add3A_23, %dma_wait3A_36] : memref<2560x128xi32, #tpu.memory_space<hbm>> -> memref<8x128xi32, #tpu.memory_space<hbm>>
        tpu.wait_dma2 semaphore(%run_scoped3A_31 : memref<!tpu.dma_semaphore, #tpu.memory_space<semaphore_mem>>) src(%dma_wait3A_37 : memref<8x128xi32, #tpu.memory_space<hbm>>) dst(%arg6 : memref<8x128xi32, #tpu.memory_space<vmem>>)
        tpu.yield
      }) : () -> ()
      "tpu.region"() ({
        %run_scoped3A_31 = tpu.sem_alloc : memref<!tpu.dma_semaphore, #tpu.memory_space<semaphore_mem>>
        %dma_start3A = arith.constant 0 : i32
        %dma_start3A_32 = tpu.memref_slice %arg2[%add3A_18, %dma_start3A] : memref<327680x32xf32, #tpu.memory_space<hbm>> -> memref<1024x32xf32, #tpu.memory_space<hbm>>
        %dma_start3A_33 = arith.constant 0 : i32
        %dma_start3A_34 = tpu.memref_slice %arg2[%add3A_18, %dma_start3A_33] : memref<327680x32xf32, #tpu.memory_space<hbm>> -> memref<1024x32xf32, #tpu.memory_space<hbm>>
        tpu.enqueue_dma source(%dma_start3A_34 : memref<1024x32xf32, #tpu.memory_space<hbm>>) target(%arg7 : memref<1024x32xf32, #tpu.memory_space<vmem>>) target_semaphore(%run_scoped3A_31 : memref<!tpu.dma_semaphore, #tpu.memory_space<semaphore_mem>>)
        %dma_wait3A = arith.constant 0 : i32
        %dma_wait3A_35 = tpu.memref_slice %arg2[%add3A_18, %dma_wait3A] : memref<327680x32xf32, #tpu.memory_space<hbm>> -> memref<1024x32xf32, #tpu.memory_space<hbm>>
        %dma_wait3A_36 = arith.constant 0 : i32
        %dma_wait3A_37 = tpu.memref_slice %arg2[%add3A_18, %dma_wait3A_36] : memref<327680x32xf32, #tpu.memory_space<hbm>> -> memref<1024x32xf32, #tpu.memory_space<hbm>>
        tpu.wait_dma2 semaphore(%run_scoped3A_31 : memref<!tpu.dma_semaphore, #tpu.memory_space<semaphore_mem>>) src(%dma_wait3A_37 : memref<1024x32xf32, #tpu.memory_space<hbm>>) dst(%arg7 : memref<1024x32xf32, #tpu.memory_space<vmem>>)
        tpu.yield
      }) : () -> ()
      %run_scoped3A = arith.constant 0 : i32
      "tpu.region"() ({
        %run_scoped3A_31 = tpu.sem_alloc : memref<!tpu.dma_semaphore, #tpu.memory_space<semaphore_mem>>
        %dma_start3A = arith.constant 0 : i32
        %dma_start3A_32 = arith.constant 0 : i32
        %dma_start3A_33 = tpu.memref_slice %arg7[%dma_start3A, %dma_start3A_32] : memref<1024x32xf32, #tpu.memory_space<vmem>> -> memref<128x32xf32, #tpu.memory_space<vmem>>
        %dma_start3A_34 = arith.constant 0 : i32
        %dma_start3A_35 = tpu.memref_slice %arg6[%run_scoped3A, %dma_start3A_34] : memref<8x128xi32, #tpu.memory_space<vmem>> -> memref<1x128xi32, #tpu.memory_space<vmem>>
        %dma_start3A_36 = tpu.memref_squeeze %dma_start3A_35 : memref<1x128xi32, #tpu.memory_space<vmem>> -> memref<128xi32, #tpu.memory_space<vmem>>
        %dma_start3A_37 = arith.constant 0 : i32
        %dma_start3A_38 = arith.constant 0 : i32
        %dma_start3A_39 = tpu.memref_slice %arg8[%dma_start3A_37, %dma_start3A_38] : memref<10016x32xf32, #tpu.memory_space<vmem_shared>> -> memref<10016x32xf32, #tpu.memory_space<vmem_shared>>
        tpu.enqueue_indirect_dma source(%dma_start3A_33 : memref<128x32xf32, #tpu.memory_space<vmem>>) target(%dma_start3A_39 : memref<10016x32xf32, #tpu.memory_space<vmem_shared>>) offsets(%dma_start3A_36 : memref<128xi32, #tpu.memory_space<vmem>>) semaphore(%run_scoped3A_31 : memref<!tpu.dma_semaphore, #tpu.memory_space<semaphore_mem>>) {add = true}
        %dma_wait3A = arith.constant 0 : i32
        %dma_wait3A_40 = arith.constant 0 : i32
        %dma_wait3A_41 = tpu.memref_slice %arg7[%dma_wait3A, %dma_wait3A_40] : memref<1024x32xf32, #tpu.memory_space<vmem>> -> memref<128x32xf32, #tpu.memory_space<vmem>>
        %dma_wait3A_42 = arith.constant 0 : i32
        %dma_wait3A_43 = tpu.memref_slice %arg6[%run_scoped3A, %dma_wait3A_42] : memref<8x128xi32, #tpu.memory_space<vmem>> -> memref<1x128xi32, #tpu.memory_space<vmem>>
        %dma_wait3A_44 = tpu.memref_squeeze %dma_wait3A_43 : memref<1x128xi32, #tpu.memory_space<vmem>> -> memref<128xi32, #tpu.memory_space<vmem>>
        %dma_wait3A_45 = arith.constant 0 : i32
        %dma_wait3A_46 = arith.constant 0 : i32
        %dma_wait3A_47 = tpu.memref_slice %arg8[%dma_wait3A_45, %dma_wait3A_46] : memref<10016x32xf32, #tpu.memory_space<vmem_shared>> -> memref<10016x32xf32, #tpu.memory_space<vmem_shared>>
        tpu.wait_indirect_dma semaphore(%run_scoped3A_31 : memref<!tpu.dma_semaphore, #tpu.memory_space<semaphore_mem>>) src(%dma_wait3A_41 : memref<128x32xf32, #tpu.memory_space<vmem>>) dst(%dma_wait3A_47 : memref<10016x32xf32, #tpu.memory_space<vmem_shared>>)
        tpu.yield
      }) : () -> ()
      %run_scoped3A_24 = arith.constant 1 : i32
      "tpu.region"() ({
        %run_scoped3A_31 = tpu.sem_alloc : memref<!tpu.dma_semaphore, #tpu.memory_space<semaphore_mem>>
        %dma_start3A = arith.constant 128 : i32
        %dma_start3A_32 = arith.constant 0 : i32
        %dma_start3A_33 = tpu.memref_slice %arg7[%dma_start3A, %dma_start3A_32] : memref<1024x32xf32, #tpu.memory_space<vmem>> -> memref<128x32xf32, #tpu.memory_space<vmem>>
        %dma_start3A_34 = arith.constant 0 : i32
        %dma_start3A_35 = tpu.memref_slice %arg6[%run_scoped3A_24, %dma_start3A_34] : memref<8x128xi32, #tpu.memory_space<vmem>> -> memref<1x128xi32, #tpu.memory_space<vmem>>
        %dma_start3A_36 = tpu.memref_squeeze %dma_start3A_35 : memref<1x128xi32, #tpu.memory_space<vmem>> -> memref<128xi32, #tpu.memory_space<vmem>>
        %dma_start3A_37 = arith.constant 0 : i32
        %dma_start3A_38 = arith.constant 0 : i32
        %dma_start3A_39 = tpu.memref_slice %arg8[%dma_start3A_37, %dma_start3A_38] : memref<10016x32xf32, #tpu.memory_space<vmem_shared>> -> memref<10016x32xf32, #tpu.memory_space<vmem_shared>>
        tpu.enqueue_indirect_dma source(%dma_start3A_33 : memref<128x32xf32, #tpu.memory_space<vmem>>) target(%dma_start3A_39 : memref<10016x32xf32, #tpu.memory_space<vmem_shared>>) offsets(%dma_start3A_36 : memref<128xi32, #tpu.memory_space<vmem>>) semaphore(%run_scoped3A_31 : memref<!tpu.dma_semaphore, #tpu.memory_space<semaphore_mem>>) {add = true}
        %dma_wait3A = arith.constant 128 : i32
        %dma_wait3A_40 = arith.constant 0 : i32
        %dma_wait3A_41 = tpu.memref_slice %arg7[%dma_wait3A, %dma_wait3A_40] : memref<1024x32xf32, #tpu.memory_space<vmem>> -> memref<128x32xf32, #tpu.memory_space<vmem>>
        %dma_wait3A_42 = arith.constant 0 : i32
        %dma_wait3A_43 = tpu.memref_slice %arg6[%run_scoped3A_24, %dma_wait3A_42] : memref<8x128xi32, #tpu.memory_space<vmem>> -> memref<1x128xi32, #tpu.memory_space<vmem>>
        %dma_wait3A_44 = tpu.memref_squeeze %dma_wait3A_43 : memref<1x128xi32, #tpu.memory_space<vmem>> -> memref<128xi32, #tpu.memory_space<vmem>>
        %dma_wait3A_45 = arith.constant 0 : i32
        %dma_wait3A_46 = arith.constant 0 : i32
        %dma_wait3A_47 = tpu.memref_slice %arg8[%dma_wait3A_45, %dma_wait3A_46] : memref<10016x32xf32, #tpu.memory_space<vmem_shared>> -> memref<10016x32xf32, #tpu.memory_space<vmem_shared>>
        tpu.wait_indirect_dma semaphore(%run_scoped3A_31 : memref<!tpu.dma_semaphore, #tpu.memory_space<semaphore_mem>>) src(%dma_wait3A_41 : memref<128x32xf32, #tpu.memory_space<vmem>>) dst(%dma_wait3A_47 : memref<10016x32xf32, #tpu.memory_space<vmem_shared>>)
        tpu.yield
      }) : () -> ()
      %run_scoped3A_25 = arith.constant 2 : i32
      "tpu.region"() ({
        %run_scoped3A_31 = tpu.sem_alloc : memref<!tpu.dma_semaphore, #tpu.memory_space<semaphore_mem>>
        %dma_start3A = arith.constant 256 : i32
        %dma_start3A_32 = arith.constant 0 : i32
        %dma_start3A_33 = tpu.memref_slice %arg7[%dma_start3A, %dma_start3A_32] : memref<1024x32xf32, #tpu.memory_space<vmem>> -> memref<128x32xf32, #tpu.memory_space<vmem>>
        %dma_start3A_34 = arith.constant 0 : i32
        %dma_start3A_35 = tpu.memref_slice %arg6[%run_scoped3A_25, %dma_start3A_34] : memref<8x128xi32, #tpu.memory_space<vmem>> -> memref<1x128xi32, #tpu.memory_space<vmem>>
        %dma_start3A_36 = tpu.memref_squeeze %dma_start3A_35 : memref<1x128xi32, #tpu.memory_space<vmem>> -> memref<128xi32, #tpu.memory_space<vmem>>
        %dma_start3A_37 = arith.constant 0 : i32
        %dma_start3A_38 = arith.constant 0 : i32
        %dma_start3A_39 = tpu.memref_slice %arg8[%dma_start3A_37, %dma_start3A_38] : memref<10016x32xf32, #tpu.memory_space<vmem_shared>> -> memref<10016x32xf32, #tpu.memory_space<vmem_shared>>
        tpu.enqueue_indirect_dma source(%dma_start3A_33 : memref<128x32xf32, #tpu.memory_space<vmem>>) target(%dma_start3A_39 : memref<10016x32xf32, #tpu.memory_space<vmem_shared>>) offsets(%dma_start3A_36 : memref<128xi32, #tpu.memory_space<vmem>>) semaphore(%run_scoped3A_31 : memref<!tpu.dma_semaphore, #tpu.memory_space<semaphore_mem>>) {add = true}
        %dma_wait3A = arith.constant 256 : i32
        %dma_wait3A_40 = arith.constant 0 : i32
        %dma_wait3A_41 = tpu.memref_slice %arg7[%dma_wait3A, %dma_wait3A_40] : memref<1024x32xf32, #tpu.memory_space<vmem>> -> memref<128x32xf32, #tpu.memory_space<vmem>>
        %dma_wait3A_42 = arith.constant 0 : i32
        %dma_wait3A_43 = tpu.memref_slice %arg6[%run_scoped3A_25, %dma_wait3A_42] : memref<8x128xi32, #tpu.memory_space<vmem>> -> memref<1x128xi32, #tpu.memory_space<vmem>>
        %dma_wait3A_44 = tpu.memref_squeeze %dma_wait3A_43 : memref<1x128xi32, #tpu.memory_space<vmem>> -> memref<128xi32, #tpu.memory_space<vmem>>
        %dma_wait3A_45 = arith.constant 0 : i32
        %dma_wait3A_46 = arith.constant 0 : i32
        %dma_wait3A_47 = tpu.memref_slice %arg8[%dma_wait3A_45, %dma_wait3A_46] : memref<10016x32xf32, #tpu.memory_space<vmem_shared>> -> memref<10016x32xf32, #tpu.memory_space<vmem_shared>>
        tpu.wait_indirect_dma semaphore(%run_scoped3A_31 : memref<!tpu.dma_semaphore, #tpu.memory_space<semaphore_mem>>) src(%dma_wait3A_41 : memref<128x32xf32, #tpu.memory_space<vmem>>) dst(%dma_wait3A_47 : memref<10016x32xf32, #tpu.memory_space<vmem_shared>>)
        tpu.yield
      }) : () -> ()
      %run_scoped3A_26 = arith.constant 3 : i32
      "tpu.region"() ({
        %run_scoped3A_31 = tpu.sem_alloc : memref<!tpu.dma_semaphore, #tpu.memory_space<semaphore_mem>>
        %dma_start3A = arith.constant 384 : i32
        %dma_start3A_32 = arith.constant 0 : i32
        %dma_start3A_33 = tpu.memref_slice %arg7[%dma_start3A, %dma_start3A_32] : memref<1024x32xf32, #tpu.memory_space<vmem>> -> memref<128x32xf32, #tpu.memory_space<vmem>>
        %dma_start3A_34 = arith.constant 0 : i32
        %dma_start3A_35 = tpu.memref_slice %arg6[%run_scoped3A_26, %dma_start3A_34] : memref<8x128xi32, #tpu.memory_space<vmem>> -> memref<1x128xi32, #tpu.memory_space<vmem>>
        %dma_start3A_36 = tpu.memref_squeeze %dma_start3A_35 : memref<1x128xi32, #tpu.memory_space<vmem>> -> memref<128xi32, #tpu.memory_space<vmem>>
        %dma_start3A_37 = arith.constant 0 : i32
        %dma_start3A_38 = arith.constant 0 : i32
        %dma_start3A_39 = tpu.memref_slice %arg8[%dma_start3A_37, %dma_start3A_38] : memref<10016x32xf32, #tpu.memory_space<vmem_shared>> -> memref<10016x32xf32, #tpu.memory_space<vmem_shared>>
        tpu.enqueue_indirect_dma source(%dma_start3A_33 : memref<128x32xf32, #tpu.memory_space<vmem>>) target(%dma_start3A_39 : memref<10016x32xf32, #tpu.memory_space<vmem_shared>>) offsets(%dma_start3A_36 : memref<128xi32, #tpu.memory_space<vmem>>) semaphore(%run_scoped3A_31 : memref<!tpu.dma_semaphore, #tpu.memory_space<semaphore_mem>>) {add = true}
        %dma_wait3A = arith.constant 384 : i32
        %dma_wait3A_40 = arith.constant 0 : i32
        %dma_wait3A_41 = tpu.memref_slice %arg7[%dma_wait3A, %dma_wait3A_40] : memref<1024x32xf32, #tpu.memory_space<vmem>> -> memref<128x32xf32, #tpu.memory_space<vmem>>
        %dma_wait3A_42 = arith.constant 0 : i32
        %dma_wait3A_43 = tpu.memref_slice %arg6[%run_scoped3A_26, %dma_wait3A_42] : memref<8x128xi32, #tpu.memory_space<vmem>> -> memref<1x128xi32, #tpu.memory_space<vmem>>
        %dma_wait3A_44 = tpu.memref_squeeze %dma_wait3A_43 : memref<1x128xi32, #tpu.memory_space<vmem>> -> memref<128xi32, #tpu.memory_space<vmem>>
        %dma_wait3A_45 = arith.constant 0 : i32
        %dma_wait3A_46 = arith.constant 0 : i32
        %dma_wait3A_47 = tpu.memref_slice %arg8[%dma_wait3A_45, %dma_wait3A_46] : memref<10016x32xf32, #tpu.memory_space<vmem_shared>> -> memref<10016x32xf32, #tpu.memory_space<vmem_shared>>
        tpu.wait_indirect_dma semaphore(%run_scoped3A_31 : memref<!tpu.dma_semaphore, #tpu.memory_space<semaphore_mem>>) src(%dma_wait3A_41 : memref<128x32xf32, #tpu.memory_space<vmem>>) dst(%dma_wait3A_47 : memref<10016x32xf32, #tpu.memory_space<vmem_shared>>)
        tpu.yield
      }) : () -> ()
      %run_scoped3A_27 = arith.constant 4 : i32
      "tpu.region"() ({
        %run_scoped3A_31 = tpu.sem_alloc : memref<!tpu.dma_semaphore, #tpu.memory_space<semaphore_mem>>
        %dma_start3A = arith.constant 512 : i32
        %dma_start3A_32 = arith.constant 0 : i32
        %dma_start3A_33 = tpu.memref_slice %arg7[%dma_start3A, %dma_start3A_32] : memref<1024x32xf32, #tpu.memory_space<vmem>> -> memref<128x32xf32, #tpu.memory_space<vmem>>
        %dma_start3A_34 = arith.constant 0 : i32
        %dma_start3A_35 = tpu.memref_slice %arg6[%run_scoped3A_27, %dma_start3A_34] : memref<8x128xi32, #tpu.memory_space<vmem>> -> memref<1x128xi32, #tpu.memory_space<vmem>>
        %dma_start3A_36 = tpu.memref_squeeze %dma_start3A_35 : memref<1x128xi32, #tpu.memory_space<vmem>> -> memref<128xi32, #tpu.memory_space<vmem>>
        %dma_start3A_37 = arith.constant 0 : i32
        %dma_start3A_38 = arith.constant 0 : i32
        %dma_start3A_39 = tpu.memref_slice %arg8[%dma_start3A_37, %dma_start3A_38] : memref<10016x32xf32, #tpu.memory_space<vmem_shared>> -> memref<10016x32xf32, #tpu.memory_space<vmem_shared>>
        tpu.enqueue_indirect_dma source(%dma_start3A_33 : memref<128x32xf32, #tpu.memory_space<vmem>>) target(%dma_start3A_39 : memref<10016x32xf32, #tpu.memory_space<vmem_shared>>) offsets(%dma_start3A_36 : memref<128xi32, #tpu.memory_space<vmem>>) semaphore(%run_scoped3A_31 : memref<!tpu.dma_semaphore, #tpu.memory_space<semaphore_mem>>) {add = true}
        %dma_wait3A = arith.constant 512 : i32
        %dma_wait3A_40 = arith.constant 0 : i32
        %dma_wait3A_41 = tpu.memref_slice %arg7[%dma_wait3A, %dma_wait3A_40] : memref<1024x32xf32, #tpu.memory_space<vmem>> -> memref<128x32xf32, #tpu.memory_space<vmem>>
        %dma_wait3A_42 = arith.constant 0 : i32
        %dma_wait3A_43 = tpu.memref_slice %arg6[%run_scoped3A_27, %dma_wait3A_42] : memref<8x128xi32, #tpu.memory_space<vmem>> -> memref<1x128xi32, #tpu.memory_space<vmem>>
        %dma_wait3A_44 = tpu.memref_squeeze %dma_wait3A_43 : memref<1x128xi32, #tpu.memory_space<vmem>> -> memref<128xi32, #tpu.memory_space<vmem>>
        %dma_wait3A_45 = arith.constant 0 : i32
        %dma_wait3A_46 = arith.constant 0 : i32
        %dma_wait3A_47 = tpu.memref_slice %arg8[%dma_wait3A_45, %dma_wait3A_46] : memref<10016x32xf32, #tpu.memory_space<vmem_shared>> -> memref<10016x32xf32, #tpu.memory_space<vmem_shared>>
        tpu.wait_indirect_dma semaphore(%run_scoped3A_31 : memref<!tpu.dma_semaphore, #tpu.memory_space<semaphore_mem>>) src(%dma_wait3A_41 : memref<128x32xf32, #tpu.memory_space<vmem>>) dst(%dma_wait3A_47 : memref<10016x32xf32, #tpu.memory_space<vmem_shared>>)
        tpu.yield
      }) : () -> ()
      %run_scoped3A_28 = arith.constant 5 : i32
      "tpu.region"() ({
        %run_scoped3A_31 = tpu.sem_alloc : memref<!tpu.dma_semaphore, #tpu.memory_space<semaphore_mem>>
        %dma_start3A = arith.constant 640 : i32
        %dma_start3A_32 = arith.constant 0 : i32
        %dma_start3A_33 = tpu.memref_slice %arg7[%dma_start3A, %dma_start3A_32] : memref<1024x32xf32, #tpu.memory_space<vmem>> -> memref<128x32xf32, #tpu.memory_space<vmem>>
        %dma_start3A_34 = arith.constant 0 : i32
        %dma_start3A_35 = tpu.memref_slice %arg6[%run_scoped3A_28, %dma_start3A_34] : memref<8x128xi32, #tpu.memory_space<vmem>> -> memref<1x128xi32, #tpu.memory_space<vmem>>
        %dma_start3A_36 = tpu.memref_squeeze %dma_start3A_35 : memref<1x128xi32, #tpu.memory_space<vmem>> -> memref<128xi32, #tpu.memory_space<vmem>>
        %dma_start3A_37 = arith.constant 0 : i32
        %dma_start3A_38 = arith.constant 0 : i32
        %dma_start3A_39 = tpu.memref_slice %arg8[%dma_start3A_37, %dma_start3A_38] : memref<10016x32xf32, #tpu.memory_space<vmem_shared>> -> memref<10016x32xf32, #tpu.memory_space<vmem_shared>>
        tpu.enqueue_indirect_dma source(%dma_start3A_33 : memref<128x32xf32, #tpu.memory_space<vmem>>) target(%dma_start3A_39 : memref<10016x32xf32, #tpu.memory_space<vmem_shared>>) offsets(%dma_start3A_36 : memref<128xi32, #tpu.memory_space<vmem>>) semaphore(%run_scoped3A_31 : memref<!tpu.dma_semaphore, #tpu.memory_space<semaphore_mem>>) {add = true}
        %dma_wait3A = arith.constant 640 : i32
        %dma_wait3A_40 = arith.constant 0 : i32
        %dma_wait3A_41 = tpu.memref_slice %arg7[%dma_wait3A, %dma_wait3A_40] : memref<1024x32xf32, #tpu.memory_space<vmem>> -> memref<128x32xf32, #tpu.memory_space<vmem>>
        %dma_wait3A_42 = arith.constant 0 : i32
        %dma_wait3A_43 = tpu.memref_slice %arg6[%run_scoped3A_28, %dma_wait3A_42] : memref<8x128xi32, #tpu.memory_space<vmem>> -> memref<1x128xi32, #tpu.memory_space<vmem>>
        %dma_wait3A_44 = tpu.memref_squeeze %dma_wait3A_43 : memref<1x128xi32, #tpu.memory_space<vmem>> -> memref<128xi32, #tpu.memory_space<vmem>>
        %dma_wait3A_45 = arith.constant 0 : i32
        %dma_wait3A_46 = arith.constant 0 : i32
        %dma_wait3A_47 = tpu.memref_slice %arg8[%dma_wait3A_45, %dma_wait3A_46] : memref<10016x32xf32, #tpu.memory_space<vmem_shared>> -> memref<10016x32xf32, #tpu.memory_space<vmem_shared>>
        tpu.wait_indirect_dma semaphore(%run_scoped3A_31 : memref<!tpu.dma_semaphore, #tpu.memory_space<semaphore_mem>>) src(%dma_wait3A_41 : memref<128x32xf32, #tpu.memory_space<vmem>>) dst(%dma_wait3A_47 : memref<10016x32xf32, #tpu.memory_space<vmem_shared>>)
        tpu.yield
      }) : () -> ()
      %run_scoped3A_29 = arith.constant 6 : i32
      "tpu.region"() ({
        %run_scoped3A_31 = tpu.sem_alloc : memref<!tpu.dma_semaphore, #tpu.memory_space<semaphore_mem>>
        %dma_start3A = arith.constant 768 : i32
        %dma_start3A_32 = arith.constant 0 : i32
        %dma_start3A_33 = tpu.memref_slice %arg7[%dma_start3A, %dma_start3A_32] : memref<1024x32xf32, #tpu.memory_space<vmem>> -> memref<128x32xf32, #tpu.memory_space<vmem>>
        %dma_start3A_34 = arith.constant 0 : i32
        %dma_start3A_35 = tpu.memref_slice %arg6[%run_scoped3A_29, %dma_start3A_34] : memref<8x128xi32, #tpu.memory_space<vmem>> -> memref<1x128xi32, #tpu.memory_space<vmem>>
        %dma_start3A_36 = tpu.memref_squeeze %dma_start3A_35 : memref<1x128xi32, #tpu.memory_space<vmem>> -> memref<128xi32, #tpu.memory_space<vmem>>
        %dma_start3A_37 = arith.constant 0 : i32
        %dma_start3A_38 = arith.constant 0 : i32
        %dma_start3A_39 = tpu.memref_slice %arg8[%dma_start3A_37, %dma_start3A_38] : memref<10016x32xf32, #tpu.memory_space<vmem_shared>> -> memref<10016x32xf32, #tpu.memory_space<vmem_shared>>
        tpu.enqueue_indirect_dma source(%dma_start3A_33 : memref<128x32xf32, #tpu.memory_space<vmem>>) target(%dma_start3A_39 : memref<10016x32xf32, #tpu.memory_space<vmem_shared>>) offsets(%dma_start3A_36 : memref<128xi32, #tpu.memory_space<vmem>>) semaphore(%run_scoped3A_31 : memref<!tpu.dma_semaphore, #tpu.memory_space<semaphore_mem>>) {add = true}
        %dma_wait3A = arith.constant 768 : i32
        %dma_wait3A_40 = arith.constant 0 : i32
        %dma_wait3A_41 = tpu.memref_slice %arg7[%dma_wait3A, %dma_wait3A_40] : memref<1024x32xf32, #tpu.memory_space<vmem>> -> memref<128x32xf32, #tpu.memory_space<vmem>>
        %dma_wait3A_42 = arith.constant 0 : i32
        %dma_wait3A_43 = tpu.memref_slice %arg6[%run_scoped3A_29, %dma_wait3A_42] : memref<8x128xi32, #tpu.memory_space<vmem>> -> memref<1x128xi32, #tpu.memory_space<vmem>>
        %dma_wait3A_44 = tpu.memref_squeeze %dma_wait3A_43 : memref<1x128xi32, #tpu.memory_space<vmem>> -> memref<128xi32, #tpu.memory_space<vmem>>
        %dma_wait3A_45 = arith.constant 0 : i32
        %dma_wait3A_46 = arith.constant 0 : i32
        %dma_wait3A_47 = tpu.memref_slice %arg8[%dma_wait3A_45, %dma_wait3A_46] : memref<10016x32xf32, #tpu.memory_space<vmem_shared>> -> memref<10016x32xf32, #tpu.memory_space<vmem_shared>>
        tpu.wait_indirect_dma semaphore(%run_scoped3A_31 : memref<!tpu.dma_semaphore, #tpu.memory_space<semaphore_mem>>) src(%dma_wait3A_41 : memref<128x32xf32, #tpu.memory_space<vmem>>) dst(%dma_wait3A_47 : memref<10016x32xf32, #tpu.memory_space<vmem_shared>>)
        tpu.yield
      }) : () -> ()
      %run_scoped3A_30 = arith.constant 7 : i32
      "tpu.region"() ({
        %run_scoped3A_31 = tpu.sem_alloc : memref<!tpu.dma_semaphore, #tpu.memory_space<semaphore_mem>>
        %dma_start3A = arith.constant 896 : i32
        %dma_start3A_32 = arith.constant 0 : i32
        %dma_start3A_33 = tpu.memref_slice %arg7[%dma_start3A, %dma_start3A_32] : memref<1024x32xf32, #tpu.memory_space<vmem>> -> memref<128x32xf32, #tpu.memory_space<vmem>>
        %dma_start3A_34 = arith.constant 0 : i32
        %dma_start3A_35 = tpu.memref_slice %arg6[%run_scoped3A_30, %dma_start3A_34] : memref<8x128xi32, #tpu.memory_space<vmem>> -> memref<1x128xi32, #tpu.memory_space<vmem>>
        %dma_start3A_36 = tpu.memref_squeeze %dma_start3A_35 : memref<1x128xi32, #tpu.memory_space<vmem>> -> memref<128xi32, #tpu.memory_space<vmem>>
        %dma_start3A_37 = arith.constant 0 : i32
        %dma_start3A_38 = arith.constant 0 : i32
        %dma_start3A_39 = tpu.memref_slice %arg8[%dma_start3A_37, %dma_start3A_38] : memref<10016x32xf32, #tpu.memory_space<vmem_shared>> -> memref<10016x32xf32, #tpu.memory_space<vmem_shared>>
        tpu.enqueue_indirect_dma source(%dma_start3A_33 : memref<128x32xf32, #tpu.memory_space<vmem>>) target(%dma_start3A_39 : memref<10016x32xf32, #tpu.memory_space<vmem_shared>>) offsets(%dma_start3A_36 : memref<128xi32, #tpu.memory_space<vmem>>) semaphore(%run_scoped3A_31 : memref<!tpu.dma_semaphore, #tpu.memory_space<semaphore_mem>>) {add = true}
        %dma_wait3A = arith.constant 896 : i32
        %dma_wait3A_40 = arith.constant 0 : i32
        %dma_wait3A_41 = tpu.memref_slice %arg7[%dma_wait3A, %dma_wait3A_40] : memref<1024x32xf32, #tpu.memory_space<vmem>> -> memref<128x32xf32, #tpu.memory_space<vmem>>
        %dma_wait3A_42 = arith.constant 0 : i32
        %dma_wait3A_43 = tpu.memref_slice %arg6[%run_scoped3A_30, %dma_wait3A_42] : memref<8x128xi32, #tpu.memory_space<vmem>> -> memref<1x128xi32, #tpu.memory_space<vmem>>
        %dma_wait3A_44 = tpu.memref_squeeze %dma_wait3A_43 : memref<1x128xi32, #tpu.memory_space<vmem>> -> memref<128xi32, #tpu.memory_space<vmem>>
        %dma_wait3A_45 = arith.constant 0 : i32
        %dma_wait3A_46 = arith.constant 0 : i32
        %dma_wait3A_47 = tpu.memref_slice %arg8[%dma_wait3A_45, %dma_wait3A_46] : memref<10016x32xf32, #tpu.memory_space<vmem_shared>> -> memref<10016x32xf32, #tpu.memory_space<vmem_shared>>
        tpu.wait_indirect_dma semaphore(%run_scoped3A_31 : memref<!tpu.dma_semaphore, #tpu.memory_space<semaphore_mem>>) src(%dma_wait3A_41 : memref<128x32xf32, #tpu.memory_space<vmem>>) dst(%dma_wait3A_47 : memref<10016x32xf32, #tpu.memory_space<vmem_shared>>)
        tpu.yield
      }) : () -> ()
    }
    %scan3A_7 = arith.constant 10 : i32
    %barrier3A_8 = arith.constant 0 : index
    tpu.barrier barrier_id(%barrier3A_8)
    %mul3A_9 = arith.constant 626 : i32
    %mul3A_10 = arith.muli %arg1, %mul3A_9 : i32
    %mul3A_11 = arith.constant 626 : i32
    %mul3A_12 = arith.muli %arg1, %mul3A_11 : i32
    "tpu.region"() ({
      %run_scoped3A = tpu.sem_alloc : memref<!tpu.dma_semaphore, #tpu.memory_space<semaphore_mem>>
      %dma_start3A = arith.constant 0 : i32
      %dma_start3A_13 = tpu.memref_slice %arg5[%arg0, %mul3A_12, %dma_start3A] : memref<2x10016x32xf32, #tpu.memory_space<hbm>> -> memref<1x626x32xf32, #tpu.memory_space<hbm>>
      %dma_start3A_14 = tpu.memref_squeeze %dma_start3A_13 : memref<1x626x32xf32, #tpu.memory_space<hbm>> -> memref<626x32xf32, #tpu.memory_space<hbm>>
      %dma_start3A_15 = arith.constant 0 : i32
      %dma_start3A_16 = tpu.memref_slice %arg8[%mul3A_10, %dma_start3A_15] : memref<10016x32xf32, #tpu.memory_space<vmem_shared>> -> memref<626x32xf32, #tpu.memory_space<vmem_shared>>
      tpu.enqueue_dma source(%dma_start3A_16 : memref<626x32xf32, #tpu.memory_space<vmem_shared>>) target(%dma_start3A_14 : memref<626x32xf32, #tpu.memory_space<hbm>>) target_semaphore(%run_scoped3A : memref<!tpu.dma_semaphore, #tpu.memory_space<semaphore_mem>>)
      %dma_wait3A = arith.constant 0 : i32
      %dma_wait3A_17 = tpu.memref_slice %arg5[%arg0, %mul3A_12, %dma_wait3A] : memref<2x10016x32xf32, #tpu.memory_space<hbm>> -> memref<1x626x32xf32, #tpu.memory_space<hbm>>
      %dma_wait3A_18 = tpu.memref_squeeze %dma_wait3A_17 : memref<1x626x32xf32, #tpu.memory_space<hbm>> -> memref<626x32xf32, #tpu.memory_space<hbm>>
      %dma_wait3A_19 = arith.constant 0 : i32
      %dma_wait3A_20 = tpu.memref_slice %arg8[%mul3A_10, %dma_wait3A_19] : memref<10016x32xf32, #tpu.memory_space<vmem_shared>> -> memref<626x32xf32, #tpu.memory_space<vmem_shared>>
      tpu.wait_dma2 semaphore(%run_scoped3A : memref<!tpu.dma_semaphore, #tpu.memory_space<semaphore_mem>>) src(%dma_wait3A_20 : memref<626x32xf32, #tpu.memory_space<vmem_shared>>) dst(%dma_wait3A_18 : memref<626x32xf32, #tpu.memory_space<hbm>>)
      tpu.yield
    }) : () -> ()
    return
  }
}

module attributes {stable_mosaic.version = 14 : i64} {
  func.func @_node_pre_body(%arg0: i32, %arg1: memref<2500x512xf32, #tpu.memory_space<vmem>>, %arg2: memref<512x128xf32, #tpu.memory_space<vmem>>, %arg3: memref<1x128xf32, #tpu.memory_space<vmem>>, %arg4: memref<128x128xf32, #tpu.memory_space<vmem>>, %arg5: memref<1x128xf32, #tpu.memory_space<vmem>>, %arg6: memref<512x128xf32, #tpu.memory_space<vmem>>, %arg7: memref<1x128xf32, #tpu.memory_space<vmem>>, %arg8: memref<2500x128xf32, #tpu.memory_space<vmem>>, %arg9: memref<2500x128xf32, #tpu.memory_space<vmem>>) attributes {dimension_semantics = [#tpu.dimension_semantics<arbitrary>], iteration_bounds = array<i64: 1>, scalar_prefetch = 0 : i64, scratch_operands = 0 : i64, tpu.core_type = #tpu.core_type<tc>, window_params = [{transform_indices = @transform_0, window_bounds = array<i64: 2500, 512>}, {pipeline_mode = #tpu.pipeline_mode<synchronous>, transform_indices = @transform_1, window_bounds = array<i64: 512, 128>}, {pipeline_mode = #tpu.pipeline_mode<synchronous>, transform_indices = @transform_2, window_bounds = array<i64: 1, 128>}, {pipeline_mode = #tpu.pipeline_mode<synchronous>, transform_indices = @transform_3, window_bounds = array<i64: 128, 128>}, {pipeline_mode = #tpu.pipeline_mode<synchronous>, transform_indices = @transform_4, window_bounds = array<i64: 1, 128>}, {pipeline_mode = #tpu.pipeline_mode<synchronous>, transform_indices = @transform_5, window_bounds = array<i64: 512, 128>}, {pipeline_mode = #tpu.pipeline_mode<synchronous>, transform_indices = @transform_6, window_bounds = array<i64: 1, 128>}, {transform_indices = @transform_7, window_bounds = array<i64: 2500, 128>}, {transform_indices = @transform_8, window_bounds = array<i64: 2500, 128>}]} {
    %get3A = arith.constant 0 : index
    %get3A_0 = arith.constant 0 : index
    %get3A_1 = vector.load %arg1[%get3A, %get3A_0] : memref<2500x512xf32, #tpu.memory_space<vmem>>, vector<2500x512xf32>
    %get3A_2 = arith.constant 0 : index
    %get3A_3 = arith.constant 0 : index
    %get3A_4 = vector.load %arg2[%get3A_2, %get3A_3] : memref<512x128xf32, #tpu.memory_space<vmem>>, vector<512x128xf32>
    %dot_general3A = arith.constant dense<0.000000e+00> : vector<2500x128xf32>
    %dot_general3A_5 = tpu.matmul %get3A_1, %get3A_4, %dot_general3A {dimension_numbers = #tpu.dot_dimension_numbers<[1], [0], [0], [1], [0, 0, 1, 1], [], []>, transpose_lhs_hint = false} : vector<2500x512xf32>, vector<512x128xf32>, vector<2500x128xf32> -> vector<2500x128xf32>
    %get3A_6 = arith.constant 0 : index
    %get3A_7 = arith.constant 0 : index
    %get3A_8 = vector.load %arg3[%get3A_6, %get3A_7] : memref<1x128xf32, #tpu.memory_space<vmem>>, vector<1x128xf32>
    %add3A = vector.broadcast %get3A_8 : vector<1x128xf32> to vector<2500x128xf32>
    %add3A_9 = arith.addf %dot_general3A_5, %add3A : vector<2500x128xf32>
    %max3A = arith.constant 0.000000e+00 : f32
    %max3A_10 = vector.broadcast %max3A : f32 to vector<2500x128xf32>
    %max3A_11 = arith.maximumf %add3A_9, %max3A_10 : vector<2500x128xf32>
    %get3A_12 = arith.constant 0 : index
    %get3A_13 = arith.constant 0 : index
    %get3A_14 = vector.load %arg4[%get3A_12, %get3A_13] : memref<128x128xf32, #tpu.memory_space<vmem>>, vector<128x128xf32>
    %dot_general3A_15 = arith.constant dense<0.000000e+00> : vector<2500x128xf32>
    %dot_general3A_16 = tpu.matmul %max3A_11, %get3A_14, %dot_general3A_15 {dimension_numbers = #tpu.dot_dimension_numbers<[1], [0], [0], [1], [0, 0, 1, 1], [], []>, transpose_lhs_hint = false} : vector<2500x128xf32>, vector<128x128xf32>, vector<2500x128xf32> -> vector<2500x128xf32>
    %get3A_17 = arith.constant 0 : index
    %get3A_18 = arith.constant 0 : index
    %get3A_19 = vector.load %arg5[%get3A_17, %get3A_18] : memref<1x128xf32, #tpu.memory_space<vmem>>, vector<1x128xf32>
    %add3A_20 = vector.broadcast %get3A_19 : vector<1x128xf32> to vector<2500x128xf32>
    %add3A_21 = arith.addf %dot_general3A_16, %add3A_20 : vector<2500x128xf32>
    %swap3A = arith.constant 0 : index
    %swap3A_22 = arith.constant 0 : index
    %swap3A_23 = vector.load %arg9[%swap3A, %swap3A_22] : memref<2500x128xf32, #tpu.memory_space<vmem>>, vector<2500x128xf32>
    tpu.vector_store %arg9[%swap3A, %swap3A_22], %add3A_21 {strides = array<i32>} : memref<2500x128xf32, #tpu.memory_space<vmem>>, vector<2500x128xf32>,
    %get3A_24 = arith.constant 0 : index
    %get3A_25 = arith.constant 0 : index
    %get3A_26 = vector.load %arg6[%get3A_24, %get3A_25] : memref<512x128xf32, #tpu.memory_space<vmem>>, vector<512x128xf32>
    %dot_general3A_27 = arith.constant dense<0.000000e+00> : vector<2500x128xf32>
    %dot_general3A_28 = tpu.matmul %get3A_1, %get3A_26, %dot_general3A_27 {dimension_numbers = #tpu.dot_dimension_numbers<[1], [0], [0], [1], [0, 0, 1, 1], [], []>, transpose_lhs_hint = false} : vector<2500x512xf32>, vector<512x128xf32>, vector<2500x128xf32> -> vector<2500x128xf32>
    %get3A_29 = arith.constant 0 : index
    %get3A_30 = arith.constant 0 : index
    %get3A_31 = vector.load %arg7[%get3A_29, %get3A_30] : memref<1x128xf32, #tpu.memory_space<vmem>>, vector<1x128xf32>
    %add3A_32 = vector.broadcast %get3A_31 : vector<1x128xf32> to vector<2500x128xf32>
    %add3A_33 = arith.addf %dot_general3A_28, %add3A_32 : vector<2500x128xf32>
    %add3A_34 = arith.addf %add3A_33, %add3A_21 : vector<2500x128xf32>
    %swap3A_35 = arith.constant 0 : index
    %swap3A_36 = arith.constant 0 : index
    %swap3A_37 = vector.load %arg8[%swap3A_35, %swap3A_36] : memref<2500x128xf32, #tpu.memory_space<vmem>>, vector<2500x128xf32>
    tpu.vector_store %arg8[%swap3A_35, %swap3A_36], %add3A_34 {strides = array<i32>} : memref<2500x128xf32, #tpu.memory_space<vmem>>, vector<2500x128xf32>,
    return
  }
  func.func @transform_0(%arg0: i32) -> (i32, i32) {
    %c0_i32 = arith.constant 0 : i32
    %c0_i32_0 = arith.constant 0 : i32
    return %arg0, %c0_i32 : i32, i32
  }
  func.func @transform_1(%arg0: i32) -> (i32, i32) {
    %c0_i32 = arith.constant 0 : i32
    %c0_i32_0 = arith.constant 0 : i32
    %c0_i32_1 = arith.constant 0 : i32
    return %c0_i32, %c0_i32_0 : i32, i32
  }
  func.func @transform_2(%arg0: i32) -> (i32, i32) {
    %c0_i32 = arith.constant 0 : i32
    %c0_i32_0 = arith.constant 0 : i32
    %c0_i32_1 = arith.constant 0 : i32
    return %c0_i32, %c0_i32_0 : i32, i32
  }
  func.func @transform_3(%arg0: i32) -> (i32, i32) {
    %c0_i32 = arith.constant 0 : i32
    %c0_i32_0 = arith.constant 0 : i32
    %c0_i32_1 = arith.constant 0 : i32
    return %c0_i32, %c0_i32_0 : i32, i32
  }
  func.func @transform_4(%arg0: i32) -> (i32, i32) {
    %c0_i32 = arith.constant 0 : i32
    %c0_i32_0 = arith.constant 0 : i32
    %c0_i32_1 = arith.constant 0 : i32
    return %c0_i32, %c0_i32_0 : i32, i32
  }
  func.func @transform_5(%arg0: i32) -> (i32, i32) {
    %c0_i32 = arith.constant 0 : i32
    %c0_i32_0 = arith.constant 0 : i32
    %c0_i32_1 = arith.constant 0 : i32
    return %c0_i32, %c0_i32_0 : i32, i32
  }
  func.func @transform_6(%arg0: i32) -> (i32, i32) {
    %c0_i32 = arith.constant 0 : i32
    %c0_i32_0 = arith.constant 0 : i32
    %c0_i32_1 = arith.constant 0 : i32
    return %c0_i32, %c0_i32_0 : i32, i32
  }
  func.func @transform_7(%arg0: i32) -> (i32, i32) {
    %c0_i32 = arith.constant 0 : i32
    %c0_i32_0 = arith.constant 0 : i32
    return %arg0, %c0_i32 : i32, i32
  }
  func.func @transform_8(%arg0: i32) -> (i32, i32) {
    %c0_i32 = arith.constant 0 : i32
    %c0_i32_0 = arith.constant 0 : i32
    return %arg0, %c0_i32 : i32, i32
  }
}

module attributes {stable_mosaic.version = 14 : i64} {
  func.func @_edge_pre_body(%arg0: i32, %arg1: memref<4096x128xf32, #tpu.memory_space<vmem>>, %arg2: memref<128x128xf32, #tpu.memory_space<vmem>>, %arg3: memref<1x128xf32, #tpu.memory_space<vmem>>, %arg4: memref<128x128xf32, #tpu.memory_space<vmem>>, %arg5: memref<1x128xf32, #tpu.memory_space<vmem>>, %arg6: memref<128x128xf32, #tpu.memory_space<vmem>>, %arg7: memref<1x128xf32, #tpu.memory_space<vmem>>, %arg8: memref<4096x128xf32, #tpu.memory_space<vmem>>) attributes {dimension_semantics = [#tpu.dimension_semantics<arbitrary>], iteration_bounds = array<i64: 20>, scalar_prefetch = 0 : i64, scratch_operands = 0 : i64, tpu.core_type = #tpu.core_type<tc>, window_params = [{transform_indices = @transform_0, window_bounds = array<i64: 4096, 128>}, {pipeline_mode = #tpu.pipeline_mode<synchronous>, transform_indices = @transform_1, window_bounds = array<i64: 128, 128>}, {pipeline_mode = #tpu.pipeline_mode<synchronous>, transform_indices = @transform_2, window_bounds = array<i64: 1, 128>}, {pipeline_mode = #tpu.pipeline_mode<synchronous>, transform_indices = @transform_3, window_bounds = array<i64: 128, 128>}, {pipeline_mode = #tpu.pipeline_mode<synchronous>, transform_indices = @transform_4, window_bounds = array<i64: 1, 128>}, {pipeline_mode = #tpu.pipeline_mode<synchronous>, transform_indices = @transform_5, window_bounds = array<i64: 128, 128>}, {pipeline_mode = #tpu.pipeline_mode<synchronous>, transform_indices = @transform_6, window_bounds = array<i64: 1, 128>}, {transform_indices = @transform_7, window_bounds = array<i64: 4096, 128>}]} {
    %get3A = arith.constant 0 : index
    %get3A_0 = arith.constant 0 : index
    %get3A_1 = vector.load %arg1[%get3A, %get3A_0] : memref<4096x128xf32, #tpu.memory_space<vmem>>, vector<4096x128xf32>
    %get3A_2 = arith.constant 0 : index
    %get3A_3 = arith.constant 0 : index
    %get3A_4 = vector.load %arg2[%get3A_2, %get3A_3] : memref<128x128xf32, #tpu.memory_space<vmem>>, vector<128x128xf32>
    %dot_general3A = arith.constant dense<0.000000e+00> : vector<4096x128xf32>
    %dot_general3A_5 = tpu.matmul %get3A_1, %get3A_4, %dot_general3A {dimension_numbers = #tpu.dot_dimension_numbers<[1], [0], [0], [1], [0, 0, 1, 1], [], []>, transpose_lhs_hint = false} : vector<4096x128xf32>, vector<128x128xf32>, vector<4096x128xf32> -> vector<4096x128xf32>
    %get3A_6 = arith.constant 0 : index
    %get3A_7 = arith.constant 0 : index
    %get3A_8 = vector.load %arg3[%get3A_6, %get3A_7] : memref<1x128xf32, #tpu.memory_space<vmem>>, vector<1x128xf32>
    %add3A = vector.broadcast %get3A_8 : vector<1x128xf32> to vector<4096x128xf32>
    %add3A_9 = arith.addf %dot_general3A_5, %add3A : vector<4096x128xf32>
    %max3A = arith.constant 0.000000e+00 : f32
    %max3A_10 = vector.broadcast %max3A : f32 to vector<4096x128xf32>
    %max3A_11 = arith.maximumf %add3A_9, %max3A_10 : vector<4096x128xf32>
    %get3A_12 = arith.constant 0 : index
    %get3A_13 = arith.constant 0 : index
    %get3A_14 = vector.load %arg4[%get3A_12, %get3A_13] : memref<128x128xf32, #tpu.memory_space<vmem>>, vector<128x128xf32>
    %dot_general3A_15 = arith.constant dense<0.000000e+00> : vector<4096x128xf32>
    %dot_general3A_16 = tpu.matmul %max3A_11, %get3A_14, %dot_general3A_15 {dimension_numbers = #tpu.dot_dimension_numbers<[1], [0], [0], [1], [0, 0, 1, 1], [], []>, transpose_lhs_hint = false} : vector<4096x128xf32>, vector<128x128xf32>, vector<4096x128xf32> -> vector<4096x128xf32>
    %get3A_17 = arith.constant 0 : index
    %get3A_18 = arith.constant 0 : index
    %get3A_19 = vector.load %arg5[%get3A_17, %get3A_18] : memref<1x128xf32, #tpu.memory_space<vmem>>, vector<1x128xf32>
    %add3A_20 = vector.broadcast %get3A_19 : vector<1x128xf32> to vector<4096x128xf32>
    %add3A_21 = arith.addf %dot_general3A_16, %add3A_20 : vector<4096x128xf32>
    %get3A_22 = arith.constant 0 : index
    %get3A_23 = arith.constant 0 : index
    %get3A_24 = vector.load %arg6[%get3A_22, %get3A_23] : memref<128x128xf32, #tpu.memory_space<vmem>>, vector<128x128xf32>
    %dot_general3A_25 = arith.constant dense<0.000000e+00> : vector<4096x128xf32>
    %dot_general3A_26 = tpu.matmul %get3A_1, %get3A_24, %dot_general3A_25 {dimension_numbers = #tpu.dot_dimension_numbers<[1], [0], [0], [1], [0, 0, 1, 1], [], []>, transpose_lhs_hint = false} : vector<4096x128xf32>, vector<128x128xf32>, vector<4096x128xf32> -> vector<4096x128xf32>
    %get3A_27 = arith.constant 0 : index
    %get3A_28 = arith.constant 0 : index
    %get3A_29 = vector.load %arg7[%get3A_27, %get3A_28] : memref<1x128xf32, #tpu.memory_space<vmem>>, vector<1x128xf32>
    %add3A_30 = vector.broadcast %get3A_29 : vector<1x128xf32> to vector<4096x128xf32>
    %add3A_31 = arith.addf %dot_general3A_26, %add3A_30 : vector<4096x128xf32>
    %add3A_32 = arith.addf %add3A_31, %add3A_21 : vector<4096x128xf32>
    %swap3A = arith.constant 0 : index
    %swap3A_33 = arith.constant 0 : index
    %swap3A_34 = vector.load %arg8[%swap3A, %swap3A_33] : memref<4096x128xf32, #tpu.memory_space<vmem>>, vector<4096x128xf32>
    tpu.vector_store %arg8[%swap3A, %swap3A_33], %add3A_32 {strides = array<i32>} : memref<4096x128xf32, #tpu.memory_space<vmem>>, vector<4096x128xf32>,
    return
  }
  func.func @transform_0(%arg0: i32) -> (i32, i32) {
    %c0_i32 = arith.constant 0 : i32
    %c0_i32_0 = arith.constant 0 : i32
    return %arg0, %c0_i32 : i32, i32
  }
  func.func @transform_1(%arg0: i32) -> (i32, i32) {
    %c0_i32 = arith.constant 0 : i32
    %c0_i32_0 = arith.constant 0 : i32
    %c0_i32_1 = arith.constant 0 : i32
    return %c0_i32, %c0_i32_0 : i32, i32
  }
  func.func @transform_2(%arg0: i32) -> (i32, i32) {
    %c0_i32 = arith.constant 0 : i32
    %c0_i32_0 = arith.constant 0 : i32
    %c0_i32_1 = arith.constant 0 : i32
    return %c0_i32, %c0_i32_0 : i32, i32
  }
  func.func @transform_3(%arg0: i32) -> (i32, i32) {
    %c0_i32 = arith.constant 0 : i32
    %c0_i32_0 = arith.constant 0 : i32
    %c0_i32_1 = arith.constant 0 : i32
    return %c0_i32, %c0_i32_0 : i32, i32
  }
  func.func @transform_4(%arg0: i32) -> (i32, i32) {
    %c0_i32 = arith.constant 0 : i32
    %c0_i32_0 = arith.constant 0 : i32
    %c0_i32_1 = arith.constant 0 : i32
    return %c0_i32, %c0_i32_0 : i32, i32
  }
  func.func @transform_5(%arg0: i32) -> (i32, i32) {
    %c0_i32 = arith.constant 0 : i32
    %c0_i32_0 = arith.constant 0 : i32
    %c0_i32_1 = arith.constant 0 : i32
    return %c0_i32, %c0_i32_0 : i32, i32
  }
  func.func @transform_6(%arg0: i32) -> (i32, i32) {
    %c0_i32 = arith.constant 0 : i32
    %c0_i32_0 = arith.constant 0 : i32
    %c0_i32_1 = arith.constant 0 : i32
    return %c0_i32, %c0_i32_0 : i32, i32
  }
  func.func @transform_7(%arg0: i32) -> (i32, i32) {
    %c0_i32 = arith.constant 0 : i32
    %c0_i32_0 = arith.constant 0 : i32
    return %arg0, %c0_i32 : i32, i32
  }
}

module attributes {stable_mosaic.version = 14 : i64} {
  func.func @_edge_layer_body(%arg0: i32, %arg1: memref<4096x128xf32, #tpu.memory_space<vmem>>, %arg2: memref<4096x128xf32, #tpu.memory_space<vmem>>, %arg3: memref<128x128xf32, #tpu.memory_space<vmem>>, %arg4: memref<128x128xf32, #tpu.memory_space<vmem>>, %arg5: memref<1x128xf32, #tpu.memory_space<vmem>>, %arg6: memref<128x128xf32, #tpu.memory_space<vmem>>, %arg7: memref<1x128xf32, #tpu.memory_space<vmem>>, %arg8: memref<4096x128xf32, #tpu.memory_space<vmem>>) attributes {dimension_semantics = [#tpu.dimension_semantics<arbitrary>], iteration_bounds = array<i64: 20>, scalar_prefetch = 0 : i64, scratch_operands = 0 : i64, tpu.core_type = #tpu.core_type<tc>, window_params = [{transform_indices = @transform_0, window_bounds = array<i64: 4096, 128>}, {transform_indices = @transform_1, window_bounds = array<i64: 4096, 128>}, {pipeline_mode = #tpu.pipeline_mode<synchronous>, transform_indices = @transform_2, window_bounds = array<i64: 128, 128>}, {pipeline_mode = #tpu.pipeline_mode<synchronous>, transform_indices = @transform_3, window_bounds = array<i64: 128, 128>}, {pipeline_mode = #tpu.pipeline_mode<synchronous>, transform_indices = @transform_4, window_bounds = array<i64: 1, 128>}, {pipeline_mode = #tpu.pipeline_mode<synchronous>, transform_indices = @transform_5, window_bounds = array<i64: 128, 128>}, {pipeline_mode = #tpu.pipeline_mode<synchronous>, transform_indices = @transform_6, window_bounds = array<i64: 1, 128>}, {transform_indices = @transform_7, window_bounds = array<i64: 4096, 128>}]} {
    %get3A = arith.constant 0 : index
    %get3A_0 = arith.constant 0 : index
    %get3A_1 = vector.load %arg1[%get3A, %get3A_0] : memref<4096x128xf32, #tpu.memory_space<vmem>>, vector<4096x128xf32>
    %get3A_2 = arith.constant 0 : index
    %get3A_3 = arith.constant 0 : index
    %get3A_4 = vector.load %arg3[%get3A_2, %get3A_3] : memref<128x128xf32, #tpu.memory_space<vmem>>, vector<128x128xf32>
    %dot_general3A = arith.constant dense<0.000000e+00> : vector<4096x128xf32>
    %dot_general3A_5 = tpu.matmul %get3A_1, %get3A_4, %dot_general3A {dimension_numbers = #tpu.dot_dimension_numbers<[1], [0], [0], [1], [0, 0, 1, 1], [], []>, transpose_lhs_hint = false} : vector<4096x128xf32>, vector<128x128xf32>, vector<4096x128xf32> -> vector<4096x128xf32>
    %get3A_6 = arith.constant 0 : index
    %get3A_7 = arith.constant 0 : index
    %get3A_8 = vector.load %arg2[%get3A_6, %get3A_7] : memref<4096x128xf32, #tpu.memory_space<vmem>>, vector<4096x128xf32>
    %get3A_9 = arith.constant 0 : index
    %get3A_10 = arith.constant 0 : index
    %get3A_11 = vector.load %arg4[%get3A_9, %get3A_10] : memref<128x128xf32, #tpu.memory_space<vmem>>, vector<128x128xf32>
    %dot_general3A_12 = arith.constant dense<0.000000e+00> : vector<4096x128xf32>
    %dot_general3A_13 = tpu.matmul %get3A_8, %get3A_11, %dot_general3A_12 {dimension_numbers = #tpu.dot_dimension_numbers<[1], [0], [0], [1], [0, 0, 1, 1], [], []>, transpose_lhs_hint = false} : vector<4096x128xf32>, vector<128x128xf32>, vector<4096x128xf32> -> vector<4096x128xf32>
    %add3A = arith.addf %dot_general3A_5, %dot_general3A_13 : vector<4096x128xf32>
    %get3A_14 = arith.constant 0 : index
    %get3A_15 = arith.constant 0 : index
    %get3A_16 = vector.load %arg5[%get3A_14, %get3A_15] : memref<1x128xf32, #tpu.memory_space<vmem>>, vector<1x128xf32>
    %add3A_17 = vector.broadcast %get3A_16 : vector<1x128xf32> to vector<4096x128xf32>
    %add3A_18 = arith.addf %add3A, %add3A_17 : vector<4096x128xf32>
    %max3A = arith.constant 0.000000e+00 : f32
    %max3A_19 = vector.broadcast %max3A : f32 to vector<4096x128xf32>
    %max3A_20 = arith.maximumf %add3A_18, %max3A_19 : vector<4096x128xf32>
    %get3A_21 = arith.constant 0 : index
    %get3A_22 = arith.constant 0 : index
    %get3A_23 = vector.load %arg6[%get3A_21, %get3A_22] : memref<128x128xf32, #tpu.memory_space<vmem>>, vector<128x128xf32>
    %dot_general3A_24 = arith.constant dense<0.000000e+00> : vector<4096x128xf32>
    %dot_general3A_25 = tpu.matmul %max3A_20, %get3A_23, %dot_general3A_24 {dimension_numbers = #tpu.dot_dimension_numbers<[1], [0], [0], [1], [0, 0, 1, 1], [], []>, transpose_lhs_hint = false} : vector<4096x128xf32>, vector<128x128xf32>, vector<4096x128xf32> -> vector<4096x128xf32>
    %get3A_26 = arith.constant 0 : index
    %get3A_27 = arith.constant 0 : index
    %get3A_28 = vector.load %arg7[%get3A_26, %get3A_27] : memref<1x128xf32, #tpu.memory_space<vmem>>, vector<1x128xf32>
    %add3A_29 = vector.broadcast %get3A_28 : vector<1x128xf32> to vector<4096x128xf32>
    %add3A_30 = arith.addf %dot_general3A_25, %add3A_29 : vector<4096x128xf32>
    %swap3A = arith.constant 0 : index
    %swap3A_31 = arith.constant 0 : index
    %swap3A_32 = vector.load %arg8[%swap3A, %swap3A_31] : memref<4096x128xf32, #tpu.memory_space<vmem>>, vector<4096x128xf32>
    tpu.vector_store %arg8[%swap3A, %swap3A_31], %add3A_30 {strides = array<i32>} : memref<4096x128xf32, #tpu.memory_space<vmem>>, vector<4096x128xf32>,
    return
  }
  func.func @transform_0(%arg0: i32) -> (i32, i32) {
    %c0_i32 = arith.constant 0 : i32
    %c0_i32_0 = arith.constant 0 : i32
    return %arg0, %c0_i32 : i32, i32
  }
  func.func @transform_1(%arg0: i32) -> (i32, i32) {
    %c0_i32 = arith.constant 0 : i32
    %c0_i32_0 = arith.constant 0 : i32
    return %arg0, %c0_i32 : i32, i32
  }
  func.func @transform_2(%arg0: i32) -> (i32, i32) {
    %c0_i32 = arith.constant 0 : i32
    %c0_i32_0 = arith.constant 0 : i32
    %c0_i32_1 = arith.constant 0 : i32
    return %c0_i32, %c0_i32_0 : i32, i32
  }
  func.func @transform_3(%arg0: i32) -> (i32, i32) {
    %c0_i32 = arith.constant 0 : i32
    %c0_i32_0 = arith.constant 0 : i32
    %c0_i32_1 = arith.constant 0 : i32
    return %c0_i32, %c0_i32_0 : i32, i32
  }
  func.func @transform_4(%arg0: i32) -> (i32, i32) {
    %c0_i32 = arith.constant 0 : i32
    %c0_i32_0 = arith.constant 0 : i32
    %c0_i32_1 = arith.constant 0 : i32
    return %c0_i32, %c0_i32_0 : i32, i32
  }
  func.func @transform_5(%arg0: i32) -> (i32, i32) {
    %c0_i32 = arith.constant 0 : i32
    %c0_i32_0 = arith.constant 0 : i32
    %c0_i32_1 = arith.constant 0 : i32
    return %c0_i32, %c0_i32_0 : i32, i32
  }
  func.func @transform_6(%arg0: i32) -> (i32, i32) {
    %c0_i32 = arith.constant 0 : i32
    %c0_i32_0 = arith.constant 0 : i32
    %c0_i32_1 = arith.constant 0 : i32
    return %c0_i32, %c0_i32_0 : i32, i32
  }
  func.func @transform_7(%arg0: i32) -> (i32, i32) {
    %c0_i32 = arith.constant 0 : i32
    %c0_i32_0 = arith.constant 0 : i32
    return %arg0, %c0_i32 : i32, i32
  }
}

module attributes {stable_mosaic.version = 14 : i64} {
  func.func @_node_layer_body(%arg0: i32, %arg1: memref<2500x128xf32, #tpu.memory_space<vmem>>, %arg2: memref<2x2504x128xf32, #tpu.memory_space<vmem>>, %arg3: memref<2x2504x128xf32, #tpu.memory_space<vmem>>, %arg4: memref<2500x128xf32, #tpu.memory_space<vmem>>, %arg5: memref<128x128xf32, #tpu.memory_space<vmem>>, %arg6: memref<1x128xf32, #tpu.memory_space<vmem>>, %arg7: memref<128x128xf32, #tpu.memory_space<vmem>>, %arg8: memref<1x128xf32, #tpu.memory_space<vmem>>, %arg9: memref<2500x128xf32, #tpu.memory_space<vmem>>) attributes {dimension_semantics = [#tpu.dimension_semantics<arbitrary>], iteration_bounds = array<i64: 1>, scalar_prefetch = 0 : i64, scratch_operands = 0 : i64, tpu.core_type = #tpu.core_type<tc>, window_params = [{pipeline_mode = #tpu.pipeline_mode<synchronous>, transform_indices = @transform_0, window_bounds = array<i64: 2500, 128>}, {pipeline_mode = #tpu.pipeline_mode<synchronous>, transform_indices = @transform_1, window_bounds = array<i64: 2, 2504, 128>}, {pipeline_mode = #tpu.pipeline_mode<synchronous>, transform_indices = @transform_2, window_bounds = array<i64: 2, 2504, 128>}, {pipeline_mode = #tpu.pipeline_mode<synchronous>, transform_indices = @transform_3, window_bounds = array<i64: 2500, 128>}, {pipeline_mode = #tpu.pipeline_mode<synchronous>, transform_indices = @transform_4, window_bounds = array<i64: 128, 128>}, {pipeline_mode = #tpu.pipeline_mode<synchronous>, transform_indices = @transform_5, window_bounds = array<i64: 1, 128>}, {pipeline_mode = #tpu.pipeline_mode<synchronous>, transform_indices = @transform_6, window_bounds = array<i64: 128, 128>}, {pipeline_mode = #tpu.pipeline_mode<synchronous>, transform_indices = @transform_7, window_bounds = array<i64: 1, 128>}, {pipeline_mode = #tpu.pipeline_mode<synchronous>, transform_indices = @transform_8, window_bounds = array<i64: 2500, 128>}]} {
    %get3A = arith.constant 0 : index
    %get3A_0 = arith.constant 0 : index
    %get3A_1 = arith.constant 0 : index
    %get3A_2 = vector.load %arg2[%get3A, %get3A_0, %get3A_1] : memref<2x2504x128xf32, #tpu.memory_space<vmem>>, vector<1x2500x128xf32>
    %get3A_3 = vector.shape_cast %get3A_2 : vector<1x2500x128xf32> to vector<2500x128xf32>
    %get3A_4 = arith.constant 1 : index
    %get3A_5 = arith.constant 0 : index
    %get3A_6 = arith.constant 0 : index
    %get3A_7 = vector.load %arg2[%get3A_4, %get3A_5, %get3A_6] : memref<2x2504x128xf32, #tpu.memory_space<vmem>>, vector<1x2500x128xf32>
    %get3A_8 = vector.shape_cast %get3A_7 : vector<1x2500x128xf32> to vector<2500x128xf32>
    %add3A = arith.addf %get3A_3, %get3A_8 : vector<2500x128xf32>
    %get3A_9 = arith.constant 0 : index
    %get3A_10 = arith.constant 0 : index
    %get3A_11 = arith.constant 0 : index
    %get3A_12 = vector.load %arg3[%get3A_9, %get3A_10, %get3A_11] : memref<2x2504x128xf32, #tpu.memory_space<vmem>>, vector<1x2500x128xf32>
    %get3A_13 = vector.shape_cast %get3A_12 : vector<1x2500x128xf32> to vector<2500x128xf32>
    %get3A_14 = arith.constant 1 : index
    %get3A_15 = arith.constant 0 : index
    %get3A_16 = arith.constant 0 : index
    %get3A_17 = vector.load %arg3[%get3A_14, %get3A_15, %get3A_16] : memref<2x2504x128xf32, #tpu.memory_space<vmem>>, vector<1x2500x128xf32>
    %get3A_18 = vector.shape_cast %get3A_17 : vector<1x2500x128xf32> to vector<2500x128xf32>
    %add3A_19 = arith.addf %get3A_13, %get3A_18 : vector<2500x128xf32>
    %max3A = arith.constant 1.000000e+00 : f32
    %max3A_20 = vector.broadcast %max3A : f32 to vector<2500x128xf32>
    %max3A_21 = arith.maximumf %add3A_19, %max3A_20 : vector<2500x128xf32>
    %div3A = arith.divf %add3A, %max3A_21 : vector<2500x128xf32>
    %get3A_22 = arith.constant 0 : index
    %get3A_23 = arith.constant 0 : index
    %get3A_24 = vector.load %arg1[%get3A_22, %get3A_23] : memref<2500x128xf32, #tpu.memory_space<vmem>>, vector<2500x128xf32>
    %add3A_25 = arith.addf %get3A_24, %div3A : vector<2500x128xf32>
    %max3A_26 = arith.constant 0.000000e+00 : f32
    %max3A_27 = vector.broadcast %max3A_26 : f32 to vector<2500x128xf32>
    %max3A_28 = arith.maximumf %add3A_25, %max3A_27 : vector<2500x128xf32>
    %get3A_29 = arith.constant 0 : index
    %get3A_30 = arith.constant 0 : index
    %get3A_31 = vector.load %arg5[%get3A_29, %get3A_30] : memref<128x128xf32, #tpu.memory_space<vmem>>, vector<128x128xf32>
    %dot_general3A = arith.constant dense<0.000000e+00> : vector<2500x128xf32>
    %dot_general3A_32 = tpu.matmul %max3A_28, %get3A_31, %dot_general3A {dimension_numbers = #tpu.dot_dimension_numbers<[1], [0], [0], [1], [0, 0, 1, 1], [], []>, transpose_lhs_hint = false} : vector<2500x128xf32>, vector<128x128xf32>, vector<2500x128xf32> -> vector<2500x128xf32>
    %get3A_33 = arith.constant 0 : index
    %get3A_34 = arith.constant 0 : index
    %get3A_35 = vector.load %arg6[%get3A_33, %get3A_34] : memref<1x128xf32, #tpu.memory_space<vmem>>, vector<1x128xf32>
    %add3A_36 = vector.broadcast %get3A_35 : vector<1x128xf32> to vector<2500x128xf32>
    %add3A_37 = arith.addf %dot_general3A_32, %add3A_36 : vector<2500x128xf32>
    %max3A_38 = arith.constant 0.000000e+00 : f32
    %max3A_39 = vector.broadcast %max3A_38 : f32 to vector<2500x128xf32>
    %max3A_40 = arith.maximumf %add3A_37, %max3A_39 : vector<2500x128xf32>
    %get3A_41 = arith.constant 0 : index
    %get3A_42 = arith.constant 0 : index
    %get3A_43 = vector.load %arg7[%get3A_41, %get3A_42] : memref<128x128xf32, #tpu.memory_space<vmem>>, vector<128x128xf32>
    %dot_general3A_44 = arith.constant dense<0.000000e+00> : vector<2500x128xf32>
    %dot_general3A_45 = tpu.matmul %max3A_40, %get3A_43, %dot_general3A_44 {dimension_numbers = #tpu.dot_dimension_numbers<[1], [0], [0], [1], [0, 0, 1, 1], [], []>, transpose_lhs_hint = false} : vector<2500x128xf32>, vector<128x128xf32>, vector<2500x128xf32> -> vector<2500x128xf32>
    %add3A_46 = arith.addf %max3A_28, %dot_general3A_45 : vector<2500x128xf32>
    %get3A_47 = arith.constant 0 : index
    %get3A_48 = arith.constant 0 : index
    %get3A_49 = vector.load %arg8[%get3A_47, %get3A_48] : memref<1x128xf32, #tpu.memory_space<vmem>>, vector<1x128xf32>
    %add3A_50 = vector.broadcast %get3A_49 : vector<1x128xf32> to vector<2500x128xf32>
    %add3A_51 = arith.addf %add3A_46, %add3A_50 : vector<2500x128xf32>
    %get3A_52 = arith.constant 0 : index
    %get3A_53 = arith.constant 0 : index
    %get3A_54 = vector.load %arg4[%get3A_52, %get3A_53] : memref<2500x128xf32, #tpu.memory_space<vmem>>, vector<2500x128xf32>
    %add3A_55 = arith.addf %add3A_51, %get3A_54 : vector<2500x128xf32>
    %swap3A = arith.constant 0 : index
    %swap3A_56 = arith.constant 0 : index
    %swap3A_57 = vector.load %arg9[%swap3A, %swap3A_56] : memref<2500x128xf32, #tpu.memory_space<vmem>>, vector<2500x128xf32>
    tpu.vector_store %arg9[%swap3A, %swap3A_56], %add3A_55 {strides = array<i32>} : memref<2500x128xf32, #tpu.memory_space<vmem>>, vector<2500x128xf32>,
    return
  }
  func.func @transform_0(%arg0: i32) -> (i32, i32) {
    %c0_i32 = arith.constant 0 : i32
    %c0_i32_0 = arith.constant 0 : i32
    %c0_i32_1 = arith.constant 0 : i32
    return %c0_i32, %c0_i32_0 : i32, i32
  }
  func.func @transform_1(%arg0: i32) -> (i32, i32, i32) {
    %c0_i32 = arith.constant 0 : i32
    %c0_i32_0 = arith.constant 0 : i32
    %c0_i32_1 = arith.constant 0 : i32
    %c0_i32_2 = arith.constant 0 : i32
    return %c0_i32, %c0_i32_0, %c0_i32_1 : i32, i32, i32
  }
  func.func @transform_2(%arg0: i32) -> (i32, i32, i32) {
    %c0_i32 = arith.constant 0 : i32
    %c0_i32_0 = arith.constant 0 : i32
    %c0_i32_1 = arith.constant 0 : i32
    %c0_i32_2 = arith.constant 0 : i32
    return %c0_i32, %c0_i32_0, %c0_i32_1 : i32, i32, i32
  }
  func.func @transform_3(%arg0: i32) -> (i32, i32) {
    %c0_i32 = arith.constant 0 : i32
    %c0_i32_0 = arith.constant 0 : i32
    %c0_i32_1 = arith.constant 0 : i32
    return %c0_i32, %c0_i32_0 : i32, i32
  }
  func.func @transform_4(%arg0: i32) -> (i32, i32) {
    %c0_i32 = arith.constant 0 : i32
    %c0_i32_0 = arith.constant 0 : i32
    %c0_i32_1 = arith.constant 0 : i32
    return %c0_i32, %c0_i32_0 : i32, i32
  }
  func.func @transform_5(%arg0: i32) -> (i32, i32) {
    %c0_i32 = arith.constant 0 : i32
    %c0_i32_0 = arith.constant 0 : i32
    %c0_i32_1 = arith.constant 0 : i32
    return %c0_i32, %c0_i32_0 : i32, i32
  }
  func.func @transform_6(%arg0: i32) -> (i32, i32) {
    %c0_i32 = arith.constant 0 : i32
    %c0_i32_0 = arith.constant 0 : i32
    %c0_i32_1 = arith.constant 0 : i32
    return %c0_i32, %c0_i32_0 : i32, i32
  }
  func.func @transform_7(%arg0: i32) -> (i32, i32) {
    %c0_i32 = arith.constant 0 : i32
    %c0_i32_0 = arith.constant 0 : i32
    %c0_i32_1 = arith.constant 0 : i32
    return %c0_i32, %c0_i32_0 : i32, i32
  }
  func.func @transform_8(%arg0: i32) -> (i32, i32) {
    %c0_i32 = arith.constant 0 : i32
    %c0_i32_0 = arith.constant 0 : i32
    %c0_i32_1 = arith.constant 0 : i32
    return %c0_i32, %c0_i32_0 : i32, i32
  }
}

</mosaic_0001>

<sc_bundles>
// kernel: kernel.17.cloned.1.call-start
scs
__scs_entry_jumppad:
0x0: {  	(pc) =	sbr.rel $0x88, $3  }
0x1: {  	(tag) =	ssettag $0x0;
	lr =	simm.s32 $0x1  }
0x2: {  	[smem:$0x3F7A] =	sst lr;
	_ =	strace $0xD0000000  }
0x3: {  	_ = 	snop  }
0x4: {  	_ = 	snop  }
0x5: {  	_ = 	snop  }
0x6: {  	_ = 	snop  }
0x7: {  	_ = 	snop  }
__scs_overlays_trampoline_lowered:
0x8: {  	[smem:$0x3F89] =	sst s0  }
0x9: {  	[smem:$0x3F8A] =	sst s1  }
0xa: {  	[smem:$0x3F8B] =	sst s2  }
0xb: {  	[smem:$0x3F8C] =	sst s3  }
0xc: {  	[smem:$0x3F8D] =	sst s4  }
0xd: {  	[smem:$0x3F8E] =	sst s5  }
0xe: {  	[smem:$0x3F8F] =	sst s6  }
0xf: {  	[smem:$0x3F90] =	sst s7  }
0x10: {  	[smem:$0x3F91] =	sst s8  }
0x11: {  	[smem:$0x3F92] =	sst s9;
	s0 =	simm.s32 @!p0 $0x0  }
0x12: {  	s1 =	sld [smem:$0x3F78];
	s0 =	simm.s32 @p0 $0x1  }
0x13: {  	[smem:$0x3F93] =	sst s0;
	s0 =	simm.s32 @!p1 $0x0  }
0x14: {  	s2 =	sld [smem:$0x3F77];
	s0 =	simm.s32 @p1 $0x1  }
0x15: {  	[smem:$0x3F94] =	sst s0;
	s0 =	simm.s32 @!p2 $0x0  }
0x16: {  	s3 =	sld [smem:$0x3FDB];
	s0 =	simm.s32 @p2 $0x1  }
0x17: {  	s4 =	simm.s32 $0x1BF5;
	[smem:$0x3F96] =	sst s0  }
0x18: {  	s0 =	sld [smem:$0x3F79];
	_ =	swait.ge [sflag:s4], $0x0  }
0x19: {  	s7 =	sld [smem:$0x3F7A]  }
0x1a: {  	s8 =	sadd.s32 $0xFFFFE003, lr  }
0x1b: {  	s9 =	sadd.s32 $0xFFFFFEF7, lr;
	s5 =	simm.s32 $0xFFFFFFFF;
	p2 =	slt.u32 s8, $0xFFFFF086  }
0x1c: {  	p1 =	slt.u32 s9, $0xF7A;
	s5 =	simm.s32 @!p2 $0x0  }
0x1d: {  	s5 =	simm.s32 @p1 $0x1;
	p0 =	seq.s32 s7, s2  }
0x1e: {  	s7 =	smul.u32 @!p0 $0xF7A, s2;
	p2 =	seq.s32 @!p0 s5, $0x0  }
0x1f: {  	s9 =	smul.u32 $0xF7A, s1;
	s8 =	simm.s32 @!p0 $0x1BF5;
	p2 =	por !p2, p0  }
0x20: {  	[sflag:s8] =	ssyncset.s32 @!p0 $0xFFFFF086;
	s6 =	sadd.s32 @!p0 s3, s7;
	s7 =	simm.s32 @!p0 $0x108  }
0x21: {  	s3 =	sadd.s32 s3, s9;
	s6 =	sadd.s32 @!p0 $0x88, s6;
	s7 =	simm.s32 @p2 $0x1082  }
0x22: {  	[simem:s7], [sflag:s8] =	dma.local @!p0 [hbm:s6], $0xF7A  }
0x23: {  	s9 =	sor.u32 $0xD0000000, s2;
	s6 =	simm.s32 $0x108;
	_ =	swait.ge @!p0 [sflag:s8], $0x0  }
0x24: {  	s3 =	sadd.s32 $0x88, s3;
	s6 =	simm.s32 @!p1 $0x1082;
	[sflag:s4] =	ssyncset.s32 $0xFFFFF086  }
0x25: {  	[simem:s6], [sflag:s4] =	dma.local [hbm:s3], $0xF7A  }
0x26: {  	[smem:$0x3F7A] =	sst s1;
	(tag) =	ssettag s2;
	_ =	strace s9  }
0x27: {  	s1 =	sld [smem:$0x3F8A]  }
0x28: {  	s2 =	sld [smem:$0x3F8B]  }
0x29: {  	s4 =	sld [smem:$0x3F8D]  }
0x2a: {  	p0 =	seq.s32 s5, $0x0;
	s5 =	sld [smem:$0x3F8E]  }
0x2b: {  	s6 =	sld [smem:$0x3F8F]  }
0x2c: {  	s7 =	sld [smem:$0x3F90]  }
0x2d: {  	s3 =	simm.s32 $0x108;
	s8 =	sld [smem:$0x3F91]  }
0x2e: {  	s3 =	simm.s32 @!p0 $0x1082;
	s9 =	sld [smem:$0x3F92]  }
0x2f: {  	lr =	sadd.s32 s0, s3;
	s0 =	sld [smem:$0x3F89]  }
0x30: {  	s3 =	sld [smem:$0x3F8C]  }
0x31: {  	[smem:$0x3F95] =	sst s10  }
0x32: {  	s10 =	sld [smem:$0x3F93];
	_ =	sdelay $0x3  }
0x33: {  	p0 =	seq.s32 s10, $0x1;
	s10 =	sld [smem:$0x3F95];
	_ =	sdelay $0x3  }
0x34: {  	[smem:$0x3F95] =	sst s10  }
0x35: {  	s10 =	sld [smem:$0x3F94];
	_ =	sdelay $0x3  }
0x36: {  	p1 =	seq.s32 s10, $0x1;
	s10 =	sld [smem:$0x3F95];
	_ =	sdelay $0x3  }
0x37: {  	[smem:$0x3F95] =	sst s10  }
0x38: {  	s10 =	sld [smem:$0x3F96]  }
0x39: {  	_ = 	snop;
	(pc) =	sbr.ind lr, $3  }
0x3a: {  	_ = 	snop  }
0x3b: {  	_ = 	snop  }
0x3c: {  	p2 =	seq.s32 s10, $0x1;
	s10 =	sld [smem:$0x3F95]  }
0x3d: {  	_ =	shalt  }
0x3e: {  	_ =	shalt  }
0x3f: {  	_ =	shalt  }
0x40: {  	_ =	shalt  }
0x41: {  	_ =	shalt  }
0x42: {  	_ =	shalt  }
0x43: {  	_ =	shalt  }
0x44: {  	_ =	shalt  }
0x45: {  	_ =	shalt  }
0x46: {  	_ =	shalt  }
0x47: {  	_ =	shalt  }
0x48: {  	_ =	shalt  }
0x49: {  	_ =	shalt  }
0x4a: {  	_ =	shalt  }
0x4b: {  	_ =	shalt  }
0x4c: {  	_ =	shalt  }
0x4d: {  	_ =	shalt  }
0x4e: {  	_ =	shalt  }
0x4f: {  	_ =	shalt  }
0x50: {  	_ =	shalt  }
0x51: {  	_ =	shalt  }
0x52: {  	_ =	shalt  }
0x53: {  	_ =	shalt  }
0x54: {  	_ =	shalt  }
0x55: {  	_ =	shalt  }
0x56: {  	_ =	shalt  }
0x57: {  	_ =	shalt  }
0x58: {  	_ =	shalt  }
0x59: {  	_ =	shalt  }
0x5a: {  	_ =	shalt  }
0x5b: {  	_ =	shalt  }
0x5c: {  	_ =	shalt  }
0x5d: {  	_ =	shalt  }
0x5e: {  	_ =	shalt  }
0x5f: {  	_ =	shalt  }
0x60: {  	_ =	shalt  }
0x61: {  	_ =	shalt  }
0x62: {  	_ =	shalt  }
0x63: {  	_ =	shalt  }
0x64: {  	_ =	shalt  }
0x65: {  	_ =	shalt  }
0x66: {  	_ =	shalt  }
0x67: {  	_ =	shalt  }
0x68: {  	_ =	shalt  }
0x69: {  	_ =	shalt  }
0x6a: {  	_ =	shalt  }
0x6b: {  	_ =	shalt  }
0x6c: {  	_ =	shalt  }
0x6d: {  	_ =	shalt  }
0x6e: {  	_ =	shalt  }
0x6f: {  	_ =	shalt  }
0x70: {  	_ =	shalt  }
0x71: {  	_ =	shalt  }
0x72: {  	_ =	shalt  }
0x73: {  	_ =	shalt  }
0x74: {  	_ =	shalt  }
0x75: {  	_ =	shalt  }
0x76: {  	_ =	shalt  }
0x77: {  	_ =	shalt  }
0x78: {  	_ =	shalt  }
0x79: {  	_ =	shalt  }
0x7a: {  	_ =	shalt  }
0x7b: {  	_ =	shalt  }
0x7c: {  	_ =	shalt  }
0x7d: {  	_ =	shalt  }
0x7e: {  	_ =	shalt  }
0x7f: {  	_ =	shalt  }
0x80: {  	_ =	shalt  }
0x81: {  	_ =	shalt  }
0x82: {  	_ =	shalt  }
0x83: {  	_ =	shalt  }
0x84: {  	_ =	shalt  }
0x85: {  	_ =	shalt  }
0x86: {  	_ =	shalt  }
0x87: {  	_ =	shalt  }
.Lfunc_end0:
.L_simem_size_0:
called_computation_lowered:
.L_overlay_start_0:
0x88: {  	s2 =	sld [smem:$0x3FD9]  }
0x89: {  	s3 =	sld [smem:$0x3FFE];
	_ =	sdelay $0x1  }
0x8a: {  	s1 =	srdreg.scid  }
0x8b: {  	s0 =	sand.u32 $0x1, s1  }
0x8c: {  	s17 =	sshll.u32 s0, $0xA;
	s2 =	sadd.s32 s3, s2  }
0x8d: {  	s2 =	sadd.s32 s2, s17  }
0x8e: {  	[smem:$0x3FA1] =	sst s2  }
0x8f: {  	_ = 	snop  }
0x90: {  	(tm) =	ssettm $0x1  }
0x91: {  	s18 =	sld [smem:$0x3FFB];
	_ =	sdelay $0x3  }
0x92: {  	_ =	strace s18  }
0x93: {  	s2 =	sld [smem:$0x3FFC];
	_ =	sdelay $0x3  }
0x94: {  	_ =	strace s2  }
0x95: {  	s2 =	sld [smem:$0x3FFD];
	_ =	sdelay $0x3  }
0x96: {  	_ =	strace s2  }
0x97: {  	_ =	strace $0x8FFFFFFF  }
0x98: {  	s19 =	sld [smem:$0x3FDB];
	_ =	sdelay $0x1  }
0x99: {  	s20 =	simm.s32 $_scs_section_size  }
0x9a: {  	s4 =	simm.s32 $_size__tile_overlayer_lowered;
	s5 =	simm.s32 $_tile_overlayer_lowered  }
0x9b: {  	s6 =	simm.s32 $0x1BFF;
	s21 =	sshll.u32 s5, $0x1;
	s3 =	sadd.s32 s20, s19  }
0x9c: {  	s22 =	simm.s32 $0x0;
	s4 =	sshll.u32 s4, $0x1;
	s5 =	sadd.s32 s21, s3  }
0x9d: {  	[timem:s22], [sflag:s6] =	dma.local [hbm:s5], s4  }
0x9e: {  	_ =	swait.ge [sflag:s6], s4  }
0x9f: {  	s4 =	ssub.s32 $0x0, s4;
	[sflag:s6] =	ssyncset.done $0x0  }
0xa0: {  	[sflag:s6] =	ssyncadd.s32 s4;
	_ =	sdelay $0x1  }
0xa1: {  	s23 =	simm.s32 $0x1B8B  }
0xa2: {  	_ =	swait.ge [sflag:s23], $0x1  }
0xa3: {  	[sflag:s23] =	ssyncset.done $0x0  }
0xa4: {  	[sflag:s23] =	ssyncadd.s32 $0xFFFFFFFF  }
0xa5: {  	s4 =	sld [smem:$0x0]  }
0xa6: {  	s5 =	sand.u32 $0xFFFFFFFE, s1  }
0xa7: {  	p0 =	sne.s32 s1, s5  }
0xa8: {  	s5 =	sshll.u32 @p0 s5, $0xE  }
0xa9: {  	s5 =	sadd.s32 @p0 $0x11B8D, s5;
	s6 =	sshll.u32 @p0 s4, $0x11  }
0xaa: {  	s5 =	sor.u32 @p0 s6, s5  }
0xab: {  	[sflag:s5] =	ssyncadd.remote.s32 @p0 $0x1;
	_ =	sdelay $0x1  }
0xac: {  	s5 =	simm.s32 @p0 $0x1B8D  }
0xad: {  	_ =	swait.eq @p0 [sflag:s5], $0x1  }
0xae: {  	[sflag:s5] =	ssyncadd.s32 @p0 $0xFFFFFFFF  }
0xaf: {  	s6 =	sshll.u32 @!p0 s1, $0xE  }
0xb0: {  	s6 =	sor.u32 @!p0 $0x4000, s6;
	s5 =	simm.s32 @!p0 $0x1B8D  }
0xb1: {  	s4 =	sshll.u32 @!p0 s4, $0x11;
	s6 =	sadd.s32 @!p0 $0x11B8D, s6;
	_ =	swait.eq @!p0 [sflag:s5], $0x1  }
0xb2: {  	s4 =	sor.u32 @!p0 s4, s6;
	[sflag:s5] =	ssyncadd.s32 @!p0 $0xFFFFFFFF  }
0xb3: {  	s25 =	simm.s32 $0x1B8E;
	s24 =	sld [smem:$0x3FFE];
	[sflag:s4] =	ssyncadd.remote.s32 @!p0 $0x1  }
0xb4: {  	s26 =	simm.s32 $execute0_lowered;
	[smem:$0x3FD2] =	sst s25  }
0xb5: {  	s5 =	sshll.u32 s26, $0x1;
	_ =	strace $0x80000049;
	[dreg:$0x1] =	wrdreg $0xFFFFFFFF  }
0xb6: {  	s28 =	simm.s32 $_size_execute0_lowered;
	s3 =	sadd.s32 s3, s5;
	[dreg:$0x0] =	wrdreg $0x0  }
0xb7: {  	s5 =	sshll.u32 s28, $0x1;
	[dreg:$0x2] =	wrdreg s3  }
0xb8: {  	[dreg:$0x3] =	wrdreg s5  }
0xb9: {  	[dreg:$0x4] =	wrdreg $0xC0  }
0xba: {  	_ =	task [dreg:s22], $0x5FFFF  }
0xbb: {  	[dreg:$0x1] =	wrdreg $0xFFFFFFFF  }
0xbc: {  	[dreg:$0x0] =	wrdreg $0x60  }
0xbd: {  	[dreg:$0x2] =	wrdreg s24  }
0xbe: {  	[dreg:$0x3] =	wrdreg $0x14000  }
0xbf: {  	[dreg:$0x4] =	wrdreg $0x9  }
0xc0: {  	_ =	task.clear_ibuf [dreg:s22], $0x5FFFF;
	_ =	strace $0x90000049  }
0xc1: {  	s29 =	simm.s32 $0x9;
	_ =	strace $0x8000004B  }
0xc2: {  	_ =	swait.ge [sflag:s29], $0x1  }
0xc3: {  	[sflag:s29] =	ssyncadd.s32 $0xFFFFFFFF  }
0xc4: {  	_ =	strace $0x9000004B  }
0xc5: {  	_ =	sfence  }
0xc6: {  	s30 =	sld [smem:$0x0];
	_ =	sdelay $0x2  }
0xc7: {  	s31 =	sshll.u32 s1, $0xD;
	s1 =	sshrl.u32 s1, $0x2  }
0xc8: {  	s4 =	sand.u32 $0x4000, s31;
	s1 =	sadd.s32 s1, s30  }
0xc9: {  	s0 =	sor.u32 s4, s0;
	s1 =	sshll.u32 s1, $0x11  }
0xca: {  	s0 =	sor.u32 s1, s0  }
0xcb: {  	s0 =	sadd.s32 $0x8F2B, s0  }
0xcc: {  	[sflag:s0] =	ssyncadd.remote.s32 $0x1  }
0xcd: {  	_ =	sfence.sel $0xFFFF  }
0xce: {  	[dreg:$0x0] =	wrdreg $0xFFFFFFFF;
	(pc) =	sbr.abs _section_cstart, $3  }
0xcf: {  	[dreg:$0x1] =	wrdreg $0xFFFFFFFF  }
0xd0: {  	_ =	task.clear_ibuf [dreg:s22], $0x2FFFF;
	_ =	strace $0x9FFFFFFF  }
0xd1: {  	(tm) =	ssettm $0x7FFFFFFF  }
tec
execute0_lowered:
.L_overlay_start_1:
0x0: {  	(tag) =	ssettag $0x1  }
0x1: {  	s1 =	srdreg.scid;
	s6 =	rddreg [dreg:$0x0]  }
0x2: {  	s0 =	stileid.u32;
	s2 =	rddreg [dreg:$0x1];
	s3 =	simm.s32 $0x0  }
0x3: {  	s13 =	simm.s32 $0x80;
	s14 =	simm.s32 $0x100;
	s15 =	simm.s32 $0x180  }
0x4: {  	s16 =	simm.s32 $0x200;
	s17 =	simm.s32 $0x280;
	s18 =	simm.s32 $0x300  }
0x5: {  	s19 =	simm.s32 $0x380;
	s20 =	simm.s32 $0x0;
	s4 =	smul.u32 $0x5000, s0  }
0x6: {  	s5 =	sand.u32 $0x1, s1;
	s1 =	rddreg [dreg:$0x2];
	s8 =	smul.u32 $0x4E40, s0  }
0x7: {  	[smem:$0x7FF] =	sst s3;
	s11 =	sshll.u32 s0, $0x6;
	s7 =	smul.u32 $0x2800, s5  }
0x8: {  	s30 =	smul.u32 $0x4E400, s5;
	_ =	strace $0x8000004A;
	s10 =	ssub.s32 $0x2, s5  }
0x9: {  	s5 =	sadd.s32 $0x18BE00, s6;
	s11 =	sor.u32 $0x1C01, s11;
	s31 =	sshrl.u32 s10, $0x1  }
0xa: {  	s12 =	sadd.s32 s8, s2;
	s4 =	sadd.s32 s7, s4;
	s7 =	sadd.s32 s8, s30  }
0xb: {  	s12 =	sshrl.u32 s12, $0x3;
	s4 =	sshrl.u32 s4, $0x3;
	s7 =	sshrl.u32 s7, $0x3  }
0xc: {  	s9 =	sadd.s32 s4, s6;
	s4 =	sadd.s32 $0x18B400, s6;
	s6 =	sadd.s32 s7, s6  }
0xd: {  	s7 =	ssub.s32 s10, s31;
	s10 =	simm.s32 $0x1;
	s6 =	sadd.s32 $0x18C000, s6  }
0xe: {  	s7 =	smax.u32 s7, $0x1;
	s8 =	sadd.s32 $0x181400, s9;
	s9 =	simm.s32 $0x400  }
.LBB2_1:
0xf: {  	[tilespmem:s9], [sflag:$0x1] =	stream.linear.gather [hbm4b:s5+s3], $0x1000, $0x38;
	[tilespmem:$0x6240] =	vst v63  }
0x10: {  	_ =	swait.ge [sflag:s10], $0x1000  }
0x11: {  	[sflag:s10] =	ssyncset.done $0x0  }
0x12: {  	[sflag:s10] =	ssyncadd.s32 $0xFFFFF000  }
0x13: {  	[spmem:s12], [sflag:s11] =	dma.local [hbm:s4], $0x9C8  }
0x14: {  	_ =	swait.ge [sflag:s10], $0x9C8  }
0x15: {  	[sflag:s10] =	ssyncset.done $0x0  }
0x16: {  	[sflag:s10] =	ssyncadd.s32 $0xFFFFF638  }
0x17: {  	s21 =	sadd.s32 $0x0, s8;
	[bflag:$0x0] =	sbarrier.arrive $0xFFFF  }
0x18: {  	[tilespmem:s3], [sflag:$0x1] =	stream.linear.gather [hbm4b:s21+s3], $0x400, $0x38;
	[tilespmem:$0x6240] =	vst v63  }
0x19: {  	_ =	swait.ge [sflag:s10], $0x400  }
0x1a: {  	[sflag:s10] =	ssyncset.done $0x0  }
0x1b: {  	[sflag:s10] =	ssyncadd.s32 $0xFFFFFC00  }
0x1c: {  	[spmem:s2] =	stream.indirect.scatter.add.f32 [tilespmem:s9], [sflag:$0x1], $0x20, s3, s13, $0xb8;
	[tilespmem:$0x6240] =	vst v63  }
0x1d: {  	_ =	swait.ge [sflag:s10], $0x1000  }
0x1e: {  	[sflag:s10] =	ssyncset.done $0x0  }
0x1f: {  	[sflag:s10] =	ssyncadd.s32 $0xFFFFF000  }
0x20: {  	[spmem:s2] =	stream.indirect.scatter.add.f32 [tilespmem:s9], [sflag:$0x1], $0x20, s13, s13, $0xb8;
	[tilespmem:$0x6240] =	vst v63  }
0x21: {  	_ =	swait.ge [sflag:s10], $0x1000  }
0x22: {  	[sflag:s10] =	ssyncset.done $0x0  }
0x23: {  	[sflag:s10] =	ssyncadd.s32 $0xFFFFF000  }
0x24: {  	[spmem:s2] =	stream.indirect.scatter.add.f32 [tilespmem:s9], [sflag:$0x1], $0x20, s14, s13, $0xb8;
	[tilespmem:$0x6240] =	vst v63  }
0x25: {  	_ =	swait.ge [sflag:s10], $0x1000  }
0x26: {  	[sflag:s10] =	ssyncset.done $0x0  }
0x27: {  	[sflag:s10] =	ssyncadd.s32 $0xFFFFF000  }
0x28: {  	[spmem:s2] =	stream.indirect.scatter.add.f32 [tilespmem:s9], [sflag:$0x1], $0x20, s15, s13, $0xb8;
	[tilespmem:$0x6240] =	vst v63  }
0x29: {  	_ =	swait.ge [sflag:s10], $0x1000  }
0x2a: {  	[sflag:s10] =	ssyncset.done $0x0  }
0x2b: {  	[sflag:s10] =	ssyncadd.s32 $0xFFFFF000  }
0x2c: {  	[spmem:s2] =	stream.indirect.scatter.add.f32 [tilespmem:s9], [sflag:$0x1], $0x20, s16, s13, $0xb8;
	[tilespmem:$0x6240] =	vst v63  }
0x2d: {  	_ =	swait.ge [sflag:s10], $0x1000  }
0x2e: {  	[sflag:s10] =	ssyncset.done $0x0  }
0x2f: {  	[sflag:s10] =	ssyncadd.s32 $0xFFFFF000  }
0x30: {  	[spmem:s2] =	stream.indirect.scatter.add.f32 [tilespmem:s9], [sflag:$0x1], $0x20, s17, s13, $0xb8;
	[tilespmem:$0x6240] =	vst v63  }
0x31: {  	_ =	swait.ge [sflag:s10], $0x1000  }
0x32: {  	[sflag:s10] =	ssyncset.done $0x0  }
0x33: {  	[sflag:s10] =	ssyncadd.s32 $0xFFFFF000  }
0x34: {  	[spmem:s2] =	stream.indirect.scatter.add.f32 [tilespmem:s9], [sflag:$0x1], $0x20, s18, s13, $0xb8;
	[tilespmem:$0x6240] =	vst v63  }
0x35: {  	_ =	swait.ge [sflag:s10], $0x1000  }
0x36: {  	[sflag:s10] =	ssyncset.done $0x0  }
0x37: {  	[sflag:s10] =	ssyncadd.s32 $0xFFFFF000  }
0x38: {  	[spmem:s2] =	stream.indirect.scatter.add.f32 [tilespmem:s9], [sflag:$0x1], $0x20, s19, s13, $0xb8;
	[tilespmem:$0x6240] =	vst v63  }
0x39: {  	_ =	swait.ge [sflag:s10], $0x1000  }
0x3a: {  	s23 =	simm.s32 $0x100;
	s21 =	simm.s32 $0x80;
	[sflag:s10] =	ssyncset.done $0x0  }
.LBB2_2:
0x3b: {  	s24 =	sadd.s32 s21, s8  }
0x3c: {  	[sflag:s10] =	ssyncadd.s32 $0xFFFFF000;
	s21 =	smov.u32 s23;
	s22 =	sadd.s32 $0x80, s23  }
0x3d: {  	[tilespmem:s3], [sflag:$0x1] =	stream.linear.gather [hbm4b:s24+s3], $0x400, $0x38;
	[tilespmem:$0x6240] =	vst v63  }
0x3e: {  	p0 =	sne.s32 s23, $0x480;
	_ =	swait.ge [sflag:s10], $0x400  }
0x3f: {  	[sflag:s10] =	ssyncset.done $0x0  }
0x40: {  	[sflag:s10] =	ssyncadd.s32 $0xFFFFFC00  }
0x41: {  	[spmem:s2] =	stream.indirect.scatter.add.f32 [tilespmem:s9], [sflag:$0x1], $0x20, s3, s13, $0xb8;
	[tilespmem:$0x6240] =	vst v63  }
0x42: {  	_ =	swait.ge [sflag:s10], $0x1000  }
0x43: {  	[sflag:s10] =	ssyncset.done $0x0  }
0x44: {  	[sflag:s10] =	ssyncadd.s32 $0xFFFFF000  }
0x45: {  	[spmem:s2] =	stream.indirect.scatter.add.f32 [tilespmem:s9], [sflag:$0x1], $0x20, s13, s13, $0xb8;
	[tilespmem:$0x6240] =	vst v63  }
0x46: {  	_ =	swait.ge [sflag:s10], $0x1000  }
0x47: {  	[sflag:s10] =	ssyncset.done $0x0  }
0x48: {  	[sflag:s10] =	ssyncadd.s32 $0xFFFFF000  }
0x49: {  	[spmem:s2] =	stream.indirect.scatter.add.f32 [tilespmem:s9], [sflag:$0x1], $0x20, s14, s13, $0xb8;
	[tilespmem:$0x6240] =	vst v63  }
0x4a: {  	_ =	swait.ge [sflag:s10], $0x1000  }
0x4b: {  	[sflag:s10] =	ssyncset.done $0x0  }
0x4c: {  	[sflag:s10] =	ssyncadd.s32 $0xFFFFF000  }
0x4d: {  	[spmem:s2] =	stream.indirect.scatter.add.f32 [tilespmem:s9], [sflag:$0x1], $0x20, s15, s13, $0xb8;
	[tilespmem:$0x6240] =	vst v63  }
0x4e: {  	_ =	swait.ge [sflag:s10], $0x1000  }
0x4f: {  	[sflag:s10] =	ssyncset.done $0x0  }
0x50: {  	[sflag:s10] =	ssyncadd.s32 $0xFFFFF000  }
0x51: {  	[spmem:s2] =	stream.indirect.scatter.add.f32 [tilespmem:s9], [sflag:$0x1], $0x20, s16, s13, $0xb8;
	[tilespmem:$0x6240] =	vst v63  }
0x52: {  	_ =	swait.ge [sflag:s10], $0x1000  }
0x53: {  	[sflag:s10] =	ssyncset.done $0x0  }
0x54: {  	[sflag:s10] =	ssyncadd.s32 $0xFFFFF000  }
0x55: {  	[spmem:s2] =	stream.indirect.scatter.add.f32 [tilespmem:s9], [sflag:$0x1], $0x20, s17, s13, $0xb8;
	[tilespmem:$0x6240] =	vst v63  }
0x56: {  	_ =	swait.ge [sflag:s10], $0x1000  }
0x57: {  	[sflag:s10] =	ssyncset.done $0x0  }
0x58: {  	[sflag:s10] =	ssyncadd.s32 $0xFFFFF000  }
0x59: {  	[spmem:s2] =	stream.indirect.scatter.add.f32 [tilespmem:s9], [sflag:$0x1], $0x20, s18, s13, $0xb8;
	[tilespmem:$0x6240] =	vst v63  }
0x5a: {  	_ =	swait.ge [sflag:s10], $0x1000  }
.Ltmp0:
0x5b: {  	[sflag:s10] =	ssyncset.done $0x0;
	(pc) =	sbr.rel @p0 .LBB2_2-.Ltmp0, $4  }
0x5c: {  	[sflag:s10] =	ssyncadd.s32 $0xFFFFF000  }
0x5d: {  	[spmem:s2] =	stream.indirect.scatter.add.f32 [tilespmem:s9], [sflag:$0x1], $0x20, s19, s13, $0xb8;
	[tilespmem:$0x6240] =	vst v63  }
0x5e: {  	_ =	swait.ge [sflag:s10], $0x1000  }
0x5f: {  	s23 =	smov.u32 s22;
	[sflag:s10] =	ssyncset.done $0x0  }
0x60: {  	s21 =	sadd.s32 s21, s8;
	[sflag:s10] =	ssyncadd.s32 $0xFFFFF000  }
0x61: {  	[tilespmem:s3], [sflag:$0x1] =	stream.linear.gather [hbm4b:s21+s3], $0x400, $0x38;
	[tilespmem:$0x6240] =	vst v63  }
0x62: {  	_ =	swait.ge [sflag:s10], $0x400  }
0x63: {  	[sflag:s10] =	ssyncset.done $0x0  }
0x64: {  	[sflag:s10] =	ssyncadd.s32 $0xFFFFFC00  }
0x65: {  	[spmem:s2] =	stream.indirect.scatter.add.f32 [tilespmem:s9], [sflag:$0x1], $0x20, s3, s13, $0xb8;
	[tilespmem:$0x6240] =	vst v63  }
0x66: {  	_ =	swait.ge [sflag:s10], $0x1000  }
0x67: {  	[sflag:s10] =	ssyncset.done $0x0  }
0x68: {  	[sflag:s10] =	ssyncadd.s32 $0xFFFFF000  }
0x69: {  	[spmem:s2] =	stream.indirect.scatter.add.f32 [tilespmem:s9], [sflag:$0x1], $0x20, s13, s13, $0xb8;
	[tilespmem:$0x6240] =	vst v63  }
0x6a: {  	_ =	swait.ge [sflag:s10], $0x1000  }
0x6b: {  	[sflag:s10] =	ssyncset.done $0x0  }
0x6c: {  	[sflag:s10] =	ssyncadd.s32 $0xFFFFF000  }
0x6d: {  	[spmem:s2] =	stream.indirect.scatter.add.f32 [tilespmem:s9], [sflag:$0x1], $0x20, s14, s13, $0xb8;
	[tilespmem:$0x6240] =	vst v63  }
0x6e: {  	_ =	swait.ge [sflag:s10], $0x1000  }
0x6f: {  	[sflag:s10] =	ssyncset.done $0x0  }
0x70: {  	[sflag:s10] =	ssyncadd.s32 $0xFFFFF000  }
0x71: {  	[spmem:s2] =	stream.indirect.scatter.add.f32 [tilespmem:s9], [sflag:$0x1], $0x20, s15, s13, $0xb8;
	[tilespmem:$0x6240] =	vst v63  }
0x72: {  	_ =	swait.ge [sflag:s10], $0x1000  }
0x73: {  	[sflag:s10] =	ssyncset.done $0x0  }
0x74: {  	[sflag:s10] =	ssyncadd.s32 $0xFFFFF000  }
0x75: {  	[spmem:s2] =	stream.indirect.scatter.add.f32 [tilespmem:s9], [sflag:$0x1], $0x20, s16, s13, $0xb8;
	[tilespmem:$0x6240] =	vst v63  }
0x76: {  	_ =	swait.ge [sflag:s10], $0x1000  }
0x77: {  	[sflag:s10] =	ssyncset.done $0x0  }
0x78: {  	[sflag:s10] =	ssyncadd.s32 $0xFFFFF000  }
0x79: {  	[spmem:s2] =	stream.indirect.scatter.add.f32 [tilespmem:s9], [sflag:$0x1], $0x20, s17, s13, $0xb8;
	[tilespmem:$0x6240] =	vst v63  }
0x7a: {  	_ =	swait.ge [sflag:s10], $0x1000  }
0x7b: {  	[sflag:s10] =	ssyncset.done $0x0  }
0x7c: {  	[sflag:s10] =	ssyncadd.s32 $0xFFFFF000  }
0x7d: {  	[spmem:s2] =	stream.indirect.scatter.add.f32 [tilespmem:s9], [sflag:$0x1], $0x20, s18, s13, $0xb8;
	[tilespmem:$0x6240] =	vst v63  }
0x7e: {  	_ =	swait.ge [sflag:s10], $0x1000  }
0x7f: {  	[sflag:s10] =	ssyncset.done $0x0  }
0x80: {  	[sflag:s10] =	ssyncadd.s32 $0xFFFFF000  }
0x81: {  	[spmem:s2] =	stream.indirect.scatter.add.f32 [tilespmem:s9], [sflag:$0x1], $0x20, s19, s13, $0xb8;
	[tilespmem:$0x6240] =	vst v63  }
0x82: {  	_ =	swait.ge [sflag:s10], $0x1000  }
0x83: {  	s20 =	sadd.s32 $0x1, s20;
	[sflag:s10] =	ssyncset.done $0x0  }
0x84: {  	p0 =	sne.s32 s20, s7;
	[sflag:s10] =	ssyncadd.s32 $0xFFFFF000  }
.Ltmp1:
0x85: {  	[bflag:$0x0] =	sbarrier.arrive $0xFFFF;
	(pc) =	sbr.rel @p0 .LBB2_1-.Ltmp1, $4  }
0x86: {  	[hbm:s6], [sflag:s11] =	dma.local [spmem:s12], $0x9C8  }
0x87: {  	_ =	swait.ge [sflag:s10], $0x9C8  }
0x88: {  	[sflag:s10] =	ssyncset.done $0x0  }
0x89: {  	[sflag:s10] =	ssyncadd.s32 $0xFFFFF638  }
0x8a: {  	_ =	sfence.sel $0x180000  }
0x8b: {  	[bflag:$0x0] =	sbarrier.arrive $0xFFFF  }
0x8c: {  	p0 =	sne.s32 s0, $0x0;
	_ =	strace $0x9000004A  }
0x8d: {  	s0 =	sadd.s32 @!p0 $0x100000, s1;
	[bflag:$0x2] =	sbarrier.arrive $0xFFFF  }
0x8e: {  	[sflag:s0] =	ssyncadd.tile.s32 @!p0 $0x1;
	_ =	shalt  }
.Lfunc_end2:
_tile_overlayer_lowered:
.L_overlay_start_2:
0x8f: {  	(tag) =	ssettag $0x2  }
0x90: {  	s0 =	rddreg [dreg:$0x0];
	s2 =	stileid.u32  }
0x91: {  	s1 =	rddreg [dreg:$0x1];
	p0 =	sne.s32 s2, $0x0  }
0x92: {  	s3 =	rddreg [dreg:$0x2];
	[bflag:$0x3] =	sbarrier.arrive $0xFFFF;
	s2 =	simm.s32 @!p0 $0x1C01  }
0x93: {  	[timem:s3], [sflag:s2] =	dma.local @!p0 [hbm:s0], s1  }
0x94: {  	s0 =	simm.s32 @!p0 $0x1  }
0x95: {  	_ =	swait.ge @!p0 [sflag:s0], s1  }
0x96: {  	s1 =	ssub.s32 @!p0 $0x0, s1;
	[sflag:s0] =	ssyncset.done @!p0 $0x0  }
0x97: {  	[sflag:s0] =	ssyncadd.s32 @!p0 s1  }
0x98: {  	[bflag:$0x3] =	sbarrier.arrive $0xFFFF  }
0x99: {  	_ =	shalt  }

// kernel: kernel.20.cloned.1.call-start
scs
__scs_entry_jumppad:
0x0: {  	(pc) =	sbr.rel $0x88, $3  }
0x1: {  	(tag) =	ssettag $0x0;
	lr =	simm.s32 $0x1  }
0x2: {  	[smem:$0x3F7A] =	sst lr;
	_ =	strace $0xD0000000  }
0x3: {  	_ = 	snop  }
0x4: {  	_ = 	snop  }
0x5: {  	_ = 	snop  }
0x6: {  	_ = 	snop  }
0x7: {  	_ = 	snop  }
__scs_overlays_trampoline_lowered:
0x8: {  	[smem:$0x3F89] =	sst s0  }
0x9: {  	[smem:$0x3F8A] =	sst s1  }
0xa: {  	[smem:$0x3F8B] =	sst s2  }
0xb: {  	[smem:$0x3F8C] =	sst s3  }
0xc: {  	[smem:$0x3F8D] =	sst s4  }
0xd: {  	[smem:$0x3F8E] =	sst s5  }
0xe: {  	[smem:$0x3F8F] =	sst s6  }
0xf: {  	[smem:$0x3F90] =	sst s7  }
0x10: {  	[smem:$0x3F91] =	sst s8  }
0x11: {  	[smem:$0x3F92] =	sst s9;
	s0 =	simm.s32 @!p0 $0x0  }
0x12: {  	s1 =	sld [smem:$0x3F78];
	s0 =	simm.s32 @p0 $0x1  }
0x13: {  	[smem:$0x3F93] =	sst s0;
	s0 =	simm.s32 @!p1 $0x0  }
0x14: {  	s2 =	sld [smem:$0x3F77];
	s0 =	simm.s32 @p1 $0x1  }
0x15: {  	[smem:$0x3F94] =	sst s0;
	s0 =	simm.s32 @!p2 $0x0  }
0x16: {  	s3 =	sld [smem:$0x3FDB];
	s0 =	simm.s32 @p2 $0x1  }
0x17: {  	s4 =	simm.s32 $0x1BF5;
	[smem:$0x3F96] =	sst s0  }
0x18: {  	s0 =	sld [smem:$0x3F79];
	_ =	swait.ge [sflag:s4], $0x0  }
0x19: {  	s7 =	sld [smem:$0x3F7A]  }
0x1a: {  	s8 =	sadd.s32 $0xFFFFE003, lr  }
0x1b: {  	s9 =	sadd.s32 $0xFFFFFEF7, lr;
	s5 =	simm.s32 $0xFFFFFFFF;
	p2 =	slt.u32 s8, $0xFFFFF086  }
0x1c: {  	p1 =	slt.u32 s9, $0xF7A;
	s5 =	simm.s32 @!p2 $0x0  }
0x1d: {  	s5 =	simm.s32 @p1 $0x1;
	p0 =	seq.s32 s7, s2  }
0x1e: {  	s7 =	smul.u32 @!p0 $0xF7A, s2;
	p2 =	seq.s32 @!p0 s5, $0x0  }
0x1f: {  	s9 =	smul.u32 $0xF7A, s1;
	s8 =	simm.s32 @!p0 $0x1BF5;
	p2 =	por !p2, p0  }
0x20: {  	[sflag:s8] =	ssyncset.s32 @!p0 $0xFFFFF086;
	s6 =	sadd.s32 @!p0 s3, s7;
	s7 =	simm.s32 @!p0 $0x108  }
0x21: {  	s3 =	sadd.s32 s3, s9;
	s6 =	sadd.s32 @!p0 $0x88, s6;
	s7 =	simm.s32 @p2 $0x1082  }
0x22: {  	[simem:s7], [sflag:s8] =	dma.local @!p0 [hbm:s6], $0xF7A  }
0x23: {  	s9 =	sor.u32 $0xD0000000, s2;
	s6 =	simm.s32 $0x108;
	_ =	swait.ge @!p0 [sflag:s8], $0x0  }
0x24: {  	s3 =	sadd.s32 $0x88, s3;
	s6 =	simm.s32 @!p1 $0x1082;
	[sflag:s4] =	ssyncset.s32 $0xFFFFF086  }
0x25: {  	[simem:s6], [sflag:s4] =	dma.local [hbm:s3], $0xF7A  }
0x26: {  	[smem:$0x3F7A] =	sst s1;
	(tag) =	ssettag s2;
	_ =	strace s9  }
0x27: {  	s1 =	sld [smem:$0x3F8A]  }
0x28: {  	s2 =	sld [smem:$0x3F8B]  }
0x29: {  	s4 =	sld [smem:$0x3F8D]  }
0x2a: {  	p0 =	seq.s32 s5, $0x0;
	s5 =	sld [smem:$0x3F8E]  }
0x2b: {  	s6 =	sld [smem:$0x3F8F]  }
0x2c: {  	s7 =	sld [smem:$0x3F90]  }
0x2d: {  	s3 =	simm.s32 $0x108;
	s8 =	sld [smem:$0x3F91]  }
0x2e: {  	s3 =	simm.s32 @!p0 $0x1082;
	s9 =	sld [smem:$0x3F92]  }
0x2f: {  	lr =	sadd.s32 s0, s3;
	s0 =	sld [smem:$0x3F89]  }
0x30: {  	s3 =	sld [smem:$0x3F8C]  }
0x31: {  	[smem:$0x3F95] =	sst s10  }
0x32: {  	s10 =	sld [smem:$0x3F93];
	_ =	sdelay $0x3  }
0x33: {  	p0 =	seq.s32 s10, $0x1;
	s10 =	sld [smem:$0x3F95];
	_ =	sdelay $0x3  }
0x34: {  	[smem:$0x3F95] =	sst s10  }
0x35: {  	s10 =	sld [smem:$0x3F94];
	_ =	sdelay $0x3  }
0x36: {  	p1 =	seq.s32 s10, $0x1;
	s10 =	sld [smem:$0x3F95];
	_ =	sdelay $0x3  }
0x37: {  	[smem:$0x3F95] =	sst s10  }
0x38: {  	s10 =	sld [smem:$0x3F96]  }
0x39: {  	_ = 	snop;
	(pc) =	sbr.ind lr, $3  }
0x3a: {  	_ = 	snop  }
0x3b: {  	_ = 	snop  }
0x3c: {  	p2 =	seq.s32 s10, $0x1;
	s10 =	sld [smem:$0x3F95]  }
0x3d: {  	_ =	shalt  }
0x3e: {  	_ =	shalt  }
0x3f: {  	_ =	shalt  }
0x40: {  	_ =	shalt  }
0x41: {  	_ =	shalt  }
0x42: {  	_ =	shalt  }
0x43: {  	_ =	shalt  }
0x44: {  	_ =	shalt  }
0x45: {  	_ =	shalt  }
0x46: {  	_ =	shalt  }
0x47: {  	_ =	shalt  }
0x48: {  	_ =	shalt  }
0x49: {  	_ =	shalt  }
0x4a: {  	_ =	shalt  }
0x4b: {  	_ =	shalt  }
0x4c: {  	_ =	shalt  }
0x4d: {  	_ =	shalt  }
0x4e: {  	_ =	shalt  }
0x4f: {  	_ =	shalt  }
0x50: {  	_ =	shalt  }
0x51: {  	_ =	shalt  }
0x52: {  	_ =	shalt  }
0x53: {  	_ =	shalt  }
0x54: {  	_ =	shalt  }
0x55: {  	_ =	shalt  }
0x56: {  	_ =	shalt  }
0x57: {  	_ =	shalt  }
0x58: {  	_ =	shalt  }
0x59: {  	_ =	shalt  }
0x5a: {  	_ =	shalt  }
0x5b: {  	_ =	shalt  }
0x5c: {  	_ =	shalt  }
0x5d: {  	_ =	shalt  }
0x5e: {  	_ =	shalt  }
0x5f: {  	_ =	shalt  }
0x60: {  	_ =	shalt  }
0x61: {  	_ =	shalt  }
0x62: {  	_ =	shalt  }
0x63: {  	_ =	shalt  }
0x64: {  	_ =	shalt  }
0x65: {  	_ =	shalt  }
0x66: {  	_ =	shalt  }
0x67: {  	_ =	shalt  }
0x68: {  	_ =	shalt  }
0x69: {  	_ =	shalt  }
0x6a: {  	_ =	shalt  }
0x6b: {  	_ =	shalt  }
0x6c: {  	_ =	shalt  }
0x6d: {  	_ =	shalt  }
0x6e: {  	_ =	shalt  }
0x6f: {  	_ =	shalt  }
0x70: {  	_ =	shalt  }
0x71: {  	_ =	shalt  }
0x72: {  	_ =	shalt  }
0x73: {  	_ =	shalt  }
0x74: {  	_ =	shalt  }
0x75: {  	_ =	shalt  }
0x76: {  	_ =	shalt  }
0x77: {  	_ =	shalt  }
0x78: {  	_ =	shalt  }
0x79: {  	_ =	shalt  }
0x7a: {  	_ =	shalt  }
0x7b: {  	_ =	shalt  }
0x7c: {  	_ =	shalt  }
0x7d: {  	_ =	shalt  }
0x7e: {  	_ =	shalt  }
0x7f: {  	_ =	shalt  }
0x80: {  	_ =	shalt  }
0x81: {  	_ =	shalt  }
0x82: {  	_ =	shalt  }
0x83: {  	_ =	shalt  }
0x84: {  	_ =	shalt  }
0x85: {  	_ =	shalt  }
0x86: {  	_ =	shalt  }
0x87: {  	_ =	shalt  }
.Lfunc_end0:
.L_simem_size_0:
called_computation.1_lowered:
.L_overlay_start_0:
0x88: {  	s2 =	sld [smem:$0x3FD9]  }
0x89: {  	s3 =	sld [smem:$0x3FFE];
	_ =	sdelay $0x1  }
0x8a: {  	s1 =	srdreg.scid  }
0x8b: {  	s0 =	sand.u32 $0x1, s1  }
0x8c: {  	s17 =	sshll.u32 s0, $0xA;
	s2 =	sadd.s32 s3, s2  }
0x8d: {  	s2 =	sadd.s32 s2, s17  }
0x8e: {  	[smem:$0x3FA1] =	sst s2  }
0x8f: {  	_ = 	snop  }
0x90: {  	s2 =	sld [smem:$0x3FD0];
	(tm) =	ssettm $0x1  }
0x91: {  	s18 =	sld [smem:$0x3FFB];
	_ =	sdelay $0x3  }
0x92: {  	_ =	strace s18  }
0x93: {  	s3 =	sld [smem:$0x3FFC];
	_ =	sdelay $0x3  }
0x94: {  	_ =	strace s3  }
0x95: {  	s3 =	sld [smem:$0x3FFD];
	_ =	sdelay $0x3  }
0x96: {  	_ =	strace s3  }
0x97: {  	_ =	strace $0x8FFFFFFF  }
0x98: {  	s19 =	sld [smem:$0x3FDB];
	_ =	sdelay $0x1  }
0x99: {  	s4 =	simm.s32 $_scs_section_size  }
0x9a: {  	s5 =	simm.s32 $_size__tile_overlayer_lowered;
	s6 =	simm.s32 $_tile_overlayer_lowered  }
0x9b: {  	s22 =	simm.s32 $0x1BFF;
	s21 =	sshll.u32 s6, $0x1;
	s3 =	sadd.s32 s4, s19  }
0x9c: {  	s7 =	simm.s32 $0x0;
	s20 =	sshll.u32 s5, $0x1;
	s5 =	sadd.s32 s21, s3  }
0x9d: {  	[timem:s7], [sflag:s22] =	dma.local [hbm:s5], s20  }
0x9e: {  	_ =	swait.ge [sflag:s22], s20  }
0x9f: {  	s4 =	ssub.s32 $0x0, s20;
	[sflag:s22] =	ssyncset.done $0x0  }
0xa0: {  	[sflag:s22] =	ssyncadd.s32 s4;
	_ =	sdelay $0x1  }
0xa1: {  	s23 =	simm.s32 $0x1B8B  }
0xa2: {  	_ =	swait.ge [sflag:s23], $0x1  }
0xa3: {  	[sflag:s23] =	ssyncset.done $0x0  }
0xa4: {  	s25 =	simm.s32 $0x1B8E;
	s24 =	sld [smem:$0x3FFE];
	[sflag:s23] =	ssyncadd.s32 $0xFFFFFFFF  }
0xa5: {  	s26 =	simm.s32 $execute0_lowered;
	[smem:$0x3FD2] =	sst s25  }
0xa6: {  	s5 =	sshll.u32 s26, $0x1;
	_ =	strace $0x80000046;
	[dreg:$0x1] =	wrdreg $0xFFFFFFFF  }
0xa7: {  	s28 =	simm.s32 $_size_execute0_lowered;
	s3 =	sadd.s32 s3, s5;
	[dreg:$0x0] =	wrdreg $0x0  }
0xa8: {  	s5 =	sshll.u32 s28, $0x1;
	[dreg:$0x2] =	wrdreg s3  }
0xa9: {  	[dreg:$0x3] =	wrdreg s5  }
0xaa: {  	[dreg:$0x4] =	wrdreg $0xC0  }
0xab: {  	_ =	task [dreg:s7], $0x5FFFF  }
0xac: {  	[dreg:$0x1] =	wrdreg $0xFFFFFFFF  }
0xad: {  	[dreg:$0x0] =	wrdreg $0x60  }
0xae: {  	[dreg:$0x2] =	wrdreg s2  }
0xaf: {  	[dreg:$0x3] =	wrdreg s24  }
0xb0: {  	[dreg:$0x4] =	wrdreg $0xA  }
0xb1: {  	_ =	task.clear_ibuf [dreg:s7], $0x5FFFF;
	_ =	strace $0x90000046  }
0xb2: {  	s29 =	simm.s32 $0xA;
	_ =	strace $0x80000048  }
0xb3: {  	_ =	swait.ge [sflag:s29], $0x1  }
0xb4: {  	[sflag:s29] =	ssyncadd.s32 $0xFFFFFFFF  }
0xb5: {  	_ =	strace $0x90000048  }
0xb6: {  	_ =	sfence  }
0xb7: {  	s30 =	sld [smem:$0x0];
	_ =	sdelay $0x2  }
0xb8: {  	s31 =	sshll.u32 s1, $0xD;
	s1 =	sshrl.u32 s1, $0x2  }
0xb9: {  	s3 =	sand.u32 $0x4000, s31;
	s1 =	sadd.s32 s1, s30  }
0xba: {  	s0 =	sor.u32 s3, s0;
	s1 =	sshll.u32 s1, $0x11  }
0xbb: {  	s0 =	sor.u32 s1, s0  }
0xbc: {  	s0 =	sadd.s32 $0x8F2B, s0  }
0xbd: {  	[sflag:s0] =	ssyncadd.remote.s32 $0x1  }
0xbe: {  	_ =	sfence.sel $0xFFFF  }
0xbf: {  	[dreg:$0x0] =	wrdreg $0xFFFFFFFF;
	(pc) =	sbr.abs _section_cstart, $3  }
0xc0: {  	[dreg:$0x1] =	wrdreg $0xFFFFFFFF  }
0xc1: {  	_ =	task.clear_ibuf [dreg:s7], $0x2FFFF;
	_ =	strace $0x9FFFFFFF  }
0xc2: {  	(tm) =	ssettm $0x7FFFFFFF  }
0xc3: {  	_ =	shalt  }
tec
execute0_lowered:
.L_overlay_start_1:
0x0: {  	(tag) =	ssettag $0x1  }
0x1: {  	s1 =	srdreg.scid;
	s2 =	rddreg [dreg:$0x0]  }
0x2: {  	s0 =	stileid.u32;
	s6 =	rddreg [dreg:$0x1]  }
0x3: {  	s3 =	simm.s32 $0x0;
	s10 =	simm.s32 $0x1400;
	s11 =	simm.s32 $0x100  }
0x4: {  	s12 =	simm.s32 $0x2400;
	s13 =	simm.s32 $0x180;
	s14 =	simm.s32 $0x3400  }
0x5: {  	s15 =	simm.s32 $0x200;
	s16 =	simm.s32 $0x4400;
	s17 =	simm.s32 $0x280  }
0x6: {  	s18 =	simm.s32 $0x5400;
	s19 =	simm.s32 $0x300;
	s20 =	simm.s32 $0x6400  }
0x7: {  	s21 =	simm.s32 $0x380;
	s22 =	simm.s32 $0x7400;
	s5 =	smul.u32 $0x5000, s0  }
0x8: {  	s23 =	simm.s32 $0x1;
	s4 =	sand.u32 $0x1, s1;
	s8 =	smul.u32 $0xA0000, s0  }
0x9: {  	s24 =	simm.s32 $0x0;
	s1 =	rddreg [dreg:$0x2];
	s7 =	smul.u32 $0x2800, s4  }
0xa: {  	[smem:$0x7FF] =	sst s3;
	s9 =	smul.u32 $0x50000, s4;
	s4 =	ssub.s32 $0x2, s4  }
0xb: {  	_ =	strace $0x80000047;
	s29 =	sshrl.u32 s4, $0x1;
	s5 =	sadd.s32 s7, s5  }
0xc: {  	s28 =	sadd.s32 s9, s8;
	s4 =	ssub.s32 s4, s29;
	s8 =	simm.s32 $0x80  }
0xd: {  	s9 =	simm.s32 $0x400;
	s5 =	sshrl.u32 s5, $0x3;
	s7 =	sshrl.u32 s28, $0x3  }
0xe: {  	s4 =	smax.u32 s4, $0x1;
	s30 =	sadd.s32 s5, s6;
	s31 =	sadd.s32 s7, s6  }
0xf: {  	s7 =	simm.s32 $0x2;
	s5 =	sadd.s32 $0x41400, s31;
	s6 =	sadd.s32 $0x2D600, s30  }
.LBB2_1:
0x10: {  	s25 =	sadd.s32 $0x0, s6  }
0x11: {  	[tilespmem:s3], [sflag:$0x2] =	stream.linear.gather [hbm4b:s25+s3], $0x400, $0x38;
	[tilespmem:$0x8400] =	vst v63  }
0x12: {  	_ =	swait.ge [sflag:s7], $0x400  }
0x13: {  	[sflag:s7] =	ssyncset.done $0x0  }
0x14: {  	[sflag:s7] =	ssyncadd.s32 $0xFFFFFC00  }
0x15: {  	[tilespmem:s9], [sflag:$0x1] =	stream.indirect.gather [hbm4b:s2+s8], $0x20, s3, s8, $0xb8;
	[tilespmem:$0x8400] =	vst v63  }
0x16: {  	_ = 	snop  }
0x17: {  	[tilespmem:s10], [sflag:$0x1] =	stream.indirect.gather [hbm4b:s2+s8], $0x20, s8, s8, $0xb8;
	[tilespmem:$0x8400] =	vst v63  }
0x18: {  	_ = 	snop  }
0x19: {  	[tilespmem:s12], [sflag:$0x1] =	stream.indirect.gather [hbm4b:s2+s8], $0x20, s11, s8, $0xb8;
	[tilespmem:$0x8400] =	vst v63  }
0x1a: {  	_ = 	snop  }
0x1b: {  	[tilespmem:s14], [sflag:$0x1] =	stream.indirect.gather [hbm4b:s2+s8], $0x20, s13, s8, $0xb8;
	[tilespmem:$0x8400] =	vst v63  }
0x1c: {  	_ = 	snop  }
0x1d: {  	[tilespmem:s16], [sflag:$0x1] =	stream.indirect.gather [hbm4b:s2+s8], $0x20, s15, s8, $0xb8;
	[tilespmem:$0x8400] =	vst v63  }
0x1e: {  	_ = 	snop  }
0x1f: {  	[tilespmem:s18], [sflag:$0x1] =	stream.indirect.gather [hbm4b:s2+s8], $0x20, s17, s8, $0xb8;
	[tilespmem:$0x8400] =	vst v63  }
0x20: {  	_ = 	snop  }
0x21: {  	[tilespmem:s20], [sflag:$0x1] =	stream.indirect.gather [hbm4b:s2+s8], $0x20, s19, s8, $0xb8;
	[tilespmem:$0x8400] =	vst v63  }
0x22: {  	_ = 	snop  }
0x23: {  	[tilespmem:s22], [sflag:$0x1] =	stream.indirect.gather [hbm4b:s2+s8], $0x20, s21, s8, $0xb8;
	[tilespmem:$0x8400] =	vst v63  }
0x24: {  	_ =	swait.ge [sflag:s23], $0x1000  }
0x25: {  	[sflag:s23] =	ssyncset.done $0x0  }
0x26: {  	[sflag:s23] =	ssyncadd.s32 $0xFFFFF000  }
0x27: {  	_ =	swait.ge [sflag:s23], $0x1000  }
0x28: {  	[sflag:s23] =	ssyncset.done $0x0  }
0x29: {  	[sflag:s23] =	ssyncadd.s32 $0xFFFFF000  }
0x2a: {  	_ =	swait.ge [sflag:s23], $0x1000  }
0x2b: {  	[sflag:s23] =	ssyncset.done $0x0  }
0x2c: {  	[sflag:s23] =	ssyncadd.s32 $0xFFFFF000  }
0x2d: {  	_ =	swait.ge [sflag:s23], $0x1000  }
0x2e: {  	[sflag:s23] =	ssyncset.done $0x0  }
0x2f: {  	[sflag:s23] =	ssyncadd.s32 $0xFFFFF000  }
0x30: {  	_ =	swait.ge [sflag:s23], $0x1000  }
0x31: {  	[sflag:s23] =	ssyncset.done $0x0  }
0x32: {  	[sflag:s23] =	ssyncadd.s32 $0xFFFFF000  }
0x33: {  	_ =	swait.ge [sflag:s23], $0x1000  }
0x34: {  	[sflag:s23] =	ssyncset.done $0x0  }
0x35: {  	[sflag:s23] =	ssyncadd.s32 $0xFFFFF000  }
0x36: {  	_ =	swait.ge [sflag:s23], $0x1000  }
0x37: {  	[sflag:s23] =	ssyncset.done $0x0  }
0x38: {  	[sflag:s23] =	ssyncadd.s32 $0xFFFFF000  }
0x39: {  	_ =	swait.ge [sflag:s23], $0x1000  }
0x3a: {  	[sflag:s23] =	ssyncset.done $0x0  }
0x3b: {  	[sflag:s23] =	ssyncadd.s32 $0xFFFFF000  }
0x3c: {  	[hbm4b:s5+s3] =	stream.linear.scatter [tilespmem:s9], [sflag:$0x2], $0x8000, $0x38;
	[tilespmem:$0x8400] =	vst v63  }
0x3d: {  	s26 =	simm.s32 $0x80;
	_ =	swait.ge [sflag:s7], $0x8000  }
0x3e: {  	s29 =	simm.s32 $0x100;
	s25 =	sadd.s32 $0x1000, s5;
	[sflag:s7] =	ssyncset.done $0x0  }
.LBB2_2:
0x3f: {  	s30 =	sadd.s32 s26, s6  }
0x40: {  	[sflag:s7] =	ssyncadd.s32 $0xFFFF8000;
	s26 =	smov.u32 s29;
	s28 =	sadd.s32 $0x80, s29  }
0x41: {  	[tilespmem:s3], [sflag:$0x2] =	stream.linear.gather [hbm4b:s30+s3], $0x400, $0x38;
	[tilespmem:$0x8400] =	vst v63  }
0x42: {  	p0 =	sne.s32 s29, $0x480;
	_ =	swait.ge [sflag:s7], $0x400  }
0x43: {  	[sflag:s7] =	ssyncset.done $0x0  }
0x44: {  	[sflag:s7] =	ssyncadd.s32 $0xFFFFFC00  }
0x45: {  	[tilespmem:s9], [sflag:$0x1] =	stream.indirect.gather [hbm4b:s2+s8], $0x20, s3, s8, $0xb8;
	[tilespmem:$0x8400] =	vst v63  }
0x46: {  	_ = 	snop  }
0x47: {  	[tilespmem:s10], [sflag:$0x1] =	stream.indirect.gather [hbm4b:s2+s8], $0x20, s8, s8, $0xb8;
	[tilespmem:$0x8400] =	vst v63  }
0x48: {  	_ = 	snop  }
0x49: {  	[tilespmem:s12], [sflag:$0x1] =	stream.indirect.gather [hbm4b:s2+s8], $0x20, s11, s8, $0xb8;
	[tilespmem:$0x8400] =	vst v63  }
0x4a: {  	_ = 	snop  }
0x4b: {  	[tilespmem:s14], [sflag:$0x1] =	stream.indirect.gather [hbm4b:s2+s8], $0x20, s13, s8, $0xb8;
	[tilespmem:$0x8400] =	vst v63  }
0x4c: {  	_ = 	snop  }
0x4d: {  	[tilespmem:s16], [sflag:$0x1] =	stream.indirect.gather [hbm4b:s2+s8], $0x20, s15, s8, $0xb8;
	[tilespmem:$0x8400] =	vst v63  }
0x4e: {  	_ = 	snop  }
0x4f: {  	[tilespmem:s18], [sflag:$0x1] =	stream.indirect.gather [hbm4b:s2+s8], $0x20, s17, s8, $0xb8;
	[tilespmem:$0x8400] =	vst v63  }
0x50: {  	_ = 	snop  }
0x51: {  	[tilespmem:s20], [sflag:$0x1] =	stream.indirect.gather [hbm4b:s2+s8], $0x20, s19, s8, $0xb8;
	[tilespmem:$0x8400] =	vst v63  }
0x52: {  	_ = 	snop  }
0x53: {  	[tilespmem:s22], [sflag:$0x1] =	stream.indirect.gather [hbm4b:s2+s8], $0x20, s21, s8, $0xb8;
	[tilespmem:$0x8400] =	vst v63  }
0x54: {  	_ =	swait.ge [sflag:s23], $0x1000  }
0x55: {  	[sflag:s23] =	ssyncset.done $0x0  }
0x56: {  	[sflag:s23] =	ssyncadd.s32 $0xFFFFF000  }
0x57: {  	_ =	swait.ge [sflag:s23], $0x1000  }
0x58: {  	[sflag:s23] =	ssyncset.done $0x0  }
0x59: {  	[sflag:s23] =	ssyncadd.s32 $0xFFFFF000  }
0x5a: {  	_ =	swait.ge [sflag:s23], $0x1000  }
0x5b: {  	[sflag:s23] =	ssyncset.done $0x0  }
0x5c: {  	[sflag:s23] =	ssyncadd.s32 $0xFFFFF000  }
0x5d: {  	_ =	swait.ge [sflag:s23], $0x1000  }
0x5e: {  	[sflag:s23] =	ssyncset.done $0x0  }
0x5f: {  	[sflag:s23] =	ssyncadd.s32 $0xFFFFF000  }
0x60: {  	_ =	swait.ge [sflag:s23], $0x1000  }
0x61: {  	[sflag:s23] =	ssyncset.done $0x0  }
0x62: {  	[sflag:s23] =	ssyncadd.s32 $0xFFFFF000  }
0x63: {  	_ =	swait.ge [sflag:s23], $0x1000  }
0x64: {  	[sflag:s23] =	ssyncset.done $0x0  }
0x65: {  	[sflag:s23] =	ssyncadd.s32 $0xFFFFF000  }
0x66: {  	_ =	swait.ge [sflag:s23], $0x1000  }
0x67: {  	[sflag:s23] =	ssyncset.done $0x0  }
0x68: {  	[sflag:s23] =	ssyncadd.s32 $0xFFFFF000  }
0x69: {  	_ =	swait.ge [sflag:s23], $0x1000  }
.Ltmp0:
0x6a: {  	[sflag:s23] =	ssyncset.done $0x0;
	(pc) =	sbr.rel @p0 .LBB2_2-.Ltmp0, $4  }
0x6b: {  	[sflag:s23] =	ssyncadd.s32 $0xFFFFF000  }
0x6c: {  	[hbm4b:s25+s3] =	stream.linear.scatter [tilespmem:s9], [sflag:$0x2], $0x8000, $0x38;
	[tilespmem:$0x8400] =	vst v63  }
0x6d: {  	_ =	swait.ge [sflag:s7], $0x8000  }
0x6e: {  	s29 =	smov.u32 s28;
	s25 =	sadd.s32 $0x1000, s25;
	[sflag:s7] =	ssyncset.done $0x0  }
0x6f: {  	s26 =	sadd.s32 s26, s6;
	[sflag:s7] =	ssyncadd.s32 $0xFFFF8000  }
0x70: {  	[tilespmem:s3], [sflag:$0x2] =	stream.linear.gather [hbm4b:s26+s3], $0x400, $0x38;
	[tilespmem:$0x8400] =	vst v63  }
0x71: {  	_ =	swait.ge [sflag:s7], $0x400  }
0x72: {  	[sflag:s7] =	ssyncset.done $0x0  }
0x73: {  	[sflag:s7] =	ssyncadd.s32 $0xFFFFFC00  }
0x74: {  	[tilespmem:s9], [sflag:$0x1] =	stream.indirect.gather [hbm4b:s2+s8], $0x20, s3, s8, $0xb8;
	[tilespmem:$0x8400] =	vst v63  }
0x75: {  	_ = 	snop  }
0x76: {  	[tilespmem:s10], [sflag:$0x1] =	stream.indirect.gather [hbm4b:s2+s8], $0x20, s8, s8, $0xb8;
	[tilespmem:$0x8400] =	vst v63  }
0x77: {  	_ = 	snop  }
0x78: {  	[tilespmem:s12], [sflag:$0x1] =	stream.indirect.gather [hbm4b:s2+s8], $0x20, s11, s8, $0xb8;
	[tilespmem:$0x8400] =	vst v63  }
0x79: {  	_ = 	snop  }
0x7a: {  	[tilespmem:s14], [sflag:$0x1] =	stream.indirect.gather [hbm4b:s2+s8], $0x20, s13, s8, $0xb8;
	[tilespmem:$0x8400] =	vst v63  }
0x7b: {  	_ = 	snop  }
0x7c: {  	[tilespmem:s16], [sflag:$0x1] =	stream.indirect.gather [hbm4b:s2+s8], $0x20, s15, s8, $0xb8;
	[tilespmem:$0x8400] =	vst v63  }
0x7d: {  	_ = 	snop  }
0x7e: {  	[tilespmem:s18], [sflag:$0x1] =	stream.indirect.gather [hbm4b:s2+s8], $0x20, s17, s8, $0xb8;
	[tilespmem:$0x8400] =	vst v63  }
0x7f: {  	_ = 	snop  }
0x80: {  	[tilespmem:s20], [sflag:$0x1] =	stream.indirect.gather [hbm4b:s2+s8], $0x20, s19, s8, $0xb8;
	[tilespmem:$0x8400] =	vst v63  }
0x81: {  	_ = 	snop  }
0x82: {  	[tilespmem:s22], [sflag:$0x1] =	stream.indirect.gather [hbm4b:s2+s8], $0x20, s21, s8, $0xb8;
	[tilespmem:$0x8400] =	vst v63  }
0x83: {  	_ =	swait.ge [sflag:s23], $0x1000  }
0x84: {  	[sflag:s23] =	ssyncset.done $0x0  }
0x85: {  	[sflag:s23] =	ssyncadd.s32 $0xFFFFF000  }
0x86: {  	_ =	swait.ge [sflag:s23], $0x1000  }
0x87: {  	[sflag:s23] =	ssyncset.done $0x0  }
0x88: {  	[sflag:s23] =	ssyncadd.s32 $0xFFFFF000  }
0x89: {  	_ =	swait.ge [sflag:s23], $0x1000  }
0x8a: {  	[sflag:s23] =	ssyncset.done $0x0  }
0x8b: {  	[sflag:s23] =	ssyncadd.s32 $0xFFFFF000  }
0x8c: {  	_ =	swait.ge [sflag:s23], $0x1000  }
0x8d: {  	[sflag:s23] =	ssyncset.done $0x0  }
0x8e: {  	[sflag:s23] =	ssyncadd.s32 $0xFFFFF000  }
0x8f: {  	_ =	swait.ge [sflag:s23], $0x1000  }
0x90: {  	[sflag:s23] =	ssyncset.done $0x0  }
0x91: {  	[sflag:s23] =	ssyncadd.s32 $0xFFFFF000  }
0x92: {  	_ =	swait.ge [sflag:s23], $0x1000  }
0x93: {  	[sflag:s23] =	ssyncset.done $0x0  }
0x94: {  	[sflag:s23] =	ssyncadd.s32 $0xFFFFF000  }
0x95: {  	_ =	swait.ge [sflag:s23], $0x1000  }
0x96: {  	[sflag:s23] =	ssyncset.done $0x0  }
0x97: {  	[sflag:s23] =	ssyncadd.s32 $0xFFFFF000  }
0x98: {  	s24 =	sadd.s32 $0x1, s24;
	_ =	swait.ge [sflag:s23], $0x1000  }
0x99: {  	p0 =	sne.s32 s24, s4;
	[sflag:s23] =	ssyncset.done $0x0  }
.Ltmp1:
0x9a: {  	[sflag:s23] =	ssyncadd.s32 $0xFFFFF000;
	(pc) =	sbr.rel @p0 .LBB2_1-.Ltmp1, $4  }
0x9b: {  	[hbm4b:s25+s3] =	stream.linear.scatter [tilespmem:s9], [sflag:$0x2], $0x8000, $0x38;
	[tilespmem:$0x8400] =	vst v63  }
0x9c: {  	_ =	swait.ge [sflag:s7], $0x8000  }
0x9d: {  	[sflag:s7] =	ssyncset.done $0x0  }
0x9e: {  	[sflag:s7] =	ssyncadd.s32 $0xFFFF8000  }
0x9f: {  	_ =	sfence.sel $0x180000  }
0xa0: {  	[bflag:$0x0] =	sbarrier.arrive $0xFFFF  }
0xa1: {  	p0 =	sne.s32 s0, $0x0;
	_ =	strace $0x90000047  }
0xa2: {  	s0 =	sadd.s32 @!p0 $0x100000, s1;
	[bflag:$0x2] =	sbarrier.arrive $0xFFFF  }
0xa3: {  	[sflag:s0] =	ssyncadd.tile.s32 @!p0 $0x1;
	_ =	shalt  }
.Lfunc_end2:
_tile_overlayer_lowered:
.L_overlay_start_2:
0xa4: {  	(tag) =	ssettag $0x2  }
0xa5: {  	s0 =	rddreg [dreg:$0x0];
	s2 =	stileid.u32  }
0xa6: {  	s1 =	rddreg [dreg:$0x1];
	p0 =	sne.s32 s2, $0x0  }
0xa7: {  	s3 =	rddreg [dreg:$0x2];
	[bflag:$0x3] =	sbarrier.arrive $0xFFFF;
	s2 =	simm.s32 @!p0 $0x1C02  }
0xa8: {  	[timem:s3], [sflag:s2] =	dma.local @!p0 [hbm:s0], s1  }
0xa9: {  	s0 =	simm.s32 @!p0 $0x2  }
0xaa: {  	_ =	swait.ge @!p0 [sflag:s0], s1  }
0xab: {  	s1 =	ssub.s32 @!p0 $0x0, s1;
	[sflag:s0] =	ssyncset.done @!p0 $0x0  }
0xac: {  	[sflag:s0] =	ssyncadd.s32 @!p0 s1  }
0xad: {  	[bflag:$0x3] =	sbarrier.arrive $0xFFFF  }
0xae: {  	_ =	shalt  }

// kernel: kernel.23.cloned.1.call-start
scs
__scs_entry_jumppad:
0x0: {  	(pc) =	sbr.rel $0x88, $3  }
0x1: {  	(tag) =	ssettag $0x0;
	lr =	simm.s32 $0x1  }
0x2: {  	[smem:$0x3F7A] =	sst lr;
	_ =	strace $0xD0000000  }
0x3: {  	_ = 	snop  }
0x4: {  	_ = 	snop  }
0x5: {  	_ = 	snop  }
0x6: {  	_ = 	snop  }
0x7: {  	_ = 	snop  }
__scs_overlays_trampoline_lowered:
0x8: {  	[smem:$0x3F89] =	sst s0  }
0x9: {  	[smem:$0x3F8A] =	sst s1  }
0xa: {  	[smem:$0x3F8B] =	sst s2  }
0xb: {  	[smem:$0x3F8C] =	sst s3  }
0xc: {  	[smem:$0x3F8D] =	sst s4  }
0xd: {  	[smem:$0x3F8E] =	sst s5  }
0xe: {  	[smem:$0x3F8F] =	sst s6  }
0xf: {  	[smem:$0x3F90] =	sst s7  }
0x10: {  	[smem:$0x3F91] =	sst s8  }
0x11: {  	[smem:$0x3F92] =	sst s9;
	s0 =	simm.s32 @!p0 $0x0  }
0x12: {  	s1 =	sld [smem:$0x3F78];
	s0 =	simm.s32 @p0 $0x1  }
0x13: {  	[smem:$0x3F93] =	sst s0;
	s0 =	simm.s32 @!p1 $0x0  }
0x14: {  	s2 =	sld [smem:$0x3F77];
	s0 =	simm.s32 @p1 $0x1  }
0x15: {  	[smem:$0x3F94] =	sst s0;
	s0 =	simm.s32 @!p2 $0x0  }
0x16: {  	s3 =	sld [smem:$0x3FDB];
	s0 =	simm.s32 @p2 $0x1  }
0x17: {  	s4 =	simm.s32 $0x1BF5;
	[smem:$0x3F96] =	sst s0  }
0x18: {  	s0 =	sld [smem:$0x3F79];
	_ =	swait.ge [sflag:s4], $0x0  }
0x19: {  	s7 =	sld [smem:$0x3F7A]  }
0x1a: {  	s8 =	sadd.s32 $0xFFFFE003, lr  }
0x1b: {  	s9 =	sadd.s32 $0xFFFFFEF7, lr;
	s5 =	simm.s32 $0xFFFFFFFF;
	p2 =	slt.u32 s8, $0xFFFFF086  }
0x1c: {  	p1 =	slt.u32 s9, $0xF7A;
	s5 =	simm.s32 @!p2 $0x0  }
0x1d: {  	s5 =	simm.s32 @p1 $0x1;
	p0 =	seq.s32 s7, s2  }
0x1e: {  	s7 =	smul.u32 @!p0 $0xF7A, s2;
	p2 =	seq.s32 @!p0 s5, $0x0  }
0x1f: {  	s9 =	smul.u32 $0xF7A, s1;
	s8 =	simm.s32 @!p0 $0x1BF5;
	p2 =	por !p2, p0  }
0x20: {  	[sflag:s8] =	ssyncset.s32 @!p0 $0xFFFFF086;
	s6 =	sadd.s32 @!p0 s3, s7;
	s7 =	simm.s32 @!p0 $0x108  }
0x21: {  	s3 =	sadd.s32 s3, s9;
	s6 =	sadd.s32 @!p0 $0x88, s6;
	s7 =	simm.s32 @p2 $0x1082  }
0x22: {  	[simem:s7], [sflag:s8] =	dma.local @!p0 [hbm:s6], $0xF7A  }
0x23: {  	s9 =	sor.u32 $0xD0000000, s2;
	s6 =	simm.s32 $0x108;
	_ =	swait.ge @!p0 [sflag:s8], $0x0  }
0x24: {  	s3 =	sadd.s32 $0x88, s3;
	s6 =	simm.s32 @!p1 $0x1082;
	[sflag:s4] =	ssyncset.s32 $0xFFFFF086  }
0x25: {  	[simem:s6], [sflag:s4] =	dma.local [hbm:s3], $0xF7A  }
0x26: {  	[smem:$0x3F7A] =	sst s1;
	(tag) =	ssettag s2;
	_ =	strace s9  }
0x27: {  	s1 =	sld [smem:$0x3F8A]  }
0x28: {  	s2 =	sld [smem:$0x3F8B]  }
0x29: {  	s4 =	sld [smem:$0x3F8D]  }
0x2a: {  	p0 =	seq.s32 s5, $0x0;
	s5 =	sld [smem:$0x3F8E]  }
0x2b: {  	s6 =	sld [smem:$0x3F8F]  }
0x2c: {  	s7 =	sld [smem:$0x3F90]  }
0x2d: {  	s3 =	simm.s32 $0x108;
	s8 =	sld [smem:$0x3F91]  }
0x2e: {  	s3 =	simm.s32 @!p0 $0x1082;
	s9 =	sld [smem:$0x3F92]  }
0x2f: {  	lr =	sadd.s32 s0, s3;
	s0 =	sld [smem:$0x3F89]  }
0x30: {  	s3 =	sld [smem:$0x3F8C]  }
0x31: {  	[smem:$0x3F95] =	sst s10  }
0x32: {  	s10 =	sld [smem:$0x3F93];
	_ =	sdelay $0x3  }
0x33: {  	p0 =	seq.s32 s10, $0x1;
	s10 =	sld [smem:$0x3F95];
	_ =	sdelay $0x3  }
0x34: {  	[smem:$0x3F95] =	sst s10  }
0x35: {  	s10 =	sld [smem:$0x3F94];
	_ =	sdelay $0x3  }
0x36: {  	p1 =	seq.s32 s10, $0x1;
	s10 =	sld [smem:$0x3F95];
	_ =	sdelay $0x3  }
0x37: {  	[smem:$0x3F95] =	sst s10  }
0x38: {  	s10 =	sld [smem:$0x3F96]  }
0x39: {  	_ = 	snop;
	(pc) =	sbr.ind lr, $3  }
0x3a: {  	_ = 	snop  }
0x3b: {  	_ = 	snop  }
0x3c: {  	p2 =	seq.s32 s10, $0x1;
	s10 =	sld [smem:$0x3F95]  }
0x3d: {  	_ =	shalt  }
0x3e: {  	_ =	shalt  }
0x3f: {  	_ =	shalt  }
0x40: {  	_ =	shalt  }
0x41: {  	_ =	shalt  }
0x42: {  	_ =	shalt  }
0x43: {  	_ =	shalt  }
0x44: {  	_ =	shalt  }
0x45: {  	_ =	shalt  }
0x46: {  	_ =	shalt  }
0x47: {  	_ =	shalt  }
0x48: {  	_ =	shalt  }
0x49: {  	_ =	shalt  }
0x4a: {  	_ =	shalt  }
0x4b: {  	_ =	shalt  }
0x4c: {  	_ =	shalt  }
0x4d: {  	_ =	shalt  }
0x4e: {  	_ =	shalt  }
0x4f: {  	_ =	shalt  }
0x50: {  	_ =	shalt  }
0x51: {  	_ =	shalt  }
0x52: {  	_ =	shalt  }
0x53: {  	_ =	shalt  }
0x54: {  	_ =	shalt  }
0x55: {  	_ =	shalt  }
0x56: {  	_ =	shalt  }
0x57: {  	_ =	shalt  }
0x58: {  	_ =	shalt  }
0x59: {  	_ =	shalt  }
0x5a: {  	_ =	shalt  }
0x5b: {  	_ =	shalt  }
0x5c: {  	_ =	shalt  }
0x5d: {  	_ =	shalt  }
0x5e: {  	_ =	shalt  }
0x5f: {  	_ =	shalt  }
0x60: {  	_ =	shalt  }
0x61: {  	_ =	shalt  }
0x62: {  	_ =	shalt  }
0x63: {  	_ =	shalt  }
0x64: {  	_ =	shalt  }
0x65: {  	_ =	shalt  }
0x66: {  	_ =	shalt  }
0x67: {  	_ =	shalt  }
0x68: {  	_ =	shalt  }
0x69: {  	_ =	shalt  }
0x6a: {  	_ =	shalt  }
0x6b: {  	_ =	shalt  }
0x6c: {  	_ =	shalt  }
0x6d: {  	_ =	shalt  }
0x6e: {  	_ =	shalt  }
0x6f: {  	_ =	shalt  }
0x70: {  	_ =	shalt  }
0x71: {  	_ =	shalt  }
0x72: {  	_ =	shalt  }
0x73: {  	_ =	shalt  }
0x74: {  	_ =	shalt  }
0x75: {  	_ =	shalt  }
0x76: {  	_ =	shalt  }
0x77: {  	_ =	shalt  }
0x78: {  	_ =	shalt  }
0x79: {  	_ =	shalt  }
0x7a: {  	_ =	shalt  }
0x7b: {  	_ =	shalt  }
0x7c: {  	_ =	shalt  }
0x7d: {  	_ =	shalt  }
0x7e: {  	_ =	shalt  }
0x7f: {  	_ =	shalt  }
0x80: {  	_ =	shalt  }
0x81: {  	_ =	shalt  }
0x82: {  	_ =	shalt  }
0x83: {  	_ =	shalt  }
0x84: {  	_ =	shalt  }
0x85: {  	_ =	shalt  }
0x86: {  	_ =	shalt  }
0x87: {  	_ =	shalt  }
.Lfunc_end0:
.L_simem_size_0:
called_computation.2_lowered:
.L_overlay_start_0:
0x88: {  	s2 =	sld [smem:$0x3FD9]  }
0x89: {  	s3 =	sld [smem:$0x3FFE];
	_ =	sdelay $0x1  }
0x8a: {  	s1 =	srdreg.scid  }
0x8b: {  	s0 =	sand.u32 $0x1, s1  }
0x8c: {  	s17 =	sshll.u32 s0, $0xA;
	s2 =	sadd.s32 s3, s2  }
0x8d: {  	s2 =	sadd.s32 s2, s17  }
0x8e: {  	[smem:$0x3FA1] =	sst s2  }
0x8f: {  	_ = 	snop  }
0x90: {  	(tm) =	ssettm $0x1  }
0x91: {  	s18 =	sld [smem:$0x3FFB];
	_ =	sdelay $0x3  }
0x92: {  	_ =	strace s18  }
0x93: {  	s2 =	sld [smem:$0x3FFC];
	_ =	sdelay $0x3  }
0x94: {  	_ =	strace s2  }
0x95: {  	s2 =	sld [smem:$0x3FFD];
	_ =	sdelay $0x3  }
0x96: {  	_ =	strace s2  }
0x97: {  	_ =	strace $0x8FFFFFFF  }
0x98: {  	s19 =	sld [smem:$0x3FDB];
	_ =	sdelay $0x1  }
0x99: {  	s20 =	simm.s32 $_scs_section_size  }
0x9a: {  	s4 =	simm.s32 $_size__tile_overlayer_lowered;
	s5 =	simm.s32 $_tile_overlayer_lowered  }
0x9b: {  	s6 =	simm.s32 $0x1BFF;
	s21 =	sshll.u32 s5, $0x1;
	s3 =	sadd.s32 s20, s19  }
0x9c: {  	s22 =	simm.s32 $0x0;
	s4 =	sshll.u32 s4, $0x1;
	s5 =	sadd.s32 s21, s3  }
0x9d: {  	[timem:s22], [sflag:s6] =	dma.local [hbm:s5], s4  }
0x9e: {  	_ =	swait.ge [sflag:s6], s4  }
0x9f: {  	s4 =	ssub.s32 $0x0, s4;
	[sflag:s6] =	ssyncset.done $0x0  }
0xa0: {  	[sflag:s6] =	ssyncadd.s32 s4;
	_ =	sdelay $0x1  }
0xa1: {  	s23 =	simm.s32 $0x1B8B  }
0xa2: {  	_ =	swait.ge [sflag:s23], $0x1  }
0xa3: {  	[sflag:s23] =	ssyncset.done $0x0  }
0xa4: {  	[sflag:s23] =	ssyncadd.s32 $0xFFFFFFFF  }
0xa5: {  	s4 =	sld [smem:$0x0]  }
0xa6: {  	s5 =	sand.u32 $0xFFFFFFFE, s1  }
0xa7: {  	p0 =	sne.s32 s1, s5  }
0xa8: {  	s5 =	sshll.u32 @p0 s5, $0xE  }
0xa9: {  	s5 =	sadd.s32 @p0 $0x11B8D, s5;
	s6 =	sshll.u32 @p0 s4, $0x11  }
0xaa: {  	s5 =	sor.u32 @p0 s6, s5  }
0xab: {  	[sflag:s5] =	ssyncadd.remote.s32 @p0 $0x1;
	_ =	sdelay $0x1  }
0xac: {  	s5 =	simm.s32 @p0 $0x1B8D  }
0xad: {  	_ =	swait.eq @p0 [sflag:s5], $0x1  }
0xae: {  	[sflag:s5] =	ssyncadd.s32 @p0 $0xFFFFFFFF  }
0xaf: {  	s6 =	sshll.u32 @!p0 s1, $0xE  }
0xb0: {  	s6 =	sor.u32 @!p0 $0x4000, s6;
	s5 =	simm.s32 @!p0 $0x1B8D  }
0xb1: {  	s4 =	sshll.u32 @!p0 s4, $0x11;
	s6 =	sadd.s32 @!p0 $0x11B8D, s6;
	_ =	swait.eq @!p0 [sflag:s5], $0x1  }
0xb2: {  	s4 =	sor.u32 @!p0 s4, s6;
	[sflag:s5] =	ssyncadd.s32 @!p0 $0xFFFFFFFF  }
0xb3: {  	s25 =	simm.s32 $0x1B8E;
	s24 =	sld [smem:$0x3FFE];
	[sflag:s4] =	ssyncadd.remote.s32 @!p0 $0x1  }
0xb4: {  	s26 =	simm.s32 $execute0_lowered;
	[smem:$0x3FD2] =	sst s25  }
0xb5: {  	s5 =	sshll.u32 s26, $0x1;
	_ =	strace $0x8000004C;
	[dreg:$0x1] =	wrdreg $0xFFFFFFFF  }
0xb6: {  	s28 =	simm.s32 $_size_execute0_lowered;
	s3 =	sadd.s32 s3, s5;
	[dreg:$0x0] =	wrdreg $0x0  }
0xb7: {  	s5 =	sshll.u32 s28, $0x1;
	[dreg:$0x2] =	wrdreg s3  }
0xb8: {  	[dreg:$0x3] =	wrdreg s5  }
0xb9: {  	[dreg:$0x4] =	wrdreg $0xC0  }
0xba: {  	_ =	task [dreg:s22], $0x5FFFF  }
0xbb: {  	[dreg:$0x1] =	wrdreg $0xFFFFFFFF  }
0xbc: {  	[dreg:$0x0] =	wrdreg $0x60  }
0xbd: {  	[dreg:$0x2] =	wrdreg s24  }
0xbe: {  	[dreg:$0x3] =	wrdreg $0x84000  }
0xbf: {  	[dreg:$0x4] =	wrdreg $0xA  }
0xc0: {  	_ =	task.clear_ibuf [dreg:s22], $0x5FFFF;
	_ =	strace $0x9000004C  }
0xc1: {  	s29 =	simm.s32 $0xA;
	_ =	strace $0x8000004E  }
0xc2: {  	_ =	swait.ge [sflag:s29], $0x1  }
0xc3: {  	[sflag:s29] =	ssyncadd.s32 $0xFFFFFFFF  }
0xc4: {  	_ =	strace $0x9000004E  }
0xc5: {  	_ =	sfence  }
0xc6: {  	s30 =	sld [smem:$0x0];
	_ =	sdelay $0x2  }
0xc7: {  	s31 =	sshll.u32 s1, $0xD;
	s1 =	sshrl.u32 s1, $0x2  }
0xc8: {  	s4 =	sand.u32 $0x4000, s31;
	s1 =	sadd.s32 s1, s30  }
0xc9: {  	s0 =	sor.u32 s4, s0;
	s1 =	sshll.u32 s1, $0x11  }
0xca: {  	s0 =	sor.u32 s1, s0  }
0xcb: {  	s0 =	sadd.s32 $0x8F2B, s0  }
0xcc: {  	[sflag:s0] =	ssyncadd.remote.s32 $0x1  }
0xcd: {  	_ =	sfence.sel $0xFFFF  }
0xce: {  	[dreg:$0x0] =	wrdreg $0xFFFFFFFF;
	(pc) =	sbr.abs _section_cstart, $3  }
0xcf: {  	[dreg:$0x1] =	wrdreg $0xFFFFFFFF  }
0xd0: {  	_ =	task.clear_ibuf [dreg:s22], $0x2FFFF;
	_ =	strace $0x9FFFFFFF  }
0xd1: {  	(tm) =	ssettm $0x7FFFFFFF  }
tec
execute0_lowered:
.L_overlay_start_1:
0x0: {  	(tag) =	ssettag $0x1  }
0x1: {  	s1 =	srdreg.scid;
	s5 =	rddreg [dreg:$0x0]  }
0x2: {  	s0 =	stileid.u32;
	s2 =	rddreg [dreg:$0x1]  }
0x3: {  	s3 =	simm.s32 $0x0;
	s12 =	simm.s32 $0x400;
	s13 =	simm.s32 $0x80  }
0x4: {  	s14 =	simm.s32 $0x1400;
	s15 =	simm.s32 $0x100;
	s16 =	simm.s32 $0x2400  }
0x5: {  	s17 =	simm.s32 $0x180;
	s18 =	simm.s32 $0x3400;
	s4 =	smul.u32 $0xA0000, s0  }
0x6: {  	s19 =	simm.s32 $0x200;
	s20 =	simm.s32 $0x4400;
	s7 =	smul.u32 $0x5000, s0  }
0x7: {  	s21 =	simm.s32 $0x280;
	s1 =	sand.u32 $0x1, s1;
	s24 =	smul.u32 $0x4E40, s0  }
0x8: {  	s22 =	simm.s32 $0x5400;
	s23 =	simm.s32 $0x300;
	s6 =	smul.u32 $0x50000, s1  }
0x9: {  	s28 =	simm.s32 $0x0;
	[smem:$0x7FF] =	sst s3;
	s8 =	smul.u32 $0x2800, s1  }
0xa: {  	s31 =	sshll.u32 s0, $0x6;
	s25 =	smul.u32 $0x4E400, s1;
	s1 =	ssub.s32 $0x2, s1  }
0xb: {  	_ =	strace $0x8000004D;
	s30 =	sshrl.u32 s1, $0x1;
	s11 =	sadd.s32 s24, s2  }
0xc: {  	s4 =	sadd.s32 s6, s4;
	s7 =	sadd.s32 s8, s7;
	s29 =	sadd.s32 s24, s25  }
0xd: {  	s1 =	ssub.s32 s1, s30;
	s24 =	simm.s32 $0x6400;
	s25 =	simm.s32 $0x380  }
0xe: {  	s4 =	sshrl.u32 s4, $0x3;
	s26 =	sshrl.u32 s7, $0x3;
	s7 =	sshrl.u32 s29, $0x3  }
0xf: {  	s9 =	sadd.s32 s4, s5;
	s10 =	sadd.s32 s26, s5;
	s4 =	sadd.s32 $0x18B400, s5  }
0x10: {  	s7 =	sadd.s32 s7, s5;
	s5 =	sor.u32 $0x1C01, s31;
	s26 =	simm.s32 $0x7400  }
0x11: {  	s6 =	sadd.s32 $0x41400, s7;
	s7 =	smax.u32 s1, $0x1;
	s8 =	sadd.s32 $0x19FA00, s9  }
0x12: {  	s9 =	sadd.s32 $0x181400, s10;
	s10 =	sshrl.u32 s11, $0x3;
	s11 =	simm.s32 $0x1  }
.LBB2_1:
0x13: {  	[spmem:s10], [sflag:s5] =	dma.local [hbm:s4], $0x9C8  }
0x14: {  	_ =	swait.ge [sflag:s11], $0x9C8  }
0x15: {  	[sflag:s11] =	ssyncset.done $0x0  }
0x16: {  	[sflag:s11] =	ssyncadd.s32 $0xFFFFF638  }
0x17: {  	s1 =	sadd.s32 $0x0, s9;
	[bflag:$0x0] =	sbarrier.arrive $0xFFFF  }
0x18: {  	[tilespmem:s3], [sflag:$0x1] =	stream.linear.gather [hbm4b:s1+s3], $0x400, $0x38;
	[tilespmem:$0xD240] =	vst v63  }
0x19: {  	_ =	swait.ge [sflag:s11], $0x400  }
0x1a: {  	[sflag:s11] =	ssyncset.done $0x0  }
0x1b: {  	[sflag:s11] =	ssyncadd.s32 $0xFFFFFC00  }
0x1c: {  	[tilespmem:s12], [sflag:$0x1] =	stream.linear.gather [hbm4b:s8+s3], $0x8000, $0x38;
	[tilespmem:$0xD240] =	vst v63  }
0x1d: {  	_ =	swait.ge [sflag:s11], $0x8000  }
0x1e: {  	[sflag:s11] =	ssyncset.done $0x0  }
0x1f: {  	[sflag:s11] =	ssyncadd.s32 $0xFFFF8000  }
0x20: {  	[spmem:s2] =	stream.indirect.scatter.add.f32 [tilespmem:s12], [sflag:$0x1], $0x20, s3, s13, $0xb8;
	[tilespmem:$0xD240] =	vst v63  }
0x21: {  	_ =	swait.ge [sflag:s11], $0x1000  }
0x22: {  	[sflag:s11] =	ssyncset.done $0x0  }
0x23: {  	[sflag:s11] =	ssyncadd.s32 $0xFFFFF000  }
0x24: {  	[spmem:s2] =	stream.indirect.scatter.add.f32 [tilespmem:s14], [sflag:$0x1], $0x20, s13, s13, $0xb8;
	[tilespmem:$0xD240] =	vst v63  }
0x25: {  	_ =	swait.ge [sflag:s11], $0x1000  }
0x26: {  	[sflag:s11] =	ssyncset.done $0x0  }
0x27: {  	[sflag:s11] =	ssyncadd.s32 $0xFFFFF000  }
0x28: {  	[spmem:s2] =	stream.indirect.scatter.add.f32 [tilespmem:s16], [sflag:$0x1], $0x20, s15, s13, $0xb8;
	[tilespmem:$0xD240] =	vst v63  }
0x29: {  	_ =	swait.ge [sflag:s11], $0x1000  }
0x2a: {  	[sflag:s11] =	ssyncset.done $0x0  }
0x2b: {  	[sflag:s11] =	ssyncadd.s32 $0xFFFFF000  }
0x2c: {  	[spmem:s2] =	stream.indirect.scatter.add.f32 [tilespmem:s18], [sflag:$0x1], $0x20, s17, s13, $0xb8;
	[tilespmem:$0xD240] =	vst v63  }
0x2d: {  	_ =	swait.ge [sflag:s11], $0x1000  }
0x2e: {  	[sflag:s11] =	ssyncset.done $0x0  }
0x2f: {  	[sflag:s11] =	ssyncadd.s32 $0xFFFFF000  }
0x30: {  	[spmem:s2] =	stream.indirect.scatter.add.f32 [tilespmem:s20], [sflag:$0x1], $0x20, s19, s13, $0xb8;
	[tilespmem:$0xD240] =	vst v63  }
0x31: {  	_ =	swait.ge [sflag:s11], $0x1000  }
0x32: {  	[sflag:s11] =	ssyncset.done $0x0  }
0x33: {  	[sflag:s11] =	ssyncadd.s32 $0xFFFFF000  }
0x34: {  	[spmem:s2] =	stream.indirect.scatter.add.f32 [tilespmem:s22], [sflag:$0x1], $0x20, s21, s13, $0xb8;
	[tilespmem:$0xD240] =	vst v63  }
0x35: {  	_ =	swait.ge [sflag:s11], $0x1000  }
0x36: {  	[sflag:s11] =	ssyncset.done $0x0  }
0x37: {  	[sflag:s11] =	ssyncadd.s32 $0xFFFFF000  }
0x38: {  	[spmem:s2] =	stream.indirect.scatter.add.f32 [tilespmem:s24], [sflag:$0x1], $0x20, s23, s13, $0xb8;
	[tilespmem:$0xD240] =	vst v63  }
0x39: {  	_ =	swait.ge [sflag:s11], $0x1000  }
0x3a: {  	[sflag:s11] =	ssyncset.done $0x0  }
0x3b: {  	[sflag:s11] =	ssyncadd.s32 $0xFFFFF000  }
0x3c: {  	[spmem:s2] =	stream.indirect.scatter.add.f32 [tilespmem:s26], [sflag:$0x1], $0x20, s25, s13, $0xb8;
	[tilespmem:$0xD240] =	vst v63  }
0x3d: {  	s30 =	simm.s32 $0x80;
	_ =	swait.ge [sflag:s11], $0x1000  }
0x3e: {  	s31 =	simm.s32 $0x100;
	s29 =	sadd.s32 $0x1000, s8;
	[sflag:s11] =	ssyncset.done $0x0  }
.LBB2_2:
0x3f: {  	s0 =	sadd.s32 s30, s9  }
0x40: {  	[sflag:s11] =	ssyncadd.s32 $0xFFFFF000;
	s30 =	smov.u32 s31;
	s1 =	sadd.s32 $0x80, s31  }
0x41: {  	[tilespmem:s3], [sflag:$0x1] =	stream.linear.gather [hbm4b:s0+s3], $0x400, $0x38;
	[tilespmem:$0xD240] =	vst v63  }
0x42: {  	p0 =	sne.s32 s31, $0x480;
	_ =	swait.ge [sflag:s11], $0x400  }
0x43: {  	[sflag:s11] =	ssyncset.done $0x0  }
0x44: {  	[sflag:s11] =	ssyncadd.s32 $0xFFFFFC00  }
0x45: {  	[tilespmem:s12], [sflag:$0x1] =	stream.linear.gather [hbm4b:s29+s3], $0x8000, $0x38;
	[tilespmem:$0xD240] =	vst v63  }
0x46: {  	_ =	swait.ge [sflag:s11], $0x8000  }
0x47: {  	[sflag:s11] =	ssyncset.done $0x0  }
0x48: {  	[sflag:s11] =	ssyncadd.s32 $0xFFFF8000  }
0x49: {  	[spmem:s2] =	stream.indirect.scatter.add.f32 [tilespmem:s12], [sflag:$0x1], $0x20, s3, s13, $0xb8;
	[tilespmem:$0xD240] =	vst v63  }
0x4a: {  	_ =	swait.ge [sflag:s11], $0x1000  }
0x4b: {  	[sflag:s11] =	ssyncset.done $0x0  }
0x4c: {  	[sflag:s11] =	ssyncadd.s32 $0xFFFFF000  }
0x4d: {  	[spmem:s2] =	stream.indirect.scatter.add.f32 [tilespmem:s14], [sflag:$0x1], $0x20, s13, s13, $0xb8;
	[tilespmem:$0xD240] =	vst v63  }
0x4e: {  	_ =	swait.ge [sflag:s11], $0x1000  }
0x4f: {  	[sflag:s11] =	ssyncset.done $0x0  }
0x50: {  	[sflag:s11] =	ssyncadd.s32 $0xFFFFF000  }
0x51: {  	[spmem:s2] =	stream.indirect.scatter.add.f32 [tilespmem:s16], [sflag:$0x1], $0x20, s15, s13, $0xb8;
	[tilespmem:$0xD240] =	vst v63  }
0x52: {  	_ =	swait.ge [sflag:s11], $0x1000  }
0x53: {  	[sflag:s11] =	ssyncset.done $0x0  }
0x54: {  	[sflag:s11] =	ssyncadd.s32 $0xFFFFF000  }
0x55: {  	[spmem:s2] =	stream.indirect.scatter.add.f32 [tilespmem:s18], [sflag:$0x1], $0x20, s17, s13, $0xb8;
	[tilespmem:$0xD240] =	vst v63  }
0x56: {  	_ =	swait.ge [sflag:s11], $0x1000  }
0x57: {  	[sflag:s11] =	ssyncset.done $0x0  }
0x58: {  	[sflag:s11] =	ssyncadd.s32 $0xFFFFF000  }
0x59: {  	[spmem:s2] =	stream.indirect.scatter.add.f32 [tilespmem:s20], [sflag:$0x1], $0x20, s19, s13, $0xb8;
	[tilespmem:$0xD240] =	vst v63  }
0x5a: {  	_ =	swait.ge [sflag:s11], $0x1000  }
0x5b: {  	[sflag:s11] =	ssyncset.done $0x0  }
0x5c: {  	[sflag:s11] =	ssyncadd.s32 $0xFFFFF000  }
0x5d: {  	[spmem:s2] =	stream.indirect.scatter.add.f32 [tilespmem:s22], [sflag:$0x1], $0x20, s21, s13, $0xb8;
	[tilespmem:$0xD240] =	vst v63  }
0x5e: {  	_ =	swait.ge [sflag:s11], $0x1000  }
0x5f: {  	[sflag:s11] =	ssyncset.done $0x0  }
0x60: {  	[sflag:s11] =	ssyncadd.s32 $0xFFFFF000  }
0x61: {  	[spmem:s2] =	stream.indirect.scatter.add.f32 [tilespmem:s24], [sflag:$0x1], $0x20, s23, s13, $0xb8;
	[tilespmem:$0xD240] =	vst v63  }
0x62: {  	_ =	swait.ge [sflag:s11], $0x1000  }
.Ltmp0:
0x63: {  	[sflag:s11] =	ssyncset.done $0x0;
	(pc) =	sbr.rel @p0 .LBB2_2-.Ltmp0, $4  }
0x64: {  	[sflag:s11] =	ssyncadd.s32 $0xFFFFF000  }
0x65: {  	[spmem:s2] =	stream.indirect.scatter.add.f32 [tilespmem:s26], [sflag:$0x1], $0x20, s25, s13, $0xb8;
	[tilespmem:$0xD240] =	vst v63  }
0x66: {  	_ =	swait.ge [sflag:s11], $0x1000  }
0x67: {  	s31 =	smov.u32 s1;
	s29 =	sadd.s32 $0x1000, s29;
	[sflag:s11] =	ssyncset.done $0x0  }
0x68: {  	s0 =	sadd.s32 s30, s9;
	[sflag:s11] =	ssyncadd.s32 $0xFFFFF000  }
0x69: {  	[tilespmem:s3], [sflag:$0x1] =	stream.linear.gather [hbm4b:s0+s3], $0x400, $0x38;
	[tilespmem:$0xD240] =	vst v63  }
0x6a: {  	_ =	swait.ge [sflag:s11], $0x400  }
0x6b: {  	[sflag:s11] =	ssyncset.done $0x0  }
0x6c: {  	[sflag:s11] =	ssyncadd.s32 $0xFFFFFC00  }
0x6d: {  	[tilespmem:s12], [sflag:$0x1] =	stream.linear.gather [hbm4b:s29+s3], $0x8000, $0x38;
	[tilespmem:$0xD240] =	vst v63  }
0x6e: {  	_ =	swait.ge [sflag:s11], $0x8000  }
0x6f: {  	[sflag:s11] =	ssyncset.done $0x0  }
0x70: {  	[sflag:s11] =	ssyncadd.s32 $0xFFFF8000  }
0x71: {  	[spmem:s2] =	stream.indirect.scatter.add.f32 [tilespmem:s12], [sflag:$0x1], $0x20, s3, s13, $0xb8;
	[tilespmem:$0xD240] =	vst v63  }
0x72: {  	_ =	swait.ge [sflag:s11], $0x1000  }
0x73: {  	[sflag:s11] =	ssyncset.done $0x0  }
0x74: {  	[sflag:s11] =	ssyncadd.s32 $0xFFFFF000  }
0x75: {  	[spmem:s2] =	stream.indirect.scatter.add.f32 [tilespmem:s14], [sflag:$0x1], $0x20, s13, s13, $0xb8;
	[tilespmem:$0xD240] =	vst v63  }
0x76: {  	_ =	swait.ge [sflag:s11], $0x1000  }
0x77: {  	[sflag:s11] =	ssyncset.done $0x0  }
0x78: {  	[sflag:s11] =	ssyncadd.s32 $0xFFFFF000  }
0x79: {  	[spmem:s2] =	stream.indirect.scatter.add.f32 [tilespmem:s16], [sflag:$0x1], $0x20, s15, s13, $0xb8;
	[tilespmem:$0xD240] =	vst v63  }
0x7a: {  	_ =	swait.ge [sflag:s11], $0x1000  }
0x7b: {  	[sflag:s11] =	ssyncset.done $0x0  }
0x7c: {  	[sflag:s11] =	ssyncadd.s32 $0xFFFFF000  }
0x7d: {  	[spmem:s2] =	stream.indirect.scatter.add.f32 [tilespmem:s18], [sflag:$0x1], $0x20, s17, s13, $0xb8;
	[tilespmem:$0xD240] =	vst v63  }
0x7e: {  	_ =	swait.ge [sflag:s11], $0x1000  }
0x7f: {  	[sflag:s11] =	ssyncset.done $0x0  }
0x80: {  	[sflag:s11] =	ssyncadd.s32 $0xFFFFF000  }
0x81: {  	[spmem:s2] =	stream.indirect.scatter.add.f32 [tilespmem:s20], [sflag:$0x1], $0x20, s19, s13, $0xb8;
	[tilespmem:$0xD240] =	vst v63  }
0x82: {  	_ =	swait.ge [sflag:s11], $0x1000  }
0x83: {  	[sflag:s11] =	ssyncset.done $0x0  }
0x84: {  	[sflag:s11] =	ssyncadd.s32 $0xFFFFF000  }
0x85: {  	[spmem:s2] =	stream.indirect.scatter.add.f32 [tilespmem:s22], [sflag:$0x1], $0x20, s21, s13, $0xb8;
	[tilespmem:$0xD240] =	vst v63  }
0x86: {  	_ =	swait.ge [sflag:s11], $0x1000  }
0x87: {  	[sflag:s11] =	ssyncset.done $0x0  }
0x88: {  	[sflag:s11] =	ssyncadd.s32 $0xFFFFF000  }
0x89: {  	[spmem:s2] =	stream.indirect.scatter.add.f32 [tilespmem:s24], [sflag:$0x1], $0x20, s23, s13, $0xb8;
	[tilespmem:$0xD240] =	vst v63  }
0x8a: {  	_ =	swait.ge [sflag:s11], $0x1000  }
0x8b: {  	[sflag:s11] =	ssyncset.done $0x0  }
0x8c: {  	[sflag:s11] =	ssyncadd.s32 $0xFFFFF000  }
0x8d: {  	[spmem:s2] =	stream.indirect.scatter.add.f32 [tilespmem:s26], [sflag:$0x1], $0x20, s25, s13, $0xb8;
	[tilespmem:$0xD240] =	vst v63  }
0x8e: {  	_ =	swait.ge [sflag:s11], $0x1000  }
0x8f: {  	s28 =	sadd.s32 $0x1, s28;
	[sflag:s11] =	ssyncset.done $0x0  }
0x90: {  	p0 =	sne.s32 s28, s7;
	[sflag:s11] =	ssyncadd.s32 $0xFFFFF000  }
.Ltmp1:
0x91: {  	[bflag:$0x0] =	sbarrier.arrive $0xFFFF;
	(pc) =	sbr.rel @p0 .LBB2_1-.Ltmp1, $4  }
0x92: {  	[hbm:s6], [sflag:s5] =	dma.local [spmem:s10], $0x9C8  }
0x93: {  	_ =	swait.ge [sflag:s11], $0x9C8  }
0x94: {  	[sflag:s11] =	ssyncset.done $0x0  }
0x95: {  	[sflag:s11] =	ssyncadd.s32 $0xFFFFF638  }
0x96: {  	_ =	sfence.sel $0x180000  }
0x97: {  	[bflag:$0x0] =	sbarrier.arrive $0xFFFF  }
0x98: {  	_ =	strace $0x9000004D  }
0x99: {  	s0 =	stileid.u32;
	[bflag:$0x2] =	sbarrier.arrive $0xFFFF  }
0x9a: {  	p0 =	sne.s32 s0, $0x0;
	s0 =	rddreg [dreg:$0x2]  }
0x9b: {  	s0 =	sadd.s32 @!p0 $0x100000, s0  }
0x9c: {  	[sflag:s0] =	ssyncadd.tile.s32 @!p0 $0x1;
	_ =	shalt  }
.Lfunc_end2:
_tile_overlayer_lowered:
.L_overlay_start_2:
0x9d: {  	(tag) =	ssettag $0x2  }
0x9e: {  	s0 =	rddreg [dreg:$0x0];
	s2 =	stileid.u32  }
0x9f: {  	s1 =	rddreg [dreg:$0x1];
	p0 =	sne.s32 s2, $0x0  }
0xa0: {  	s3 =	rddreg [dreg:$0x2];
	[bflag:$0x3] =	sbarrier.arrive $0xFFFF;
	s2 =	simm.s32 @!p0 $0x1C01  }
0xa1: {  	[timem:s3], [sflag:s2] =	dma.local @!p0 [hbm:s0], s1  }
0xa2: {  	s0 =	simm.s32 @!p0 $0x1  }
0xa3: {  	_ =	swait.ge @!p0 [sflag:s0], s1  }
0xa4: {  	s1 =	ssub.s32 @!p0 $0x0, s1;
	[sflag:s0] =	ssyncset.done @!p0 $0x0  }
0xa5: {  	[sflag:s0] =	ssyncadd.s32 @!p0 s1  }
0xa6: {  	[bflag:$0x3] =	sbarrier.arrive $0xFFFF  }
0xa7: {  	_ =	shalt  }

// kernel: kernel.26.cloned.1.call-start
scs
__scs_entry_jumppad:
0x0: {  	(pc) =	sbr.rel $0x88, $3  }
0x1: {  	(tag) =	ssettag $0x0;
	lr =	simm.s32 $0x1  }
0x2: {  	[smem:$0x3F7A] =	sst lr;
	_ =	strace $0xD0000000  }
0x3: {  	_ = 	snop  }
0x4: {  	_ = 	snop  }
0x5: {  	_ = 	snop  }
0x6: {  	_ = 	snop  }
0x7: {  	_ = 	snop  }
__scs_overlays_trampoline_lowered:
0x8: {  	[smem:$0x3F89] =	sst s0  }
0x9: {  	[smem:$0x3F8A] =	sst s1  }
0xa: {  	[smem:$0x3F8B] =	sst s2  }
0xb: {  	[smem:$0x3F8C] =	sst s3  }
0xc: {  	[smem:$0x3F8D] =	sst s4  }
0xd: {  	[smem:$0x3F8E] =	sst s5  }
0xe: {  	[smem:$0x3F8F] =	sst s6  }
0xf: {  	[smem:$0x3F90] =	sst s7  }
0x10: {  	[smem:$0x3F91] =	sst s8  }
0x11: {  	[smem:$0x3F92] =	sst s9;
	s0 =	simm.s32 @!p0 $0x0  }
0x12: {  	s1 =	sld [smem:$0x3F78];
	s0 =	simm.s32 @p0 $0x1  }
0x13: {  	[smem:$0x3F93] =	sst s0;
	s0 =	simm.s32 @!p1 $0x0  }
0x14: {  	s2 =	sld [smem:$0x3F77];
	s0 =	simm.s32 @p1 $0x1  }
0x15: {  	[smem:$0x3F94] =	sst s0;
	s0 =	simm.s32 @!p2 $0x0  }
0x16: {  	s3 =	sld [smem:$0x3FDB];
	s0 =	simm.s32 @p2 $0x1  }
0x17: {  	s4 =	simm.s32 $0x1BF5;
	[smem:$0x3F96] =	sst s0  }
0x18: {  	s0 =	sld [smem:$0x3F79];
	_ =	swait.ge [sflag:s4], $0x0  }
0x19: {  	s7 =	sld [smem:$0x3F7A]  }
0x1a: {  	s8 =	sadd.s32 $0xFFFFE003, lr  }
0x1b: {  	s9 =	sadd.s32 $0xFFFFFEF7, lr;
	s5 =	simm.s32 $0xFFFFFFFF;
	p2 =	slt.u32 s8, $0xFFFFF086  }
0x1c: {  	p1 =	slt.u32 s9, $0xF7A;
	s5 =	simm.s32 @!p2 $0x0  }
0x1d: {  	s5 =	simm.s32 @p1 $0x1;
	p0 =	seq.s32 s7, s2  }
0x1e: {  	s7 =	smul.u32 @!p0 $0xF7A, s2;
	p2 =	seq.s32 @!p0 s5, $0x0  }
0x1f: {  	s9 =	smul.u32 $0xF7A, s1;
	s8 =	simm.s32 @!p0 $0x1BF5;
	p2 =	por !p2, p0  }
0x20: {  	[sflag:s8] =	ssyncset.s32 @!p0 $0xFFFFF086;
	s6 =	sadd.s32 @!p0 s3, s7;
	s7 =	simm.s32 @!p0 $0x108  }
0x21: {  	s3 =	sadd.s32 s3, s9;
	s6 =	sadd.s32 @!p0 $0x88, s6;
	s7 =	simm.s32 @p2 $0x1082  }
0x22: {  	[simem:s7], [sflag:s8] =	dma.local @!p0 [hbm:s6], $0xF7A  }
0x23: {  	s9 =	sor.u32 $0xD0000000, s2;
	s6 =	simm.s32 $0x108;
	_ =	swait.ge @!p0 [sflag:s8], $0x0  }
0x24: {  	s3 =	sadd.s32 $0x88, s3;
	s6 =	simm.s32 @!p1 $0x1082;
	[sflag:s4] =	ssyncset.s32 $0xFFFFF086  }
0x25: {  	[simem:s6], [sflag:s4] =	dma.local [hbm:s3], $0xF7A  }
0x26: {  	[smem:$0x3F7A] =	sst s1;
	(tag) =	ssettag s2;
	_ =	strace s9  }
0x27: {  	s1 =	sld [smem:$0x3F8A]  }
0x28: {  	s2 =	sld [smem:$0x3F8B]  }
0x29: {  	s4 =	sld [smem:$0x3F8D]  }
0x2a: {  	p0 =	seq.s32 s5, $0x0;
	s5 =	sld [smem:$0x3F8E]  }
0x2b: {  	s6 =	sld [smem:$0x3F8F]  }
0x2c: {  	s7 =	sld [smem:$0x3F90]  }
0x2d: {  	s3 =	simm.s32 $0x108;
	s8 =	sld [smem:$0x3F91]  }
0x2e: {  	s3 =	simm.s32 @!p0 $0x1082;
	s9 =	sld [smem:$0x3F92]  }
0x2f: {  	lr =	sadd.s32 s0, s3;
	s0 =	sld [smem:$0x3F89]  }
0x30: {  	s3 =	sld [smem:$0x3F8C]  }
0x31: {  	[smem:$0x3F95] =	sst s10  }
0x32: {  	s10 =	sld [smem:$0x3F93];
	_ =	sdelay $0x3  }
0x33: {  	p0 =	seq.s32 s10, $0x1;
	s10 =	sld [smem:$0x3F95];
	_ =	sdelay $0x3  }
0x34: {  	[smem:$0x3F95] =	sst s10  }
0x35: {  	s10 =	sld [smem:$0x3F94];
	_ =	sdelay $0x3  }
0x36: {  	p1 =	seq.s32 s10, $0x1;
	s10 =	sld [smem:$0x3F95];
	_ =	sdelay $0x3  }
0x37: {  	[smem:$0x3F95] =	sst s10  }
0x38: {  	s10 =	sld [smem:$0x3F96]  }
0x39: {  	_ = 	snop;
	(pc) =	sbr.ind lr, $3  }
0x3a: {  	_ = 	snop  }
0x3b: {  	_ = 	snop  }
0x3c: {  	p2 =	seq.s32 s10, $0x1;
	s10 =	sld [smem:$0x3F95]  }
0x3d: {  	_ =	shalt  }
0x3e: {  	_ =	shalt  }
0x3f: {  	_ =	shalt  }
0x40: {  	_ =	shalt  }
0x41: {  	_ =	shalt  }
0x42: {  	_ =	shalt  }
0x43: {  	_ =	shalt  }
0x44: {  	_ =	shalt  }
0x45: {  	_ =	shalt  }
0x46: {  	_ =	shalt  }
0x47: {  	_ =	shalt  }
0x48: {  	_ =	shalt  }
0x49: {  	_ =	shalt  }
0x4a: {  	_ =	shalt  }
0x4b: {  	_ =	shalt  }
0x4c: {  	_ =	shalt  }
0x4d: {  	_ =	shalt  }
0x4e: {  	_ =	shalt  }
0x4f: {  	_ =	shalt  }
0x50: {  	_ =	shalt  }
0x51: {  	_ =	shalt  }
0x52: {  	_ =	shalt  }
0x53: {  	_ =	shalt  }
0x54: {  	_ =	shalt  }
0x55: {  	_ =	shalt  }
0x56: {  	_ =	shalt  }
0x57: {  	_ =	shalt  }
0x58: {  	_ =	shalt  }
0x59: {  	_ =	shalt  }
0x5a: {  	_ =	shalt  }
0x5b: {  	_ =	shalt  }
0x5c: {  	_ =	shalt  }
0x5d: {  	_ =	shalt  }
0x5e: {  	_ =	shalt  }
0x5f: {  	_ =	shalt  }
0x60: {  	_ =	shalt  }
0x61: {  	_ =	shalt  }
0x62: {  	_ =	shalt  }
0x63: {  	_ =	shalt  }
0x64: {  	_ =	shalt  }
0x65: {  	_ =	shalt  }
0x66: {  	_ =	shalt  }
0x67: {  	_ =	shalt  }
0x68: {  	_ =	shalt  }
0x69: {  	_ =	shalt  }
0x6a: {  	_ =	shalt  }
0x6b: {  	_ =	shalt  }
0x6c: {  	_ =	shalt  }
0x6d: {  	_ =	shalt  }
0x6e: {  	_ =	shalt  }
0x6f: {  	_ =	shalt  }
0x70: {  	_ =	shalt  }
0x71: {  	_ =	shalt  }
0x72: {  	_ =	shalt  }
0x73: {  	_ =	shalt  }
0x74: {  	_ =	shalt  }
0x75: {  	_ =	shalt  }
0x76: {  	_ =	shalt  }
0x77: {  	_ =	shalt  }
0x78: {  	_ =	shalt  }
0x79: {  	_ =	shalt  }
0x7a: {  	_ =	shalt  }
0x7b: {  	_ =	shalt  }
0x7c: {  	_ =	shalt  }
0x7d: {  	_ =	shalt  }
0x7e: {  	_ =	shalt  }
0x7f: {  	_ =	shalt  }
0x80: {  	_ =	shalt  }
0x81: {  	_ =	shalt  }
0x82: {  	_ =	shalt  }
0x83: {  	_ =	shalt  }
0x84: {  	_ =	shalt  }
0x85: {  	_ =	shalt  }
0x86: {  	_ =	shalt  }
0x87: {  	_ =	shalt  }
.Lfunc_end0:
.L_simem_size_0:
called_computation.3_lowered:
.L_overlay_start_0:
0x88: {  	s2 =	sld [smem:$0x3FD9]  }
0x89: {  	s3 =	sld [smem:$0x3FFE];
	_ =	sdelay $0x1  }
0x8a: {  	s1 =	srdreg.scid  }
0x8b: {  	s0 =	sand.u32 $0x1, s1  }
0x8c: {  	s17 =	sshll.u32 s0, $0xA;
	s2 =	sadd.s32 s3, s2  }
0x8d: {  	s2 =	sadd.s32 s2, s17  }
0x8e: {  	[smem:$0x3FA1] =	sst s2  }
0x8f: {  	_ = 	snop  }
0x90: {  	s2 =	sld [smem:$0x3FD0];
	(tm) =	ssettm $0x1  }
0x91: {  	s18 =	sld [smem:$0x3FFB];
	_ =	sdelay $0x3  }
0x92: {  	_ =	strace s18  }
0x93: {  	s3 =	sld [smem:$0x3FFC];
	_ =	sdelay $0x3  }
0x94: {  	_ =	strace s3  }
0x95: {  	s3 =	sld [smem:$0x3FFD];
	_ =	sdelay $0x3  }
0x96: {  	_ =	strace s3  }
0x97: {  	_ =	strace $0x8FFFFFFF  }
0x98: {  	s19 =	sld [smem:$0x3FDB];
	_ =	sdelay $0x1  }
0x99: {  	s4 =	simm.s32 $_scs_section_size  }
0x9a: {  	s5 =	simm.s32 $_size__tile_overlayer_lowered;
	s6 =	simm.s32 $_tile_overlayer_lowered  }
0x9b: {  	s22 =	simm.s32 $0x1BFF;
	s21 =	sshll.u32 s6, $0x1;
	s3 =	sadd.s32 s4, s19  }
0x9c: {  	s7 =	simm.s32 $0x0;
	s20 =	sshll.u32 s5, $0x1;
	s5 =	sadd.s32 s21, s3  }
0x9d: {  	[timem:s7], [sflag:s22] =	dma.local [hbm:s5], s20  }
0x9e: {  	_ =	swait.ge [sflag:s22], s20  }
0x9f: {  	s4 =	ssub.s32 $0x0, s20;
	[sflag:s22] =	ssyncset.done $0x0  }
0xa0: {  	[sflag:s22] =	ssyncadd.s32 s4;
	_ =	sdelay $0x1  }
0xa1: {  	s23 =	simm.s32 $0x1B8B  }
0xa2: {  	_ =	swait.ge [sflag:s23], $0x1  }
0xa3: {  	[sflag:s23] =	ssyncset.done $0x0  }
0xa4: {  	s25 =	simm.s32 $0x1B8E;
	s24 =	sld [smem:$0x3FFE];
	[sflag:s23] =	ssyncadd.s32 $0xFFFFFFFF  }
0xa5: {  	s26 =	simm.s32 $execute0_lowered;
	[smem:$0x3FD2] =	sst s25  }
0xa6: {  	s5 =	sshll.u32 s26, $0x1;
	_ =	strace $0x8000004F;
	[dreg:$0x1] =	wrdreg $0xFFFFFFFF  }
0xa7: {  	s28 =	simm.s32 $_size_execute0_lowered;
	s3 =	sadd.s32 s3, s5;
	[dreg:$0x0] =	wrdreg $0x0  }
0xa8: {  	s5 =	sshll.u32 s28, $0x1;
	[dreg:$0x2] =	wrdreg s3  }
0xa9: {  	[dreg:$0x3] =	wrdreg s5  }
0xaa: {  	[dreg:$0x4] =	wrdreg $0xC0  }
0xab: {  	_ =	task [dreg:s7], $0x5FFFF  }
0xac: {  	[dreg:$0x1] =	wrdreg $0xFFFFFFFF  }
0xad: {  	[dreg:$0x0] =	wrdreg $0x60  }
0xae: {  	[dreg:$0x2] =	wrdreg s2  }
0xaf: {  	[dreg:$0x3] =	wrdreg s24  }
0xb0: {  	[dreg:$0x4] =	wrdreg $0x9  }
0xb1: {  	_ =	task.clear_ibuf [dreg:s7], $0x5FFFF;
	_ =	strace $0x9000004F  }
0xb2: {  	s29 =	simm.s32 $0x9;
	_ =	strace $0x80000051  }
0xb3: {  	_ =	swait.ge [sflag:s29], $0x1  }
0xb4: {  	[sflag:s29] =	ssyncadd.s32 $0xFFFFFFFF  }
0xb5: {  	_ =	strace $0x90000051  }
0xb6: {  	_ =	sfence  }
0xb7: {  	s30 =	sld [smem:$0x0];
	_ =	sdelay $0x2  }
0xb8: {  	s31 =	sshll.u32 s1, $0xD;
	s1 =	sshrl.u32 s1, $0x2  }
0xb9: {  	s3 =	sand.u32 $0x4000, s31;
	s1 =	sadd.s32 s1, s30  }
0xba: {  	s0 =	sor.u32 s3, s0;
	s1 =	sshll.u32 s1, $0x11  }
0xbb: {  	s0 =	sor.u32 s1, s0  }
0xbc: {  	s0 =	sadd.s32 $0x8F2B, s0  }
0xbd: {  	[sflag:s0] =	ssyncadd.remote.s32 $0x1  }
0xbe: {  	_ =	sfence.sel $0xFFFF  }
0xbf: {  	[dreg:$0x0] =	wrdreg $0xFFFFFFFF;
	(pc) =	sbr.abs _section_cstart, $3  }
0xc0: {  	[dreg:$0x1] =	wrdreg $0xFFFFFFFF  }
0xc1: {  	_ =	task.clear_ibuf [dreg:s7], $0x2FFFF;
	_ =	strace $0x9FFFFFFF  }
0xc2: {  	(tm) =	ssettm $0x7FFFFFFF  }
0xc3: {  	_ =	shalt  }
tec
execute0_lowered:
.L_overlay_start_1:
0x0: {  	(tag) =	ssettag $0x1  }
0x1: {  	s1 =	srdreg.scid;
	s2 =	rddreg [dreg:$0x0]  }
0x2: {  	s0 =	stileid.u32;
	s6 =	rddreg [dreg:$0x1]  }
0x3: {  	s3 =	simm.s32 $0x0;
	s10 =	simm.s32 $0x1400;
	s11 =	simm.s32 $0x100  }
0x4: {  	s12 =	simm.s32 $0x2400;
	s13 =	simm.s32 $0x180;
	s14 =	simm.s32 $0x3400  }
0x5: {  	s15 =	simm.s32 $0x200;
	s16 =	simm.s32 $0x4400;
	s17 =	simm.s32 $0x280  }
0x6: {  	s18 =	simm.s32 $0x5400;
	s19 =	simm.s32 $0x300;
	s20 =	simm.s32 $0x6400  }
0x7: {  	s21 =	simm.s32 $0x380;
	s22 =	simm.s32 $0x7400;
	s5 =	smul.u32 $0x5000, s0  }
0x8: {  	s23 =	simm.s32 $0x1;
	s4 =	sand.u32 $0x1, s1;
	s8 =	smul.u32 $0xA0000, s0  }
0x9: {  	s24 =	simm.s32 $0x0;
	s1 =	rddreg [dreg:$0x2];
	s7 =	smul.u32 $0x2800, s4  }
0xa: {  	[smem:$0x7FF] =	sst s3;
	s9 =	smul.u32 $0x50000, s4;
	s4 =	ssub.s32 $0x2, s4  }
0xb: {  	_ =	strace $0x80000050;
	s29 =	sshrl.u32 s4, $0x1;
	s5 =	sadd.s32 s7, s5  }
0xc: {  	s28 =	sadd.s32 s9, s8;
	s4 =	ssub.s32 s4, s29;
	s8 =	simm.s32 $0x80  }
0xd: {  	s9 =	simm.s32 $0x400;
	s5 =	sshrl.u32 s5, $0x3;
	s7 =	sshrl.u32 s28, $0x3  }
0xe: {  	s4 =	smax.u32 s4, $0x1;
	s30 =	sadd.s32 s5, s6;
	s31 =	sadd.s32 s7, s6  }
0xf: {  	s7 =	simm.s32 $0x2;
	s5 =	sadd.s32 $0x19FA00, s31;
	s6 =	sadd.s32 $0x2D600, s30  }
.LBB2_1:
0x10: {  	s25 =	sadd.s32 $0x0, s6  }
0x11: {  	[tilespmem:s3], [sflag:$0x2] =	stream.linear.gather [hbm4b:s25+s3], $0x400, $0x38;
	[tilespmem:$0x8400] =	vst v63  }
0x12: {  	_ =	swait.ge [sflag:s7], $0x400  }
0x13: {  	[sflag:s7] =	ssyncset.done $0x0  }
0x14: {  	[sflag:s7] =	ssyncadd.s32 $0xFFFFFC00  }
0x15: {  	[tilespmem:s9], [sflag:$0x1] =	stream.indirect.gather [hbm4b:s2+s8], $0x20, s3, s8, $0xb8;
	[tilespmem:$0x8400] =	vst v63  }
0x16: {  	_ = 	snop  }
0x17: {  	[tilespmem:s10], [sflag:$0x1] =	stream.indirect.gather [hbm4b:s2+s8], $0x20, s8, s8, $0xb8;
	[tilespmem:$0x8400] =	vst v63  }
0x18: {  	_ = 	snop  }
0x19: {  	[tilespmem:s12], [sflag:$0x1] =	stream.indirect.gather [hbm4b:s2+s8], $0x20, s11, s8, $0xb8;
	[tilespmem:$0x8400] =	vst v63  }
0x1a: {  	_ = 	snop  }
0x1b: {  	[tilespmem:s14], [sflag:$0x1] =	stream.indirect.gather [hbm4b:s2+s8], $0x20, s13, s8, $0xb8;
	[tilespmem:$0x8400] =	vst v63  }
0x1c: {  	_ = 	snop  }
0x1d: {  	[tilespmem:s16], [sflag:$0x1] =	stream.indirect.gather [hbm4b:s2+s8], $0x20, s15, s8, $0xb8;
	[tilespmem:$0x8400] =	vst v63  }
0x1e: {  	_ = 	snop  }
0x1f: {  	[tilespmem:s18], [sflag:$0x1] =	stream.indirect.gather [hbm4b:s2+s8], $0x20, s17, s8, $0xb8;
	[tilespmem:$0x8400] =	vst v63  }
0x20: {  	_ = 	snop  }
0x21: {  	[tilespmem:s20], [sflag:$0x1] =	stream.indirect.gather [hbm4b:s2+s8], $0x20, s19, s8, $0xb8;
	[tilespmem:$0x8400] =	vst v63  }
0x22: {  	_ = 	snop  }
0x23: {  	[tilespmem:s22], [sflag:$0x1] =	stream.indirect.gather [hbm4b:s2+s8], $0x20, s21, s8, $0xb8;
	[tilespmem:$0x8400] =	vst v63  }
0x24: {  	_ =	swait.ge [sflag:s23], $0x1000  }
0x25: {  	[sflag:s23] =	ssyncset.done $0x0  }
0x26: {  	[sflag:s23] =	ssyncadd.s32 $0xFFFFF000  }
0x27: {  	_ =	swait.ge [sflag:s23], $0x1000  }
0x28: {  	[sflag:s23] =	ssyncset.done $0x0  }
0x29: {  	[sflag:s23] =	ssyncadd.s32 $0xFFFFF000  }
0x2a: {  	_ =	swait.ge [sflag:s23], $0x1000  }
0x2b: {  	[sflag:s23] =	ssyncset.done $0x0  }
0x2c: {  	[sflag:s23] =	ssyncadd.s32 $0xFFFFF000  }
0x2d: {  	_ =	swait.ge [sflag:s23], $0x1000  }
0x2e: {  	[sflag:s23] =	ssyncset.done $0x0  }
0x2f: {  	[sflag:s23] =	ssyncadd.s32 $0xFFFFF000  }
0x30: {  	_ =	swait.ge [sflag:s23], $0x1000  }
0x31: {  	[sflag:s23] =	ssyncset.done $0x0  }
0x32: {  	[sflag:s23] =	ssyncadd.s32 $0xFFFFF000  }
0x33: {  	_ =	swait.ge [sflag:s23], $0x1000  }
0x34: {  	[sflag:s23] =	ssyncset.done $0x0  }
0x35: {  	[sflag:s23] =	ssyncadd.s32 $0xFFFFF000  }
0x36: {  	_ =	swait.ge [sflag:s23], $0x1000  }
0x37: {  	[sflag:s23] =	ssyncset.done $0x0  }
0x38: {  	[sflag:s23] =	ssyncadd.s32 $0xFFFFF000  }
0x39: {  	_ =	swait.ge [sflag:s23], $0x1000  }
0x3a: {  	[sflag:s23] =	ssyncset.done $0x0  }
0x3b: {  	[sflag:s23] =	ssyncadd.s32 $0xFFFFF000  }
0x3c: {  	[hbm4b:s5+s3] =	stream.linear.scatter [tilespmem:s9], [sflag:$0x2], $0x8000, $0x38;
	[tilespmem:$0x8400] =	vst v63  }
0x3d: {  	s26 =	simm.s32 $0x80;
	_ =	swait.ge [sflag:s7], $0x8000  }
0x3e: {  	s29 =	simm.s32 $0x100;
	s25 =	sadd.s32 $0x1000, s5;
	[sflag:s7] =	ssyncset.done $0x0  }
.LBB2_2:
0x3f: {  	s30 =	sadd.s32 s26, s6  }
0x40: {  	[sflag:s7] =	ssyncadd.s32 $0xFFFF8000;
	s26 =	smov.u32 s29;
	s28 =	sadd.s32 $0x80, s29  }
0x41: {  	[tilespmem:s3], [sflag:$0x2] =	stream.linear.gather [hbm4b:s30+s3], $0x400, $0x38;
	[tilespmem:$0x8400] =	vst v63  }
0x42: {  	p0 =	sne.s32 s29, $0x480;
	_ =	swait.ge [sflag:s7], $0x400  }
0x43: {  	[sflag:s7] =	ssyncset.done $0x0  }
0x44: {  	[sflag:s7] =	ssyncadd.s32 $0xFFFFFC00  }
0x45: {  	[tilespmem:s9], [sflag:$0x1] =	stream.indirect.gather [hbm4b:s2+s8], $0x20, s3, s8, $0xb8;
	[tilespmem:$0x8400] =	vst v63  }
0x46: {  	_ = 	snop  }
0x47: {  	[tilespmem:s10], [sflag:$0x1] =	stream.indirect.gather [hbm4b:s2+s8], $0x20, s8, s8, $0xb8;
	[tilespmem:$0x8400] =	vst v63  }
0x48: {  	_ = 	snop  }
0x49: {  	[tilespmem:s12], [sflag:$0x1] =	stream.indirect.gather [hbm4b:s2+s8], $0x20, s11, s8, $0xb8;
	[tilespmem:$0x8400] =	vst v63  }
0x4a: {  	_ = 	snop  }
0x4b: {  	[tilespmem:s14], [sflag:$0x1] =	stream.indirect.gather [hbm4b:s2+s8], $0x20, s13, s8, $0xb8;
	[tilespmem:$0x8400] =	vst v63  }
0x4c: {  	_ = 	snop  }
0x4d: {  	[tilespmem:s16], [sflag:$0x1] =	stream.indirect.gather [hbm4b:s2+s8], $0x20, s15, s8, $0xb8;
	[tilespmem:$0x8400] =	vst v63  }
0x4e: {  	_ = 	snop  }
0x4f: {  	[tilespmem:s18], [sflag:$0x1] =	stream.indirect.gather [hbm4b:s2+s8], $0x20, s17, s8, $0xb8;
	[tilespmem:$0x8400] =	vst v63  }
0x50: {  	_ = 	snop  }
0x51: {  	[tilespmem:s20], [sflag:$0x1] =	stream.indirect.gather [hbm4b:s2+s8], $0x20, s19, s8, $0xb8;
	[tilespmem:$0x8400] =	vst v63  }
0x52: {  	_ = 	snop  }
0x53: {  	[tilespmem:s22], [sflag:$0x1] =	stream.indirect.gather [hbm4b:s2+s8], $0x20, s21, s8, $0xb8;
	[tilespmem:$0x8400] =	vst v63  }
0x54: {  	_ =	swait.ge [sflag:s23], $0x1000  }
0x55: {  	[sflag:s23] =	ssyncset.done $0x0  }
0x56: {  	[sflag:s23] =	ssyncadd.s32 $0xFFFFF000  }
0x57: {  	_ =	swait.ge [sflag:s23], $0x1000  }
0x58: {  	[sflag:s23] =	ssyncset.done $0x0  }
0x59: {  	[sflag:s23] =	ssyncadd.s32 $0xFFFFF000  }
0x5a: {  	_ =	swait.ge [sflag:s23], $0x1000  }
0x5b: {  	[sflag:s23] =	ssyncset.done $0x0  }
0x5c: {  	[sflag:s23] =	ssyncadd.s32 $0xFFFFF000  }
0x5d: {  	_ =	swait.ge [sflag:s23], $0x1000  }
0x5e: {  	[sflag:s23] =	ssyncset.done $0x0  }
0x5f: {  	[sflag:s23] =	ssyncadd.s32 $0xFFFFF000  }
0x60: {  	_ =	swait.ge [sflag:s23], $0x1000  }
0x61: {  	[sflag:s23] =	ssyncset.done $0x0  }
0x62: {  	[sflag:s23] =	ssyncadd.s32 $0xFFFFF000  }
0x63: {  	_ =	swait.ge [sflag:s23], $0x1000  }
0x64: {  	[sflag:s23] =	ssyncset.done $0x0  }
0x65: {  	[sflag:s23] =	ssyncadd.s32 $0xFFFFF000  }
0x66: {  	_ =	swait.ge [sflag:s23], $0x1000  }
0x67: {  	[sflag:s23] =	ssyncset.done $0x0  }
0x68: {  	[sflag:s23] =	ssyncadd.s32 $0xFFFFF000  }
0x69: {  	_ =	swait.ge [sflag:s23], $0x1000  }
.Ltmp0:
0x6a: {  	[sflag:s23] =	ssyncset.done $0x0;
	(pc) =	sbr.rel @p0 .LBB2_2-.Ltmp0, $4  }
0x6b: {  	[sflag:s23] =	ssyncadd.s32 $0xFFFFF000  }
0x6c: {  	[hbm4b:s25+s3] =	stream.linear.scatter [tilespmem:s9], [sflag:$0x2], $0x8000, $0x38;
	[tilespmem:$0x8400] =	vst v63  }
0x6d: {  	_ =	swait.ge [sflag:s7], $0x8000  }
0x6e: {  	s29 =	smov.u32 s28;
	s25 =	sadd.s32 $0x1000, s25;
	[sflag:s7] =	ssyncset.done $0x0  }
0x6f: {  	s26 =	sadd.s32 s26, s6;
	[sflag:s7] =	ssyncadd.s32 $0xFFFF8000  }
0x70: {  	[tilespmem:s3], [sflag:$0x2] =	stream.linear.gather [hbm4b:s26+s3], $0x400, $0x38;
	[tilespmem:$0x8400] =	vst v63  }
0x71: {  	_ =	swait.ge [sflag:s7], $0x400  }
0x72: {  	[sflag:s7] =	ssyncset.done $0x0  }
0x73: {  	[sflag:s7] =	ssyncadd.s32 $0xFFFFFC00  }
0x74: {  	[tilespmem:s9], [sflag:$0x1] =	stream.indirect.gather [hbm4b:s2+s8], $0x20, s3, s8, $0xb8;
	[tilespmem:$0x8400] =	vst v63  }
0x75: {  	_ = 	snop  }
0x76: {  	[tilespmem:s10], [sflag:$0x1] =	stream.indirect.gather [hbm4b:s2+s8], $0x20, s8, s8, $0xb8;
	[tilespmem:$0x8400] =	vst v63  }
0x77: {  	_ = 	snop  }
0x78: {  	[tilespmem:s12], [sflag:$0x1] =	stream.indirect.gather [hbm4b:s2+s8], $0x20, s11, s8, $0xb8;
	[tilespmem:$0x8400] =	vst v63  }
0x79: {  	_ = 	snop  }
0x7a: {  	[tilespmem:s14], [sflag:$0x1] =	stream.indirect.gather [hbm4b:s2+s8], $0x20, s13, s8, $0xb8;
	[tilespmem:$0x8400] =	vst v63  }
0x7b: {  	_ = 	snop  }
0x7c: {  	[tilespmem:s16], [sflag:$0x1] =	stream.indirect.gather [hbm4b:s2+s8], $0x20, s15, s8, $0xb8;
	[tilespmem:$0x8400] =	vst v63  }
0x7d: {  	_ = 	snop  }
0x7e: {  	[tilespmem:s18], [sflag:$0x1] =	stream.indirect.gather [hbm4b:s2+s8], $0x20, s17, s8, $0xb8;
	[tilespmem:$0x8400] =	vst v63  }
0x7f: {  	_ = 	snop  }
0x80: {  	[tilespmem:s20], [sflag:$0x1] =	stream.indirect.gather [hbm4b:s2+s8], $0x20, s19, s8, $0xb8;
	[tilespmem:$0x8400] =	vst v63  }
0x81: {  	_ = 	snop  }
0x82: {  	[tilespmem:s22], [sflag:$0x1] =	stream.indirect.gather [hbm4b:s2+s8], $0x20, s21, s8, $0xb8;
	[tilespmem:$0x8400] =	vst v63  }
0x83: {  	_ =	swait.ge [sflag:s23], $0x1000  }
0x84: {  	[sflag:s23] =	ssyncset.done $0x0  }
0x85: {  	[sflag:s23] =	ssyncadd.s32 $0xFFFFF000  }
0x86: {  	_ =	swait.ge [sflag:s23], $0x1000  }
0x87: {  	[sflag:s23] =	ssyncset.done $0x0  }
0x88: {  	[sflag:s23] =	ssyncadd.s32 $0xFFFFF000  }
0x89: {  	_ =	swait.ge [sflag:s23], $0x1000  }
0x8a: {  	[sflag:s23] =	ssyncset.done $0x0  }
0x8b: {  	[sflag:s23] =	ssyncadd.s32 $0xFFFFF000  }
0x8c: {  	_ =	swait.ge [sflag:s23], $0x1000  }
0x8d: {  	[sflag:s23] =	ssyncset.done $0x0  }
0x8e: {  	[sflag:s23] =	ssyncadd.s32 $0xFFFFF000  }
0x8f: {  	_ =	swait.ge [sflag:s23], $0x1000  }
0x90: {  	[sflag:s23] =	ssyncset.done $0x0  }
0x91: {  	[sflag:s23] =	ssyncadd.s32 $0xFFFFF000  }
0x92: {  	_ =	swait.ge [sflag:s23], $0x1000  }
0x93: {  	[sflag:s23] =	ssyncset.done $0x0  }
0x94: {  	[sflag:s23] =	ssyncadd.s32 $0xFFFFF000  }
0x95: {  	_ =	swait.ge [sflag:s23], $0x1000  }
0x96: {  	[sflag:s23] =	ssyncset.done $0x0  }
0x97: {  	[sflag:s23] =	ssyncadd.s32 $0xFFFFF000  }
0x98: {  	s24 =	sadd.s32 $0x1, s24;
	_ =	swait.ge [sflag:s23], $0x1000  }
0x99: {  	p0 =	sne.s32 s24, s4;
	[sflag:s23] =	ssyncset.done $0x0  }
.Ltmp1:
0x9a: {  	[sflag:s23] =	ssyncadd.s32 $0xFFFFF000;
	(pc) =	sbr.rel @p0 .LBB2_1-.Ltmp1, $4  }
0x9b: {  	[hbm4b:s25+s3] =	stream.linear.scatter [tilespmem:s9], [sflag:$0x2], $0x8000, $0x38;
	[tilespmem:$0x8400] =	vst v63  }
0x9c: {  	_ =	swait.ge [sflag:s7], $0x8000  }
0x9d: {  	[sflag:s7] =	ssyncset.done $0x0  }
0x9e: {  	[sflag:s7] =	ssyncadd.s32 $0xFFFF8000  }
0x9f: {  	_ =	sfence.sel $0x180000  }
0xa0: {  	[bflag:$0x0] =	sbarrier.arrive $0xFFFF  }
0xa1: {  	p0 =	sne.s32 s0, $0x0;
	_ =	strace $0x90000050  }
0xa2: {  	s0 =	sadd.s32 @!p0 $0x100000, s1;
	[bflag:$0x2] =	sbarrier.arrive $0xFFFF  }
0xa3: {  	[sflag:s0] =	ssyncadd.tile.s32 @!p0 $0x1;
	_ =	shalt  }
.Lfunc_end2:
_tile_overlayer_lowered:
.L_overlay_start_2:
0xa4: {  	(tag) =	ssettag $0x2  }
0xa5: {  	s0 =	rddreg [dreg:$0x0];
	s2 =	stileid.u32  }
0xa6: {  	s1 =	rddreg [dreg:$0x1];
	p0 =	sne.s32 s2, $0x0  }
0xa7: {  	s3 =	rddreg [dreg:$0x2];
	[bflag:$0x3] =	sbarrier.arrive $0xFFFF;
	s2 =	simm.s32 @!p0 $0x1C02  }
0xa8: {  	[timem:s3], [sflag:s2] =	dma.local @!p0 [hbm:s0], s1  }
0xa9: {  	s0 =	simm.s32 @!p0 $0x2  }
0xaa: {  	_ =	swait.ge @!p0 [sflag:s0], s1  }
0xab: {  	s1 =	ssub.s32 @!p0 $0x0, s1;
	[sflag:s0] =	ssyncset.done @!p0 $0x0  }
0xac: {  	[sflag:s0] =	ssyncadd.s32 @!p0 s1  }
0xad: {  	[bflag:$0x3] =	sbarrier.arrive $0xFFFF  }
0xae: {  	_ =	shalt  }

// kernel: kernel.29.cloned.1.call-start
scs
__scs_entry_jumppad:
0x0: {  	(pc) =	sbr.rel $0x88, $3  }
0x1: {  	(tag) =	ssettag $0x0;
	lr =	simm.s32 $0x1  }
0x2: {  	[smem:$0x3F7A] =	sst lr;
	_ =	strace $0xD0000000  }
0x3: {  	_ = 	snop  }
0x4: {  	_ = 	snop  }
0x5: {  	_ = 	snop  }
0x6: {  	_ = 	snop  }
0x7: {  	_ = 	snop  }
__scs_overlays_trampoline_lowered:
0x8: {  	[smem:$0x3F89] =	sst s0  }
0x9: {  	[smem:$0x3F8A] =	sst s1  }
0xa: {  	[smem:$0x3F8B] =	sst s2  }
0xb: {  	[smem:$0x3F8C] =	sst s3  }
0xc: {  	[smem:$0x3F8D] =	sst s4  }
0xd: {  	[smem:$0x3F8E] =	sst s5  }
0xe: {  	[smem:$0x3F8F] =	sst s6  }
0xf: {  	[smem:$0x3F90] =	sst s7  }
0x10: {  	[smem:$0x3F91] =	sst s8  }
0x11: {  	[smem:$0x3F92] =	sst s9;
	s0 =	simm.s32 @!p0 $0x0  }
0x12: {  	s1 =	sld [smem:$0x3F78];
	s0 =	simm.s32 @p0 $0x1  }
0x13: {  	[smem:$0x3F93] =	sst s0;
	s0 =	simm.s32 @!p1 $0x0  }
0x14: {  	s2 =	sld [smem:$0x3F77];
	s0 =	simm.s32 @p1 $0x1  }
0x15: {  	[smem:$0x3F94] =	sst s0;
	s0 =	simm.s32 @!p2 $0x0  }
0x16: {  	s3 =	sld [smem:$0x3FDB];
	s0 =	simm.s32 @p2 $0x1  }
0x17: {  	s4 =	simm.s32 $0x1BF5;
	[smem:$0x3F96] =	sst s0  }
0x18: {  	s0 =	sld [smem:$0x3F79];
	_ =	swait.ge [sflag:s4], $0x0  }
0x19: {  	s7 =	sld [smem:$0x3F7A]  }
0x1a: {  	s8 =	sadd.s32 $0xFFFFE003, lr  }
0x1b: {  	s9 =	sadd.s32 $0xFFFFFEF7, lr;
	s5 =	simm.s32 $0xFFFFFFFF;
	p2 =	slt.u32 s8, $0xFFFFF086  }
0x1c: {  	p1 =	slt.u32 s9, $0xF7A;
	s5 =	simm.s32 @!p2 $0x0  }
0x1d: {  	s5 =	simm.s32 @p1 $0x1;
	p0 =	seq.s32 s7, s2  }
0x1e: {  	s7 =	smul.u32 @!p0 $0xF7A, s2;
	p2 =	seq.s32 @!p0 s5, $0x0  }
0x1f: {  	s9 =	smul.u32 $0xF7A, s1;
	s8 =	simm.s32 @!p0 $0x1BF5;
	p2 =	por !p2, p0  }
0x20: {  	[sflag:s8] =	ssyncset.s32 @!p0 $0xFFFFF086;
	s6 =	sadd.s32 @!p0 s3, s7;
	s7 =	simm.s32 @!p0 $0x108  }
0x21: {  	s3 =	sadd.s32 s3, s9;
	s6 =	sadd.s32 @!p0 $0x88, s6;
	s7 =	simm.s32 @p2 $0x1082  }
0x22: {  	[simem:s7], [sflag:s8] =	dma.local @!p0 [hbm:s6], $0xF7A  }
0x23: {  	s9 =	sor.u32 $0xD0000000, s2;
	s6 =	simm.s32 $0x108;
	_ =	swait.ge @!p0 [sflag:s8], $0x0  }
0x24: {  	s3 =	sadd.s32 $0x88, s3;
	s6 =	simm.s32 @!p1 $0x1082;
	[sflag:s4] =	ssyncset.s32 $0xFFFFF086  }
0x25: {  	[simem:s6], [sflag:s4] =	dma.local [hbm:s3], $0xF7A  }
0x26: {  	[smem:$0x3F7A] =	sst s1;
	(tag) =	ssettag s2;
	_ =	strace s9  }
0x27: {  	s1 =	sld [smem:$0x3F8A]  }
0x28: {  	s2 =	sld [smem:$0x3F8B]  }
0x29: {  	s4 =	sld [smem:$0x3F8D]  }
0x2a: {  	p0 =	seq.s32 s5, $0x0;
	s5 =	sld [smem:$0x3F8E]  }
0x2b: {  	s6 =	sld [smem:$0x3F8F]  }
0x2c: {  	s7 =	sld [smem:$0x3F90]  }
0x2d: {  	s3 =	simm.s32 $0x108;
	s8 =	sld [smem:$0x3F91]  }
0x2e: {  	s3 =	simm.s32 @!p0 $0x1082;
	s9 =	sld [smem:$0x3F92]  }
0x2f: {  	lr =	sadd.s32 s0, s3;
	s0 =	sld [smem:$0x3F89]  }
0x30: {  	s3 =	sld [smem:$0x3F8C]  }
0x31: {  	[smem:$0x3F95] =	sst s10  }
0x32: {  	s10 =	sld [smem:$0x3F93];
	_ =	sdelay $0x3  }
0x33: {  	p0 =	seq.s32 s10, $0x1;
	s10 =	sld [smem:$0x3F95];
	_ =	sdelay $0x3  }
0x34: {  	[smem:$0x3F95] =	sst s10  }
0x35: {  	s10 =	sld [smem:$0x3F94];
	_ =	sdelay $0x3  }
0x36: {  	p1 =	seq.s32 s10, $0x1;
	s10 =	sld [smem:$0x3F95];
	_ =	sdelay $0x3  }
0x37: {  	[smem:$0x3F95] =	sst s10  }
0x38: {  	s10 =	sld [smem:$0x3F96]  }
0x39: {  	_ = 	snop;
	(pc) =	sbr.ind lr, $3  }
0x3a: {  	_ = 	snop  }
0x3b: {  	_ = 	snop  }
0x3c: {  	p2 =	seq.s32 s10, $0x1;
	s10 =	sld [smem:$0x3F95]  }
0x3d: {  	_ =	shalt  }
0x3e: {  	_ =	shalt  }
0x3f: {  	_ =	shalt  }
0x40: {  	_ =	shalt  }
0x41: {  	_ =	shalt  }
0x42: {  	_ =	shalt  }
0x43: {  	_ =	shalt  }
0x44: {  	_ =	shalt  }
0x45: {  	_ =	shalt  }
0x46: {  	_ =	shalt  }
0x47: {  	_ =	shalt  }
0x48: {  	_ =	shalt  }
0x49: {  	_ =	shalt  }
0x4a: {  	_ =	shalt  }
0x4b: {  	_ =	shalt  }
0x4c: {  	_ =	shalt  }
0x4d: {  	_ =	shalt  }
0x4e: {  	_ =	shalt  }
0x4f: {  	_ =	shalt  }
0x50: {  	_ =	shalt  }
0x51: {  	_ =	shalt  }
0x52: {  	_ =	shalt  }
0x53: {  	_ =	shalt  }
0x54: {  	_ =	shalt  }
0x55: {  	_ =	shalt  }
0x56: {  	_ =	shalt  }
0x57: {  	_ =	shalt  }
0x58: {  	_ =	shalt  }
0x59: {  	_ =	shalt  }
0x5a: {  	_ =	shalt  }
0x5b: {  	_ =	shalt  }
0x5c: {  	_ =	shalt  }
0x5d: {  	_ =	shalt  }
0x5e: {  	_ =	shalt  }
0x5f: {  	_ =	shalt  }
0x60: {  	_ =	shalt  }
0x61: {  	_ =	shalt  }
0x62: {  	_ =	shalt  }
0x63: {  	_ =	shalt  }
0x64: {  	_ =	shalt  }
0x65: {  	_ =	shalt  }
0x66: {  	_ =	shalt  }
0x67: {  	_ =	shalt  }
0x68: {  	_ =	shalt  }
0x69: {  	_ =	shalt  }
0x6a: {  	_ =	shalt  }
0x6b: {  	_ =	shalt  }
0x6c: {  	_ =	shalt  }
0x6d: {  	_ =	shalt  }
0x6e: {  	_ =	shalt  }
0x6f: {  	_ =	shalt  }
0x70: {  	_ =	shalt  }
0x71: {  	_ =	shalt  }
0x72: {  	_ =	shalt  }
0x73: {  	_ =	shalt  }
0x74: {  	_ =	shalt  }
0x75: {  	_ =	shalt  }
0x76: {  	_ =	shalt  }
0x77: {  	_ =	shalt  }
0x78: {  	_ =	shalt  }
0x79: {  	_ =	shalt  }
0x7a: {  	_ =	shalt  }
0x7b: {  	_ =	shalt  }
0x7c: {  	_ =	shalt  }
0x7d: {  	_ =	shalt  }
0x7e: {  	_ =	shalt  }
0x7f: {  	_ =	shalt  }
0x80: {  	_ =	shalt  }
0x81: {  	_ =	shalt  }
0x82: {  	_ =	shalt  }
0x83: {  	_ =	shalt  }
0x84: {  	_ =	shalt  }
0x85: {  	_ =	shalt  }
0x86: {  	_ =	shalt  }
0x87: {  	_ =	shalt  }
.Lfunc_end0:
.L_simem_size_0:
called_computation.4_lowered:
.L_overlay_start_0:
0x88: {  	s2 =	sld [smem:$0x3FD9]  }
0x89: {  	s3 =	sld [smem:$0x3FFE];
	_ =	sdelay $0x1  }
0x8a: {  	s1 =	srdreg.scid  }
0x8b: {  	s0 =	sand.u32 $0x1, s1  }
0x8c: {  	s16 =	sshll.u32 s0, $0xA;
	s2 =	sadd.s32 s3, s2  }
0x8d: {  	s2 =	sadd.s32 s2, s16  }
0x8e: {  	[smem:$0x3FA1] =	sst s2  }
0x8f: {  	_ = 	snop  }
0x90: {  	(tm) =	ssettm $0x1  }
0x91: {  	s17 =	sld [smem:$0x3FFB];
	_ =	sdelay $0x3  }
0x92: {  	_ =	strace s17  }
0x93: {  	s2 =	sld [smem:$0x3FFC];
	_ =	sdelay $0x3  }
0x94: {  	_ =	strace s2  }
0x95: {  	s2 =	sld [smem:$0x3FFD];
	_ =	sdelay $0x3  }
0x96: {  	_ =	strace s2  }
0x97: {  	_ =	strace $0x8FFFFFFF  }
0x98: {  	s18 =	sld [smem:$0x3FDB];
	_ =	sdelay $0x1  }
0x99: {  	s19 =	simm.s32 $_scs_section_size  }
0x9a: {  	s4 =	simm.s32 $_size__tile_overlayer_lowered;
	s5 =	simm.s32 $_tile_overlayer_lowered  }
0x9b: {  	s22 =	simm.s32 $0x1BFF;
	s21 =	sshll.u32 s5, $0x1;
	s2 =	sadd.s32 s19, s18  }
0x9c: {  	s6 =	simm.s32 $0x0;
	s20 =	sshll.u32 s4, $0x1;
	s4 =	sadd.s32 s21, s2  }
0x9d: {  	[timem:s6], [sflag:s22] =	dma.local [hbm:s4], s20  }
0x9e: {  	_ =	swait.ge [sflag:s22], s20  }
0x9f: {  	s3 =	ssub.s32 $0x0, s20;
	[sflag:s22] =	ssyncset.done $0x0  }
0xa0: {  	[sflag:s22] =	ssyncadd.s32 s3;
	_ =	sdelay $0x1  }
0xa1: {  	s23 =	simm.s32 $0x1B8B  }
0xa2: {  	_ =	swait.ge [sflag:s23], $0x1  }
0xa3: {  	[sflag:s23] =	ssyncset.done $0x0  }
0xa4: {  	s25 =	simm.s32 $0x1B8E;
	s24 =	sld [smem:$0x3FFE];
	[sflag:s23] =	ssyncadd.s32 $0xFFFFFFFF  }
0xa5: {  	s26 =	simm.s32 $execute0_lowered;
	[smem:$0x3FD2] =	sst s25  }
0xa6: {  	s4 =	sshll.u32 s26, $0x1;
	_ =	strace $0x80000052;
	[dreg:$0x1] =	wrdreg $0xFFFFFFFF  }
0xa7: {  	s28 =	simm.s32 $_size_execute0_lowered;
	s2 =	sadd.s32 s2, s4;
	[dreg:$0x0] =	wrdreg $0x0  }
0xa8: {  	s4 =	sshll.u32 s28, $0x1;
	[dreg:$0x2] =	wrdreg s2  }
0xa9: {  	[dreg:$0x3] =	wrdreg s4  }
0xaa: {  	[dreg:$0x4] =	wrdreg $0xC0  }
0xab: {  	_ =	task [dreg:s6], $0x5FFFF  }
0xac: {  	[dreg:$0x1] =	wrdreg $0xFFFFFFFF  }
0xad: {  	[dreg:$0x0] =	wrdreg $0x60  }
0xae: {  	[dreg:$0x2] =	wrdreg s24  }
0xaf: {  	[dreg:$0x3] =	wrdreg $0x84000  }
0xb0: {  	[dreg:$0x4] =	wrdreg $0x9  }
0xb1: {  	_ =	task.clear_ibuf [dreg:s6], $0x5FFFF;
	_ =	strace $0x90000052  }
0xb2: {  	s29 =	simm.s32 $0x9;
	_ =	strace $0x80000054  }
0xb3: {  	_ =	swait.ge [sflag:s29], $0x1  }
0xb4: {  	[sflag:s29] =	ssyncadd.s32 $0xFFFFFFFF  }
0xb5: {  	_ =	strace $0x90000054  }
0xb6: {  	_ =	sfence  }
0xb7: {  	s30 =	sld [smem:$0x0];
	_ =	sdelay $0x2  }
0xb8: {  	s31 =	sshll.u32 s1, $0xD;
	s1 =	sshrl.u32 s1, $0x2  }
0xb9: {  	s3 =	sand.u32 $0x4000, s31;
	s1 =	sadd.s32 s1, s30  }
0xba: {  	s0 =	sor.u32 s3, s0;
	s1 =	sshll.u32 s1, $0x11  }
0xbb: {  	s0 =	sor.u32 s1, s0  }
0xbc: {  	s0 =	sadd.s32 $0x8F2B, s0  }
0xbd: {  	[sflag:s0] =	ssyncadd.remote.s32 $0x1  }
0xbe: {  	_ =	sfence.sel $0xFFFF  }
0xbf: {  	[dreg:$0x0] =	wrdreg $0xFFFFFFFF;
	(pc) =	sbr.abs _section_cstart, $3  }
0xc0: {  	[dreg:$0x1] =	wrdreg $0xFFFFFFFF  }
0xc1: {  	_ =	task.clear_ibuf [dreg:s6], $0x2FFFF;
	_ =	strace $0x9FFFFFFF  }
0xc2: {  	(tm) =	ssettm $0x7FFFFFFF  }
0xc3: {  	_ =	shalt  }
tec
execute0_lowered:
.L_overlay_start_1:
0x0: {  	(tag) =	ssettag $0x1  }
0x1: {  	s1 =	srdreg.scid;
	s5 =	rddreg [dreg:$0x0]  }
0x2: {  	s0 =	stileid.u32;
	s2 =	rddreg [dreg:$0x1]  }
0x3: {  	s3 =	simm.s32 $0x0;
	s12 =	simm.s32 $0x400;
	s13 =	simm.s32 $0x80  }
0x4: {  	s14 =	simm.s32 $0x1400;
	s15 =	simm.s32 $0x100;
	s16 =	simm.s32 $0x2400  }
0x5: {  	s17 =	simm.s32 $0x180;
	s18 =	simm.s32 $0x3400;
	s4 =	smul.u32 $0xA0000, s0  }
0x6: {  	s19 =	simm.s32 $0x200;
	s20 =	simm.s32 $0x4400;
	s7 =	smul.u32 $0x5000, s0  }
0x7: {  	s21 =	simm.s32 $0x280;
	s1 =	sand.u32 $0x1, s1;
	s24 =	smul.u32 $0x4E40, s0  }
0x8: {  	s22 =	simm.s32 $0x5400;
	s23 =	simm.s32 $0x300;
	s6 =	smul.u32 $0x50000, s1  }
0x9: {  	s28 =	simm.s32 $0x0;
	[smem:$0x7FF] =	sst s3;
	s8 =	smul.u32 $0x2800, s1  }
0xa: {  	s31 =	sshll.u32 s0, $0x6;
	s25 =	smul.u32 $0x4E400, s1;
	s1 =	ssub.s32 $0x2, s1  }
0xb: {  	_ =	strace $0x80000053;
	s30 =	sshrl.u32 s1, $0x1;
	s11 =	sadd.s32 s24, s2  }
0xc: {  	s4 =	sadd.s32 s6, s4;
	s7 =	sadd.s32 s8, s7;
	s29 =	sadd.s32 s24, s25  }
0xd: {  	s1 =	ssub.s32 s1, s30;
	s24 =	simm.s32 $0x6400;
	s25 =	simm.s32 $0x380  }
0xe: {  	s4 =	sshrl.u32 s4, $0x3;
	s26 =	sshrl.u32 s7, $0x3;
	s7 =	sshrl.u32 s29, $0x3  }
0xf: {  	s9 =	sadd.s32 s4, s5;
	s10 =	sadd.s32 s26, s5;
	s4 =	sadd.s32 $0x18B400, s5  }
0x10: {  	s7 =	sadd.s32 s7, s5;
	s5 =	sor.u32 $0x1C01, s31;
	s26 =	simm.s32 $0x7400  }
0x11: {  	s6 =	sadd.s32 $0xB600, s7;
	s7 =	smax.u32 s1, $0x1;
	s8 =	sadd.s32 $0x37600, s9  }
0x12: {  	s9 =	sadd.s32 $0x181400, s10;
	s10 =	sshrl.u32 s11, $0x3;
	s11 =	simm.s32 $0x1  }
.LBB2_1:
0x13: {  	[spmem:s10], [sflag:s5] =	dma.local [hbm:s4], $0x9C8  }
0x14: {  	_ =	swait.ge [sflag:s11], $0x9C8  }
0x15: {  	[sflag:s11] =	ssyncset.done $0x0  }
0x16: {  	[sflag:s11] =	ssyncadd.s32 $0xFFFFF638  }
0x17: {  	s1 =	sadd.s32 $0x0, s9;
	[bflag:$0x0] =	sbarrier.arrive $0xFFFF  }
0x18: {  	[tilespmem:s3], [sflag:$0x1] =	stream.linear.gather [hbm4b:s1+s3], $0x400, $0x38;
	[tilespmem:$0xD240] =	vst v63  }
0x19: {  	_ =	swait.ge [sflag:s11], $0x400  }
0x1a: {  	[sflag:s11] =	ssyncset.done $0x0  }
0x1b: {  	[sflag:s11] =	ssyncadd.s32 $0xFFFFFC00  }
0x1c: {  	[tilespmem:s12], [sflag:$0x1] =	stream.linear.gather [hbm4b:s8+s3], $0x8000, $0x38;
	[tilespmem:$0xD240] =	vst v63  }
0x1d: {  	_ =	swait.ge [sflag:s11], $0x8000  }
0x1e: {  	[sflag:s11] =	ssyncset.done $0x0  }
0x1f: {  	[sflag:s11] =	ssyncadd.s32 $0xFFFF8000  }
0x20: {  	[spmem:s2] =	stream.indirect.scatter.add.f32 [tilespmem:s12], [sflag:$0x1], $0x20, s3, s13, $0xb8;
	[tilespmem:$0xD240] =	vst v63  }
0x21: {  	_ =	swait.ge [sflag:s11], $0x1000  }
0x22: {  	[sflag:s11] =	ssyncset.done $0x0  }
0x23: {  	[sflag:s11] =	ssyncadd.s32 $0xFFFFF000  }
0x24: {  	[spmem:s2] =	stream.indirect.scatter.add.f32 [tilespmem:s14], [sflag:$0x1], $0x20, s13, s13, $0xb8;
	[tilespmem:$0xD240] =	vst v63  }
0x25: {  	_ =	swait.ge [sflag:s11], $0x1000  }
0x26: {  	[sflag:s11] =	ssyncset.done $0x0  }
0x27: {  	[sflag:s11] =	ssyncadd.s32 $0xFFFFF000  }
0x28: {  	[spmem:s2] =	stream.indirect.scatter.add.f32 [tilespmem:s16], [sflag:$0x1], $0x20, s15, s13, $0xb8;
	[tilespmem:$0xD240] =	vst v63  }
0x29: {  	_ =	swait.ge [sflag:s11], $0x1000  }
0x2a: {  	[sflag:s11] =	ssyncset.done $0x0  }
0x2b: {  	[sflag:s11] =	ssyncadd.s32 $0xFFFFF000  }
0x2c: {  	[spmem:s2] =	stream.indirect.scatter.add.f32 [tilespmem:s18], [sflag:$0x1], $0x20, s17, s13, $0xb8;
	[tilespmem:$0xD240] =	vst v63  }
0x2d: {  	_ =	swait.ge [sflag:s11], $0x1000  }
0x2e: {  	[sflag:s11] =	ssyncset.done $0x0  }
0x2f: {  	[sflag:s11] =	ssyncadd.s32 $0xFFFFF000  }
0x30: {  	[spmem:s2] =	stream.indirect.scatter.add.f32 [tilespmem:s20], [sflag:$0x1], $0x20, s19, s13, $0xb8;
	[tilespmem:$0xD240] =	vst v63  }
0x31: {  	_ =	swait.ge [sflag:s11], $0x1000  }
0x32: {  	[sflag:s11] =	ssyncset.done $0x0  }
0x33: {  	[sflag:s11] =	ssyncadd.s32 $0xFFFFF000  }
0x34: {  	[spmem:s2] =	stream.indirect.scatter.add.f32 [tilespmem:s22], [sflag:$0x1], $0x20, s21, s13, $0xb8;
	[tilespmem:$0xD240] =	vst v63  }
0x35: {  	_ =	swait.ge [sflag:s11], $0x1000  }
0x36: {  	[sflag:s11] =	ssyncset.done $0x0  }
0x37: {  	[sflag:s11] =	ssyncadd.s32 $0xFFFFF000  }
0x38: {  	[spmem:s2] =	stream.indirect.scatter.add.f32 [tilespmem:s24], [sflag:$0x1], $0x20, s23, s13, $0xb8;
	[tilespmem:$0xD240] =	vst v63  }
0x39: {  	_ =	swait.ge [sflag:s11], $0x1000  }
0x3a: {  	[sflag:s11] =	ssyncset.done $0x0  }
0x3b: {  	[sflag:s11] =	ssyncadd.s32 $0xFFFFF000  }
0x3c: {  	[spmem:s2] =	stream.indirect.scatter.add.f32 [tilespmem:s26], [sflag:$0x1], $0x20, s25, s13, $0xb8;
	[tilespmem:$0xD240] =	vst v63  }
0x3d: {  	s30 =	simm.s32 $0x80;
	_ =	swait.ge [sflag:s11], $0x1000  }
0x3e: {  	s31 =	simm.s32 $0x100;
	s29 =	sadd.s32 $0x1000, s8;
	[sflag:s11] =	ssyncset.done $0x0  }
.LBB2_2:
0x3f: {  	s0 =	sadd.s32 s30, s9  }
0x40: {  	[sflag:s11] =	ssyncadd.s32 $0xFFFFF000;
	s30 =	smov.u32 s31;
	s1 =	sadd.s32 $0x80, s31  }
0x41: {  	[tilespmem:s3], [sflag:$0x1] =	stream.linear.gather [hbm4b:s0+s3], $0x400, $0x38;
	[tilespmem:$0xD240] =	vst v63  }
0x42: {  	p0 =	sne.s32 s31, $0x480;
	_ =	swait.ge [sflag:s11], $0x400  }
0x43: {  	[sflag:s11] =	ssyncset.done $0x0  }
0x44: {  	[sflag:s11] =	ssyncadd.s32 $0xFFFFFC00  }
0x45: {  	[tilespmem:s12], [sflag:$0x1] =	stream.linear.gather [hbm4b:s29+s3], $0x8000, $0x38;
	[tilespmem:$0xD240] =	vst v63  }
0x46: {  	_ =	swait.ge [sflag:s11], $0x8000  }
0x47: {  	[sflag:s11] =	ssyncset.done $0x0  }
0x48: {  	[sflag:s11] =	ssyncadd.s32 $0xFFFF8000  }
0x49: {  	[spmem:s2] =	stream.indirect.scatter.add.f32 [tilespmem:s12], [sflag:$0x1], $0x20, s3, s13, $0xb8;
	[tilespmem:$0xD240] =	vst v63  }
0x4a: {  	_ =	swait.ge [sflag:s11], $0x1000  }
0x4b: {  	[sflag:s11] =	ssyncset.done $0x0  }
0x4c: {  	[sflag:s11] =	ssyncadd.s32 $0xFFFFF000  }
0x4d: {  	[spmem:s2] =	stream.indirect.scatter.add.f32 [tilespmem:s14], [sflag:$0x1], $0x20, s13, s13, $0xb8;
	[tilespmem:$0xD240] =	vst v63  }
0x4e: {  	_ =	swait.ge [sflag:s11], $0x1000  }
0x4f: {  	[sflag:s11] =	ssyncset.done $0x0  }
0x50: {  	[sflag:s11] =	ssyncadd.s32 $0xFFFFF000  }
0x51: {  	[spmem:s2] =	stream.indirect.scatter.add.f32 [tilespmem:s16], [sflag:$0x1], $0x20, s15, s13, $0xb8;
	[tilespmem:$0xD240] =	vst v63  }
0x52: {  	_ =	swait.ge [sflag:s11], $0x1000  }
0x53: {  	[sflag:s11] =	ssyncset.done $0x0  }
0x54: {  	[sflag:s11] =	ssyncadd.s32 $0xFFFFF000  }
0x55: {  	[spmem:s2] =	stream.indirect.scatter.add.f32 [tilespmem:s18], [sflag:$0x1], $0x20, s17, s13, $0xb8;
	[tilespmem:$0xD240] =	vst v63  }
0x56: {  	_ =	swait.ge [sflag:s11], $0x1000  }
0x57: {  	[sflag:s11] =	ssyncset.done $0x0  }
0x58: {  	[sflag:s11] =	ssyncadd.s32 $0xFFFFF000  }
0x59: {  	[spmem:s2] =	stream.indirect.scatter.add.f32 [tilespmem:s20], [sflag:$0x1], $0x20, s19, s13, $0xb8;
	[tilespmem:$0xD240] =	vst v63  }
0x5a: {  	_ =	swait.ge [sflag:s11], $0x1000  }
0x5b: {  	[sflag:s11] =	ssyncset.done $0x0  }
0x5c: {  	[sflag:s11] =	ssyncadd.s32 $0xFFFFF000  }
0x5d: {  	[spmem:s2] =	stream.indirect.scatter.add.f32 [tilespmem:s22], [sflag:$0x1], $0x20, s21, s13, $0xb8;
	[tilespmem:$0xD240] =	vst v63  }
0x5e: {  	_ =	swait.ge [sflag:s11], $0x1000  }
0x5f: {  	[sflag:s11] =	ssyncset.done $0x0  }
0x60: {  	[sflag:s11] =	ssyncadd.s32 $0xFFFFF000  }
0x61: {  	[spmem:s2] =	stream.indirect.scatter.add.f32 [tilespmem:s24], [sflag:$0x1], $0x20, s23, s13, $0xb8;
	[tilespmem:$0xD240] =	vst v63  }
0x62: {  	_ =	swait.ge [sflag:s11], $0x1000  }
.Ltmp0:
0x63: {  	[sflag:s11] =	ssyncset.done $0x0;
	(pc) =	sbr.rel @p0 .LBB2_2-.Ltmp0, $4  }
0x64: {  	[sflag:s11] =	ssyncadd.s32 $0xFFFFF000  }
0x65: {  	[spmem:s2] =	stream.indirect.scatter.add.f32 [tilespmem:s26], [sflag:$0x1], $0x20, s25, s13, $0xb8;
	[tilespmem:$0xD240] =	vst v63  }
0x66: {  	_ =	swait.ge [sflag:s11], $0x1000  }
0x67: {  	s31 =	smov.u32 s1;
	s29 =	sadd.s32 $0x1000, s29;
	[sflag:s11] =	ssyncset.done $0x0  }
0x68: {  	s0 =	sadd.s32 s30, s9;
	[sflag:s11] =	ssyncadd.s32 $0xFFFFF000  }
0x69: {  	[tilespmem:s3], [sflag:$0x1] =	stream.linear.gather [hbm4b:s0+s3], $0x400, $0x38;
	[tilespmem:$0xD240] =	vst v63  }
0x6a: {  	_ =	swait.ge [sflag:s11], $0x400  }
0x6b: {  	[sflag:s11] =	ssyncset.done $0x0  }
0x6c: {  	[sflag:s11] =	ssyncadd.s32 $0xFFFFFC00  }
0x6d: {  	[tilespmem:s12], [sflag:$0x1] =	stream.linear.gather [hbm4b:s29+s3], $0x8000, $0x38;
	[tilespmem:$0xD240] =	vst v63  }
0x6e: {  	_ =	swait.ge [sflag:s11], $0x8000  }
0x6f: {  	[sflag:s11] =	ssyncset.done $0x0  }
0x70: {  	[sflag:s11] =	ssyncadd.s32 $0xFFFF8000  }
0x71: {  	[spmem:s2] =	stream.indirect.scatter.add.f32 [tilespmem:s12], [sflag:$0x1], $0x20, s3, s13, $0xb8;
	[tilespmem:$0xD240] =	vst v63  }
0x72: {  	_ =	swait.ge [sflag:s11], $0x1000  }
0x73: {  	[sflag:s11] =	ssyncset.done $0x0  }
0x74: {  	[sflag:s11] =	ssyncadd.s32 $0xFFFFF000  }
0x75: {  	[spmem:s2] =	stream.indirect.scatter.add.f32 [tilespmem:s14], [sflag:$0x1], $0x20, s13, s13, $0xb8;
	[tilespmem:$0xD240] =	vst v63  }
0x76: {  	_ =	swait.ge [sflag:s11], $0x1000  }
0x77: {  	[sflag:s11] =	ssyncset.done $0x0  }
0x78: {  	[sflag:s11] =	ssyncadd.s32 $0xFFFFF000  }
0x79: {  	[spmem:s2] =	stream.indirect.scatter.add.f32 [tilespmem:s16], [sflag:$0x1], $0x20, s15, s13, $0xb8;
	[tilespmem:$0xD240] =	vst v63  }
0x7a: {  	_ =	swait.ge [sflag:s11], $0x1000  }
0x7b: {  	[sflag:s11] =	ssyncset.done $0x0  }
0x7c: {  	[sflag:s11] =	ssyncadd.s32 $0xFFFFF000  }
0x7d: {  	[spmem:s2] =	stream.indirect.scatter.add.f32 [tilespmem:s18], [sflag:$0x1], $0x20, s17, s13, $0xb8;
	[tilespmem:$0xD240] =	vst v63  }
0x7e: {  	_ =	swait.ge [sflag:s11], $0x1000  }
0x7f: {  	[sflag:s11] =	ssyncset.done $0x0  }
0x80: {  	[sflag:s11] =	ssyncadd.s32 $0xFFFFF000  }
0x81: {  	[spmem:s2] =	stream.indirect.scatter.add.f32 [tilespmem:s20], [sflag:$0x1], $0x20, s19, s13, $0xb8;
	[tilespmem:$0xD240] =	vst v63  }
0x82: {  	_ =	swait.ge [sflag:s11], $0x1000  }
0x83: {  	[sflag:s11] =	ssyncset.done $0x0  }
0x84: {  	[sflag:s11] =	ssyncadd.s32 $0xFFFFF000  }
0x85: {  	[spmem:s2] =	stream.indirect.scatter.add.f32 [tilespmem:s22], [sflag:$0x1], $0x20, s21, s13, $0xb8;
	[tilespmem:$0xD240] =	vst v63  }
0x86: {  	_ =	swait.ge [sflag:s11], $0x1000  }
0x87: {  	[sflag:s11] =	ssyncset.done $0x0  }
0x88: {  	[sflag:s11] =	ssyncadd.s32 $0xFFFFF000  }
0x89: {  	[spmem:s2] =	stream.indirect.scatter.add.f32 [tilespmem:s24], [sflag:$0x1], $0x20, s23, s13, $0xb8;
	[tilespmem:$0xD240] =	vst v63  }
0x8a: {  	_ =	swait.ge [sflag:s11], $0x1000  }
0x8b: {  	[sflag:s11] =	ssyncset.done $0x0  }
0x8c: {  	[sflag:s11] =	ssyncadd.s32 $0xFFFFF000  }
0x8d: {  	[spmem:s2] =	stream.indirect.scatter.add.f32 [tilespmem:s26], [sflag:$0x1], $0x20, s25, s13, $0xb8;
	[tilespmem:$0xD240] =	vst v63  }
0x8e: {  	_ =	swait.ge [sflag:s11], $0x1000  }
0x8f: {  	s28 =	sadd.s32 $0x1, s28;
	[sflag:s11] =	ssyncset.done $0x0  }
0x90: {  	p0 =	sne.s32 s28, s7;
	[sflag:s11] =	ssyncadd.s32 $0xFFFFF000  }
.Ltmp1:
0x91: {  	[bflag:$0x0] =	sbarrier.arrive $0xFFFF;
	(pc) =	sbr.rel @p0 .LBB2_1-.Ltmp1, $4  }
0x92: {  	[hbm:s6], [sflag:s5] =	dma.local [spmem:s10], $0x9C8  }
0x93: {  	_ =	swait.ge [sflag:s11], $0x9C8  }
0x94: {  	[sflag:s11] =	ssyncset.done $0x0  }
0x95: {  	[sflag:s11] =	ssyncadd.s32 $0xFFFFF638  }
0x96: {  	_ =	sfence.sel $0x180000  }
0x97: {  	[bflag:$0x0] =	sbarrier.arrive $0xFFFF  }
0x98: {  	_ =	strace $0x90000053  }
0x99: {  	s0 =	stileid.u32;
	[bflag:$0x2] =	sbarrier.arrive $0xFFFF  }
0x9a: {  	p0 =	sne.s32 s0, $0x0;
	s0 =	rddreg [dreg:$0x2]  }
0x9b: {  	s0 =	sadd.s32 @!p0 $0x100000, s0  }
0x9c: {  	[sflag:s0] =	ssyncadd.tile.s32 @!p0 $0x1;
	_ =	shalt  }
.Lfunc_end2:
_tile_overlayer_lowered:
.L_overlay_start_2:
0x9d: {  	(tag) =	ssettag $0x2  }
0x9e: {  	s0 =	rddreg [dreg:$0x0];
	s2 =	stileid.u32  }
0x9f: {  	s1 =	rddreg [dreg:$0x1];
	p0 =	sne.s32 s2, $0x0  }
0xa0: {  	s3 =	rddreg [dreg:$0x2];
	[bflag:$0x3] =	sbarrier.arrive $0xFFFF;
	s2 =	simm.s32 @!p0 $0x1C01  }
0xa1: {  	[timem:s3], [sflag:s2] =	dma.local @!p0 [hbm:s0], s1  }
0xa2: {  	s0 =	simm.s32 @!p0 $0x1  }
0xa3: {  	_ =	swait.ge @!p0 [sflag:s0], s1  }
0xa4: {  	s1 =	ssub.s32 @!p0 $0x0, s1;
	[sflag:s0] =	ssyncset.done @!p0 $0x0  }
0xa5: {  	[sflag:s0] =	ssyncadd.s32 @!p0 s1  }
0xa6: {  	[bflag:$0x3] =	sbarrier.arrive $0xFFFF  }
0xa7: {  	_ =	shalt  }

// kernel: kernel.32.cloned.1.call-start
scs
__scs_entry_jumppad:
0x0: {  	(pc) =	sbr.rel $0x88, $3  }
0x1: {  	(tag) =	ssettag $0x0;
	lr =	simm.s32 $0x1  }
0x2: {  	[smem:$0x3F7A] =	sst lr;
	_ =	strace $0xD0000000  }
0x3: {  	_ = 	snop  }
0x4: {  	_ = 	snop  }
0x5: {  	_ = 	snop  }
0x6: {  	_ = 	snop  }
0x7: {  	_ = 	snop  }
__scs_overlays_trampoline_lowered:
0x8: {  	[smem:$0x3F89] =	sst s0  }
0x9: {  	[smem:$0x3F8A] =	sst s1  }
0xa: {  	[smem:$0x3F8B] =	sst s2  }
0xb: {  	[smem:$0x3F8C] =	sst s3  }
0xc: {  	[smem:$0x3F8D] =	sst s4  }
0xd: {  	[smem:$0x3F8E] =	sst s5  }
0xe: {  	[smem:$0x3F8F] =	sst s6  }
0xf: {  	[smem:$0x3F90] =	sst s7  }
0x10: {  	[smem:$0x3F91] =	sst s8  }
0x11: {  	[smem:$0x3F92] =	sst s9;
	s0 =	simm.s32 @!p0 $0x0  }
0x12: {  	s1 =	sld [smem:$0x3F78];
	s0 =	simm.s32 @p0 $0x1  }
0x13: {  	[smem:$0x3F93] =	sst s0;
	s0 =	simm.s32 @!p1 $0x0  }
0x14: {  	s2 =	sld [smem:$0x3F77];
	s0 =	simm.s32 @p1 $0x1  }
0x15: {  	[smem:$0x3F94] =	sst s0;
	s0 =	simm.s32 @!p2 $0x0  }
0x16: {  	s3 =	sld [smem:$0x3FDB];
	s0 =	simm.s32 @p2 $0x1  }
0x17: {  	s4 =	simm.s32 $0x1BF5;
	[smem:$0x3F96] =	sst s0  }
0x18: {  	s0 =	sld [smem:$0x3F79];
	_ =	swait.ge [sflag:s4], $0x0  }
0x19: {  	s7 =	sld [smem:$0x3F7A]  }
0x1a: {  	s8 =	sadd.s32 $0xFFFFE003, lr  }
0x1b: {  	s9 =	sadd.s32 $0xFFFFFEF7, lr;
	s5 =	simm.s32 $0xFFFFFFFF;
	p2 =	slt.u32 s8, $0xFFFFF086  }
0x1c: {  	p1 =	slt.u32 s9, $0xF7A;
	s5 =	simm.s32 @!p2 $0x0  }
0x1d: {  	s5 =	simm.s32 @p1 $0x1;
	p0 =	seq.s32 s7, s2  }
0x1e: {  	s7 =	smul.u32 @!p0 $0xF7A, s2;
	p2 =	seq.s32 @!p0 s5, $0x0  }
0x1f: {  	s9 =	smul.u32 $0xF7A, s1;
	s8 =	simm.s32 @!p0 $0x1BF5;
	p2 =	por !p2, p0  }
0x20: {  	[sflag:s8] =	ssyncset.s32 @!p0 $0xFFFFF086;
	s6 =	sadd.s32 @!p0 s3, s7;
	s7 =	simm.s32 @!p0 $0x108  }
0x21: {  	s3 =	sadd.s32 s3, s9;
	s6 =	sadd.s32 @!p0 $0x88, s6;
	s7 =	simm.s32 @p2 $0x1082  }
0x22: {  	[simem:s7], [sflag:s8] =	dma.local @!p0 [hbm:s6], $0xF7A  }
0x23: {  	s9 =	sor.u32 $0xD0000000, s2;
	s6 =	simm.s32 $0x108;
	_ =	swait.ge @!p0 [sflag:s8], $0x0  }
0x24: {  	s3 =	sadd.s32 $0x88, s3;
	s6 =	simm.s32 @!p1 $0x1082;
	[sflag:s4] =	ssyncset.s32 $0xFFFFF086  }
0x25: {  	[simem:s6], [sflag:s4] =	dma.local [hbm:s3], $0xF7A  }
0x26: {  	[smem:$0x3F7A] =	sst s1;
	(tag) =	ssettag s2;
	_ =	strace s9  }
0x27: {  	s1 =	sld [smem:$0x3F8A]  }
0x28: {  	s2 =	sld [smem:$0x3F8B]  }
0x29: {  	s4 =	sld [smem:$0x3F8D]  }
0x2a: {  	p0 =	seq.s32 s5, $0x0;
	s5 =	sld [smem:$0x3F8E]  }
0x2b: {  	s6 =	sld [smem:$0x3F8F]  }
0x2c: {  	s7 =	sld [smem:$0x3F90]  }
0x2d: {  	s3 =	simm.s32 $0x108;
	s8 =	sld [smem:$0x3F91]  }
0x2e: {  	s3 =	simm.s32 @!p0 $0x1082;
	s9 =	sld [smem:$0x3F92]  }
0x2f: {  	lr =	sadd.s32 s0, s3;
	s0 =	sld [smem:$0x3F89]  }
0x30: {  	s3 =	sld [smem:$0x3F8C]  }
0x31: {  	[smem:$0x3F95] =	sst s10  }
0x32: {  	s10 =	sld [smem:$0x3F93];
	_ =	sdelay $0x3  }
0x33: {  	p0 =	seq.s32 s10, $0x1;
	s10 =	sld [smem:$0x3F95];
	_ =	sdelay $0x3  }
0x34: {  	[smem:$0x3F95] =	sst s10  }
0x35: {  	s10 =	sld [smem:$0x3F94];
	_ =	sdelay $0x3  }
0x36: {  	p1 =	seq.s32 s10, $0x1;
	s10 =	sld [smem:$0x3F95];
	_ =	sdelay $0x3  }
0x37: {  	[smem:$0x3F95] =	sst s10  }
0x38: {  	s10 =	sld [smem:$0x3F96]  }
0x39: {  	_ = 	snop;
	(pc) =	sbr.ind lr, $3  }
0x3a: {  	_ = 	snop  }
0x3b: {  	_ = 	snop  }
0x3c: {  	p2 =	seq.s32 s10, $0x1;
	s10 =	sld [smem:$0x3F95]  }
0x3d: {  	_ =	shalt  }
0x3e: {  	_ =	shalt  }
0x3f: {  	_ =	shalt  }
0x40: {  	_ =	shalt  }
0x41: {  	_ =	shalt  }
0x42: {  	_ =	shalt  }
0x43: {  	_ =	shalt  }
0x44: {  	_ =	shalt  }
0x45: {  	_ =	shalt  }
0x46: {  	_ =	shalt  }
0x47: {  	_ =	shalt  }
0x48: {  	_ =	shalt  }
0x49: {  	_ =	shalt  }
0x4a: {  	_ =	shalt  }
0x4b: {  	_ =	shalt  }
0x4c: {  	_ =	shalt  }
0x4d: {  	_ =	shalt  }
0x4e: {  	_ =	shalt  }
0x4f: {  	_ =	shalt  }
0x50: {  	_ =	shalt  }
0x51: {  	_ =	shalt  }
0x52: {  	_ =	shalt  }
0x53: {  	_ =	shalt  }
0x54: {  	_ =	shalt  }
0x55: {  	_ =	shalt  }
0x56: {  	_ =	shalt  }
0x57: {  	_ =	shalt  }
0x58: {  	_ =	shalt  }
0x59: {  	_ =	shalt  }
0x5a: {  	_ =	shalt  }
0x5b: {  	_ =	shalt  }
0x5c: {  	_ =	shalt  }
0x5d: {  	_ =	shalt  }
0x5e: {  	_ =	shalt  }
0x5f: {  	_ =	shalt  }
0x60: {  	_ =	shalt  }
0x61: {  	_ =	shalt  }
0x62: {  	_ =	shalt  }
0x63: {  	_ =	shalt  }
0x64: {  	_ =	shalt  }
0x65: {  	_ =	shalt  }
0x66: {  	_ =	shalt  }
0x67: {  	_ =	shalt  }
0x68: {  	_ =	shalt  }
0x69: {  	_ =	shalt  }
0x6a: {  	_ =	shalt  }
0x6b: {  	_ =	shalt  }
0x6c: {  	_ =	shalt  }
0x6d: {  	_ =	shalt  }
0x6e: {  	_ =	shalt  }
0x6f: {  	_ =	shalt  }
0x70: {  	_ =	shalt  }
0x71: {  	_ =	shalt  }
0x72: {  	_ =	shalt  }
0x73: {  	_ =	shalt  }
0x74: {  	_ =	shalt  }
0x75: {  	_ =	shalt  }
0x76: {  	_ =	shalt  }
0x77: {  	_ =	shalt  }
0x78: {  	_ =	shalt  }
0x79: {  	_ =	shalt  }
0x7a: {  	_ =	shalt  }
0x7b: {  	_ =	shalt  }
0x7c: {  	_ =	shalt  }
0x7d: {  	_ =	shalt  }
0x7e: {  	_ =	shalt  }
0x7f: {  	_ =	shalt  }
0x80: {  	_ =	shalt  }
0x81: {  	_ =	shalt  }
0x82: {  	_ =	shalt  }
0x83: {  	_ =	shalt  }
0x84: {  	_ =	shalt  }
0x85: {  	_ =	shalt  }
0x86: {  	_ =	shalt  }
0x87: {  	_ =	shalt  }
.Lfunc_end0:
.L_simem_size_0:
called_computation.5_lowered:
.L_overlay_start_0:
0x88: {  	s2 =	sld [smem:$0x3FD9]  }
0x89: {  	s3 =	sld [smem:$0x3FFE];
	_ =	sdelay $0x1  }
0x8a: {  	s1 =	srdreg.scid  }
0x8b: {  	s0 =	sand.u32 $0x1, s1  }
0x8c: {  	s17 =	sshll.u32 s0, $0xA;
	s2 =	sadd.s32 s3, s2  }
0x8d: {  	s2 =	sadd.s32 s2, s17  }
0x8e: {  	[smem:$0x3FA1] =	sst s2  }
0x8f: {  	_ = 	snop  }
0x90: {  	s2 =	sld [smem:$0x3FD0];
	(tm) =	ssettm $0x1  }
0x91: {  	s18 =	sld [smem:$0x3FFB];
	_ =	sdelay $0x3  }
0x92: {  	_ =	strace s18  }
0x93: {  	s3 =	sld [smem:$0x3FFC];
	_ =	sdelay $0x3  }
0x94: {  	_ =	strace s3  }
0x95: {  	s3 =	sld [smem:$0x3FFD];
	_ =	sdelay $0x3  }
0x96: {  	_ =	strace s3  }
0x97: {  	_ =	strace $0x8FFFFFFF  }
0x98: {  	s19 =	sld [smem:$0x3FDB];
	_ =	sdelay $0x1  }
0x99: {  	s4 =	simm.s32 $_scs_section_size  }
0x9a: {  	s5 =	simm.s32 $_size__tile_overlayer_lowered;
	s6 =	simm.s32 $_tile_overlayer_lowered  }
0x9b: {  	s22 =	simm.s32 $0x1BFF;
	s21 =	sshll.u32 s6, $0x1;
	s3 =	sadd.s32 s4, s19  }
0x9c: {  	s7 =	simm.s32 $0x0;
	s20 =	sshll.u32 s5, $0x1;
	s5 =	sadd.s32 s21, s3  }
0x9d: {  	[timem:s7], [sflag:s22] =	dma.local [hbm:s5], s20  }
0x9e: {  	_ =	swait.ge [sflag:s22], s20  }
0x9f: {  	s4 =	ssub.s32 $0x0, s20;
	[sflag:s22] =	ssyncset.done $0x0  }
0xa0: {  	[sflag:s22] =	ssyncadd.s32 s4;
	_ =	sdelay $0x1  }
0xa1: {  	s23 =	simm.s32 $0x1B8B  }
0xa2: {  	_ =	swait.ge [sflag:s23], $0x1  }
0xa3: {  	[sflag:s23] =	ssyncset.done $0x0  }
0xa4: {  	s25 =	simm.s32 $0x1B8E;
	s24 =	sld [smem:$0x3FFE];
	[sflag:s23] =	ssyncadd.s32 $0xFFFFFFFF  }
0xa5: {  	s26 =	simm.s32 $execute0_lowered;
	[smem:$0x3FD2] =	sst s25  }
0xa6: {  	s5 =	sshll.u32 s26, $0x1;
	_ =	strace $0x80000055;
	[dreg:$0x1] =	wrdreg $0xFFFFFFFF  }
0xa7: {  	s28 =	simm.s32 $_size_execute0_lowered;
	s3 =	sadd.s32 s3, s5;
	[dreg:$0x0] =	wrdreg $0x0  }
0xa8: {  	s5 =	sshll.u32 s28, $0x1;
	[dreg:$0x2] =	wrdreg s3  }
0xa9: {  	[dreg:$0x3] =	wrdreg s5  }
0xaa: {  	[dreg:$0x4] =	wrdreg $0xC0  }
0xab: {  	_ =	task [dreg:s7], $0x5FFFF  }
0xac: {  	[dreg:$0x1] =	wrdreg $0xFFFFFFFF  }
0xad: {  	[dreg:$0x0] =	wrdreg $0x60  }
0xae: {  	[dreg:$0x2] =	wrdreg s2  }
0xaf: {  	[dreg:$0x3] =	wrdreg s24  }
0xb0: {  	[dreg:$0x4] =	wrdreg $0x9  }
0xb1: {  	_ =	task.clear_ibuf [dreg:s7], $0x5FFFF;
	_ =	strace $0x90000055  }
0xb2: {  	s29 =	simm.s32 $0x9;
	_ =	strace $0x80000057  }
0xb3: {  	_ =	swait.ge [sflag:s29], $0x1  }
0xb4: {  	[sflag:s29] =	ssyncadd.s32 $0xFFFFFFFF  }
0xb5: {  	_ =	strace $0x90000057  }
0xb6: {  	_ =	sfence  }
0xb7: {  	s30 =	sld [smem:$0x0];
	_ =	sdelay $0x2  }
0xb8: {  	s31 =	sshll.u32 s1, $0xD;
	s1 =	sshrl.u32 s1, $0x2  }
0xb9: {  	s3 =	sand.u32 $0x4000, s31;
	s1 =	sadd.s32 s1, s30  }
0xba: {  	s0 =	sor.u32 s3, s0;
	s1 =	sshll.u32 s1, $0x11  }
0xbb: {  	s0 =	sor.u32 s1, s0  }
0xbc: {  	s0 =	sadd.s32 $0x8F2B, s0  }
0xbd: {  	[sflag:s0] =	ssyncadd.remote.s32 $0x1  }
0xbe: {  	_ =	sfence.sel $0xFFFF  }
0xbf: {  	[dreg:$0x0] =	wrdreg $0xFFFFFFFF;
	(pc) =	sbr.abs _section_cstart, $3  }
0xc0: {  	[dreg:$0x1] =	wrdreg $0xFFFFFFFF  }
0xc1: {  	_ =	task.clear_ibuf [dreg:s7], $0x2FFFF;
	_ =	strace $0x9FFFFFFF  }
0xc2: {  	(tm) =	ssettm $0x7FFFFFFF  }
0xc3: {  	_ =	shalt  }
tec
execute0_lowered:
.L_overlay_start_1:
0x0: {  	(tag) =	ssettag $0x1  }
0x1: {  	s1 =	srdreg.scid;
	s2 =	rddreg [dreg:$0x0]  }
0x2: {  	s0 =	stileid.u32;
	s6 =	rddreg [dreg:$0x1]  }
0x3: {  	s3 =	simm.s32 $0x0;
	s10 =	simm.s32 $0x1400;
	s11 =	simm.s32 $0x100  }
0x4: {  	s12 =	simm.s32 $0x2400;
	s13 =	simm.s32 $0x180;
	s14 =	simm.s32 $0x3400  }
0x5: {  	s15 =	simm.s32 $0x200;
	s16 =	simm.s32 $0x4400;
	s17 =	simm.s32 $0x280  }
0x6: {  	s18 =	simm.s32 $0x5400;
	s19 =	simm.s32 $0x300;
	s20 =	simm.s32 $0x6400  }
0x7: {  	s21 =	simm.s32 $0x380;
	s22 =	simm.s32 $0x7400;
	s5 =	smul.u32 $0x5000, s0  }
0x8: {  	s23 =	simm.s32 $0x1;
	s4 =	sand.u32 $0x1, s1;
	s8 =	smul.u32 $0xA0000, s0  }
0x9: {  	s24 =	simm.s32 $0x0;
	s1 =	rddreg [dreg:$0x2];
	s7 =	smul.u32 $0x2800, s4  }
0xa: {  	[smem:$0x7FF] =	sst s3;
	s9 =	smul.u32 $0x50000, s4;
	s4 =	ssub.s32 $0x2, s4  }
0xb: {  	_ =	strace $0x80000056;
	s29 =	sshrl.u32 s4, $0x1;
	s5 =	sadd.s32 s7, s5  }
0xc: {  	s28 =	sadd.s32 s9, s8;
	s4 =	ssub.s32 s4, s29;
	s8 =	simm.s32 $0x80  }
0xd: {  	s9 =	simm.s32 $0x400;
	s5 =	sshrl.u32 s5, $0x3;
	s7 =	sshrl.u32 s28, $0x3  }
0xe: {  	s4 =	smax.u32 s4, $0x1;
	s30 =	sadd.s32 s5, s6;
	s31 =	sadd.s32 s7, s6  }
0xf: {  	s7 =	simm.s32 $0x2;
	s5 =	sadd.s32 $0x37600, s31;
	s6 =	sadd.s32 $0x2D600, s30  }
.LBB2_1:
0x10: {  	s25 =	sadd.s32 $0x0, s6  }
0x11: {  	[tilespmem:s3], [sflag:$0x2] =	stream.linear.gather [hbm4b:s25+s3], $0x400, $0x38;
	[tilespmem:$0x8400] =	vst v63  }
0x12: {  	_ =	swait.ge [sflag:s7], $0x400  }
0x13: {  	[sflag:s7] =	ssyncset.done $0x0  }
0x14: {  	[sflag:s7] =	ssyncadd.s32 $0xFFFFFC00  }
0x15: {  	[tilespmem:s9], [sflag:$0x1] =	stream.indirect.gather [hbm4b:s2+s8], $0x20, s3, s8, $0xb8;
	[tilespmem:$0x8400] =	vst v63  }
0x16: {  	_ = 	snop  }
0x17: {  	[tilespmem:s10], [sflag:$0x1] =	stream.indirect.gather [hbm4b:s2+s8], $0x20, s8, s8, $0xb8;
	[tilespmem:$0x8400] =	vst v63  }
0x18: {  	_ = 	snop  }
0x19: {  	[tilespmem:s12], [sflag:$0x1] =	stream.indirect.gather [hbm4b:s2+s8], $0x20, s11, s8, $0xb8;
	[tilespmem:$0x8400] =	vst v63  }
0x1a: {  	_ = 	snop  }
0x1b: {  	[tilespmem:s14], [sflag:$0x1] =	stream.indirect.gather [hbm4b:s2+s8], $0x20, s13, s8, $0xb8;
	[tilespmem:$0x8400] =	vst v63  }
0x1c: {  	_ = 	snop  }
0x1d: {  	[tilespmem:s16], [sflag:$0x1] =	stream.indirect.gather [hbm4b:s2+s8], $0x20, s15, s8, $0xb8;
	[tilespmem:$0x8400] =	vst v63  }
0x1e: {  	_ = 	snop  }
0x1f: {  	[tilespmem:s18], [sflag:$0x1] =	stream.indirect.gather [hbm4b:s2+s8], $0x20, s17, s8, $0xb8;
	[tilespmem:$0x8400] =	vst v63  }
0x20: {  	_ = 	snop  }
0x21: {  	[tilespmem:s20], [sflag:$0x1] =	stream.indirect.gather [hbm4b:s2+s8], $0x20, s19, s8, $0xb8;
	[tilespmem:$0x8400] =	vst v63  }
0x22: {  	_ = 	snop  }
0x23: {  	[tilespmem:s22], [sflag:$0x1] =	stream.indirect.gather [hbm4b:s2+s8], $0x20, s21, s8, $0xb8;
	[tilespmem:$0x8400] =	vst v63  }
0x24: {  	_ =	swait.ge [sflag:s23], $0x1000  }
0x25: {  	[sflag:s23] =	ssyncset.done $0x0  }
0x26: {  	[sflag:s23] =	ssyncadd.s32 $0xFFFFF000  }
0x27: {  	_ =	swait.ge [sflag:s23], $0x1000  }
0x28: {  	[sflag:s23] =	ssyncset.done $0x0  }
0x29: {  	[sflag:s23] =	ssyncadd.s32 $0xFFFFF000  }
0x2a: {  	_ =	swait.ge [sflag:s23], $0x1000  }
0x2b: {  	[sflag:s23] =	ssyncset.done $0x0  }
0x2c: {  	[sflag:s23] =	ssyncadd.s32 $0xFFFFF000  }
0x2d: {  	_ =	swait.ge [sflag:s23], $0x1000  }
0x2e: {  	[sflag:s23] =	ssyncset.done $0x0  }
0x2f: {  	[sflag:s23] =	ssyncadd.s32 $0xFFFFF000  }
0x30: {  	_ =	swait.ge [sflag:s23], $0x1000  }
0x31: {  	[sflag:s23] =	ssyncset.done $0x0  }
0x32: {  	[sflag:s23] =	ssyncadd.s32 $0xFFFFF000  }
0x33: {  	_ =	swait.ge [sflag:s23], $0x1000  }
0x34: {  	[sflag:s23] =	ssyncset.done $0x0  }
0x35: {  	[sflag:s23] =	ssyncadd.s32 $0xFFFFF000  }
0x36: {  	_ =	swait.ge [sflag:s23], $0x1000  }
0x37: {  	[sflag:s23] =	ssyncset.done $0x0  }
0x38: {  	[sflag:s23] =	ssyncadd.s32 $0xFFFFF000  }
0x39: {  	_ =	swait.ge [sflag:s23], $0x1000  }
0x3a: {  	[sflag:s23] =	ssyncset.done $0x0  }
0x3b: {  	[sflag:s23] =	ssyncadd.s32 $0xFFFFF000  }
0x3c: {  	[hbm4b:s5+s3] =	stream.linear.scatter [tilespmem:s9], [sflag:$0x2], $0x8000, $0x38;
	[tilespmem:$0x8400] =	vst v63  }
0x3d: {  	s26 =	simm.s32 $0x80;
	_ =	swait.ge [sflag:s7], $0x8000  }
0x3e: {  	s29 =	simm.s32 $0x100;
	s25 =	sadd.s32 $0x1000, s5;
	[sflag:s7] =	ssyncset.done $0x0  }
.LBB2_2:
0x3f: {  	s30 =	sadd.s32 s26, s6  }
0x40: {  	[sflag:s7] =	ssyncadd.s32 $0xFFFF8000;
	s26 =	smov.u32 s29;
	s28 =	sadd.s32 $0x80, s29  }
0x41: {  	[tilespmem:s3], [sflag:$0x2] =	stream.linear.gather [hbm4b:s30+s3], $0x400, $0x38;
	[tilespmem:$0x8400] =	vst v63  }
0x42: {  	p0 =	sne.s32 s29, $0x480;
	_ =	swait.ge [sflag:s7], $0x400  }
0x43: {  	[sflag:s7] =	ssyncset.done $0x0  }
0x44: {  	[sflag:s7] =	ssyncadd.s32 $0xFFFFFC00  }
0x45: {  	[tilespmem:s9], [sflag:$0x1] =	stream.indirect.gather [hbm4b:s2+s8], $0x20, s3, s8, $0xb8;
	[tilespmem:$0x8400] =	vst v63  }
0x46: {  	_ = 	snop  }
0x47: {  	[tilespmem:s10], [sflag:$0x1] =	stream.indirect.gather [hbm4b:s2+s8], $0x20, s8, s8, $0xb8;
	[tilespmem:$0x8400] =	vst v63  }
0x48: {  	_ = 	snop  }
0x49: {  	[tilespmem:s12], [sflag:$0x1] =	stream.indirect.gather [hbm4b:s2+s8], $0x20, s11, s8, $0xb8;
	[tilespmem:$0x8400] =	vst v63  }
0x4a: {  	_ = 	snop  }
0x4b: {  	[tilespmem:s14], [sflag:$0x1] =	stream.indirect.gather [hbm4b:s2+s8], $0x20, s13, s8, $0xb8;
	[tilespmem:$0x8400] =	vst v63  }
0x4c: {  	_ = 	snop  }
0x4d: {  	[tilespmem:s16], [sflag:$0x1] =	stream.indirect.gather [hbm4b:s2+s8], $0x20, s15, s8, $0xb8;
	[tilespmem:$0x8400] =	vst v63  }
0x4e: {  	_ = 	snop  }
0x4f: {  	[tilespmem:s18], [sflag:$0x1] =	stream.indirect.gather [hbm4b:s2+s8], $0x20, s17, s8, $0xb8;
	[tilespmem:$0x8400] =	vst v63  }
0x50: {  	_ = 	snop  }
0x51: {  	[tilespmem:s20], [sflag:$0x1] =	stream.indirect.gather [hbm4b:s2+s8], $0x20, s19, s8, $0xb8;
	[tilespmem:$0x8400] =	vst v63  }
0x52: {  	_ = 	snop  }
0x53: {  	[tilespmem:s22], [sflag:$0x1] =	stream.indirect.gather [hbm4b:s2+s8], $0x20, s21, s8, $0xb8;
	[tilespmem:$0x8400] =	vst v63  }
0x54: {  	_ =	swait.ge [sflag:s23], $0x1000  }
0x55: {  	[sflag:s23] =	ssyncset.done $0x0  }
0x56: {  	[sflag:s23] =	ssyncadd.s32 $0xFFFFF000  }
0x57: {  	_ =	swait.ge [sflag:s23], $0x1000  }
0x58: {  	[sflag:s23] =	ssyncset.done $0x0  }
0x59: {  	[sflag:s23] =	ssyncadd.s32 $0xFFFFF000  }
0x5a: {  	_ =	swait.ge [sflag:s23], $0x1000  }
0x5b: {  	[sflag:s23] =	ssyncset.done $0x0  }
0x5c: {  	[sflag:s23] =	ssyncadd.s32 $0xFFFFF000  }
0x5d: {  	_ =	swait.ge [sflag:s23], $0x1000  }
0x5e: {  	[sflag:s23] =	ssyncset.done $0x0  }
0x5f: {  	[sflag:s23] =	ssyncadd.s32 $0xFFFFF000  }
0x60: {  	_ =	swait.ge [sflag:s23], $0x1000  }
0x61: {  	[sflag:s23] =	ssyncset.done $0x0  }
0x62: {  	[sflag:s23] =	ssyncadd.s32 $0xFFFFF000  }
0x63: {  	_ =	swait.ge [sflag:s23], $0x1000  }
0x64: {  	[sflag:s23] =	ssyncset.done $0x0  }
0x65: {  	[sflag:s23] =	ssyncadd.s32 $0xFFFFF000  }
0x66: {  	_ =	swait.ge [sflag:s23], $0x1000  }
0x67: {  	[sflag:s23] =	ssyncset.done $0x0  }
0x68: {  	[sflag:s23] =	ssyncadd.s32 $0xFFFFF000  }
0x69: {  	_ =	swait.ge [sflag:s23], $0x1000  }
.Ltmp0:
0x6a: {  	[sflag:s23] =	ssyncset.done $0x0;
	(pc) =	sbr.rel @p0 .LBB2_2-.Ltmp0, $4  }
0x6b: {  	[sflag:s23] =	ssyncadd.s32 $0xFFFFF000  }
0x6c: {  	[hbm4b:s25+s3] =	stream.linear.scatter [tilespmem:s9], [sflag:$0x2], $0x8000, $0x38;
	[tilespmem:$0x8400] =	vst v63  }
0x6d: {  	_ =	swait.ge [sflag:s7], $0x8000  }
0x6e: {  	s29 =	smov.u32 s28;
	s25 =	sadd.s32 $0x1000, s25;
	[sflag:s7] =	ssyncset.done $0x0  }
0x6f: {  	s26 =	sadd.s32 s26, s6;
	[sflag:s7] =	ssyncadd.s32 $0xFFFF8000  }
0x70: {  	[tilespmem:s3], [sflag:$0x2] =	stream.linear.gather [hbm4b:s26+s3], $0x400, $0x38;
	[tilespmem:$0x8400] =	vst v63  }
0x71: {  	_ =	swait.ge [sflag:s7], $0x400  }
0x72: {  	[sflag:s7] =	ssyncset.done $0x0  }
0x73: {  	[sflag:s7] =	ssyncadd.s32 $0xFFFFFC00  }
0x74: {  	[tilespmem:s9], [sflag:$0x1] =	stream.indirect.gather [hbm4b:s2+s8], $0x20, s3, s8, $0xb8;
	[tilespmem:$0x8400] =	vst v63  }
0x75: {  	_ = 	snop  }
0x76: {  	[tilespmem:s10], [sflag:$0x1] =	stream.indirect.gather [hbm4b:s2+s8], $0x20, s8, s8, $0xb8;
	[tilespmem:$0x8400] =	vst v63  }
0x77: {  	_ = 	snop  }
0x78: {  	[tilespmem:s12], [sflag:$0x1] =	stream.indirect.gather [hbm4b:s2+s8], $0x20, s11, s8, $0xb8;
	[tilespmem:$0x8400] =	vst v63  }
0x79: {  	_ = 	snop  }
0x7a: {  	[tilespmem:s14], [sflag:$0x1] =	stream.indirect.gather [hbm4b:s2+s8], $0x20, s13, s8, $0xb8;
	[tilespmem:$0x8400] =	vst v63  }
0x7b: {  	_ = 	snop  }
0x7c: {  	[tilespmem:s16], [sflag:$0x1] =	stream.indirect.gather [hbm4b:s2+s8], $0x20, s15, s8, $0xb8;
	[tilespmem:$0x8400] =	vst v63  }
0x7d: {  	_ = 	snop  }
0x7e: {  	[tilespmem:s18], [sflag:$0x1] =	stream.indirect.gather [hbm4b:s2+s8], $0x20, s17, s8, $0xb8;
	[tilespmem:$0x8400] =	vst v63  }
0x7f: {  	_ = 	snop  }
0x80: {  	[tilespmem:s20], [sflag:$0x1] =	stream.indirect.gather [hbm4b:s2+s8], $0x20, s19, s8, $0xb8;
	[tilespmem:$0x8400] =	vst v63  }
0x81: {  	_ = 	snop  }
0x82: {  	[tilespmem:s22], [sflag:$0x1] =	stream.indirect.gather [hbm4b:s2+s8], $0x20, s21, s8, $0xb8;
	[tilespmem:$0x8400] =	vst v63  }
0x83: {  	_ =	swait.ge [sflag:s23], $0x1000  }
0x84: {  	[sflag:s23] =	ssyncset.done $0x0  }
0x85: {  	[sflag:s23] =	ssyncadd.s32 $0xFFFFF000  }
0x86: {  	_ =	swait.ge [sflag:s23], $0x1000  }
0x87: {  	[sflag:s23] =	ssyncset.done $0x0  }
0x88: {  	[sflag:s23] =	ssyncadd.s32 $0xFFFFF000  }
0x89: {  	_ =	swait.ge [sflag:s23], $0x1000  }
0x8a: {  	[sflag:s23] =	ssyncset.done $0x0  }
0x8b: {  	[sflag:s23] =	ssyncadd.s32 $0xFFFFF000  }
0x8c: {  	_ =	swait.ge [sflag:s23], $0x1000  }
0x8d: {  	[sflag:s23] =	ssyncset.done $0x0  }
0x8e: {  	[sflag:s23] =	ssyncadd.s32 $0xFFFFF000  }
0x8f: {  	_ =	swait.ge [sflag:s23], $0x1000  }
0x90: {  	[sflag:s23] =	ssyncset.done $0x0  }
0x91: {  	[sflag:s23] =	ssyncadd.s32 $0xFFFFF000  }
0x92: {  	_ =	swait.ge [sflag:s23], $0x1000  }
0x93: {  	[sflag:s23] =	ssyncset.done $0x0  }
0x94: {  	[sflag:s23] =	ssyncadd.s32 $0xFFFFF000  }
0x95: {  	_ =	swait.ge [sflag:s23], $0x1000  }
0x96: {  	[sflag:s23] =	ssyncset.done $0x0  }
0x97: {  	[sflag:s23] =	ssyncadd.s32 $0xFFFFF000  }
0x98: {  	s24 =	sadd.s32 $0x1, s24;
	_ =	swait.ge [sflag:s23], $0x1000  }
0x99: {  	p0 =	sne.s32 s24, s4;
	[sflag:s23] =	ssyncset.done $0x0  }
.Ltmp1:
0x9a: {  	[sflag:s23] =	ssyncadd.s32 $0xFFFFF000;
	(pc) =	sbr.rel @p0 .LBB2_1-.Ltmp1, $4  }
0x9b: {  	[hbm4b:s25+s3] =	stream.linear.scatter [tilespmem:s9], [sflag:$0x2], $0x8000, $0x38;
	[tilespmem:$0x8400] =	vst v63  }
0x9c: {  	_ =	swait.ge [sflag:s7], $0x8000  }
0x9d: {  	[sflag:s7] =	ssyncset.done $0x0  }
0x9e: {  	[sflag:s7] =	ssyncadd.s32 $0xFFFF8000  }
0x9f: {  	_ =	sfence.sel $0x180000  }
0xa0: {  	[bflag:$0x0] =	sbarrier.arrive $0xFFFF  }
0xa1: {  	p0 =	sne.s32 s0, $0x0;
	_ =	strace $0x90000056  }
0xa2: {  	s0 =	sadd.s32 @!p0 $0x100000, s1;
	[bflag:$0x2] =	sbarrier.arrive $0xFFFF  }
0xa3: {  	[sflag:s0] =	ssyncadd.tile.s32 @!p0 $0x1;
	_ =	shalt  }
.Lfunc_end2:
_tile_overlayer_lowered:
.L_overlay_start_2:
0xa4: {  	(tag) =	ssettag $0x2  }
0xa5: {  	s0 =	rddreg [dreg:$0x0];
	s2 =	stileid.u32  }
0xa6: {  	s1 =	rddreg [dreg:$0x1];
	p0 =	sne.s32 s2, $0x0  }
0xa7: {  	s3 =	rddreg [dreg:$0x2];
	[bflag:$0x3] =	sbarrier.arrive $0xFFFF;
	s2 =	simm.s32 @!p0 $0x1C02  }
0xa8: {  	[timem:s3], [sflag:s2] =	dma.local @!p0 [hbm:s0], s1  }
0xa9: {  	s0 =	simm.s32 @!p0 $0x2  }
0xaa: {  	_ =	swait.ge @!p0 [sflag:s0], s1  }
0xab: {  	s1 =	ssub.s32 @!p0 $0x0, s1;
	[sflag:s0] =	ssyncset.done @!p0 $0x0  }
0xac: {  	[sflag:s0] =	ssyncadd.s32 @!p0 s1  }
0xad: {  	[bflag:$0x3] =	sbarrier.arrive $0xFFFF  }
0xae: {  	_ =	shalt  }

// kernel: kernel.35.cloned.1.call-start
scs
__scs_entry_jumppad:
0x0: {  	(pc) =	sbr.rel $0x88, $3  }
0x1: {  	(tag) =	ssettag $0x0;
	lr =	simm.s32 $0x1  }
0x2: {  	[smem:$0x3F7A] =	sst lr;
	_ =	strace $0xD0000000  }
0x3: {  	_ = 	snop  }
0x4: {  	_ = 	snop  }
0x5: {  	_ = 	snop  }
0x6: {  	_ = 	snop  }
0x7: {  	_ = 	snop  }
__scs_overlays_trampoline_lowered:
0x8: {  	[smem:$0x3F89] =	sst s0  }
0x9: {  	[smem:$0x3F8A] =	sst s1  }
0xa: {  	[smem:$0x3F8B] =	sst s2  }
0xb: {  	[smem:$0x3F8C] =	sst s3  }
0xc: {  	[smem:$0x3F8D] =	sst s4  }
0xd: {  	[smem:$0x3F8E] =	sst s5  }
0xe: {  	[smem:$0x3F8F] =	sst s6  }
0xf: {  	[smem:$0x3F90] =	sst s7  }
0x10: {  	[smem:$0x3F91] =	sst s8  }
0x11: {  	[smem:$0x3F92] =	sst s9;
	s0 =	simm.s32 @!p0 $0x0  }
0x12: {  	s1 =	sld [smem:$0x3F78];
	s0 =	simm.s32 @p0 $0x1  }
0x13: {  	[smem:$0x3F93] =	sst s0;
	s0 =	simm.s32 @!p1 $0x0  }
0x14: {  	s2 =	sld [smem:$0x3F77];
	s0 =	simm.s32 @p1 $0x1  }
0x15: {  	[smem:$0x3F94] =	sst s0;
	s0 =	simm.s32 @!p2 $0x0  }
0x16: {  	s3 =	sld [smem:$0x3FDB];
	s0 =	simm.s32 @p2 $0x1  }
0x17: {  	s4 =	simm.s32 $0x1BF5;
	[smem:$0x3F96] =	sst s0  }
0x18: {  	s0 =	sld [smem:$0x3F79];
	_ =	swait.ge [sflag:s4], $0x0  }
0x19: {  	s7 =	sld [smem:$0x3F7A]  }
0x1a: {  	s8 =	sadd.s32 $0xFFFFE003, lr  }
0x1b: {  	s9 =	sadd.s32 $0xFFFFFEF7, lr;
	s5 =	simm.s32 $0xFFFFFFFF;
	p2 =	slt.u32 s8, $0xFFFFF086  }
0x1c: {  	p1 =	slt.u32 s9, $0xF7A;
	s5 =	simm.s32 @!p2 $0x0  }
0x1d: {  	s5 =	simm.s32 @p1 $0x1;
	p0 =	seq.s32 s7, s2  }
0x1e: {  	s7 =	smul.u32 @!p0 $0xF7A, s2;
	p2 =	seq.s32 @!p0 s5, $0x0  }
0x1f: {  	s9 =	smul.u32 $0xF7A, s1;
	s8 =	simm.s32 @!p0 $0x1BF5;
	p2 =	por !p2, p0  }
0x20: {  	[sflag:s8] =	ssyncset.s32 @!p0 $0xFFFFF086;
	s6 =	sadd.s32 @!p0 s3, s7;
	s7 =	simm.s32 @!p0 $0x108  }
0x21: {  	s3 =	sadd.s32 s3, s9;
	s6 =	sadd.s32 @!p0 $0x88, s6;
	s7 =	simm.s32 @p2 $0x1082  }
0x22: {  	[simem:s7], [sflag:s8] =	dma.local @!p0 [hbm:s6], $0xF7A  }
0x23: {  	s9 =	sor.u32 $0xD0000000, s2;
	s6 =	simm.s32 $0x108;
	_ =	swait.ge @!p0 [sflag:s8], $0x0  }
0x24: {  	s3 =	sadd.s32 $0x88, s3;
	s6 =	simm.s32 @!p1 $0x1082;
	[sflag:s4] =	ssyncset.s32 $0xFFFFF086  }
0x25: {  	[simem:s6], [sflag:s4] =	dma.local [hbm:s3], $0xF7A  }
0x26: {  	[smem:$0x3F7A] =	sst s1;
	(tag) =	ssettag s2;
	_ =	strace s9  }
0x27: {  	s1 =	sld [smem:$0x3F8A]  }
0x28: {  	s2 =	sld [smem:$0x3F8B]  }
0x29: {  	s4 =	sld [smem:$0x3F8D]  }
0x2a: {  	p0 =	seq.s32 s5, $0x0;
	s5 =	sld [smem:$0x3F8E]  }
0x2b: {  	s6 =	sld [smem:$0x3F8F]  }
0x2c: {  	s7 =	sld [smem:$0x3F90]  }
0x2d: {  	s3 =	simm.s32 $0x108;
	s8 =	sld [smem:$0x3F91]  }
0x2e: {  	s3 =	simm.s32 @!p0 $0x1082;
	s9 =	sld [smem:$0x3F92]  }
0x2f: {  	lr =	sadd.s32 s0, s3;
	s0 =	sld [smem:$0x3F89]  }
0x30: {  	s3 =	sld [smem:$0x3F8C]  }
0x31: {  	[smem:$0x3F95] =	sst s10  }
0x32: {  	s10 =	sld [smem:$0x3F93];
	_ =	sdelay $0x3  }
0x33: {  	p0 =	seq.s32 s10, $0x1;
	s10 =	sld [smem:$0x3F95];
	_ =	sdelay $0x3  }
0x34: {  	[smem:$0x3F95] =	sst s10  }
0x35: {  	s10 =	sld [smem:$0x3F94];
	_ =	sdelay $0x3  }
0x36: {  	p1 =	seq.s32 s10, $0x1;
	s10 =	sld [smem:$0x3F95];
	_ =	sdelay $0x3  }
0x37: {  	[smem:$0x3F95] =	sst s10  }
0x38: {  	s10 =	sld [smem:$0x3F96]  }
0x39: {  	_ = 	snop;
	(pc) =	sbr.ind lr, $3  }
0x3a: {  	_ = 	snop  }
0x3b: {  	_ = 	snop  }
0x3c: {  	p2 =	seq.s32 s10, $0x1;
	s10 =	sld [smem:$0x3F95]  }
0x3d: {  	_ =	shalt  }
0x3e: {  	_ =	shalt  }
0x3f: {  	_ =	shalt  }
0x40: {  	_ =	shalt  }
0x41: {  	_ =	shalt  }
0x42: {  	_ =	shalt  }
0x43: {  	_ =	shalt  }
0x44: {  	_ =	shalt  }
0x45: {  	_ =	shalt  }
0x46: {  	_ =	shalt  }
0x47: {  	_ =	shalt  }
0x48: {  	_ =	shalt  }
0x49: {  	_ =	shalt  }
0x4a: {  	_ =	shalt  }
0x4b: {  	_ =	shalt  }
0x4c: {  	_ =	shalt  }
0x4d: {  	_ =	shalt  }
0x4e: {  	_ =	shalt  }
0x4f: {  	_ =	shalt  }
0x50: {  	_ =	shalt  }
0x51: {  	_ =	shalt  }
0x52: {  	_ =	shalt  }
0x53: {  	_ =	shalt  }
0x54: {  	_ =	shalt  }
0x55: {  	_ =	shalt  }
0x56: {  	_ =	shalt  }
0x57: {  	_ =	shalt  }
0x58: {  	_ =	shalt  }
0x59: {  	_ =	shalt  }
0x5a: {  	_ =	shalt  }
0x5b: {  	_ =	shalt  }
0x5c: {  	_ =	shalt  }
0x5d: {  	_ =	shalt  }
0x5e: {  	_ =	shalt  }
0x5f: {  	_ =	shalt  }
0x60: {  	_ =	shalt  }
0x61: {  	_ =	shalt  }
0x62: {  	_ =	shalt  }
0x63: {  	_ =	shalt  }
0x64: {  	_ =	shalt  }
0x65: {  	_ =	shalt  }
0x66: {  	_ =	shalt  }
0x67: {  	_ =	shalt  }
0x68: {  	_ =	shalt  }
0x69: {  	_ =	shalt  }
0x6a: {  	_ =	shalt  }
0x6b: {  	_ =	shalt  }
0x6c: {  	_ =	shalt  }
0x6d: {  	_ =	shalt  }
0x6e: {  	_ =	shalt  }
0x6f: {  	_ =	shalt  }
0x70: {  	_ =	shalt  }
0x71: {  	_ =	shalt  }
0x72: {  	_ =	shalt  }
0x73: {  	_ =	shalt  }
0x74: {  	_ =	shalt  }
0x75: {  	_ =	shalt  }
0x76: {  	_ =	shalt  }
0x77: {  	_ =	shalt  }
0x78: {  	_ =	shalt  }
0x79: {  	_ =	shalt  }
0x7a: {  	_ =	shalt  }
0x7b: {  	_ =	shalt  }
0x7c: {  	_ =	shalt  }
0x7d: {  	_ =	shalt  }
0x7e: {  	_ =	shalt  }
0x7f: {  	_ =	shalt  }
0x80: {  	_ =	shalt  }
0x81: {  	_ =	shalt  }
0x82: {  	_ =	shalt  }
0x83: {  	_ =	shalt  }
0x84: {  	_ =	shalt  }
0x85: {  	_ =	shalt  }
0x86: {  	_ =	shalt  }
0x87: {  	_ =	shalt  }
.Lfunc_end0:
.L_simem_size_0:
called_computation.6_lowered:
.L_overlay_start_0:
0x88: {  	s2 =	sld [smem:$0x3FD9]  }
0x89: {  	s3 =	sld [smem:$0x3FFE];
	_ =	sdelay $0x1  }
0x8a: {  	s1 =	srdreg.scid  }
0x8b: {  	s0 =	sand.u32 $0x1, s1  }
0x8c: {  	s16 =	sshll.u32 s0, $0xA;
	s2 =	sadd.s32 s3, s2  }
0x8d: {  	s2 =	sadd.s32 s2, s16  }
0x8e: {  	[smem:$0x3FA1] =	sst s2  }
0x8f: {  	_ = 	snop  }
0x90: {  	(tm) =	ssettm $0x1  }
0x91: {  	s17 =	sld [smem:$0x3FFB];
	_ =	sdelay $0x3  }
0x92: {  	_ =	strace s17  }
0x93: {  	s2 =	sld [smem:$0x3FFC];
	_ =	sdelay $0x3  }
0x94: {  	_ =	strace s2  }
0x95: {  	s2 =	sld [smem:$0x3FFD];
	_ =	sdelay $0x3  }
0x96: {  	_ =	strace s2  }
0x97: {  	_ =	strace $0x8FFFFFFF  }
0x98: {  	s18 =	sld [smem:$0x3FDB];
	_ =	sdelay $0x1  }
0x99: {  	s19 =	simm.s32 $_scs_section_size  }
0x9a: {  	s4 =	simm.s32 $_size__tile_overlayer_lowered;
	s5 =	simm.s32 $_tile_overlayer_lowered  }
0x9b: {  	s22 =	simm.s32 $0x1BFF;
	s21 =	sshll.u32 s5, $0x1;
	s2 =	sadd.s32 s19, s18  }
0x9c: {  	s6 =	simm.s32 $0x0;
	s20 =	sshll.u32 s4, $0x1;
	s4 =	sadd.s32 s21, s2  }
0x9d: {  	[timem:s6], [sflag:s22] =	dma.local [hbm:s4], s20  }
0x9e: {  	_ =	swait.ge [sflag:s22], s20  }
0x9f: {  	s3 =	ssub.s32 $0x0, s20;
	[sflag:s22] =	ssyncset.done $0x0  }
0xa0: {  	[sflag:s22] =	ssyncadd.s32 s3;
	_ =	sdelay $0x1  }
0xa1: {  	s23 =	simm.s32 $0x1B8B  }
0xa2: {  	_ =	swait.ge [sflag:s23], $0x1  }
0xa3: {  	[sflag:s23] =	ssyncset.done $0x0  }
0xa4: {  	s25 =	simm.s32 $0x1B8E;
	s24 =	sld [smem:$0x3FFE];
	[sflag:s23] =	ssyncadd.s32 $0xFFFFFFFF  }
0xa5: {  	s26 =	simm.s32 $execute0_lowered;
	[smem:$0x3FD2] =	sst s25  }
0xa6: {  	s4 =	sshll.u32 s26, $0x1;
	_ =	strace $0x80000058;
	[dreg:$0x1] =	wrdreg $0xFFFFFFFF  }
0xa7: {  	s28 =	simm.s32 $_size_execute0_lowered;
	s2 =	sadd.s32 s2, s4;
	[dreg:$0x0] =	wrdreg $0x0  }
0xa8: {  	s4 =	sshll.u32 s28, $0x1;
	[dreg:$0x2] =	wrdreg s2  }
0xa9: {  	[dreg:$0x3] =	wrdreg s4  }
0xaa: {  	[dreg:$0x4] =	wrdreg $0xC0  }
0xab: {  	_ =	task [dreg:s6], $0x5FFFF  }
0xac: {  	[dreg:$0x1] =	wrdreg $0xFFFFFFFF  }
0xad: {  	[dreg:$0x0] =	wrdreg $0x60  }
0xae: {  	[dreg:$0x2] =	wrdreg s24  }
0xaf: {  	[dreg:$0x3] =	wrdreg $0x84000  }
0xb0: {  	[dreg:$0x4] =	wrdreg $0x9  }
0xb1: {  	_ =	task.clear_ibuf [dreg:s6], $0x5FFFF;
	_ =	strace $0x90000058  }
0xb2: {  	s29 =	simm.s32 $0x9;
	_ =	strace $0x8000005A  }
0xb3: {  	_ =	swait.ge [sflag:s29], $0x1  }
0xb4: {  	[sflag:s29] =	ssyncadd.s32 $0xFFFFFFFF  }
0xb5: {  	_ =	strace $0x9000005A  }
0xb6: {  	_ =	sfence  }
0xb7: {  	s30 =	sld [smem:$0x0];
	_ =	sdelay $0x2  }
0xb8: {  	s31 =	sshll.u32 s1, $0xD;
	s1 =	sshrl.u32 s1, $0x2  }
0xb9: {  	s3 =	sand.u32 $0x4000, s31;
	s1 =	sadd.s32 s1, s30  }
0xba: {  	s0 =	sor.u32 s3, s0;
	s1 =	sshll.u32 s1, $0x11  }
0xbb: {  	s0 =	sor.u32 s1, s0  }
0xbc: {  	s0 =	sadd.s32 $0x8F2B, s0  }
0xbd: {  	[sflag:s0] =	ssyncadd.remote.s32 $0x1  }
0xbe: {  	_ =	sfence.sel $0xFFFF  }
0xbf: {  	[dreg:$0x0] =	wrdreg $0xFFFFFFFF;
	(pc) =	sbr.abs _section_cstart, $3  }
0xc0: {  	[dreg:$0x1] =	wrdreg $0xFFFFFFFF  }
0xc1: {  	_ =	task.clear_ibuf [dreg:s6], $0x2FFFF;
	_ =	strace $0x9FFFFFFF  }
0xc2: {  	(tm) =	ssettm $0x7FFFFFFF  }
0xc3: {  	_ =	shalt  }
tec
execute0_lowered:
.L_overlay_start_1:
0x0: {  	(tag) =	ssettag $0x1  }
0x1: {  	s1 =	srdreg.scid;
	s5 =	rddreg [dreg:$0x0]  }
0x2: {  	s0 =	stileid.u32;
	s2 =	rddreg [dreg:$0x1]  }
0x3: {  	s3 =	simm.s32 $0x0;
	s12 =	simm.s32 $0x400;
	s13 =	simm.s32 $0x80  }
0x4: {  	s14 =	simm.s32 $0x1400;
	s15 =	simm.s32 $0x100;
	s16 =	simm.s32 $0x2400  }
0x5: {  	s17 =	simm.s32 $0x180;
	s18 =	simm.s32 $0x3400;
	s4 =	smul.u32 $0xA0000, s0  }
0x6: {  	s19 =	simm.s32 $0x200;
	s20 =	simm.s32 $0x4400;
	s7 =	smul.u32 $0x5000, s0  }
0x7: {  	s21 =	simm.s32 $0x280;
	s1 =	sand.u32 $0x1, s1;
	s24 =	smul.u32 $0x4E40, s0  }
0x8: {  	s22 =	simm.s32 $0x5400;
	s23 =	simm.s32 $0x300;
	s6 =	smul.u32 $0x50000, s1  }
0x9: {  	s28 =	simm.s32 $0x0;
	[smem:$0x7FF] =	sst s3;
	s8 =	smul.u32 $0x2800, s1  }
0xa: {  	s31 =	sshll.u32 s0, $0x6;
	s25 =	smul.u32 $0x4E400, s1;
	s1 =	ssub.s32 $0x2, s1  }
0xb: {  	_ =	strace $0x80000059;
	s30 =	sshrl.u32 s1, $0x1;
	s11 =	sadd.s32 s24, s2  }
0xc: {  	s4 =	sadd.s32 s6, s4;
	s7 =	sadd.s32 s8, s7;
	s29 =	sadd.s32 s24, s25  }
0xd: {  	s1 =	ssub.s32 s1, s30;
	s24 =	simm.s32 $0x6400;
	s25 =	simm.s32 $0x380  }
0xe: {  	s4 =	sshrl.u32 s4, $0x3;
	s26 =	sshrl.u32 s7, $0x3;
	s7 =	sshrl.u32 s29, $0x3  }
0xf: {  	s9 =	sadd.s32 s4, s5;
	s10 =	sadd.s32 s26, s5;
	s4 =	sadd.s32 $0x18B400, s5  }
0x10: {  	s7 =	sadd.s32 s7, s5;
	s5 =	sor.u32 $0x1C01, s31;
	s26 =	simm.s32 $0x7400  }
0x11: {  	s6 =	sadd.s32 $0xB600, s7;
	s7 =	smax.u32 s1, $0x1;
	s8 =	sadd.s32 $0x18BE00, s9  }
0x12: {  	s9 =	sadd.s32 $0x181400, s10;
	s10 =	sshrl.u32 s11, $0x3;
	s11 =	simm.s32 $0x1  }
.LBB2_1:
0x13: {  	[spmem:s10], [sflag:s5] =	dma.local [hbm:s4], $0x9C8  }
0x14: {  	_ =	swait.ge [sflag:s11], $0x9C8  }
0x15: {  	[sflag:s11] =	ssyncset.done $0x0  }
0x16: {  	[sflag:s11] =	ssyncadd.s32 $0xFFFFF638  }
0x17: {  	s1 =	sadd.s32 $0x0, s9;
	[bflag:$0x0] =	sbarrier.arrive $0xFFFF  }
0x18: {  	[tilespmem:s3], [sflag:$0x1] =	stream.linear.gather [hbm4b:s1+s3], $0x400, $0x38;
	[tilespmem:$0xD240] =	vst v63  }
0x19: {  	_ =	swait.ge [sflag:s11], $0x400  }
0x1a: {  	[sflag:s11] =	ssyncset.done $0x0  }
0x1b: {  	[sflag:s11] =	ssyncadd.s32 $0xFFFFFC00  }
0x1c: {  	[tilespmem:s12], [sflag:$0x1] =	stream.linear.gather [hbm4b:s8+s3], $0x8000, $0x38;
	[tilespmem:$0xD240] =	vst v63  }
0x1d: {  	_ =	swait.ge [sflag:s11], $0x8000  }
0x1e: {  	[sflag:s11] =	ssyncset.done $0x0  }
0x1f: {  	[sflag:s11] =	ssyncadd.s32 $0xFFFF8000  }
0x20: {  	[spmem:s2] =	stream.indirect.scatter.add.f32 [tilespmem:s12], [sflag:$0x1], $0x20, s3, s13, $0xb8;
	[tilespmem:$0xD240] =	vst v63  }
0x21: {  	_ =	swait.ge [sflag:s11], $0x1000  }
0x22: {  	[sflag:s11] =	ssyncset.done $0x0  }
0x23: {  	[sflag:s11] =	ssyncadd.s32 $0xFFFFF000  }
0x24: {  	[spmem:s2] =	stream.indirect.scatter.add.f32 [tilespmem:s14], [sflag:$0x1], $0x20, s13, s13, $0xb8;
	[tilespmem:$0xD240] =	vst v63  }
0x25: {  	_ =	swait.ge [sflag:s11], $0x1000  }
0x26: {  	[sflag:s11] =	ssyncset.done $0x0  }
0x27: {  	[sflag:s11] =	ssyncadd.s32 $0xFFFFF000  }
0x28: {  	[spmem:s2] =	stream.indirect.scatter.add.f32 [tilespmem:s16], [sflag:$0x1], $0x20, s15, s13, $0xb8;
	[tilespmem:$0xD240] =	vst v63  }
0x29: {  	_ =	swait.ge [sflag:s11], $0x1000  }
0x2a: {  	[sflag:s11] =	ssyncset.done $0x0  }
0x2b: {  	[sflag:s11] =	ssyncadd.s32 $0xFFFFF000  }
0x2c: {  	[spmem:s2] =	stream.indirect.scatter.add.f32 [tilespmem:s18], [sflag:$0x1], $0x20, s17, s13, $0xb8;
	[tilespmem:$0xD240] =	vst v63  }
0x2d: {  	_ =	swait.ge [sflag:s11], $0x1000  }
0x2e: {  	[sflag:s11] =	ssyncset.done $0x0  }
0x2f: {  	[sflag:s11] =	ssyncadd.s32 $0xFFFFF000  }
0x30: {  	[spmem:s2] =	stream.indirect.scatter.add.f32 [tilespmem:s20], [sflag:$0x1], $0x20, s19, s13, $0xb8;
	[tilespmem:$0xD240] =	vst v63  }
0x31: {  	_ =	swait.ge [sflag:s11], $0x1000  }
0x32: {  	[sflag:s11] =	ssyncset.done $0x0  }
0x33: {  	[sflag:s11] =	ssyncadd.s32 $0xFFFFF000  }
0x34: {  	[spmem:s2] =	stream.indirect.scatter.add.f32 [tilespmem:s22], [sflag:$0x1], $0x20, s21, s13, $0xb8;
	[tilespmem:$0xD240] =	vst v63  }
0x35: {  	_ =	swait.ge [sflag:s11], $0x1000  }
0x36: {  	[sflag:s11] =	ssyncset.done $0x0  }
0x37: {  	[sflag:s11] =	ssyncadd.s32 $0xFFFFF000  }
0x38: {  	[spmem:s2] =	stream.indirect.scatter.add.f32 [tilespmem:s24], [sflag:$0x1], $0x20, s23, s13, $0xb8;
	[tilespmem:$0xD240] =	vst v63  }
0x39: {  	_ =	swait.ge [sflag:s11], $0x1000  }
0x3a: {  	[sflag:s11] =	ssyncset.done $0x0  }
0x3b: {  	[sflag:s11] =	ssyncadd.s32 $0xFFFFF000  }
0x3c: {  	[spmem:s2] =	stream.indirect.scatter.add.f32 [tilespmem:s26], [sflag:$0x1], $0x20, s25, s13, $0xb8;
	[tilespmem:$0xD240] =	vst v63  }
0x3d: {  	s30 =	simm.s32 $0x80;
	_ =	swait.ge [sflag:s11], $0x1000  }
0x3e: {  	s31 =	simm.s32 $0x100;
	s29 =	sadd.s32 $0x1000, s8;
	[sflag:s11] =	ssyncset.done $0x0  }
.LBB2_2:
0x3f: {  	s0 =	sadd.s32 s30, s9  }
0x40: {  	[sflag:s11] =	ssyncadd.s32 $0xFFFFF000;
	s30 =	smov.u32 s31;
	s1 =	sadd.s32 $0x80, s31  }
0x41: {  	[tilespmem:s3], [sflag:$0x1] =	stream.linear.gather [hbm4b:s0+s3], $0x400, $0x38;
	[tilespmem:$0xD240] =	vst v63  }
0x42: {  	p0 =	sne.s32 s31, $0x480;
	_ =	swait.ge [sflag:s11], $0x400  }
0x43: {  	[sflag:s11] =	ssyncset.done $0x0  }
0x44: {  	[sflag:s11] =	ssyncadd.s32 $0xFFFFFC00  }
0x45: {  	[tilespmem:s12], [sflag:$0x1] =	stream.linear.gather [hbm4b:s29+s3], $0x8000, $0x38;
	[tilespmem:$0xD240] =	vst v63  }
0x46: {  	_ =	swait.ge [sflag:s11], $0x8000  }
0x47: {  	[sflag:s11] =	ssyncset.done $0x0  }
0x48: {  	[sflag:s11] =	ssyncadd.s32 $0xFFFF8000  }
0x49: {  	[spmem:s2] =	stream.indirect.scatter.add.f32 [tilespmem:s12], [sflag:$0x1], $0x20, s3, s13, $0xb8;
	[tilespmem:$0xD240] =	vst v63  }
0x4a: {  	_ =	swait.ge [sflag:s11], $0x1000  }
0x4b: {  	[sflag:s11] =	ssyncset.done $0x0  }
0x4c: {  	[sflag:s11] =	ssyncadd.s32 $0xFFFFF000  }
0x4d: {  	[spmem:s2] =	stream.indirect.scatter.add.f32 [tilespmem:s14], [sflag:$0x1], $0x20, s13, s13, $0xb8;
	[tilespmem:$0xD240] =	vst v63  }
0x4e: {  	_ =	swait.ge [sflag:s11], $0x1000  }
0x4f: {  	[sflag:s11] =	ssyncset.done $0x0  }
0x50: {  	[sflag:s11] =	ssyncadd.s32 $0xFFFFF000  }
0x51: {  	[spmem:s2] =	stream.indirect.scatter.add.f32 [tilespmem:s16], [sflag:$0x1], $0x20, s15, s13, $0xb8;
	[tilespmem:$0xD240] =	vst v63  }
0x52: {  	_ =	swait.ge [sflag:s11], $0x1000  }
0x53: {  	[sflag:s11] =	ssyncset.done $0x0  }
0x54: {  	[sflag:s11] =	ssyncadd.s32 $0xFFFFF000  }
0x55: {  	[spmem:s2] =	stream.indirect.scatter.add.f32 [tilespmem:s18], [sflag:$0x1], $0x20, s17, s13, $0xb8;
	[tilespmem:$0xD240] =	vst v63  }
0x56: {  	_ =	swait.ge [sflag:s11], $0x1000  }
0x57: {  	[sflag:s11] =	ssyncset.done $0x0  }
0x58: {  	[sflag:s11] =	ssyncadd.s32 $0xFFFFF000  }
0x59: {  	[spmem:s2] =	stream.indirect.scatter.add.f32 [tilespmem:s20], [sflag:$0x1], $0x20, s19, s13, $0xb8;
	[tilespmem:$0xD240] =	vst v63  }
0x5a: {  	_ =	swait.ge [sflag:s11], $0x1000  }
0x5b: {  	[sflag:s11] =	ssyncset.done $0x0  }
0x5c: {  	[sflag:s11] =	ssyncadd.s32 $0xFFFFF000  }
0x5d: {  	[spmem:s2] =	stream.indirect.scatter.add.f32 [tilespmem:s22], [sflag:$0x1], $0x20, s21, s13, $0xb8;
	[tilespmem:$0xD240] =	vst v63  }
0x5e: {  	_ =	swait.ge [sflag:s11], $0x1000  }
0x5f: {  	[sflag:s11] =	ssyncset.done $0x0  }
0x60: {  	[sflag:s11] =	ssyncadd.s32 $0xFFFFF000  }
0x61: {  	[spmem:s2] =	stream.indirect.scatter.add.f32 [tilespmem:s24], [sflag:$0x1], $0x20, s23, s13, $0xb8;
	[tilespmem:$0xD240] =	vst v63  }
0x62: {  	_ =	swait.ge [sflag:s11], $0x1000  }
.Ltmp0:
0x63: {  	[sflag:s11] =	ssyncset.done $0x0;
	(pc) =	sbr.rel @p0 .LBB2_2-.Ltmp0, $4  }
0x64: {  	[sflag:s11] =	ssyncadd.s32 $0xFFFFF000  }
0x65: {  	[spmem:s2] =	stream.indirect.scatter.add.f32 [tilespmem:s26], [sflag:$0x1], $0x20, s25, s13, $0xb8;
	[tilespmem:$0xD240] =	vst v63  }
0x66: {  	_ =	swait.ge [sflag:s11], $0x1000  }
0x67: {  	s31 =	smov.u32 s1;
	s29 =	sadd.s32 $0x1000, s29;
	[sflag:s11] =	ssyncset.done $0x0  }
0x68: {  	s0 =	sadd.s32 s30, s9;
	[sflag:s11] =	ssyncadd.s32 $0xFFFFF000  }
0x69: {  	[tilespmem:s3], [sflag:$0x1] =	stream.linear.gather [hbm4b:s0+s3], $0x400, $0x38;
	[tilespmem:$0xD240] =	vst v63  }
0x6a: {  	_ =	swait.ge [sflag:s11], $0x400  }
0x6b: {  	[sflag:s11] =	ssyncset.done $0x0  }
0x6c: {  	[sflag:s11] =	ssyncadd.s32 $0xFFFFFC00  }
0x6d: {  	[tilespmem:s12], [sflag:$0x1] =	stream.linear.gather [hbm4b:s29+s3], $0x8000, $0x38;
	[tilespmem:$0xD240] =	vst v63  }
0x6e: {  	_ =	swait.ge [sflag:s11], $0x8000  }
0x6f: {  	[sflag:s11] =	ssyncset.done $0x0  }
0x70: {  	[sflag:s11] =	ssyncadd.s32 $0xFFFF8000  }
0x71: {  	[spmem:s2] =	stream.indirect.scatter.add.f32 [tilespmem:s12], [sflag:$0x1], $0x20, s3, s13, $0xb8;
	[tilespmem:$0xD240] =	vst v63  }
0x72: {  	_ =	swait.ge [sflag:s11], $0x1000  }
0x73: {  	[sflag:s11] =	ssyncset.done $0x0  }
0x74: {  	[sflag:s11] =	ssyncadd.s32 $0xFFFFF000  }
0x75: {  	[spmem:s2] =	stream.indirect.scatter.add.f32 [tilespmem:s14], [sflag:$0x1], $0x20, s13, s13, $0xb8;
	[tilespmem:$0xD240] =	vst v63  }
0x76: {  	_ =	swait.ge [sflag:s11], $0x1000  }
0x77: {  	[sflag:s11] =	ssyncset.done $0x0  }
0x78: {  	[sflag:s11] =	ssyncadd.s32 $0xFFFFF000  }
0x79: {  	[spmem:s2] =	stream.indirect.scatter.add.f32 [tilespmem:s16], [sflag:$0x1], $0x20, s15, s13, $0xb8;
	[tilespmem:$0xD240] =	vst v63  }
0x7a: {  	_ =	swait.ge [sflag:s11], $0x1000  }
0x7b: {  	[sflag:s11] =	ssyncset.done $0x0  }
0x7c: {  	[sflag:s11] =	ssyncadd.s32 $0xFFFFF000  }
0x7d: {  	[spmem:s2] =	stream.indirect.scatter.add.f32 [tilespmem:s18], [sflag:$0x1], $0x20, s17, s13, $0xb8;
	[tilespmem:$0xD240] =	vst v63  }
0x7e: {  	_ =	swait.ge [sflag:s11], $0x1000  }
0x7f: {  	[sflag:s11] =	ssyncset.done $0x0  }
0x80: {  	[sflag:s11] =	ssyncadd.s32 $0xFFFFF000  }
0x81: {  	[spmem:s2] =	stream.indirect.scatter.add.f32 [tilespmem:s20], [sflag:$0x1], $0x20, s19, s13, $0xb8;
	[tilespmem:$0xD240] =	vst v63  }
0x82: {  	_ =	swait.ge [sflag:s11], $0x1000  }
0x83: {  	[sflag:s11] =	ssyncset.done $0x0  }
0x84: {  	[sflag:s11] =	ssyncadd.s32 $0xFFFFF000  }
0x85: {  	[spmem:s2] =	stream.indirect.scatter.add.f32 [tilespmem:s22], [sflag:$0x1], $0x20, s21, s13, $0xb8;
	[tilespmem:$0xD240] =	vst v63  }
0x86: {  	_ =	swait.ge [sflag:s11], $0x1000  }
0x87: {  	[sflag:s11] =	ssyncset.done $0x0  }
0x88: {  	[sflag:s11] =	ssyncadd.s32 $0xFFFFF000  }
0x89: {  	[spmem:s2] =	stream.indirect.scatter.add.f32 [tilespmem:s24], [sflag:$0x1], $0x20, s23, s13, $0xb8;
	[tilespmem:$0xD240] =	vst v63  }
0x8a: {  	_ =	swait.ge [sflag:s11], $0x1000  }
0x8b: {  	[sflag:s11] =	ssyncset.done $0x0  }
0x8c: {  	[sflag:s11] =	ssyncadd.s32 $0xFFFFF000  }
0x8d: {  	[spmem:s2] =	stream.indirect.scatter.add.f32 [tilespmem:s26], [sflag:$0x1], $0x20, s25, s13, $0xb8;
	[tilespmem:$0xD240] =	vst v63  }
0x8e: {  	_ =	swait.ge [sflag:s11], $0x1000  }
0x8f: {  	s28 =	sadd.s32 $0x1, s28;
	[sflag:s11] =	ssyncset.done $0x0  }
0x90: {  	p0 =	sne.s32 s28, s7;
	[sflag:s11] =	ssyncadd.s32 $0xFFFFF000  }
.Ltmp1:
0x91: {  	[bflag:$0x0] =	sbarrier.arrive $0xFFFF;
	(pc) =	sbr.rel @p0 .LBB2_1-.Ltmp1, $4  }
0x92: {  	[hbm:s6], [sflag:s5] =	dma.local [spmem:s10], $0x9C8  }
0x93: {  	_ =	swait.ge [sflag:s11], $0x9C8  }
0x94: {  	[sflag:s11] =	ssyncset.done $0x0  }
0x95: {  	[sflag:s11] =	ssyncadd.s32 $0xFFFFF638  }
0x96: {  	_ =	sfence.sel $0x180000  }
0x97: {  	[bflag:$0x0] =	sbarrier.arrive $0xFFFF  }
0x98: {  	_ =	strace $0x90000059  }
0x99: {  	s0 =	stileid.u32;
	[bflag:$0x2] =	sbarrier.arrive $0xFFFF  }
0x9a: {  	p0 =	sne.s32 s0, $0x0;
	s0 =	rddreg [dreg:$0x2]  }
0x9b: {  	s0 =	sadd.s32 @!p0 $0x100000, s0  }
0x9c: {  	[sflag:s0] =	ssyncadd.tile.s32 @!p0 $0x1;
	_ =	shalt  }
.Lfunc_end2:
_tile_overlayer_lowered:
.L_overlay_start_2:
0x9d: {  	(tag) =	ssettag $0x2  }
0x9e: {  	s0 =	rddreg [dreg:$0x0];
	s2 =	stileid.u32  }
0x9f: {  	s1 =	rddreg [dreg:$0x1];
	p0 =	sne.s32 s2, $0x0  }
0xa0: {  	s3 =	rddreg [dreg:$0x2];
	[bflag:$0x3] =	sbarrier.arrive $0xFFFF;
	s2 =	simm.s32 @!p0 $0x1C01  }
0xa1: {  	[timem:s3], [sflag:s2] =	dma.local @!p0 [hbm:s0], s1  }
0xa2: {  	s0 =	simm.s32 @!p0 $0x1  }
0xa3: {  	_ =	swait.ge @!p0 [sflag:s0], s1  }
0xa4: {  	s1 =	ssub.s32 @!p0 $0x0, s1;
	[sflag:s0] =	ssyncset.done @!p0 $0x0  }
0xa5: {  	[sflag:s0] =	ssyncadd.s32 @!p0 s1  }
0xa6: {  	[bflag:$0x3] =	sbarrier.arrive $0xFFFF  }
0xa7: {  	_ =	shalt  }

</sc_bundles>
